<compile_context>
chip_gen: v7x
topology: tpu7x:2x2x1
jax: 0.10.2.dev20260603
libtpu: 0.0.44.dev20260713+nightly
codegen_flags: <defaults>
</compile_context>

<pallas_src>
import functools

import jax
import jax.numpy as jnp
from jax import lax
from jax.experimental import pallas as pl
from jax.experimental.pallas import tpu as pltpu
from jax.experimental.pallas import tpu_sc as plsc

VOCAB = 1000000
EMBED_DIM = 32
BATCH = 16384
HIST = 50

_NC = 2
_NS = 16
_NW = _NC * _NS

_B = BATCH * HIST
_BPW = BATCH // _NW
_BB = 128
_HC = 2
_NBB = _BPW // _BB
_NHC = HIST // _HC
_CH = _HC * _BB
_NCHUNK = _NBB * _NHC


def _gather_kernel(tbl_hbm, idx_hbm, out_hbm,
                   idx_w, q0, q1, r0, r1, g0, g1, s0, s1,
                   gsem0, gsem1, wsem0, wsem1):
    wid = lax.axis_index("s") * _NC + lax.axis_index("c")
    b0 = wid * _BPW
    lane = lax.iota(jnp.int32, 16)

    q = (q0, q1)
    r = (r0, r1)
    g = (g0, g1)
    s = (s0, s1)
    gsem = (gsem0, gsem1)
    wsem = (wsem0, wsem1)

    pltpu.sync_copy(idx_hbm.at[:, pl.ds(b0, _BPW)], idx_w)

    def issue(c, i):
        bb = c // _NHC
        h0 = (c % _NHC) * _HC
        for h in range(_HC):
            for blk in range(_BB // 16):
                hvec = jnp.full((16,), 0, jnp.int32) + (h0 + h)
                bvec = bb * _BB + blk * 16 + lane
                v = plsc.load_gather(idx_w, [hvec, bvec])
                q[i][pl.ds(h * _BB + blk * 16, 16)] = v >> 2
                r[i][pl.ds(h * _BB + blk * 16, 16)] = (v & 3) * EMBED_DIM
        return pltpu.async_copy(tbl_hbm.at[q[i]], g[i], gsem[i])

    def out_slice(c):
        bb = c // _NHC
        h0 = (c % _NHC) * _HC
        return out_hbm.at[pl.ds(h0, _HC), :, pl.ds(b0 + bb * _BB, _BB)]

    def extract(c, i):
        def hb(t2, carry2):
            h = t2 // (_BB // 16)
            blk = t2 % (_BB // 16)
            row = h * _BB + blk * 16 + lane
            bvec = blk * 16 + lane
            hvec = jnp.full((16,), 0, jnp.int32) + h
            colb = r[i][pl.ds(t2 * 16, 16)]
            for ep in range(EMBED_DIM):
                evec = (ep + lane) & (EMBED_DIM - 1)
                val = plsc.load_gather(g[i], [row, colb + evec])
                plsc.store_scatter(s[i], [hvec, evec, bvec], val)
            return carry2

        lax.fori_loop(0, _HC * (_BB // 16), hb, 0)

    gh0 = issue(0, 0)
    gh1 = issue(1, 1)
    gh0.wait()
    extract(0, 0)
    pltpu.async_copy(s[0], out_slice(0), wsem[0])
    gh1.wait()
    extract(1, 1)
    pltpu.async_copy(s[1], out_slice(1), wsem[1])

    def pair(gg, carry):
        c0 = 2 * gg
        c1 = c0 + 1
        h0 = issue(c0, 0)
        h1 = issue(c1, 1)
        h0.wait()
        pltpu.make_async_copy(s[0], out_slice(c0), wsem[0]).wait()
        extract(c0, 0)
        pltpu.async_copy(s[0], out_slice(c0), wsem[0])
        h1.wait()
        pltpu.make_async_copy(s[1], out_slice(c1), wsem[1]).wait()
        extract(c1, 1)
        pltpu.async_copy(s[1], out_slice(c1), wsem[1])
        return carry

    lax.fori_loop(1, _NCHUNK // 2, pair, 0)

    pltpu.make_async_copy(s[0], out_slice(_NCHUNK - 2), wsem[0]).wait()
    pltpu.make_async_copy(s[1], out_slice(_NCHUNK - 1), wsem[1]).wait()


@jax.jit
def _embedding_lookup(idx_t, tbl4):
    mesh = plsc.VectorSubcoreMesh(core_axis_name="c", subcore_axis_name="s")
    k = functools.partial(
        pl.kernel,
        mesh=mesh,
        out_type=jax.ShapeDtypeStruct((HIST, EMBED_DIM, BATCH), jnp.float32),
        scratch_types=[
            pltpu.VMEM((HIST, _BPW), jnp.int32),
            pltpu.VMEM((_CH,), jnp.int32),
            pltpu.VMEM((_CH,), jnp.int32),
            pltpu.VMEM((_CH,), jnp.int32),
            pltpu.VMEM((_CH,), jnp.int32),
            pltpu.VMEM((_CH, 128), jnp.float32),
            pltpu.VMEM((_CH, 128), jnp.float32),
            pltpu.VMEM((_HC, EMBED_DIM, _BB), jnp.float32),
            pltpu.VMEM((_HC, EMBED_DIM, _BB), jnp.float32),
            pltpu.SemaphoreType.DMA,
            pltpu.SemaphoreType.DMA,
            pltpu.SemaphoreType.DMA,
            pltpu.SemaphoreType.DMA,
        ],
        compiler_params=pltpu.CompilerParams(needs_layout_passes=False),
    )(_gather_kernel)
    return k(tbl4, idx_t)


def kernel(inputs, embeddings):
    idx_t = inputs.astype(jnp.int32).T
    tbl4 = embeddings.reshape(VOCAB // 4, EMBED_DIM * 4)
    out_t = _embedding_lookup(idx_t, tbl4)
    return out_t.transpose(2, 0, 1)

# --- scband reference (transcript-rebuilt; emitter-appended) ---
"""Pipeline reference for scband-embedding-27547920237243 (READ-ONLY COPY).

The authoritative reference and input builder live on the scoring server;
editing this copy changes nothing except your own understanding.
"""

import jax, jax.numpy as jnp
import numpy as np

VOCAB = 1000000
EMBED_DIM = 32
BATCH = 16384
HIST = 50

def setup_inputs(seed: int = 0) -> dict:
    key = jax.random.key(seed)
    k_idx, k_tab = jax.random.split(key)
    inputs = jax.random.randint(k_idx, (BATCH, HIST), 0, VOCAB, dtype=jnp.int64 if jax.config.jax_enable_x64 else jnp.int32)
    # glorot_uniform init for embeddings table (fan_in=VOCAB, fan_out=EMBED_DIM)
    limit = np.sqrt(6.0 / (VOCAB + EMBED_DIM))
    embeddings = jax.random.uniform(k_tab, (VOCAB, EMBED_DIM), minval=-limit, maxval=limit, dtype=jnp.float32)
    return {"inputs": inputs, "embeddings": embeddings}

def reference(inputs, embeddings):
    # K.cast(inputs, 'int32'); K.gather(embeddings, inputs)
    idx = inputs.astype(jnp.int32)
    out = jnp.take(embeddings, idx, axis=0)
    return out

if __name__ == "__main__":
    import jax
    _d = setup_inputs()
    print(jax.jit(kernel)(*tuple(_d.values())))

</pallas_src>

<mosaic_0001>
#map = affine_map<(d0, d1) -> (0, 0)>
#map1 = affine_map<(d0, d1) -> (0, 0, 0)>
module attributes {stable_mosaic.version = 14 : i64} {
  func.func @_gather_kernel(%arg0: i32, %arg1: i32, %arg2: memref<250000x128xf32, #tpu.memory_space<hbm>>, %arg3: memref<50x16384xi32, #tpu.memory_space<hbm>>, %arg4: memref<50x32x16384xf32, #tpu.memory_space<hbm>>, %arg5: memref<50x512xi32, #tpu.memory_space<vmem>>, %arg6: memref<256xi32, #tpu.memory_space<vmem>>, %arg7: memref<256xi32, #tpu.memory_space<vmem>>, %arg8: memref<256xi32, #tpu.memory_space<vmem>>, %arg9: memref<256xi32, #tpu.memory_space<vmem>>, %arg10: memref<256x128xf32, #tpu.memory_space<vmem>>, %arg11: memref<256x128xf32, #tpu.memory_space<vmem>>, %arg12: memref<2x32x128xf32, #tpu.memory_space<vmem>>, %arg13: memref<2x32x128xf32, #tpu.memory_space<vmem>>, %arg14: memref<!tpu.dma_semaphore, #tpu.memory_space<semaphore_mem>>, %arg15: memref<!tpu.dma_semaphore, #tpu.memory_space<semaphore_mem>>, %arg16: memref<!tpu.dma_semaphore, #tpu.memory_space<semaphore_mem>>, %arg17: memref<!tpu.dma_semaphore, #tpu.memory_space<semaphore_mem>>) attributes {dimension_semantics = [#tpu.dimension_semantics<core_parallel>, #tpu.dimension_semantics<subcore_parallel>], iteration_bounds = array<i64: 2, 16>, scalar_prefetch = 0 : i64, scratch_operands = 13 : i64, tpu.core_type = #tpu.core_type<sc_vector_subcore>, window_params = [{transform_indices = #map}, {transform_indices = #map}, {transform_indices = #map1}]} {
    %mul3A = arith.constant 2 : i32
    %mul3A_0 = arith.muli %arg1, %mul3A : i32
    %add3A = arith.addi %mul3A_0, %arg0 : i32
    %mul3A_1 = arith.constant 512 : i32
    %mul3A_2 = arith.muli %add3A, %mul3A_1 : i32
    %iota3A = tpu.iota {dimensions = array<i32: 0>} : vector<16xi32>
    "tpu.region"() ({
      %run_scoped3A = tpu.sem_alloc : memref<!tpu.dma_semaphore, #tpu.memory_space<semaphore_mem>>
      %dma_start3A_761 = arith.constant 0 : i32
      %dma_start3A_762 = tpu.memref_slice %arg3[%dma_start3A_761, %mul3A_2] : memref<50x16384xi32, #tpu.memory_space<hbm>> -> memref<50x512xi32, #tpu.memory_space<hbm>>
      %dma_start3A_763 = arith.constant 0 : i32
      %dma_start3A_764 = tpu.memref_slice %arg3[%dma_start3A_763, %mul3A_2] : memref<50x16384xi32, #tpu.memory_space<hbm>> -> memref<50x512xi32, #tpu.memory_space<hbm>>
      tpu.enqueue_dma source(%dma_start3A_764 : memref<50x512xi32, #tpu.memory_space<hbm>>) target(%arg5 : memref<50x512xi32, #tpu.memory_space<vmem>>) target_semaphore(%run_scoped3A : memref<!tpu.dma_semaphore, #tpu.memory_space<semaphore_mem>>)
      %dma_wait3A_765 = arith.constant 0 : i32
      %dma_wait3A_766 = tpu.memref_slice %arg3[%dma_wait3A_765, %mul3A_2] : memref<50x16384xi32, #tpu.memory_space<hbm>> -> memref<50x512xi32, #tpu.memory_space<hbm>>
      %dma_wait3A_767 = arith.constant 0 : i32
      %dma_wait3A_768 = tpu.memref_slice %arg3[%dma_wait3A_767, %mul3A_2] : memref<50x16384xi32, #tpu.memory_space<hbm>> -> memref<50x512xi32, #tpu.memory_space<hbm>>
      tpu.wait_dma2 semaphore(%run_scoped3A : memref<!tpu.dma_semaphore, #tpu.memory_space<semaphore_mem>>) src(%dma_wait3A_768 : memref<50x512xi32, #tpu.memory_space<hbm>>) dst(%arg5 : memref<50x512xi32, #tpu.memory_space<vmem>>)
      tpu.yield
    }) : () -> ()
    %broadcast_in_dim3A = arith.constant 0 : i32
    %broadcast_in_dim3A_3 = vector.broadcast %broadcast_in_dim3A : i32 to vector<16xi32>
    %add3A_4 = arith.constant 0 : i32
    %add3A_5 = vector.broadcast %add3A_4 : i32 to vector<16xi32>
    %add3A_6 = arith.addi %broadcast_in_dim3A_3, %add3A_5 : vector<16xi32>
    %add3A_7 = arith.constant 0 : i32
    %add3A_8 = vector.broadcast %add3A_7 : i32 to vector<16xi32>
    %add3A_9 = arith.addi %add3A_8, %iota3A : vector<16xi32>
    %gather3A = tpu.vector_load_idx %arg5[%add3A_6, %add3A_9] : memref<50x512xi32, #tpu.memory_space<vmem>>[vector<16xi32>, vector<16xi32>], vector<16xi32>,
    %shift_right_arithmetic3A = arith.constant 2 : i32
    %shift_right_arithmetic3A_10 = vector.broadcast %shift_right_arithmetic3A : i32 to vector<16xi32>
    %shift_right_arithmetic3A_11 = arith.shrsi %gather3A, %shift_right_arithmetic3A_10 : vector<16xi32>
    %swap3A = arith.constant 0 : index
    %swap3A_12 = tpu.vector_load %arg6[%swap3A] {strides = array<i32>} : memref<256xi32, #tpu.memory_space<vmem>>, vector<16xi32>,
    tpu.vector_store %arg6[%swap3A], %shift_right_arithmetic3A_11 {strides = array<i32>} : memref<256xi32, #tpu.memory_space<vmem>>, vector<16xi32>,
    %and3A = arith.constant 3 : i32
    %and3A_13 = vector.broadcast %and3A : i32 to vector<16xi32>
    %and3A_14 = arith.andi %gather3A, %and3A_13 : vector<16xi32>
    %mul3A_15 = arith.constant 32 : i32
    %mul3A_16 = vector.broadcast %mul3A_15 : i32 to vector<16xi32>
    %mul3A_17 = arith.muli %and3A_14, %mul3A_16 : vector<16xi32>
    %swap3A_18 = arith.constant 0 : index
    %swap3A_19 = tpu.vector_load %arg8[%swap3A_18] {strides = array<i32>} : memref<256xi32, #tpu.memory_space<vmem>>, vector<16xi32>,
    tpu.vector_store %arg8[%swap3A_18], %mul3A_17 {strides = array<i32>} : memref<256xi32, #tpu.memory_space<vmem>>, vector<16xi32>,
    %broadcast_in_dim3A_20 = arith.constant 0 : i32
    %broadcast_in_dim3A_21 = vector.broadcast %broadcast_in_dim3A_20 : i32 to vector<16xi32>
    %add3A_22 = arith.constant 0 : i32
    %add3A_23 = vector.broadcast %add3A_22 : i32 to vector<16xi32>
    %add3A_24 = arith.addi %broadcast_in_dim3A_21, %add3A_23 : vector<16xi32>
    %add3A_25 = arith.constant 16 : i32
    %add3A_26 = vector.broadcast %add3A_25 : i32 to vector<16xi32>
    %add3A_27 = arith.addi %add3A_26, %iota3A : vector<16xi32>
    %gather3A_28 = tpu.vector_load_idx %arg5[%add3A_24, %add3A_27] : memref<50x512xi32, #tpu.memory_space<vmem>>[vector<16xi32>, vector<16xi32>], vector<16xi32>,
    %shift_right_arithmetic3A_29 = arith.constant 2 : i32
    %shift_right_arithmetic3A_30 = vector.broadcast %shift_right_arithmetic3A_29 : i32 to vector<16xi32>
    %shift_right_arithmetic3A_31 = arith.shrsi %gather3A_28, %shift_right_arithmetic3A_30 : vector<16xi32>
    %swap3A_32 = arith.constant 16 : index
    %swap3A_33 = tpu.vector_load %arg6[%swap3A_32] {strides = array<i32>} : memref<256xi32, #tpu.memory_space<vmem>>, vector<16xi32>,
    tpu.vector_store %arg6[%swap3A_32], %shift_right_arithmetic3A_31 {strides = array<i32>} : memref<256xi32, #tpu.memory_space<vmem>>, vector<16xi32>,
    %and3A_34 = arith.constant 3 : i32
    %and3A_35 = vector.broadcast %and3A_34 : i32 to vector<16xi32>
    %and3A_36 = arith.andi %gather3A_28, %and3A_35 : vector<16xi32>
    %mul3A_37 = arith.constant 32 : i32
    %mul3A_38 = vector.broadcast %mul3A_37 : i32 to vector<16xi32>
    %mul3A_39 = arith.muli %and3A_36, %mul3A_38 : vector<16xi32>
    %swap3A_40 = arith.constant 16 : index
    %swap3A_41 = tpu.vector_load %arg8[%swap3A_40] {strides = array<i32>} : memref<256xi32, #tpu.memory_space<vmem>>, vector<16xi32>,
    tpu.vector_store %arg8[%swap3A_40], %mul3A_39 {strides = array<i32>} : memref<256xi32, #tpu.memory_space<vmem>>, vector<16xi32>,
    %broadcast_in_dim3A_42 = arith.constant 0 : i32
    %broadcast_in_dim3A_43 = vector.broadcast %broadcast_in_dim3A_42 : i32 to vector<16xi32>
    %add3A_44 = arith.constant 0 : i32
    %add3A_45 = vector.broadcast %add3A_44 : i32 to vector<16xi32>
    %add3A_46 = arith.addi %broadcast_in_dim3A_43, %add3A_45 : vector<16xi32>
    %add3A_47 = arith.constant 32 : i32
    %add3A_48 = vector.broadcast %add3A_47 : i32 to vector<16xi32>
    %add3A_49 = arith.addi %add3A_48, %iota3A : vector<16xi32>
    %gather3A_50 = tpu.vector_load_idx %arg5[%add3A_46, %add3A_49] : memref<50x512xi32, #tpu.memory_space<vmem>>[vector<16xi32>, vector<16xi32>], vector<16xi32>,
    %shift_right_arithmetic3A_51 = arith.constant 2 : i32
    %shift_right_arithmetic3A_52 = vector.broadcast %shift_right_arithmetic3A_51 : i32 to vector<16xi32>
    %shift_right_arithmetic3A_53 = arith.shrsi %gather3A_50, %shift_right_arithmetic3A_52 : vector<16xi32>
    %swap3A_54 = arith.constant 32 : index
    %swap3A_55 = tpu.vector_load %arg6[%swap3A_54] {strides = array<i32>} : memref<256xi32, #tpu.memory_space<vmem>>, vector<16xi32>,
    tpu.vector_store %arg6[%swap3A_54], %shift_right_arithmetic3A_53 {strides = array<i32>} : memref<256xi32, #tpu.memory_space<vmem>>, vector<16xi32>,
    %and3A_56 = arith.constant 3 : i32
    %and3A_57 = vector.broadcast %and3A_56 : i32 to vector<16xi32>
    %and3A_58 = arith.andi %gather3A_50, %and3A_57 : vector<16xi32>
    %mul3A_59 = arith.constant 32 : i32
    %mul3A_60 = vector.broadcast %mul3A_59 : i32 to vector<16xi32>
    %mul3A_61 = arith.muli %and3A_58, %mul3A_60 : vector<16xi32>
    %swap3A_62 = arith.constant 32 : index
    %swap3A_63 = tpu.vector_load %arg8[%swap3A_62] {strides = array<i32>} : memref<256xi32, #tpu.memory_space<vmem>>, vector<16xi32>,
    tpu.vector_store %arg8[%swap3A_62], %mul3A_61 {strides = array<i32>} : memref<256xi32, #tpu.memory_space<vmem>>, vector<16xi32>,
    %broadcast_in_dim3A_64 = arith.constant 0 : i32
    %broadcast_in_dim3A_65 = vector.broadcast %broadcast_in_dim3A_64 : i32 to vector<16xi32>
    %add3A_66 = arith.constant 0 : i32
    %add3A_67 = vector.broadcast %add3A_66 : i32 to vector<16xi32>
    %add3A_68 = arith.addi %broadcast_in_dim3A_65, %add3A_67 : vector<16xi32>
    %add3A_69 = arith.constant 48 : i32
    %add3A_70 = vector.broadcast %add3A_69 : i32 to vector<16xi32>
    %add3A_71 = arith.addi %add3A_70, %iota3A : vector<16xi32>
    %gather3A_72 = tpu.vector_load_idx %arg5[%add3A_68, %add3A_71] : memref<50x512xi32, #tpu.memory_space<vmem>>[vector<16xi32>, vector<16xi32>], vector<16xi32>,
    %shift_right_arithmetic3A_73 = arith.constant 2 : i32
    %shift_right_arithmetic3A_74 = vector.broadcast %shift_right_arithmetic3A_73 : i32 to vector<16xi32>
    %shift_right_arithmetic3A_75 = arith.shrsi %gather3A_72, %shift_right_arithmetic3A_74 : vector<16xi32>
    %swap3A_76 = arith.constant 48 : index
    %swap3A_77 = tpu.vector_load %arg6[%swap3A_76] {strides = array<i32>} : memref<256xi32, #tpu.memory_space<vmem>>, vector<16xi32>,
    tpu.vector_store %arg6[%swap3A_76], %shift_right_arithmetic3A_75 {strides = array<i32>} : memref<256xi32, #tpu.memory_space<vmem>>, vector<16xi32>,
    %and3A_78 = arith.constant 3 : i32
    %and3A_79 = vector.broadcast %and3A_78 : i32 to vector<16xi32>
    %and3A_80 = arith.andi %gather3A_72, %and3A_79 : vector<16xi32>
    %mul3A_81 = arith.constant 32 : i32
    %mul3A_82 = vector.broadcast %mul3A_81 : i32 to vector<16xi32>
    %mul3A_83 = arith.muli %and3A_80, %mul3A_82 : vector<16xi32>
    %swap3A_84 = arith.constant 48 : index
    %swap3A_85 = tpu.vector_load %arg8[%swap3A_84] {strides = array<i32>} : memref<256xi32, #tpu.memory_space<vmem>>, vector<16xi32>,
    tpu.vector_store %arg8[%swap3A_84], %mul3A_83 {strides = array<i32>} : memref<256xi32, #tpu.memory_space<vmem>>, vector<16xi32>,
    %broadcast_in_dim3A_86 = arith.constant 0 : i32
    %broadcast_in_dim3A_87 = vector.broadcast %broadcast_in_dim3A_86 : i32 to vector<16xi32>
    %add3A_88 = arith.constant 0 : i32
    %add3A_89 = vector.broadcast %add3A_88 : i32 to vector<16xi32>
    %add3A_90 = arith.addi %broadcast_in_dim3A_87, %add3A_89 : vector<16xi32>
    %add3A_91 = arith.constant 64 : i32
    %add3A_92 = vector.broadcast %add3A_91 : i32 to vector<16xi32>
    %add3A_93 = arith.addi %add3A_92, %iota3A : vector<16xi32>
    %gather3A_94 = tpu.vector_load_idx %arg5[%add3A_90, %add3A_93] : memref<50x512xi32, #tpu.memory_space<vmem>>[vector<16xi32>, vector<16xi32>], vector<16xi32>,
    %shift_right_arithmetic3A_95 = arith.constant 2 : i32
    %shift_right_arithmetic3A_96 = vector.broadcast %shift_right_arithmetic3A_95 : i32 to vector<16xi32>
    %shift_right_arithmetic3A_97 = arith.shrsi %gather3A_94, %shift_right_arithmetic3A_96 : vector<16xi32>
    %swap3A_98 = arith.constant 64 : index
    %swap3A_99 = tpu.vector_load %arg6[%swap3A_98] {strides = array<i32>} : memref<256xi32, #tpu.memory_space<vmem>>, vector<16xi32>,
    tpu.vector_store %arg6[%swap3A_98], %shift_right_arithmetic3A_97 {strides = array<i32>} : memref<256xi32, #tpu.memory_space<vmem>>, vector<16xi32>,
    %and3A_100 = arith.constant 3 : i32
    %and3A_101 = vector.broadcast %and3A_100 : i32 to vector<16xi32>
    %and3A_102 = arith.andi %gather3A_94, %and3A_101 : vector<16xi32>
    %mul3A_103 = arith.constant 32 : i32
    %mul3A_104 = vector.broadcast %mul3A_103 : i32 to vector<16xi32>
    %mul3A_105 = arith.muli %and3A_102, %mul3A_104 : vector<16xi32>
    %swap3A_106 = arith.constant 64 : index
    %swap3A_107 = tpu.vector_load %arg8[%swap3A_106] {strides = array<i32>} : memref<256xi32, #tpu.memory_space<vmem>>, vector<16xi32>,
    tpu.vector_store %arg8[%swap3A_106], %mul3A_105 {strides = array<i32>} : memref<256xi32, #tpu.memory_space<vmem>>, vector<16xi32>,
    %broadcast_in_dim3A_108 = arith.constant 0 : i32
    %broadcast_in_dim3A_109 = vector.broadcast %broadcast_in_dim3A_108 : i32 to vector<16xi32>
    %add3A_110 = arith.constant 0 : i32
    %add3A_111 = vector.broadcast %add3A_110 : i32 to vector<16xi32>
    %add3A_112 = arith.addi %broadcast_in_dim3A_109, %add3A_111 : vector<16xi32>
    %add3A_113 = arith.constant 80 : i32
    %add3A_114 = vector.broadcast %add3A_113 : i32 to vector<16xi32>
    %add3A_115 = arith.addi %add3A_114, %iota3A : vector<16xi32>
    %gather3A_116 = tpu.vector_load_idx %arg5[%add3A_112, %add3A_115] : memref<50x512xi32, #tpu.memory_space<vmem>>[vector<16xi32>, vector<16xi32>], vector<16xi32>,
    %shift_right_arithmetic3A_117 = arith.constant 2 : i32
    %shift_right_arithmetic3A_118 = vector.broadcast %shift_right_arithmetic3A_117 : i32 to vector<16xi32>
    %shift_right_arithmetic3A_119 = arith.shrsi %gather3A_116, %shift_right_arithmetic3A_118 : vector<16xi32>
    %swap3A_120 = arith.constant 80 : index
    %swap3A_121 = tpu.vector_load %arg6[%swap3A_120] {strides = array<i32>} : memref<256xi32, #tpu.memory_space<vmem>>, vector<16xi32>,
    tpu.vector_store %arg6[%swap3A_120], %shift_right_arithmetic3A_119 {strides = array<i32>} : memref<256xi32, #tpu.memory_space<vmem>>, vector<16xi32>,
    %and3A_122 = arith.constant 3 : i32
    %and3A_123 = vector.broadcast %and3A_122 : i32 to vector<16xi32>
    %and3A_124 = arith.andi %gather3A_116, %and3A_123 : vector<16xi32>
    %mul3A_125 = arith.constant 32 : i32
    %mul3A_126 = vector.broadcast %mul3A_125 : i32 to vector<16xi32>
    %mul3A_127 = arith.muli %and3A_124, %mul3A_126 : vector<16xi32>
    %swap3A_128 = arith.constant 80 : index
    %swap3A_129 = tpu.vector_load %arg8[%swap3A_128] {strides = array<i32>} : memref<256xi32, #tpu.memory_space<vmem>>, vector<16xi32>,
    tpu.vector_store %arg8[%swap3A_128], %mul3A_127 {strides = array<i32>} : memref<256xi32, #tpu.memory_space<vmem>>, vector<16xi32>,
    %broadcast_in_dim3A_130 = arith.constant 0 : i32
    %broadcast_in_dim3A_131 = vector.broadcast %broadcast_in_dim3A_130 : i32 to vector<16xi32>
    %add3A_132 = arith.constant 0 : i32
    %add3A_133 = vector.broadcast %add3A_132 : i32 to vector<16xi32>
    %add3A_134 = arith.addi %broadcast_in_dim3A_131, %add3A_133 : vector<16xi32>
    %add3A_135 = arith.constant 96 : i32
    %add3A_136 = vector.broadcast %add3A_135 : i32 to vector<16xi32>
    %add3A_137 = arith.addi %add3A_136, %iota3A : vector<16xi32>
    %gather3A_138 = tpu.vector_load_idx %arg5[%add3A_134, %add3A_137] : memref<50x512xi32, #tpu.memory_space<vmem>>[vector<16xi32>, vector<16xi32>], vector<16xi32>,
    %shift_right_arithmetic3A_139 = arith.constant 2 : i32
    %shift_right_arithmetic3A_140 = vector.broadcast %shift_right_arithmetic3A_139 : i32 to vector<16xi32>
    %shift_right_arithmetic3A_141 = arith.shrsi %gather3A_138, %shift_right_arithmetic3A_140 : vector<16xi32>
    %swap3A_142 = arith.constant 96 : index
    %swap3A_143 = tpu.vector_load %arg6[%swap3A_142] {strides = array<i32>} : memref<256xi32, #tpu.memory_space<vmem>>, vector<16xi32>,
    tpu.vector_store %arg6[%swap3A_142], %shift_right_arithmetic3A_141 {strides = array<i32>} : memref<256xi32, #tpu.memory_space<vmem>>, vector<16xi32>,
    %and3A_144 = arith.constant 3 : i32
    %and3A_145 = vector.broadcast %and3A_144 : i32 to vector<16xi32>
    %and3A_146 = arith.andi %gather3A_138, %and3A_145 : vector<16xi32>
    %mul3A_147 = arith.constant 32 : i32
    %mul3A_148 = vector.broadcast %mul3A_147 : i32 to vector<16xi32>
    %mul3A_149 = arith.muli %and3A_146, %mul3A_148 : vector<16xi32>
    %swap3A_150 = arith.constant 96 : index
    %swap3A_151 = tpu.vector_load %arg8[%swap3A_150] {strides = array<i32>} : memref<256xi32, #tpu.memory_space<vmem>>, vector<16xi32>,
    tpu.vector_store %arg8[%swap3A_150], %mul3A_149 {strides = array<i32>} : memref<256xi32, #tpu.memory_space<vmem>>, vector<16xi32>,
    %broadcast_in_dim3A_152 = arith.constant 0 : i32
    %broadcast_in_dim3A_153 = vector.broadcast %broadcast_in_dim3A_152 : i32 to vector<16xi32>
    %add3A_154 = arith.constant 0 : i32
    %add3A_155 = vector.broadcast %add3A_154 : i32 to vector<16xi32>
    %add3A_156 = arith.addi %broadcast_in_dim3A_153, %add3A_155 : vector<16xi32>
    %add3A_157 = arith.constant 112 : i32
    %add3A_158 = vector.broadcast %add3A_157 : i32 to vector<16xi32>
    %add3A_159 = arith.addi %add3A_158, %iota3A : vector<16xi32>
    %gather3A_160 = tpu.vector_load_idx %arg5[%add3A_156, %add3A_159] : memref<50x512xi32, #tpu.memory_space<vmem>>[vector<16xi32>, vector<16xi32>], vector<16xi32>,
    %shift_right_arithmetic3A_161 = arith.constant 2 : i32
    %shift_right_arithmetic3A_162 = vector.broadcast %shift_right_arithmetic3A_161 : i32 to vector<16xi32>
    %shift_right_arithmetic3A_163 = arith.shrsi %gather3A_160, %shift_right_arithmetic3A_162 : vector<16xi32>
    %swap3A_164 = arith.constant 112 : index
    %swap3A_165 = tpu.vector_load %arg6[%swap3A_164] {strides = array<i32>} : memref<256xi32, #tpu.memory_space<vmem>>, vector<16xi32>,
    tpu.vector_store %arg6[%swap3A_164], %shift_right_arithmetic3A_163 {strides = array<i32>} : memref<256xi32, #tpu.memory_space<vmem>>, vector<16xi32>,
    %and3A_166 = arith.constant 3 : i32
    %and3A_167 = vector.broadcast %and3A_166 : i32 to vector<16xi32>
    %and3A_168 = arith.andi %gather3A_160, %and3A_167 : vector<16xi32>
    %mul3A_169 = arith.constant 32 : i32
    %mul3A_170 = vector.broadcast %mul3A_169 : i32 to vector<16xi32>
    %mul3A_171 = arith.muli %and3A_168, %mul3A_170 : vector<16xi32>
    %swap3A_172 = arith.constant 112 : index
    %swap3A_173 = tpu.vector_load %arg8[%swap3A_172] {strides = array<i32>} : memref<256xi32, #tpu.memory_space<vmem>>, vector<16xi32>,
    tpu.vector_store %arg8[%swap3A_172], %mul3A_171 {strides = array<i32>} : memref<256xi32, #tpu.memory_space<vmem>>, vector<16xi32>,
    %broadcast_in_dim3A_174 = arith.constant 0 : i32
    %broadcast_in_dim3A_175 = vector.broadcast %broadcast_in_dim3A_174 : i32 to vector<16xi32>
    %add3A_176 = arith.constant 1 : i32
    %add3A_177 = vector.broadcast %add3A_176 : i32 to vector<16xi32>
    %add3A_178 = arith.addi %broadcast_in_dim3A_175, %add3A_177 : vector<16xi32>
    %add3A_179 = arith.constant 0 : i32
    %add3A_180 = vector.broadcast %add3A_179 : i32 to vector<16xi32>
    %add3A_181 = arith.addi %add3A_180, %iota3A : vector<16xi32>
    %gather3A_182 = tpu.vector_load_idx %arg5[%add3A_178, %add3A_181] : memref<50x512xi32, #tpu.memory_space<vmem>>[vector<16xi32>, vector<16xi32>], vector<16xi32>,
    %shift_right_arithmetic3A_183 = arith.constant 2 : i32
    %shift_right_arithmetic3A_184 = vector.broadcast %shift_right_arithmetic3A_183 : i32 to vector<16xi32>
    %shift_right_arithmetic3A_185 = arith.shrsi %gather3A_182, %shift_right_arithmetic3A_184 : vector<16xi32>
    %swap3A_186 = arith.constant 128 : index
    %swap3A_187 = tpu.vector_load %arg6[%swap3A_186] {strides = array<i32>} : memref<256xi32, #tpu.memory_space<vmem>>, vector<16xi32>,
    tpu.vector_store %arg6[%swap3A_186], %shift_right_arithmetic3A_185 {strides = array<i32>} : memref<256xi32, #tpu.memory_space<vmem>>, vector<16xi32>,
    %and3A_188 = arith.constant 3 : i32
    %and3A_189 = vector.broadcast %and3A_188 : i32 to vector<16xi32>
    %and3A_190 = arith.andi %gather3A_182, %and3A_189 : vector<16xi32>
    %mul3A_191 = arith.constant 32 : i32
    %mul3A_192 = vector.broadcast %mul3A_191 : i32 to vector<16xi32>
    %mul3A_193 = arith.muli %and3A_190, %mul3A_192 : vector<16xi32>
    %swap3A_194 = arith.constant 128 : index
    %swap3A_195 = tpu.vector_load %arg8[%swap3A_194] {strides = array<i32>} : memref<256xi32, #tpu.memory_space<vmem>>, vector<16xi32>,
    tpu.vector_store %arg8[%swap3A_194], %mul3A_193 {strides = array<i32>} : memref<256xi32, #tpu.memory_space<vmem>>, vector<16xi32>,
    %broadcast_in_dim3A_196 = arith.constant 0 : i32
    %broadcast_in_dim3A_197 = vector.broadcast %broadcast_in_dim3A_196 : i32 to vector<16xi32>
    %add3A_198 = arith.constant 1 : i32
    %add3A_199 = vector.broadcast %add3A_198 : i32 to vector<16xi32>
    %add3A_200 = arith.addi %broadcast_in_dim3A_197, %add3A_199 : vector<16xi32>
    %add3A_201 = arith.constant 16 : i32
    %add3A_202 = vector.broadcast %add3A_201 : i32 to vector<16xi32>
    %add3A_203 = arith.addi %add3A_202, %iota3A : vector<16xi32>
    %gather3A_204 = tpu.vector_load_idx %arg5[%add3A_200, %add3A_203] : memref<50x512xi32, #tpu.memory_space<vmem>>[vector<16xi32>, vector<16xi32>], vector<16xi32>,
    %shift_right_arithmetic3A_205 = arith.constant 2 : i32
    %shift_right_arithmetic3A_206 = vector.broadcast %shift_right_arithmetic3A_205 : i32 to vector<16xi32>
    %shift_right_arithmetic3A_207 = arith.shrsi %gather3A_204, %shift_right_arithmetic3A_206 : vector<16xi32>
    %swap3A_208 = arith.constant 144 : index
    %swap3A_209 = tpu.vector_load %arg6[%swap3A_208] {strides = array<i32>} : memref<256xi32, #tpu.memory_space<vmem>>, vector<16xi32>,
    tpu.vector_store %arg6[%swap3A_208], %shift_right_arithmetic3A_207 {strides = array<i32>} : memref<256xi32, #tpu.memory_space<vmem>>, vector<16xi32>,
    %and3A_210 = arith.constant 3 : i32
    %and3A_211 = vector.broadcast %and3A_210 : i32 to vector<16xi32>
    %and3A_212 = arith.andi %gather3A_204, %and3A_211 : vector<16xi32>
    %mul3A_213 = arith.constant 32 : i32
    %mul3A_214 = vector.broadcast %mul3A_213 : i32 to vector<16xi32>
    %mul3A_215 = arith.muli %and3A_212, %mul3A_214 : vector<16xi32>
    %swap3A_216 = arith.constant 144 : index
    %swap3A_217 = tpu.vector_load %arg8[%swap3A_216] {strides = array<i32>} : memref<256xi32, #tpu.memory_space<vmem>>, vector<16xi32>,
    tpu.vector_store %arg8[%swap3A_216], %mul3A_215 {strides = array<i32>} : memref<256xi32, #tpu.memory_space<vmem>>, vector<16xi32>,
    %broadcast_in_dim3A_218 = arith.constant 0 : i32
    %broadcast_in_dim3A_219 = vector.broadcast %broadcast_in_dim3A_218 : i32 to vector<16xi32>
    %add3A_220 = arith.constant 1 : i32
    %add3A_221 = vector.broadcast %add3A_220 : i32 to vector<16xi32>
    %add3A_222 = arith.addi %broadcast_in_dim3A_219, %add3A_221 : vector<16xi32>
    %add3A_223 = arith.constant 32 : i32
    %add3A_224 = vector.broadcast %add3A_223 : i32 to vector<16xi32>
    %add3A_225 = arith.addi %add3A_224, %iota3A : vector<16xi32>
    %gather3A_226 = tpu.vector_load_idx %arg5[%add3A_222, %add3A_225] : memref<50x512xi32, #tpu.memory_space<vmem>>[vector<16xi32>, vector<16xi32>], vector<16xi32>,
    %shift_right_arithmetic3A_227 = arith.constant 2 : i32
    %shift_right_arithmetic3A_228 = vector.broadcast %shift_right_arithmetic3A_227 : i32 to vector<16xi32>
    %shift_right_arithmetic3A_229 = arith.shrsi %gather3A_226, %shift_right_arithmetic3A_228 : vector<16xi32>
    %swap3A_230 = arith.constant 160 : index
    %swap3A_231 = tpu.vector_load %arg6[%swap3A_230] {strides = array<i32>} : memref<256xi32, #tpu.memory_space<vmem>>, vector<16xi32>,
    tpu.vector_store %arg6[%swap3A_230], %shift_right_arithmetic3A_229 {strides = array<i32>} : memref<256xi32, #tpu.memory_space<vmem>>, vector<16xi32>,
    %and3A_232 = arith.constant 3 : i32
    %and3A_233 = vector.broadcast %and3A_232 : i32 to vector<16xi32>
    %and3A_234 = arith.andi %gather3A_226, %and3A_233 : vector<16xi32>
    %mul3A_235 = arith.constant 32 : i32
    %mul3A_236 = vector.broadcast %mul3A_235 : i32 to vector<16xi32>
    %mul3A_237 = arith.muli %and3A_234, %mul3A_236 : vector<16xi32>
    %swap3A_238 = arith.constant 160 : index
    %swap3A_239 = tpu.vector_load %arg8[%swap3A_238] {strides = array<i32>} : memref<256xi32, #tpu.memory_space<vmem>>, vector<16xi32>,
    tpu.vector_store %arg8[%swap3A_238], %mul3A_237 {strides = array<i32>} : memref<256xi32, #tpu.memory_space<vmem>>, vector<16xi32>,
    %broadcast_in_dim3A_240 = arith.constant 0 : i32
    %broadcast_in_dim3A_241 = vector.broadcast %broadcast_in_dim3A_240 : i32 to vector<16xi32>
    %add3A_242 = arith.constant 1 : i32
    %add3A_243 = vector.broadcast %add3A_242 : i32 to vector<16xi32>
    %add3A_244 = arith.addi %broadcast_in_dim3A_241, %add3A_243 : vector<16xi32>
    %add3A_245 = arith.constant 48 : i32
    %add3A_246 = vector.broadcast %add3A_245 : i32 to vector<16xi32>
    %add3A_247 = arith.addi %add3A_246, %iota3A : vector<16xi32>
    %gather3A_248 = tpu.vector_load_idx %arg5[%add3A_244, %add3A_247] : memref<50x512xi32, #tpu.memory_space<vmem>>[vector<16xi32>, vector<16xi32>], vector<16xi32>,
    %shift_right_arithmetic3A_249 = arith.constant 2 : i32
    %shift_right_arithmetic3A_250 = vector.broadcast %shift_right_arithmetic3A_249 : i32 to vector<16xi32>
    %shift_right_arithmetic3A_251 = arith.shrsi %gather3A_248, %shift_right_arithmetic3A_250 : vector<16xi32>
    %swap3A_252 = arith.constant 176 : index
    %swap3A_253 = tpu.vector_load %arg6[%swap3A_252] {strides = array<i32>} : memref<256xi32, #tpu.memory_space<vmem>>, vector<16xi32>,
    tpu.vector_store %arg6[%swap3A_252], %shift_right_arithmetic3A_251 {strides = array<i32>} : memref<256xi32, #tpu.memory_space<vmem>>, vector<16xi32>,
    %and3A_254 = arith.constant 3 : i32
    %and3A_255 = vector.broadcast %and3A_254 : i32 to vector<16xi32>
    %and3A_256 = arith.andi %gather3A_248, %and3A_255 : vector<16xi32>
    %mul3A_257 = arith.constant 32 : i32
    %mul3A_258 = vector.broadcast %mul3A_257 : i32 to vector<16xi32>
    %mul3A_259 = arith.muli %and3A_256, %mul3A_258 : vector<16xi32>
    %swap3A_260 = arith.constant 176 : index
    %swap3A_261 = tpu.vector_load %arg8[%swap3A_260] {strides = array<i32>} : memref<256xi32, #tpu.memory_space<vmem>>, vector<16xi32>,
    tpu.vector_store %arg8[%swap3A_260], %mul3A_259 {strides = array<i32>} : memref<256xi32, #tpu.memory_space<vmem>>, vector<16xi32>,
    %broadcast_in_dim3A_262 = arith.constant 0 : i32
    %broadcast_in_dim3A_263 = vector.broadcast %broadcast_in_dim3A_262 : i32 to vector<16xi32>
    %add3A_264 = arith.constant 1 : i32
    %add3A_265 = vector.broadcast %add3A_264 : i32 to vector<16xi32>
    %add3A_266 = arith.addi %broadcast_in_dim3A_263, %add3A_265 : vector<16xi32>
    %add3A_267 = arith.constant 64 : i32
    %add3A_268 = vector.broadcast %add3A_267 : i32 to vector<16xi32>
    %add3A_269 = arith.addi %add3A_268, %iota3A : vector<16xi32>
    %gather3A_270 = tpu.vector_load_idx %arg5[%add3A_266, %add3A_269] : memref<50x512xi32, #tpu.memory_space<vmem>>[vector<16xi32>, vector<16xi32>], vector<16xi32>,
    %shift_right_arithmetic3A_271 = arith.constant 2 : i32
    %shift_right_arithmetic3A_272 = vector.broadcast %shift_right_arithmetic3A_271 : i32 to vector<16xi32>
    %shift_right_arithmetic3A_273 = arith.shrsi %gather3A_270, %shift_right_arithmetic3A_272 : vector<16xi32>
    %swap3A_274 = arith.constant 192 : index
    %swap3A_275 = tpu.vector_load %arg6[%swap3A_274] {strides = array<i32>} : memref<256xi32, #tpu.memory_space<vmem>>, vector<16xi32>,
    tpu.vector_store %arg6[%swap3A_274], %shift_right_arithmetic3A_273 {strides = array<i32>} : memref<256xi32, #tpu.memory_space<vmem>>, vector<16xi32>,
    %and3A_276 = arith.constant 3 : i32
    %and3A_277 = vector.broadcast %and3A_276 : i32 to vector<16xi32>
    %and3A_278 = arith.andi %gather3A_270, %and3A_277 : vector<16xi32>
    %mul3A_279 = arith.constant 32 : i32
    %mul3A_280 = vector.broadcast %mul3A_279 : i32 to vector<16xi32>
    %mul3A_281 = arith.muli %and3A_278, %mul3A_280 : vector<16xi32>
    %swap3A_282 = arith.constant 192 : index
    %swap3A_283 = tpu.vector_load %arg8[%swap3A_282] {strides = array<i32>} : memref<256xi32, #tpu.memory_space<vmem>>, vector<16xi32>,
    tpu.vector_store %arg8[%swap3A_282], %mul3A_281 {strides = array<i32>} : memref<256xi32, #tpu.memory_space<vmem>>, vector<16xi32>,
    %broadcast_in_dim3A_284 = arith.constant 0 : i32
    %broadcast_in_dim3A_285 = vector.broadcast %broadcast_in_dim3A_284 : i32 to vector<16xi32>
    %add3A_286 = arith.constant 1 : i32
    %add3A_287 = vector.broadcast %add3A_286 : i32 to vector<16xi32>
    %add3A_288 = arith.addi %broadcast_in_dim3A_285, %add3A_287 : vector<16xi32>
    %add3A_289 = arith.constant 80 : i32
    %add3A_290 = vector.broadcast %add3A_289 : i32 to vector<16xi32>
    %add3A_291 = arith.addi %add3A_290, %iota3A : vector<16xi32>
    %gather3A_292 = tpu.vector_load_idx %arg5[%add3A_288, %add3A_291] : memref<50x512xi32, #tpu.memory_space<vmem>>[vector<16xi32>, vector<16xi32>], vector<16xi32>,
    %shift_right_arithmetic3A_293 = arith.constant 2 : i32
    %shift_right_arithmetic3A_294 = vector.broadcast %shift_right_arithmetic3A_293 : i32 to vector<16xi32>
    %shift_right_arithmetic3A_295 = arith.shrsi %gather3A_292, %shift_right_arithmetic3A_294 : vector<16xi32>
    %swap3A_296 = arith.constant 208 : index
    %swap3A_297 = tpu.vector_load %arg6[%swap3A_296] {strides = array<i32>} : memref<256xi32, #tpu.memory_space<vmem>>, vector<16xi32>,
    tpu.vector_store %arg6[%swap3A_296], %shift_right_arithmetic3A_295 {strides = array<i32>} : memref<256xi32, #tpu.memory_space<vmem>>, vector<16xi32>,
    %and3A_298 = arith.constant 3 : i32
    %and3A_299 = vector.broadcast %and3A_298 : i32 to vector<16xi32>
    %and3A_300 = arith.andi %gather3A_292, %and3A_299 : vector<16xi32>
    %mul3A_301 = arith.constant 32 : i32
    %mul3A_302 = vector.broadcast %mul3A_301 : i32 to vector<16xi32>
    %mul3A_303 = arith.muli %and3A_300, %mul3A_302 : vector<16xi32>
    %swap3A_304 = arith.constant 208 : index
    %swap3A_305 = tpu.vector_load %arg8[%swap3A_304] {strides = array<i32>} : memref<256xi32, #tpu.memory_space<vmem>>, vector<16xi32>,
    tpu.vector_store %arg8[%swap3A_304], %mul3A_303 {strides = array<i32>} : memref<256xi32, #tpu.memory_space<vmem>>, vector<16xi32>,
    %broadcast_in_dim3A_306 = arith.constant 0 : i32
    %broadcast_in_dim3A_307 = vector.broadcast %broadcast_in_dim3A_306 : i32 to vector<16xi32>
    %add3A_308 = arith.constant 1 : i32
    %add3A_309 = vector.broadcast %add3A_308 : i32 to vector<16xi32>
    %add3A_310 = arith.addi %broadcast_in_dim3A_307, %add3A_309 : vector<16xi32>
    %add3A_311 = arith.constant 96 : i32
    %add3A_312 = vector.broadcast %add3A_311 : i32 to vector<16xi32>
    %add3A_313 = arith.addi %add3A_312, %iota3A : vector<16xi32>
    %gather3A_314 = tpu.vector_load_idx %arg5[%add3A_310, %add3A_313] : memref<50x512xi32, #tpu.memory_space<vmem>>[vector<16xi32>, vector<16xi32>], vector<16xi32>,
    %shift_right_arithmetic3A_315 = arith.constant 2 : i32
    %shift_right_arithmetic3A_316 = vector.broadcast %shift_right_arithmetic3A_315 : i32 to vector<16xi32>
    %shift_right_arithmetic3A_317 = arith.shrsi %gather3A_314, %shift_right_arithmetic3A_316 : vector<16xi32>
    %swap3A_318 = arith.constant 224 : index
    %swap3A_319 = tpu.vector_load %arg6[%swap3A_318] {strides = array<i32>} : memref<256xi32, #tpu.memory_space<vmem>>, vector<16xi32>,
    tpu.vector_store %arg6[%swap3A_318], %shift_right_arithmetic3A_317 {strides = array<i32>} : memref<256xi32, #tpu.memory_space<vmem>>, vector<16xi32>,
    %and3A_320 = arith.constant 3 : i32
    %and3A_321 = vector.broadcast %and3A_320 : i32 to vector<16xi32>
    %and3A_322 = arith.andi %gather3A_314, %and3A_321 : vector<16xi32>
    %mul3A_323 = arith.constant 32 : i32
    %mul3A_324 = vector.broadcast %mul3A_323 : i32 to vector<16xi32>
    %mul3A_325 = arith.muli %and3A_322, %mul3A_324 : vector<16xi32>
    %swap3A_326 = arith.constant 224 : index
    %swap3A_327 = tpu.vector_load %arg8[%swap3A_326] {strides = array<i32>} : memref<256xi32, #tpu.memory_space<vmem>>, vector<16xi32>,
    tpu.vector_store %arg8[%swap3A_326], %mul3A_325 {strides = array<i32>} : memref<256xi32, #tpu.memory_space<vmem>>, vector<16xi32>,
    %broadcast_in_dim3A_328 = arith.constant 0 : i32
    %broadcast_in_dim3A_329 = vector.broadcast %broadcast_in_dim3A_328 : i32 to vector<16xi32>
    %add3A_330 = arith.constant 1 : i32
    %add3A_331 = vector.broadcast %add3A_330 : i32 to vector<16xi32>
    %add3A_332 = arith.addi %broadcast_in_dim3A_329, %add3A_331 : vector<16xi32>
    %add3A_333 = arith.constant 112 : i32
    %add3A_334 = vector.broadcast %add3A_333 : i32 to vector<16xi32>
    %add3A_335 = arith.addi %add3A_334, %iota3A : vector<16xi32>
    %gather3A_336 = tpu.vector_load_idx %arg5[%add3A_332, %add3A_335] : memref<50x512xi32, #tpu.memory_space<vmem>>[vector<16xi32>, vector<16xi32>], vector<16xi32>,
    %shift_right_arithmetic3A_337 = arith.constant 2 : i32
    %shift_right_arithmetic3A_338 = vector.broadcast %shift_right_arithmetic3A_337 : i32 to vector<16xi32>
    %shift_right_arithmetic3A_339 = arith.shrsi %gather3A_336, %shift_right_arithmetic3A_338 : vector<16xi32>
    %swap3A_340 = arith.constant 240 : index
    %swap3A_341 = tpu.vector_load %arg6[%swap3A_340] {strides = array<i32>} : memref<256xi32, #tpu.memory_space<vmem>>, vector<16xi32>,
    tpu.vector_store %arg6[%swap3A_340], %shift_right_arithmetic3A_339 {strides = array<i32>} : memref<256xi32, #tpu.memory_space<vmem>>, vector<16xi32>,
    %and3A_342 = arith.constant 3 : i32
    %and3A_343 = vector.broadcast %and3A_342 : i32 to vector<16xi32>
    %and3A_344 = arith.andi %gather3A_336, %and3A_343 : vector<16xi32>
    %mul3A_345 = arith.constant 32 : i32
    %mul3A_346 = vector.broadcast %mul3A_345 : i32 to vector<16xi32>
    %mul3A_347 = arith.muli %and3A_344, %mul3A_346 : vector<16xi32>
    %swap3A_348 = arith.constant 240 : index
    %swap3A_349 = tpu.vector_load %arg8[%swap3A_348] {strides = array<i32>} : memref<256xi32, #tpu.memory_space<vmem>>, vector<16xi32>,
    tpu.vector_store %arg8[%swap3A_348], %mul3A_347 {strides = array<i32>} : memref<256xi32, #tpu.memory_space<vmem>>, vector<16xi32>,
    %dma_start3A = arith.constant 0 : i32
    %dma_start3A_350 = arith.constant 0 : i32
    %dma_start3A_351 = tpu.memref_slice %arg2[%dma_start3A, %dma_start3A_350] : memref<250000x128xf32, #tpu.memory_space<hbm>> -> memref<250000x128xf32, #tpu.memory_space<hbm>>
    tpu.enqueue_indirect_dma source(%dma_start3A_351 : memref<250000x128xf32, #tpu.memory_space<hbm>>) target(%arg10 : memref<256x128xf32, #tpu.memory_space<vmem>>) offsets(%arg6 : memref<256xi32, #tpu.memory_space<vmem>>) semaphore(%arg14 : memref<!tpu.dma_semaphore, #tpu.memory_space<semaphore_mem>>)
    %broadcast_in_dim3A_352 = arith.constant 0 : i32
    %broadcast_in_dim3A_353 = vector.broadcast %broadcast_in_dim3A_352 : i32 to vector<16xi32>
    %add3A_354 = arith.constant 2 : i32
    %add3A_355 = vector.broadcast %add3A_354 : i32 to vector<16xi32>
    %add3A_356 = arith.addi %broadcast_in_dim3A_353, %add3A_355 : vector<16xi32>
    %add3A_357 = arith.constant 0 : i32
    %add3A_358 = vector.broadcast %add3A_357 : i32 to vector<16xi32>
    %add3A_359 = arith.addi %add3A_358, %iota3A : vector<16xi32>
    %gather3A_360 = tpu.vector_load_idx %arg5[%add3A_356, %add3A_359] : memref<50x512xi32, #tpu.memory_space<vmem>>[vector<16xi32>, vector<16xi32>], vector<16xi32>,
    %shift_right_arithmetic3A_361 = arith.constant 2 : i32
    %shift_right_arithmetic3A_362 = vector.broadcast %shift_right_arithmetic3A_361 : i32 to vector<16xi32>
    %shift_right_arithmetic3A_363 = arith.shrsi %gather3A_360, %shift_right_arithmetic3A_362 : vector<16xi32>
    %swap3A_364 = arith.constant 0 : index
    %swap3A_365 = tpu.vector_load %arg7[%swap3A_364] {strides = array<i32>} : memref<256xi32, #tpu.memory_space<vmem>>, vector<16xi32>,
    tpu.vector_store %arg7[%swap3A_364], %shift_right_arithmetic3A_363 {strides = array<i32>} : memref<256xi32, #tpu.memory_space<vmem>>, vector<16xi32>,
    %and3A_366 = arith.constant 3 : i32
    %and3A_367 = vector.broadcast %and3A_366 : i32 to vector<16xi32>
    %and3A_368 = arith.andi %gather3A_360, %and3A_367 : vector<16xi32>
    %mul3A_369 = arith.constant 32 : i32
    %mul3A_370 = vector.broadcast %mul3A_369 : i32 to vector<16xi32>
    %mul3A_371 = arith.muli %and3A_368, %mul3A_370 : vector<16xi32>
    %swap3A_372 = arith.constant 0 : index
    %swap3A_373 = tpu.vector_load %arg9[%swap3A_372] {strides = array<i32>} : memref<256xi32, #tpu.memory_space<vmem>>, vector<16xi32>,
    tpu.vector_store %arg9[%swap3A_372], %mul3A_371 {strides = array<i32>} : memref<256xi32, #tpu.memory_space<vmem>>, vector<16xi32>,
    %broadcast_in_dim3A_374 = arith.constant 0 : i32
    %broadcast_in_dim3A_375 = vector.broadcast %broadcast_in_dim3A_374 : i32 to vector<16xi32>
    %add3A_376 = arith.constant 2 : i32
    %add3A_377 = vector.broadcast %add3A_376 : i32 to vector<16xi32>
    %add3A_378 = arith.addi %broadcast_in_dim3A_375, %add3A_377 : vector<16xi32>
    %add3A_379 = arith.constant 16 : i32
    %add3A_380 = vector.broadcast %add3A_379 : i32 to vector<16xi32>
    %add3A_381 = arith.addi %add3A_380, %iota3A : vector<16xi32>
    %gather3A_382 = tpu.vector_load_idx %arg5[%add3A_378, %add3A_381] : memref<50x512xi32, #tpu.memory_space<vmem>>[vector<16xi32>, vector<16xi32>], vector<16xi32>,
    %shift_right_arithmetic3A_383 = arith.constant 2 : i32
    %shift_right_arithmetic3A_384 = vector.broadcast %shift_right_arithmetic3A_383 : i32 to vector<16xi32>
    %shift_right_arithmetic3A_385 = arith.shrsi %gather3A_382, %shift_right_arithmetic3A_384 : vector<16xi32>
    %swap3A_386 = arith.constant 16 : index
    %swap3A_387 = tpu.vector_load %arg7[%swap3A_386] {strides = array<i32>} : memref<256xi32, #tpu.memory_space<vmem>>, vector<16xi32>,
    tpu.vector_store %arg7[%swap3A_386], %shift_right_arithmetic3A_385 {strides = array<i32>} : memref<256xi32, #tpu.memory_space<vmem>>, vector<16xi32>,
    %and3A_388 = arith.constant 3 : i32
    %and3A_389 = vector.broadcast %and3A_388 : i32 to vector<16xi32>
    %and3A_390 = arith.andi %gather3A_382, %and3A_389 : vector<16xi32>
    %mul3A_391 = arith.constant 32 : i32
    %mul3A_392 = vector.broadcast %mul3A_391 : i32 to vector<16xi32>
    %mul3A_393 = arith.muli %and3A_390, %mul3A_392 : vector<16xi32>
    %swap3A_394 = arith.constant 16 : index
    %swap3A_395 = tpu.vector_load %arg9[%swap3A_394] {strides = array<i32>} : memref<256xi32, #tpu.memory_space<vmem>>, vector<16xi32>,
    tpu.vector_store %arg9[%swap3A_394], %mul3A_393 {strides = array<i32>} : memref<256xi32, #tpu.memory_space<vmem>>, vector<16xi32>,
    %broadcast_in_dim3A_396 = arith.constant 0 : i32
    %broadcast_in_dim3A_397 = vector.broadcast %broadcast_in_dim3A_396 : i32 to vector<16xi32>
    %add3A_398 = arith.constant 2 : i32
    %add3A_399 = vector.broadcast %add3A_398 : i32 to vector<16xi32>
    %add3A_400 = arith.addi %broadcast_in_dim3A_397, %add3A_399 : vector<16xi32>
    %add3A_401 = arith.constant 32 : i32
    %add3A_402 = vector.broadcast %add3A_401 : i32 to vector<16xi32>
    %add3A_403 = arith.addi %add3A_402, %iota3A : vector<16xi32>
    %gather3A_404 = tpu.vector_load_idx %arg5[%add3A_400, %add3A_403] : memref<50x512xi32, #tpu.memory_space<vmem>>[vector<16xi32>, vector<16xi32>], vector<16xi32>,
    %shift_right_arithmetic3A_405 = arith.constant 2 : i32
    %shift_right_arithmetic3A_406 = vector.broadcast %shift_right_arithmetic3A_405 : i32 to vector<16xi32>
    %shift_right_arithmetic3A_407 = arith.shrsi %gather3A_404, %shift_right_arithmetic3A_406 : vector<16xi32>
    %swap3A_408 = arith.constant 32 : index
    %swap3A_409 = tpu.vector_load %arg7[%swap3A_408] {strides = array<i32>} : memref<256xi32, #tpu.memory_space<vmem>>, vector<16xi32>,
    tpu.vector_store %arg7[%swap3A_408], %shift_right_arithmetic3A_407 {strides = array<i32>} : memref<256xi32, #tpu.memory_space<vmem>>, vector<16xi32>,
    %and3A_410 = arith.constant 3 : i32
    %and3A_411 = vector.broadcast %and3A_410 : i32 to vector<16xi32>
    %and3A_412 = arith.andi %gather3A_404, %and3A_411 : vector<16xi32>
    %mul3A_413 = arith.constant 32 : i32
    %mul3A_414 = vector.broadcast %mul3A_413 : i32 to vector<16xi32>
    %mul3A_415 = arith.muli %and3A_412, %mul3A_414 : vector<16xi32>
    %swap3A_416 = arith.constant 32 : index
    %swap3A_417 = tpu.vector_load %arg9[%swap3A_416] {strides = array<i32>} : memref<256xi32, #tpu.memory_space<vmem>>, vector<16xi32>,
    tpu.vector_store %arg9[%swap3A_416], %mul3A_415 {strides = array<i32>} : memref<256xi32, #tpu.memory_space<vmem>>, vector<16xi32>,
    %broadcast_in_dim3A_418 = arith.constant 0 : i32
    %broadcast_in_dim3A_419 = vector.broadcast %broadcast_in_dim3A_418 : i32 to vector<16xi32>
    %add3A_420 = arith.constant 2 : i32
    %add3A_421 = vector.broadcast %add3A_420 : i32 to vector<16xi32>
    %add3A_422 = arith.addi %broadcast_in_dim3A_419, %add3A_421 : vector<16xi32>
    %add3A_423 = arith.constant 48 : i32
    %add3A_424 = vector.broadcast %add3A_423 : i32 to vector<16xi32>
    %add3A_425 = arith.addi %add3A_424, %iota3A : vector<16xi32>
    %gather3A_426 = tpu.vector_load_idx %arg5[%add3A_422, %add3A_425] : memref<50x512xi32, #tpu.memory_space<vmem>>[vector<16xi32>, vector<16xi32>], vector<16xi32>,
    %shift_right_arithmetic3A_427 = arith.constant 2 : i32
    %shift_right_arithmetic3A_428 = vector.broadcast %shift_right_arithmetic3A_427 : i32 to vector<16xi32>
    %shift_right_arithmetic3A_429 = arith.shrsi %gather3A_426, %shift_right_arithmetic3A_428 : vector<16xi32>
    %swap3A_430 = arith.constant 48 : index
    %swap3A_431 = tpu.vector_load %arg7[%swap3A_430] {strides = array<i32>} : memref<256xi32, #tpu.memory_space<vmem>>, vector<16xi32>,
    tpu.vector_store %arg7[%swap3A_430], %shift_right_arithmetic3A_429 {strides = array<i32>} : memref<256xi32, #tpu.memory_space<vmem>>, vector<16xi32>,
    %and3A_432 = arith.constant 3 : i32
    %and3A_433 = vector.broadcast %and3A_432 : i32 to vector<16xi32>
    %and3A_434 = arith.andi %gather3A_426, %and3A_433 : vector<16xi32>
    %mul3A_435 = arith.constant 32 : i32
    %mul3A_436 = vector.broadcast %mul3A_435 : i32 to vector<16xi32>
    %mul3A_437 = arith.muli %and3A_434, %mul3A_436 : vector<16xi32>
    %swap3A_438 = arith.constant 48 : index
    %swap3A_439 = tpu.vector_load %arg9[%swap3A_438] {strides = array<i32>} : memref<256xi32, #tpu.memory_space<vmem>>, vector<16xi32>,
    tpu.vector_store %arg9[%swap3A_438], %mul3A_437 {strides = array<i32>} : memref<256xi32, #tpu.memory_space<vmem>>, vector<16xi32>,
    %broadcast_in_dim3A_440 = arith.constant 0 : i32
    %broadcast_in_dim3A_441 = vector.broadcast %broadcast_in_dim3A_440 : i32 to vector<16xi32>
    %add3A_442 = arith.constant 2 : i32
    %add3A_443 = vector.broadcast %add3A_442 : i32 to vector<16xi32>
    %add3A_444 = arith.addi %broadcast_in_dim3A_441, %add3A_443 : vector<16xi32>
    %add3A_445 = arith.constant 64 : i32
    %add3A_446 = vector.broadcast %add3A_445 : i32 to vector<16xi32>
    %add3A_447 = arith.addi %add3A_446, %iota3A : vector<16xi32>
    %gather3A_448 = tpu.vector_load_idx %arg5[%add3A_444, %add3A_447] : memref<50x512xi32, #tpu.memory_space<vmem>>[vector<16xi32>, vector<16xi32>], vector<16xi32>,
    %shift_right_arithmetic3A_449 = arith.constant 2 : i32
    %shift_right_arithmetic3A_450 = vector.broadcast %shift_right_arithmetic3A_449 : i32 to vector<16xi32>
    %shift_right_arithmetic3A_451 = arith.shrsi %gather3A_448, %shift_right_arithmetic3A_450 : vector<16xi32>
    %swap3A_452 = arith.constant 64 : index
    %swap3A_453 = tpu.vector_load %arg7[%swap3A_452] {strides = array<i32>} : memref<256xi32, #tpu.memory_space<vmem>>, vector<16xi32>,
    tpu.vector_store %arg7[%swap3A_452], %shift_right_arithmetic3A_451 {strides = array<i32>} : memref<256xi32, #tpu.memory_space<vmem>>, vector<16xi32>,
    %and3A_454 = arith.constant 3 : i32
    %and3A_455 = vector.broadcast %and3A_454 : i32 to vector<16xi32>
    %and3A_456 = arith.andi %gather3A_448, %and3A_455 : vector<16xi32>
    %mul3A_457 = arith.constant 32 : i32
    %mul3A_458 = vector.broadcast %mul3A_457 : i32 to vector<16xi32>
    %mul3A_459 = arith.muli %and3A_456, %mul3A_458 : vector<16xi32>
    %swap3A_460 = arith.constant 64 : index
    %swap3A_461 = tpu.vector_load %arg9[%swap3A_460] {strides = array<i32>} : memref<256xi32, #tpu.memory_space<vmem>>, vector<16xi32>,
    tpu.vector_store %arg9[%swap3A_460], %mul3A_459 {strides = array<i32>} : memref<256xi32, #tpu.memory_space<vmem>>, vector<16xi32>,
    %broadcast_in_dim3A_462 = arith.constant 0 : i32
    %broadcast_in_dim3A_463 = vector.broadcast %broadcast_in_dim3A_462 : i32 to vector<16xi32>
    %add3A_464 = arith.constant 2 : i32
    %add3A_465 = vector.broadcast %add3A_464 : i32 to vector<16xi32>
    %add3A_466 = arith.addi %broadcast_in_dim3A_463, %add3A_465 : vector<16xi32>
    %add3A_467 = arith.constant 80 : i32
    %add3A_468 = vector.broadcast %add3A_467 : i32 to vector<16xi32>
    %add3A_469 = arith.addi %add3A_468, %iota3A : vector<16xi32>
    %gather3A_470 = tpu.vector_load_idx %arg5[%add3A_466, %add3A_469] : memref<50x512xi32, #tpu.memory_space<vmem>>[vector<16xi32>, vector<16xi32>], vector<16xi32>,
    %shift_right_arithmetic3A_471 = arith.constant 2 : i32
    %shift_right_arithmetic3A_472 = vector.broadcast %shift_right_arithmetic3A_471 : i32 to vector<16xi32>
    %shift_right_arithmetic3A_473 = arith.shrsi %gather3A_470, %shift_right_arithmetic3A_472 : vector<16xi32>
    %swap3A_474 = arith.constant 80 : index
    %swap3A_475 = tpu.vector_load %arg7[%swap3A_474] {strides = array<i32>} : memref<256xi32, #tpu.memory_space<vmem>>, vector<16xi32>,
    tpu.vector_store %arg7[%swap3A_474], %shift_right_arithmetic3A_473 {strides = array<i32>} : memref<256xi32, #tpu.memory_space<vmem>>, vector<16xi32>,
    %and3A_476 = arith.constant 3 : i32
    %and3A_477 = vector.broadcast %and3A_476 : i32 to vector<16xi32>
    %and3A_478 = arith.andi %gather3A_470, %and3A_477 : vector<16xi32>
    %mul3A_479 = arith.constant 32 : i32
    %mul3A_480 = vector.broadcast %mul3A_479 : i32 to vector<16xi32>
    %mul3A_481 = arith.muli %and3A_478, %mul3A_480 : vector<16xi32>
    %swap3A_482 = arith.constant 80 : index
    %swap3A_483 = tpu.vector_load %arg9[%swap3A_482] {strides = array<i32>} : memref<256xi32, #tpu.memory_space<vmem>>, vector<16xi32>,
    tpu.vector_store %arg9[%swap3A_482], %mul3A_481 {strides = array<i32>} : memref<256xi32, #tpu.memory_space<vmem>>, vector<16xi32>,
    %broadcast_in_dim3A_484 = arith.constant 0 : i32
    %broadcast_in_dim3A_485 = vector.broadcast %broadcast_in_dim3A_484 : i32 to vector<16xi32>
    %add3A_486 = arith.constant 2 : i32
    %add3A_487 = vector.broadcast %add3A_486 : i32 to vector<16xi32>
    %add3A_488 = arith.addi %broadcast_in_dim3A_485, %add3A_487 : vector<16xi32>
    %add3A_489 = arith.constant 96 : i32
    %add3A_490 = vector.broadcast %add3A_489 : i32 to vector<16xi32>
    %add3A_491 = arith.addi %add3A_490, %iota3A : vector<16xi32>
    %gather3A_492 = tpu.vector_load_idx %arg5[%add3A_488, %add3A_491] : memref<50x512xi32, #tpu.memory_space<vmem>>[vector<16xi32>, vector<16xi32>], vector<16xi32>,
    %shift_right_arithmetic3A_493 = arith.constant 2 : i32
    %shift_right_arithmetic3A_494 = vector.broadcast %shift_right_arithmetic3A_493 : i32 to vector<16xi32>
    %shift_right_arithmetic3A_495 = arith.shrsi %gather3A_492, %shift_right_arithmetic3A_494 : vector<16xi32>
    %swap3A_496 = arith.constant 96 : index
    %swap3A_497 = tpu.vector_load %arg7[%swap3A_496] {strides = array<i32>} : memref<256xi32, #tpu.memory_space<vmem>>, vector<16xi32>,
    tpu.vector_store %arg7[%swap3A_496], %shift_right_arithmetic3A_495 {strides = array<i32>} : memref<256xi32, #tpu.memory_space<vmem>>, vector<16xi32>,
    %and3A_498 = arith.constant 3 : i32
    %and3A_499 = vector.broadcast %and3A_498 : i32 to vector<16xi32>
    %and3A_500 = arith.andi %gather3A_492, %and3A_499 : vector<16xi32>
    %mul3A_501 = arith.constant 32 : i32
    %mul3A_502 = vector.broadcast %mul3A_501 : i32 to vector<16xi32>
    %mul3A_503 = arith.muli %and3A_500, %mul3A_502 : vector<16xi32>
    %swap3A_504 = arith.constant 96 : index
    %swap3A_505 = tpu.vector_load %arg9[%swap3A_504] {strides = array<i32>} : memref<256xi32, #tpu.memory_space<vmem>>, vector<16xi32>,
    tpu.vector_store %arg9[%swap3A_504], %mul3A_503 {strides = array<i32>} : memref<256xi32, #tpu.memory_space<vmem>>, vector<16xi32>,
    %broadcast_in_dim3A_506 = arith.constant 0 : i32
    %broadcast_in_dim3A_507 = vector.broadcast %broadcast_in_dim3A_506 : i32 to vector<16xi32>
    %add3A_508 = arith.constant 2 : i32
    %add3A_509 = vector.broadcast %add3A_508 : i32 to vector<16xi32>
    %add3A_510 = arith.addi %broadcast_in_dim3A_507, %add3A_509 : vector<16xi32>
    %add3A_511 = arith.constant 112 : i32
    %add3A_512 = vector.broadcast %add3A_511 : i32 to vector<16xi32>
    %add3A_513 = arith.addi %add3A_512, %iota3A : vector<16xi32>
    %gather3A_514 = tpu.vector_load_idx %arg5[%add3A_510, %add3A_513] : memref<50x512xi32, #tpu.memory_space<vmem>>[vector<16xi32>, vector<16xi32>], vector<16xi32>,
    %shift_right_arithmetic3A_515 = arith.constant 2 : i32
    %shift_right_arithmetic3A_516 = vector.broadcast %shift_right_arithmetic3A_515 : i32 to vector<16xi32>
    %shift_right_arithmetic3A_517 = arith.shrsi %gather3A_514, %shift_right_arithmetic3A_516 : vector<16xi32>
    %swap3A_518 = arith.constant 112 : index
    %swap3A_519 = tpu.vector_load %arg7[%swap3A_518] {strides = array<i32>} : memref<256xi32, #tpu.memory_space<vmem>>, vector<16xi32>,
    tpu.vector_store %arg7[%swap3A_518], %shift_right_arithmetic3A_517 {strides = array<i32>} : memref<256xi32, #tpu.memory_space<vmem>>, vector<16xi32>,
    %and3A_520 = arith.constant 3 : i32
    %and3A_521 = vector.broadcast %and3A_520 : i32 to vector<16xi32>
    %and3A_522 = arith.andi %gather3A_514, %and3A_521 : vector<16xi32>
    %mul3A_523 = arith.constant 32 : i32
    %mul3A_524 = vector.broadcast %mul3A_523 : i32 to vector<16xi32>
    %mul3A_525 = arith.muli %and3A_522, %mul3A_524 : vector<16xi32>
    %swap3A_526 = arith.constant 112 : index
    %swap3A_527 = tpu.vector_load %arg9[%swap3A_526] {strides = array<i32>} : memref<256xi32, #tpu.memory_space<vmem>>, vector<16xi32>,
    tpu.vector_store %arg9[%swap3A_526], %mul3A_525 {strides = array<i32>} : memref<256xi32, #tpu.memory_space<vmem>>, vector<16xi32>,
    %broadcast_in_dim3A_528 = arith.constant 0 : i32
    %broadcast_in_dim3A_529 = vector.broadcast %broadcast_in_dim3A_528 : i32 to vector<16xi32>
    %add3A_530 = arith.constant 3 : i32
    %add3A_531 = vector.broadcast %add3A_530 : i32 to vector<16xi32>
    %add3A_532 = arith.addi %broadcast_in_dim3A_529, %add3A_531 : vector<16xi32>
    %add3A_533 = arith.constant 0 : i32
    %add3A_534 = vector.broadcast %add3A_533 : i32 to vector<16xi32>
    %add3A_535 = arith.addi %add3A_534, %iota3A : vector<16xi32>
    %gather3A_536 = tpu.vector_load_idx %arg5[%add3A_532, %add3A_535] : memref<50x512xi32, #tpu.memory_space<vmem>>[vector<16xi32>, vector<16xi32>], vector<16xi32>,
    %shift_right_arithmetic3A_537 = arith.constant 2 : i32
    %shift_right_arithmetic3A_538 = vector.broadcast %shift_right_arithmetic3A_537 : i32 to vector<16xi32>
    %shift_right_arithmetic3A_539 = arith.shrsi %gather3A_536, %shift_right_arithmetic3A_538 : vector<16xi32>
    %swap3A_540 = arith.constant 128 : index
    %swap3A_541 = tpu.vector_load %arg7[%swap3A_540] {strides = array<i32>} : memref<256xi32, #tpu.memory_space<vmem>>, vector<16xi32>,
    tpu.vector_store %arg7[%swap3A_540], %shift_right_arithmetic3A_539 {strides = array<i32>} : memref<256xi32, #tpu.memory_space<vmem>>, vector<16xi32>,
    %and3A_542 = arith.constant 3 : i32
    %and3A_543 = vector.broadcast %and3A_542 : i32 to vector<16xi32>
    %and3A_544 = arith.andi %gather3A_536, %and3A_543 : vector<16xi32>
    %mul3A_545 = arith.constant 32 : i32
    %mul3A_546 = vector.broadcast %mul3A_545 : i32 to vector<16xi32>
    %mul3A_547 = arith.muli %and3A_544, %mul3A_546 : vector<16xi32>
    %swap3A_548 = arith.constant 128 : index
    %swap3A_549 = tpu.vector_load %arg9[%swap3A_548] {strides = array<i32>} : memref<256xi32, #tpu.memory_space<vmem>>, vector<16xi32>,
    tpu.vector_store %arg9[%swap3A_548], %mul3A_547 {strides = array<i32>} : memref<256xi32, #tpu.memory_space<vmem>>, vector<16xi32>,
    %broadcast_in_dim3A_550 = arith.constant 0 : i32
    %broadcast_in_dim3A_551 = vector.broadcast %broadcast_in_dim3A_550 : i32 to vector<16xi32>
    %add3A_552 = arith.constant 3 : i32
    %add3A_553 = vector.broadcast %add3A_552 : i32 to vector<16xi32>
    %add3A_554 = arith.addi %broadcast_in_dim3A_551, %add3A_553 : vector<16xi32>
    %add3A_555 = arith.constant 16 : i32
    %add3A_556 = vector.broadcast %add3A_555 : i32 to vector<16xi32>
    %add3A_557 = arith.addi %add3A_556, %iota3A : vector<16xi32>
    %gather3A_558 = tpu.vector_load_idx %arg5[%add3A_554, %add3A_557] : memref<50x512xi32, #tpu.memory_space<vmem>>[vector<16xi32>, vector<16xi32>], vector<16xi32>,
    %shift_right_arithmetic3A_559 = arith.constant 2 : i32
    %shift_right_arithmetic3A_560 = vector.broadcast %shift_right_arithmetic3A_559 : i32 to vector<16xi32>
    %shift_right_arithmetic3A_561 = arith.shrsi %gather3A_558, %shift_right_arithmetic3A_560 : vector<16xi32>
    %swap3A_562 = arith.constant 144 : index
    %swap3A_563 = tpu.vector_load %arg7[%swap3A_562] {strides = array<i32>} : memref<256xi32, #tpu.memory_space<vmem>>, vector<16xi32>,
    tpu.vector_store %arg7[%swap3A_562], %shift_right_arithmetic3A_561 {strides = array<i32>} : memref<256xi32, #tpu.memory_space<vmem>>, vector<16xi32>,
    %and3A_564 = arith.constant 3 : i32
    %and3A_565 = vector.broadcast %and3A_564 : i32 to vector<16xi32>
    %and3A_566 = arith.andi %gather3A_558, %and3A_565 : vector<16xi32>
    %mul3A_567 = arith.constant 32 : i32
    %mul3A_568 = vector.broadcast %mul3A_567 : i32 to vector<16xi32>
    %mul3A_569 = arith.muli %and3A_566, %mul3A_568 : vector<16xi32>
    %swap3A_570 = arith.constant 144 : index
    %swap3A_571 = tpu.vector_load %arg9[%swap3A_570] {strides = array<i32>} : memref<256xi32, #tpu.memory_space<vmem>>, vector<16xi32>,
    tpu.vector_store %arg9[%swap3A_570], %mul3A_569 {strides = array<i32>} : memref<256xi32, #tpu.memory_space<vmem>>, vector<16xi32>,
    %broadcast_in_dim3A_572 = arith.constant 0 : i32
    %broadcast_in_dim3A_573 = vector.broadcast %broadcast_in_dim3A_572 : i32 to vector<16xi32>
    %add3A_574 = arith.constant 3 : i32
    %add3A_575 = vector.broadcast %add3A_574 : i32 to vector<16xi32>
    %add3A_576 = arith.addi %broadcast_in_dim3A_573, %add3A_575 : vector<16xi32>
    %add3A_577 = arith.constant 32 : i32
    %add3A_578 = vector.broadcast %add3A_577 : i32 to vector<16xi32>
    %add3A_579 = arith.addi %add3A_578, %iota3A : vector<16xi32>
    %gather3A_580 = tpu.vector_load_idx %arg5[%add3A_576, %add3A_579] : memref<50x512xi32, #tpu.memory_space<vmem>>[vector<16xi32>, vector<16xi32>], vector<16xi32>,
    %shift_right_arithmetic3A_581 = arith.constant 2 : i32
    %shift_right_arithmetic3A_582 = vector.broadcast %shift_right_arithmetic3A_581 : i32 to vector<16xi32>
    %shift_right_arithmetic3A_583 = arith.shrsi %gather3A_580, %shift_right_arithmetic3A_582 : vector<16xi32>
    %swap3A_584 = arith.constant 160 : index
    %swap3A_585 = tpu.vector_load %arg7[%swap3A_584] {strides = array<i32>} : memref<256xi32, #tpu.memory_space<vmem>>, vector<16xi32>,
    tpu.vector_store %arg7[%swap3A_584], %shift_right_arithmetic3A_583 {strides = array<i32>} : memref<256xi32, #tpu.memory_space<vmem>>, vector<16xi32>,
    %and3A_586 = arith.constant 3 : i32
    %and3A_587 = vector.broadcast %and3A_586 : i32 to vector<16xi32>
    %and3A_588 = arith.andi %gather3A_580, %and3A_587 : vector<16xi32>
    %mul3A_589 = arith.constant 32 : i32
    %mul3A_590 = vector.broadcast %mul3A_589 : i32 to vector<16xi32>
    %mul3A_591 = arith.muli %and3A_588, %mul3A_590 : vector<16xi32>
    %swap3A_592 = arith.constant 160 : index
    %swap3A_593 = tpu.vector_load %arg9[%swap3A_592] {strides = array<i32>} : memref<256xi32, #tpu.memory_space<vmem>>, vector<16xi32>,
    tpu.vector_store %arg9[%swap3A_592], %mul3A_591 {strides = array<i32>} : memref<256xi32, #tpu.memory_space<vmem>>, vector<16xi32>,
    %broadcast_in_dim3A_594 = arith.constant 0 : i32
    %broadcast_in_dim3A_595 = vector.broadcast %broadcast_in_dim3A_594 : i32 to vector<16xi32>
    %add3A_596 = arith.constant 3 : i32
    %add3A_597 = vector.broadcast %add3A_596 : i32 to vector<16xi32>
    %add3A_598 = arith.addi %broadcast_in_dim3A_595, %add3A_597 : vector<16xi32>
    %add3A_599 = arith.constant 48 : i32
    %add3A_600 = vector.broadcast %add3A_599 : i32 to vector<16xi32>
    %add3A_601 = arith.addi %add3A_600, %iota3A : vector<16xi32>
    %gather3A_602 = tpu.vector_load_idx %arg5[%add3A_598, %add3A_601] : memref<50x512xi32, #tpu.memory_space<vmem>>[vector<16xi32>, vector<16xi32>], vector<16xi32>,
    %shift_right_arithmetic3A_603 = arith.constant 2 : i32
    %shift_right_arithmetic3A_604 = vector.broadcast %shift_right_arithmetic3A_603 : i32 to vector<16xi32>
    %shift_right_arithmetic3A_605 = arith.shrsi %gather3A_602, %shift_right_arithmetic3A_604 : vector<16xi32>
    %swap3A_606 = arith.constant 176 : index
    %swap3A_607 = tpu.vector_load %arg7[%swap3A_606] {strides = array<i32>} : memref<256xi32, #tpu.memory_space<vmem>>, vector<16xi32>,
    tpu.vector_store %arg7[%swap3A_606], %shift_right_arithmetic3A_605 {strides = array<i32>} : memref<256xi32, #tpu.memory_space<vmem>>, vector<16xi32>,
    %and3A_608 = arith.constant 3 : i32
    %and3A_609 = vector.broadcast %and3A_608 : i32 to vector<16xi32>
    %and3A_610 = arith.andi %gather3A_602, %and3A_609 : vector<16xi32>
    %mul3A_611 = arith.constant 32 : i32
    %mul3A_612 = vector.broadcast %mul3A_611 : i32 to vector<16xi32>
    %mul3A_613 = arith.muli %and3A_610, %mul3A_612 : vector<16xi32>
    %swap3A_614 = arith.constant 176 : index
    %swap3A_615 = tpu.vector_load %arg9[%swap3A_614] {strides = array<i32>} : memref<256xi32, #tpu.memory_space<vmem>>, vector<16xi32>,
    tpu.vector_store %arg9[%swap3A_614], %mul3A_613 {strides = array<i32>} : memref<256xi32, #tpu.memory_space<vmem>>, vector<16xi32>,
    %broadcast_in_dim3A_616 = arith.constant 0 : i32
    %broadcast_in_dim3A_617 = vector.broadcast %broadcast_in_dim3A_616 : i32 to vector<16xi32>
    %add3A_618 = arith.constant 3 : i32
    %add3A_619 = vector.broadcast %add3A_618 : i32 to vector<16xi32>
    %add3A_620 = arith.addi %broadcast_in_dim3A_617, %add3A_619 : vector<16xi32>
    %add3A_621 = arith.constant 64 : i32
    %add3A_622 = vector.broadcast %add3A_621 : i32 to vector<16xi32>
    %add3A_623 = arith.addi %add3A_622, %iota3A : vector<16xi32>
    %gather3A_624 = tpu.vector_load_idx %arg5[%add3A_620, %add3A_623] : memref<50x512xi32, #tpu.memory_space<vmem>>[vector<16xi32>, vector<16xi32>], vector<16xi32>,
    %shift_right_arithmetic3A_625 = arith.constant 2 : i32
    %shift_right_arithmetic3A_626 = vector.broadcast %shift_right_arithmetic3A_625 : i32 to vector<16xi32>
    %shift_right_arithmetic3A_627 = arith.shrsi %gather3A_624, %shift_right_arithmetic3A_626 : vector<16xi32>
    %swap3A_628 = arith.constant 192 : index
    %swap3A_629 = tpu.vector_load %arg7[%swap3A_628] {strides = array<i32>} : memref<256xi32, #tpu.memory_space<vmem>>, vector<16xi32>,
    tpu.vector_store %arg7[%swap3A_628], %shift_right_arithmetic3A_627 {strides = array<i32>} : memref<256xi32, #tpu.memory_space<vmem>>, vector<16xi32>,
    %and3A_630 = arith.constant 3 : i32
    %and3A_631 = vector.broadcast %and3A_630 : i32 to vector<16xi32>
    %and3A_632 = arith.andi %gather3A_624, %and3A_631 : vector<16xi32>
    %mul3A_633 = arith.constant 32 : i32
    %mul3A_634 = vector.broadcast %mul3A_633 : i32 to vector<16xi32>
    %mul3A_635 = arith.muli %and3A_632, %mul3A_634 : vector<16xi32>
    %swap3A_636 = arith.constant 192 : index
    %swap3A_637 = tpu.vector_load %arg9[%swap3A_636] {strides = array<i32>} : memref<256xi32, #tpu.memory_space<vmem>>, vector<16xi32>,
    tpu.vector_store %arg9[%swap3A_636], %mul3A_635 {strides = array<i32>} : memref<256xi32, #tpu.memory_space<vmem>>, vector<16xi32>,
    %broadcast_in_dim3A_638 = arith.constant 0 : i32
    %broadcast_in_dim3A_639 = vector.broadcast %broadcast_in_dim3A_638 : i32 to vector<16xi32>
    %add3A_640 = arith.constant 3 : i32
    %add3A_641 = vector.broadcast %add3A_640 : i32 to vector<16xi32>
    %add3A_642 = arith.addi %broadcast_in_dim3A_639, %add3A_641 : vector<16xi32>
    %add3A_643 = arith.constant 80 : i32
    %add3A_644 = vector.broadcast %add3A_643 : i32 to vector<16xi32>
    %add3A_645 = arith.addi %add3A_644, %iota3A : vector<16xi32>
    %gather3A_646 = tpu.vector_load_idx %arg5[%add3A_642, %add3A_645] : memref<50x512xi32, #tpu.memory_space<vmem>>[vector<16xi32>, vector<16xi32>], vector<16xi32>,
    %shift_right_arithmetic3A_647 = arith.constant 2 : i32
    %shift_right_arithmetic3A_648 = vector.broadcast %shift_right_arithmetic3A_647 : i32 to vector<16xi32>
    %shift_right_arithmetic3A_649 = arith.shrsi %gather3A_646, %shift_right_arithmetic3A_648 : vector<16xi32>
    %swap3A_650 = arith.constant 208 : index
    %swap3A_651 = tpu.vector_load %arg7[%swap3A_650] {strides = array<i32>} : memref<256xi32, #tpu.memory_space<vmem>>, vector<16xi32>,
    tpu.vector_store %arg7[%swap3A_650], %shift_right_arithmetic3A_649 {strides = array<i32>} : memref<256xi32, #tpu.memory_space<vmem>>, vector<16xi32>,
    %and3A_652 = arith.constant 3 : i32
    %and3A_653 = vector.broadcast %and3A_652 : i32 to vector<16xi32>
    %and3A_654 = arith.andi %gather3A_646, %and3A_653 : vector<16xi32>
    %mul3A_655 = arith.constant 32 : i32
    %mul3A_656 = vector.broadcast %mul3A_655 : i32 to vector<16xi32>
    %mul3A_657 = arith.muli %and3A_654, %mul3A_656 : vector<16xi32>
    %swap3A_658 = arith.constant 208 : index
    %swap3A_659 = tpu.vector_load %arg9[%swap3A_658] {strides = array<i32>} : memref<256xi32, #tpu.memory_space<vmem>>, vector<16xi32>,
    tpu.vector_store %arg9[%swap3A_658], %mul3A_657 {strides = array<i32>} : memref<256xi32, #tpu.memory_space<vmem>>, vector<16xi32>,
    %broadcast_in_dim3A_660 = arith.constant 0 : i32
    %broadcast_in_dim3A_661 = vector.broadcast %broadcast_in_dim3A_660 : i32 to vector<16xi32>
    %add3A_662 = arith.constant 3 : i32
    %add3A_663 = vector.broadcast %add3A_662 : i32 to vector<16xi32>
    %add3A_664 = arith.addi %broadcast_in_dim3A_661, %add3A_663 : vector<16xi32>
    %add3A_665 = arith.constant 96 : i32
    %add3A_666 = vector.broadcast %add3A_665 : i32 to vector<16xi32>
    %add3A_667 = arith.addi %add3A_666, %iota3A : vector<16xi32>
    %gather3A_668 = tpu.vector_load_idx %arg5[%add3A_664, %add3A_667] : memref<50x512xi32, #tpu.memory_space<vmem>>[vector<16xi32>, vector<16xi32>], vector<16xi32>,
    %shift_right_arithmetic3A_669 = arith.constant 2 : i32
    %shift_right_arithmetic3A_670 = vector.broadcast %shift_right_arithmetic3A_669 : i32 to vector<16xi32>
    %shift_right_arithmetic3A_671 = arith.shrsi %gather3A_668, %shift_right_arithmetic3A_670 : vector<16xi32>
    %swap3A_672 = arith.constant 224 : index
    %swap3A_673 = tpu.vector_load %arg7[%swap3A_672] {strides = array<i32>} : memref<256xi32, #tpu.memory_space<vmem>>, vector<16xi32>,
    tpu.vector_store %arg7[%swap3A_672], %shift_right_arithmetic3A_671 {strides = array<i32>} : memref<256xi32, #tpu.memory_space<vmem>>, vector<16xi32>,
    %and3A_674 = arith.constant 3 : i32
    %and3A_675 = vector.broadcast %and3A_674 : i32 to vector<16xi32>
    %and3A_676 = arith.andi %gather3A_668, %and3A_675 : vector<16xi32>
    %mul3A_677 = arith.constant 32 : i32
    %mul3A_678 = vector.broadcast %mul3A_677 : i32 to vector<16xi32>
    %mul3A_679 = arith.muli %and3A_676, %mul3A_678 : vector<16xi32>
    %swap3A_680 = arith.constant 224 : index
    %swap3A_681 = tpu.vector_load %arg9[%swap3A_680] {strides = array<i32>} : memref<256xi32, #tpu.memory_space<vmem>>, vector<16xi32>,
    tpu.vector_store %arg9[%swap3A_680], %mul3A_679 {strides = array<i32>} : memref<256xi32, #tpu.memory_space<vmem>>, vector<16xi32>,
    %broadcast_in_dim3A_682 = arith.constant 0 : i32
    %broadcast_in_dim3A_683 = vector.broadcast %broadcast_in_dim3A_682 : i32 to vector<16xi32>
    %add3A_684 = arith.constant 3 : i32
    %add3A_685 = vector.broadcast %add3A_684 : i32 to vector<16xi32>
    %add3A_686 = arith.addi %broadcast_in_dim3A_683, %add3A_685 : vector<16xi32>
    %add3A_687 = arith.constant 112 : i32
    %add3A_688 = vector.broadcast %add3A_687 : i32 to vector<16xi32>
    %add3A_689 = arith.addi %add3A_688, %iota3A : vector<16xi32>
    %gather3A_690 = tpu.vector_load_idx %arg5[%add3A_686, %add3A_689] : memref<50x512xi32, #tpu.memory_space<vmem>>[vector<16xi32>, vector<16xi32>], vector<16xi32>,
    %shift_right_arithmetic3A_691 = arith.constant 2 : i32
    %shift_right_arithmetic3A_692 = vector.broadcast %shift_right_arithmetic3A_691 : i32 to vector<16xi32>
    %shift_right_arithmetic3A_693 = arith.shrsi %gather3A_690, %shift_right_arithmetic3A_692 : vector<16xi32>
    %swap3A_694 = arith.constant 240 : index
    %swap3A_695 = tpu.vector_load %arg7[%swap3A_694] {strides = array<i32>} : memref<256xi32, #tpu.memory_space<vmem>>, vector<16xi32>,
    tpu.vector_store %arg7[%swap3A_694], %shift_right_arithmetic3A_693 {strides = array<i32>} : memref<256xi32, #tpu.memory_space<vmem>>, vector<16xi32>,
    %and3A_696 = arith.constant 3 : i32
    %and3A_697 = vector.broadcast %and3A_696 : i32 to vector<16xi32>
    %and3A_698 = arith.andi %gather3A_690, %and3A_697 : vector<16xi32>
    %mul3A_699 = arith.constant 32 : i32
    %mul3A_700 = vector.broadcast %mul3A_699 : i32 to vector<16xi32>
    %mul3A_701 = arith.muli %and3A_698, %mul3A_700 : vector<16xi32>
    %swap3A_702 = arith.constant 240 : index
    %swap3A_703 = tpu.vector_load %arg9[%swap3A_702] {strides = array<i32>} : memref<256xi32, #tpu.memory_space<vmem>>, vector<16xi32>,
    tpu.vector_store %arg9[%swap3A_702], %mul3A_701 {strides = array<i32>} : memref<256xi32, #tpu.memory_space<vmem>>, vector<16xi32>,
    %dma_start3A_704 = arith.constant 0 : i32
    %dma_start3A_705 = arith.constant 0 : i32
    %dma_start3A_706 = tpu.memref_slice %arg2[%dma_start3A_704, %dma_start3A_705] : memref<250000x128xf32, #tpu.memory_space<hbm>> -> memref<250000x128xf32, #tpu.memory_space<hbm>>
    tpu.enqueue_indirect_dma source(%dma_start3A_706 : memref<250000x128xf32, #tpu.memory_space<hbm>>) target(%arg11 : memref<256x128xf32, #tpu.memory_space<vmem>>) offsets(%arg7 : memref<256xi32, #tpu.memory_space<vmem>>) semaphore(%arg15 : memref<!tpu.dma_semaphore, #tpu.memory_space<semaphore_mem>>)
    %dma_wait3A = arith.constant 0 : i32
    %dma_wait3A_707 = arith.constant 0 : i32
    %dma_wait3A_708 = tpu.memref_slice %arg2[%dma_wait3A, %dma_wait3A_707] : memref<250000x128xf32, #tpu.memory_space<hbm>> -> memref<250000x128xf32, #tpu.memory_space<hbm>>
    tpu.wait_indirect_dma semaphore(%arg14 : memref<!tpu.dma_semaphore, #tpu.memory_space<semaphore_mem>>) src(%dma_wait3A_708 : memref<250000x128xf32, #tpu.memory_space<hbm>>) dst(%arg10 : memref<256x128xf32, #tpu.memory_space<vmem>>)
    %scan3A = arith.constant 0 : i32
    %scan3A_709 = arith.constant 0 : i32
    %scan3A_710 = arith.constant 16 : i32
    %scan3A_711 = arith.addi %scan3A_709, %scan3A_710 : i32
    %scan3A_712 = arith.constant 1 : i32
    scf.for %scan3A_761 = %scan3A_709 to %scan3A_711 step %scan3A_712  : i32 {
      %jit3A = arith.constant 8 : i32
      %div3A = arith.divsi %scan3A_761, %jit3A : i32
      %sign3A = arith.constant 0 : i32
      %sign3A_762 = arith.cmpi sgt, %scan3A_761, %sign3A : i32
      %sign3A_763 = arith.extui %sign3A_762 : i1 to i32
      %sign3A_764 = arith.constant 0 : i32
      %sign3A_765 = arith.cmpi slt, %scan3A_761, %sign3A_764 : i32
      %sign3A_766 = arith.extui %sign3A_765 : i1 to i32
      %sign3A_767 = arith.subi %sign3A_763, %sign3A_766 : i32
      %sign3A_768 = arith.constant 0 : i32
      %sign3A_769 = arith.cmpi sgt, %jit3A, %sign3A_768 : i32
      %sign3A_770 = arith.extui %sign3A_769 : i1 to i32
      %sign3A_771 = arith.constant 0 : i32
      %sign3A_772 = arith.cmpi slt, %jit3A, %sign3A_771 : i32
      %sign3A_773 = arith.extui %sign3A_772 : i1 to i32
      %sign3A_774 = arith.subi %sign3A_770, %sign3A_773 : i32
      %ne3A = arith.cmpi ne, %sign3A_767, %sign3A_774 : i32
      %rem3A = arith.remsi %scan3A_761, %jit3A : i32
      %ne3A_775 = arith.constant 0 : i32
      %ne3A_776 = arith.cmpi ne, %rem3A, %ne3A_775 : i32
      %and3A_777 = arith.andi %ne3A, %ne3A_776 : i1
      %sub3A = arith.constant 1 : i32
      %sub3A_778 = arith.subi %div3A, %sub3A : i32
      %select_n3A = arith.select %and3A_777, %sub3A_778, %div3A : i32
      %jit3A_779 = arith.constant 8 : i32
      %eq3A = arith.constant 0 : i32
      %eq3A_780 = arith.cmpi eq, %jit3A_779, %eq3A : i32
      %jit3A_781 = arith.constant 1 : i32
      %select_n3A_782 = arith.select %eq3A_780, %jit3A_781, %jit3A_779 : i32
      %rem3A_783 = arith.remsi %scan3A_761, %select_n3A_782 : i32
      %ne3A_784 = arith.constant 0 : i32
      %ne3A_785 = arith.cmpi ne, %rem3A_783, %ne3A_784 : i32
      %lt3A = arith.constant 0 : i32
      %lt3A_786 = arith.cmpi slt, %rem3A_783, %lt3A : i32
      %lt3A_787 = arith.constant 0 : i32
      %lt3A_788 = arith.cmpi slt, %select_n3A_782, %lt3A_787 : i32
      %ne3A_789 = arith.xori %lt3A_786, %lt3A_788 : i1
      %and3A_790 = arith.andi %ne3A_789, %ne3A_785 : i1
      %add3A_791 = arith.addi %rem3A_783, %select_n3A_782 : i32
      %select_n3A_792 = arith.select %and3A_790, %add3A_791, %rem3A_783 : i32
      %mul3A_793 = arith.constant 128 : i32
      %mul3A_794 = arith.muli %select_n3A, %mul3A_793 : i32
      %mul3A_795 = arith.constant 16 : i32
      %mul3A_796 = arith.muli %select_n3A_792, %mul3A_795 : i32
      %add3A_797 = arith.addi %mul3A_794, %mul3A_796 : i32
      %add3A_798 = vector.broadcast %add3A_797 : i32 to vector<16xi32>
      %add3A_799 = arith.addi %add3A_798, %iota3A : vector<16xi32>
      %mul3A_800 = arith.constant 16 : i32
      %mul3A_801 = arith.muli %select_n3A_792, %mul3A_800 : i32
      %add3A_802 = vector.broadcast %mul3A_801 : i32 to vector<16xi32>
      %add3A_803 = arith.addi %add3A_802, %iota3A : vector<16xi32>
      %broadcast_in_dim3A_804 = arith.constant 0 : i32
      %broadcast_in_dim3A_805 = vector.broadcast %broadcast_in_dim3A_804 : i32 to vector<16xi32>
      %add3A_806 = vector.broadcast %select_n3A : i32 to vector<16xi32>
      %add3A_807 = arith.addi %broadcast_in_dim3A_805, %add3A_806 : vector<16xi32>
      %mul3A_808 = arith.constant 16 : i32
      %mul3A_809 = arith.muli %scan3A_761, %mul3A_808 : i32
      %get3A = arith.index_cast %mul3A_809 : i32 to index
      %get3A_810 = tpu.vector_load %arg8[%get3A] {strides = array<i32>} : memref<256xi32, #tpu.memory_space<vmem>>, vector<16xi32>,
      %add3A_811 = arith.constant 0 : i32
      %add3A_812 = vector.broadcast %add3A_811 : i32 to vector<16xi32>
      %add3A_813 = arith.addi %add3A_812, %iota3A : vector<16xi32>
      %and3A_814 = arith.constant 31 : i32
      %and3A_815 = vector.broadcast %and3A_814 : i32 to vector<16xi32>
      %and3A_816 = arith.andi %add3A_813, %and3A_815 : vector<16xi32>
      %add3A_817 = arith.addi %get3A_810, %and3A_816 : vector<16xi32>
      %gather3A_818 = tpu.vector_load_idx %arg10[%add3A_799, %add3A_817] : memref<256x128xf32, #tpu.memory_space<vmem>>[vector<16xi32>, vector<16xi32>], vector<16xf32>,
      tpu.vector_store_idx %arg12[%add3A_807, %and3A_816, %add3A_803], %gather3A_818 : memref<2x32x128xf32, #tpu.memory_space<vmem>>[vector<16xi32>, vector<16xi32>, vector<16xi32>], vector<16xf32>,
      %add3A_819 = arith.constant 1 : i32
      %add3A_820 = vector.broadcast %add3A_819 : i32 to vector<16xi32>
      %add3A_821 = arith.addi %add3A_820, %iota3A : vector<16xi32>
      %and3A_822 = arith.constant 31 : i32
      %and3A_823 = vector.broadcast %and3A_822 : i32 to vector<16xi32>
      %and3A_824 = arith.andi %add3A_821, %and3A_823 : vector<16xi32>
      %add3A_825 = arith.addi %get3A_810, %and3A_824 : vector<16xi32>
      %gather3A_826 = tpu.vector_load_idx %arg10[%add3A_799, %add3A_825] : memref<256x128xf32, #tpu.memory_space<vmem>>[vector<16xi32>, vector<16xi32>], vector<16xf32>,
      tpu.vector_store_idx %arg12[%add3A_807, %and3A_824, %add3A_803], %gather3A_826 : memref<2x32x128xf32, #tpu.memory_space<vmem>>[vector<16xi32>, vector<16xi32>, vector<16xi32>], vector<16xf32>,
      %add3A_827 = arith.constant 2 : i32
      %add3A_828 = vector.broadcast %add3A_827 : i32 to vector<16xi32>
      %add3A_829 = arith.addi %add3A_828, %iota3A : vector<16xi32>
      %and3A_830 = arith.constant 31 : i32
      %and3A_831 = vector.broadcast %and3A_830 : i32 to vector<16xi32>
      %and3A_832 = arith.andi %add3A_829, %and3A_831 : vector<16xi32>
      %add3A_833 = arith.addi %get3A_810, %and3A_832 : vector<16xi32>
      %gather3A_834 = tpu.vector_load_idx %arg10[%add3A_799, %add3A_833] : memref<256x128xf32, #tpu.memory_space<vmem>>[vector<16xi32>, vector<16xi32>], vector<16xf32>,
      tpu.vector_store_idx %arg12[%add3A_807, %and3A_832, %add3A_803], %gather3A_834 : memref<2x32x128xf32, #tpu.memory_space<vmem>>[vector<16xi32>, vector<16xi32>, vector<16xi32>], vector<16xf32>,
      %add3A_835 = arith.constant 3 : i32
      %add3A_836 = vector.broadcast %add3A_835 : i32 to vector<16xi32>
      %add3A_837 = arith.addi %add3A_836, %iota3A : vector<16xi32>
      %and3A_838 = arith.constant 31 : i32
      %and3A_839 = vector.broadcast %and3A_838 : i32 to vector<16xi32>
      %and3A_840 = arith.andi %add3A_837, %and3A_839 : vector<16xi32>
      %add3A_841 = arith.addi %get3A_810, %and3A_840 : vector<16xi32>
      %gather3A_842 = tpu.vector_load_idx %arg10[%add3A_799, %add3A_841] : memref<256x128xf32, #tpu.memory_space<vmem>>[vector<16xi32>, vector<16xi32>], vector<16xf32>,
      tpu.vector_store_idx %arg12[%add3A_807, %and3A_840, %add3A_803], %gather3A_842 : memref<2x32x128xf32, #tpu.memory_space<vmem>>[vector<16xi32>, vector<16xi32>, vector<16xi32>], vector<16xf32>,
      %add3A_843 = arith.constant 4 : i32
      %add3A_844 = vector.broadcast %add3A_843 : i32 to vector<16xi32>
      %add3A_845 = arith.addi %add3A_844, %iota3A : vector<16xi32>
      %and3A_846 = arith.constant 31 : i32
      %and3A_847 = vector.broadcast %and3A_846 : i32 to vector<16xi32>
      %and3A_848 = arith.andi %add3A_845, %and3A_847 : vector<16xi32>
      %add3A_849 = arith.addi %get3A_810, %and3A_848 : vector<16xi32>
      %gather3A_850 = tpu.vector_load_idx %arg10[%add3A_799, %add3A_849] : memref<256x128xf32, #tpu.memory_space<vmem>>[vector<16xi32>, vector<16xi32>], vector<16xf32>,
      tpu.vector_store_idx %arg12[%add3A_807, %and3A_848, %add3A_803], %gather3A_850 : memref<2x32x128xf32, #tpu.memory_space<vmem>>[vector<16xi32>, vector<16xi32>, vector<16xi32>], vector<16xf32>,
      %add3A_851 = arith.constant 5 : i32
      %add3A_852 = vector.broadcast %add3A_851 : i32 to vector<16xi32>
      %add3A_853 = arith.addi %add3A_852, %iota3A : vector<16xi32>
      %and3A_854 = arith.constant 31 : i32
      %and3A_855 = vector.broadcast %and3A_854 : i32 to vector<16xi32>
      %and3A_856 = arith.andi %add3A_853, %and3A_855 : vector<16xi32>
      %add3A_857 = arith.addi %get3A_810, %and3A_856 : vector<16xi32>
      %gather3A_858 = tpu.vector_load_idx %arg10[%add3A_799, %add3A_857] : memref<256x128xf32, #tpu.memory_space<vmem>>[vector<16xi32>, vector<16xi32>], vector<16xf32>,
      tpu.vector_store_idx %arg12[%add3A_807, %and3A_856, %add3A_803], %gather3A_858 : memref<2x32x128xf32, #tpu.memory_space<vmem>>[vector<16xi32>, vector<16xi32>, vector<16xi32>], vector<16xf32>,
      %add3A_859 = arith.constant 6 : i32
      %add3A_860 = vector.broadcast %add3A_859 : i32 to vector<16xi32>
      %add3A_861 = arith.addi %add3A_860, %iota3A : vector<16xi32>
      %and3A_862 = arith.constant 31 : i32
      %and3A_863 = vector.broadcast %and3A_862 : i32 to vector<16xi32>
      %and3A_864 = arith.andi %add3A_861, %and3A_863 : vector<16xi32>
      %add3A_865 = arith.addi %get3A_810, %and3A_864 : vector<16xi32>
      %gather3A_866 = tpu.vector_load_idx %arg10[%add3A_799, %add3A_865] : memref<256x128xf32, #tpu.memory_space<vmem>>[vector<16xi32>, vector<16xi32>], vector<16xf32>,
      tpu.vector_store_idx %arg12[%add3A_807, %and3A_864, %add3A_803], %gather3A_866 : memref<2x32x128xf32, #tpu.memory_space<vmem>>[vector<16xi32>, vector<16xi32>, vector<16xi32>], vector<16xf32>,
      %add3A_867 = arith.constant 7 : i32
      %add3A_868 = vector.broadcast %add3A_867 : i32 to vector<16xi32>
      %add3A_869 = arith.addi %add3A_868, %iota3A : vector<16xi32>
      %and3A_870 = arith.constant 31 : i32
      %and3A_871 = vector.broadcast %and3A_870 : i32 to vector<16xi32>
      %and3A_872 = arith.andi %add3A_869, %and3A_871 : vector<16xi32>
      %add3A_873 = arith.addi %get3A_810, %and3A_872 : vector<16xi32>
      %gather3A_874 = tpu.vector_load_idx %arg10[%add3A_799, %add3A_873] : memref<256x128xf32, #tpu.memory_space<vmem>>[vector<16xi32>, vector<16xi32>], vector<16xf32>,
      tpu.vector_store_idx %arg12[%add3A_807, %and3A_872, %add3A_803], %gather3A_874 : memref<2x32x128xf32, #tpu.memory_space<vmem>>[vector<16xi32>, vector<16xi32>, vector<16xi32>], vector<16xf32>,
      %add3A_875 = arith.constant 8 : i32
      %add3A_876 = vector.broadcast %add3A_875 : i32 to vector<16xi32>
      %add3A_877 = arith.addi %add3A_876, %iota3A : vector<16xi32>
      %and3A_878 = arith.constant 31 : i32
      %and3A_879 = vector.broadcast %and3A_878 : i32 to vector<16xi32>
      %and3A_880 = arith.andi %add3A_877, %and3A_879 : vector<16xi32>
      %add3A_881 = arith.addi %get3A_810, %and3A_880 : vector<16xi32>
      %gather3A_882 = tpu.vector_load_idx %arg10[%add3A_799, %add3A_881] : memref<256x128xf32, #tpu.memory_space<vmem>>[vector<16xi32>, vector<16xi32>], vector<16xf32>,
      tpu.vector_store_idx %arg12[%add3A_807, %and3A_880, %add3A_803], %gather3A_882 : memref<2x32x128xf32, #tpu.memory_space<vmem>>[vector<16xi32>, vector<16xi32>, vector<16xi32>], vector<16xf32>,
      %add3A_883 = arith.constant 9 : i32
      %add3A_884 = vector.broadcast %add3A_883 : i32 to vector<16xi32>
      %add3A_885 = arith.addi %add3A_884, %iota3A : vector<16xi32>
      %and3A_886 = arith.constant 31 : i32
      %and3A_887 = vector.broadcast %and3A_886 : i32 to vector<16xi32>
      %and3A_888 = arith.andi %add3A_885, %and3A_887 : vector<16xi32>
      %add3A_889 = arith.addi %get3A_810, %and3A_888 : vector<16xi32>
      %gather3A_890 = tpu.vector_load_idx %arg10[%add3A_799, %add3A_889] : memref<256x128xf32, #tpu.memory_space<vmem>>[vector<16xi32>, vector<16xi32>], vector<16xf32>,
      tpu.vector_store_idx %arg12[%add3A_807, %and3A_888, %add3A_803], %gather3A_890 : memref<2x32x128xf32, #tpu.memory_space<vmem>>[vector<16xi32>, vector<16xi32>, vector<16xi32>], vector<16xf32>,
      %add3A_891 = arith.constant 10 : i32
      %add3A_892 = vector.broadcast %add3A_891 : i32 to vector<16xi32>
      %add3A_893 = arith.addi %add3A_892, %iota3A : vector<16xi32>
      %and3A_894 = arith.constant 31 : i32
      %and3A_895 = vector.broadcast %and3A_894 : i32 to vector<16xi32>
      %and3A_896 = arith.andi %add3A_893, %and3A_895 : vector<16xi32>
      %add3A_897 = arith.addi %get3A_810, %and3A_896 : vector<16xi32>
      %gather3A_898 = tpu.vector_load_idx %arg10[%add3A_799, %add3A_897] : memref<256x128xf32, #tpu.memory_space<vmem>>[vector<16xi32>, vector<16xi32>], vector<16xf32>,
      tpu.vector_store_idx %arg12[%add3A_807, %and3A_896, %add3A_803], %gather3A_898 : memref<2x32x128xf32, #tpu.memory_space<vmem>>[vector<16xi32>, vector<16xi32>, vector<16xi32>], vector<16xf32>,
      %add3A_899 = arith.constant 11 : i32
      %add3A_900 = vector.broadcast %add3A_899 : i32 to vector<16xi32>
      %add3A_901 = arith.addi %add3A_900, %iota3A : vector<16xi32>
      %and3A_902 = arith.constant 31 : i32
      %and3A_903 = vector.broadcast %and3A_902 : i32 to vector<16xi32>
      %and3A_904 = arith.andi %add3A_901, %and3A_903 : vector<16xi32>
      %add3A_905 = arith.addi %get3A_810, %and3A_904 : vector<16xi32>
      %gather3A_906 = tpu.vector_load_idx %arg10[%add3A_799, %add3A_905] : memref<256x128xf32, #tpu.memory_space<vmem>>[vector<16xi32>, vector<16xi32>], vector<16xf32>,
      tpu.vector_store_idx %arg12[%add3A_807, %and3A_904, %add3A_803], %gather3A_906 : memref<2x32x128xf32, #tpu.memory_space<vmem>>[vector<16xi32>, vector<16xi32>, vector<16xi32>], vector<16xf32>,
      %add3A_907 = arith.constant 12 : i32
      %add3A_908 = vector.broadcast %add3A_907 : i32 to vector<16xi32>
      %add3A_909 = arith.addi %add3A_908, %iota3A : vector<16xi32>
      %and3A_910 = arith.constant 31 : i32
      %and3A_911 = vector.broadcast %and3A_910 : i32 to vector<16xi32>
      %and3A_912 = arith.andi %add3A_909, %and3A_911 : vector<16xi32>
      %add3A_913 = arith.addi %get3A_810, %and3A_912 : vector<16xi32>
      %gather3A_914 = tpu.vector_load_idx %arg10[%add3A_799, %add3A_913] : memref<256x128xf32, #tpu.memory_space<vmem>>[vector<16xi32>, vector<16xi32>], vector<16xf32>,
      tpu.vector_store_idx %arg12[%add3A_807, %and3A_912, %add3A_803], %gather3A_914 : memref<2x32x128xf32, #tpu.memory_space<vmem>>[vector<16xi32>, vector<16xi32>, vector<16xi32>], vector<16xf32>,
      %add3A_915 = arith.constant 13 : i32
      %add3A_916 = vector.broadcast %add3A_915 : i32 to vector<16xi32>
      %add3A_917 = arith.addi %add3A_916, %iota3A : vector<16xi32>
      %and3A_918 = arith.constant 31 : i32
      %and3A_919 = vector.broadcast %and3A_918 : i32 to vector<16xi32>
      %and3A_920 = arith.andi %add3A_917, %and3A_919 : vector<16xi32>
      %add3A_921 = arith.addi %get3A_810, %and3A_920 : vector<16xi32>
      %gather3A_922 = tpu.vector_load_idx %arg10[%add3A_799, %add3A_921] : memref<256x128xf32, #tpu.memory_space<vmem>>[vector<16xi32>, vector<16xi32>], vector<16xf32>,
      tpu.vector_store_idx %arg12[%add3A_807, %and3A_920, %add3A_803], %gather3A_922 : memref<2x32x128xf32, #tpu.memory_space<vmem>>[vector<16xi32>, vector<16xi32>, vector<16xi32>], vector<16xf32>,
      %add3A_923 = arith.constant 14 : i32
      %add3A_924 = vector.broadcast %add3A_923 : i32 to vector<16xi32>
      %add3A_925 = arith.addi %add3A_924, %iota3A : vector<16xi32>
      %and3A_926 = arith.constant 31 : i32
      %and3A_927 = vector.broadcast %and3A_926 : i32 to vector<16xi32>
      %and3A_928 = arith.andi %add3A_925, %and3A_927 : vector<16xi32>
      %add3A_929 = arith.addi %get3A_810, %and3A_928 : vector<16xi32>
      %gather3A_930 = tpu.vector_load_idx %arg10[%add3A_799, %add3A_929] : memref<256x128xf32, #tpu.memory_space<vmem>>[vector<16xi32>, vector<16xi32>], vector<16xf32>,
      tpu.vector_store_idx %arg12[%add3A_807, %and3A_928, %add3A_803], %gather3A_930 : memref<2x32x128xf32, #tpu.memory_space<vmem>>[vector<16xi32>, vector<16xi32>, vector<16xi32>], vector<16xf32>,
      %add3A_931 = arith.constant 15 : i32
      %add3A_932 = vector.broadcast %add3A_931 : i32 to vector<16xi32>
      %add3A_933 = arith.addi %add3A_932, %iota3A : vector<16xi32>
      %and3A_934 = arith.constant 31 : i32
      %and3A_935 = vector.broadcast %and3A_934 : i32 to vector<16xi32>
      %and3A_936 = arith.andi %add3A_933, %and3A_935 : vector<16xi32>
      %add3A_937 = arith.addi %get3A_810, %and3A_936 : vector<16xi32>
      %gather3A_938 = tpu.vector_load_idx %arg10[%add3A_799, %add3A_937] : memref<256x128xf32, #tpu.memory_space<vmem>>[vector<16xi32>, vector<16xi32>], vector<16xf32>,
      tpu.vector_store_idx %arg12[%add3A_807, %and3A_936, %add3A_803], %gather3A_938 : memref<2x32x128xf32, #tpu.memory_space<vmem>>[vector<16xi32>, vector<16xi32>, vector<16xi32>], vector<16xf32>,
      %add3A_939 = arith.constant 16 : i32
      %add3A_940 = vector.broadcast %add3A_939 : i32 to vector<16xi32>
      %add3A_941 = arith.addi %add3A_940, %iota3A : vector<16xi32>
      %and3A_942 = arith.constant 31 : i32
      %and3A_943 = vector.broadcast %and3A_942 : i32 to vector<16xi32>
      %and3A_944 = arith.andi %add3A_941, %and3A_943 : vector<16xi32>
      %add3A_945 = arith.addi %get3A_810, %and3A_944 : vector<16xi32>
      %gather3A_946 = tpu.vector_load_idx %arg10[%add3A_799, %add3A_945] : memref<256x128xf32, #tpu.memory_space<vmem>>[vector<16xi32>, vector<16xi32>], vector<16xf32>,
      tpu.vector_store_idx %arg12[%add3A_807, %and3A_944, %add3A_803], %gather3A_946 : memref<2x32x128xf32, #tpu.memory_space<vmem>>[vector<16xi32>, vector<16xi32>, vector<16xi32>], vector<16xf32>,
      %add3A_947 = arith.constant 17 : i32
      %add3A_948 = vector.broadcast %add3A_947 : i32 to vector<16xi32>
      %add3A_949 = arith.addi %add3A_948, %iota3A : vector<16xi32>
      %and3A_950 = arith.constant 31 : i32
      %and3A_951 = vector.broadcast %and3A_950 : i32 to vector<16xi32>
      %and3A_952 = arith.andi %add3A_949, %and3A_951 : vector<16xi32>
      %add3A_953 = arith.addi %get3A_810, %and3A_952 : vector<16xi32>
      %gather3A_954 = tpu.vector_load_idx %arg10[%add3A_799, %add3A_953] : memref<256x128xf32, #tpu.memory_space<vmem>>[vector<16xi32>, vector<16xi32>], vector<16xf32>,
      tpu.vector_store_idx %arg12[%add3A_807, %and3A_952, %add3A_803], %gather3A_954 : memref<2x32x128xf32, #tpu.memory_space<vmem>>[vector<16xi32>, vector<16xi32>, vector<16xi32>], vector<16xf32>,
      %add3A_955 = arith.constant 18 : i32
      %add3A_956 = vector.broadcast %add3A_955 : i32 to vector<16xi32>
      %add3A_957 = arith.addi %add3A_956, %iota3A : vector<16xi32>
      %and3A_958 = arith.constant 31 : i32
      %and3A_959 = vector.broadcast %and3A_958 : i32 to vector<16xi32>
      %and3A_960 = arith.andi %add3A_957, %and3A_959 : vector<16xi32>
      %add3A_961 = arith.addi %get3A_810, %and3A_960 : vector<16xi32>
      %gather3A_962 = tpu.vector_load_idx %arg10[%add3A_799, %add3A_961] : memref<256x128xf32, #tpu.memory_space<vmem>>[vector<16xi32>, vector<16xi32>], vector<16xf32>,
      tpu.vector_store_idx %arg12[%add3A_807, %and3A_960, %add3A_803], %gather3A_962 : memref<2x32x128xf32, #tpu.memory_space<vmem>>[vector<16xi32>, vector<16xi32>, vector<16xi32>], vector<16xf32>,
      %add3A_963 = arith.constant 19 : i32
      %add3A_964 = vector.broadcast %add3A_963 : i32 to vector<16xi32>
      %add3A_965 = arith.addi %add3A_964, %iota3A : vector<16xi32>
      %and3A_966 = arith.constant 31 : i32
      %and3A_967 = vector.broadcast %and3A_966 : i32 to vector<16xi32>
      %and3A_968 = arith.andi %add3A_965, %and3A_967 : vector<16xi32>
      %add3A_969 = arith.addi %get3A_810, %and3A_968 : vector<16xi32>
      %gather3A_970 = tpu.vector_load_idx %arg10[%add3A_799, %add3A_969] : memref<256x128xf32, #tpu.memory_space<vmem>>[vector<16xi32>, vector<16xi32>], vector<16xf32>,
      tpu.vector_store_idx %arg12[%add3A_807, %and3A_968, %add3A_803], %gather3A_970 : memref<2x32x128xf32, #tpu.memory_space<vmem>>[vector<16xi32>, vector<16xi32>, vector<16xi32>], vector<16xf32>,
      %add3A_971 = arith.constant 20 : i32
      %add3A_972 = vector.broadcast %add3A_971 : i32 to vector<16xi32>
      %add3A_973 = arith.addi %add3A_972, %iota3A : vector<16xi32>
      %and3A_974 = arith.constant 31 : i32
      %and3A_975 = vector.broadcast %and3A_974 : i32 to vector<16xi32>
      %and3A_976 = arith.andi %add3A_973, %and3A_975 : vector<16xi32>
      %add3A_977 = arith.addi %get3A_810, %and3A_976 : vector<16xi32>
      %gather3A_978 = tpu.vector_load_idx %arg10[%add3A_799, %add3A_977] : memref<256x128xf32, #tpu.memory_space<vmem>>[vector<16xi32>, vector<16xi32>], vector<16xf32>,
      tpu.vector_store_idx %arg12[%add3A_807, %and3A_976, %add3A_803], %gather3A_978 : memref<2x32x128xf32, #tpu.memory_space<vmem>>[vector<16xi32>, vector<16xi32>, vector<16xi32>], vector<16xf32>,
      %add3A_979 = arith.constant 21 : i32
      %add3A_980 = vector.broadcast %add3A_979 : i32 to vector<16xi32>
      %add3A_981 = arith.addi %add3A_980, %iota3A : vector<16xi32>
      %and3A_982 = arith.constant 31 : i32
      %and3A_983 = vector.broadcast %and3A_982 : i32 to vector<16xi32>
      %and3A_984 = arith.andi %add3A_981, %and3A_983 : vector<16xi32>
      %add3A_985 = arith.addi %get3A_810, %and3A_984 : vector<16xi32>
      %gather3A_986 = tpu.vector_load_idx %arg10[%add3A_799, %add3A_985] : memref<256x128xf32, #tpu.memory_space<vmem>>[vector<16xi32>, vector<16xi32>], vector<16xf32>,
      tpu.vector_store_idx %arg12[%add3A_807, %and3A_984, %add3A_803], %gather3A_986 : memref<2x32x128xf32, #tpu.memory_space<vmem>>[vector<16xi32>, vector<16xi32>, vector<16xi32>], vector<16xf32>,
      %add3A_987 = arith.constant 22 : i32
      %add3A_988 = vector.broadcast %add3A_987 : i32 to vector<16xi32>
      %add3A_989 = arith.addi %add3A_988, %iota3A : vector<16xi32>
      %and3A_990 = arith.constant 31 : i32
      %and3A_991 = vector.broadcast %and3A_990 : i32 to vector<16xi32>
      %and3A_992 = arith.andi %add3A_989, %and3A_991 : vector<16xi32>
      %add3A_993 = arith.addi %get3A_810, %and3A_992 : vector<16xi32>
      %gather3A_994 = tpu.vector_load_idx %arg10[%add3A_799, %add3A_993] : memref<256x128xf32, #tpu.memory_space<vmem>>[vector<16xi32>, vector<16xi32>], vector<16xf32>,
      tpu.vector_store_idx %arg12[%add3A_807, %and3A_992, %add3A_803], %gather3A_994 : memref<2x32x128xf32, #tpu.memory_space<vmem>>[vector<16xi32>, vector<16xi32>, vector<16xi32>], vector<16xf32>,
      %add3A_995 = arith.constant 23 : i32
      %add3A_996 = vector.broadcast %add3A_995 : i32 to vector<16xi32>
      %add3A_997 = arith.addi %add3A_996, %iota3A : vector<16xi32>
      %and3A_998 = arith.constant 31 : i32
      %and3A_999 = vector.broadcast %and3A_998 : i32 to vector<16xi32>
      %and3A_1000 = arith.andi %add3A_997, %and3A_999 : vector<16xi32>
      %add3A_1001 = arith.addi %get3A_810, %and3A_1000 : vector<16xi32>
      %gather3A_1002 = tpu.vector_load_idx %arg10[%add3A_799, %add3A_1001] : memref<256x128xf32, #tpu.memory_space<vmem>>[vector<16xi32>, vector<16xi32>], vector<16xf32>,
      tpu.vector_store_idx %arg12[%add3A_807, %and3A_1000, %add3A_803], %gather3A_1002 : memref<2x32x128xf32, #tpu.memory_space<vmem>>[vector<16xi32>, vector<16xi32>, vector<16xi32>], vector<16xf32>,
      %add3A_1003 = arith.constant 24 : i32
      %add3A_1004 = vector.broadcast %add3A_1003 : i32 to vector<16xi32>
      %add3A_1005 = arith.addi %add3A_1004, %iota3A : vector<16xi32>
      %and3A_1006 = arith.constant 31 : i32
      %and3A_1007 = vector.broadcast %and3A_1006 : i32 to vector<16xi32>
      %and3A_1008 = arith.andi %add3A_1005, %and3A_1007 : vector<16xi32>
      %add3A_1009 = arith.addi %get3A_810, %and3A_1008 : vector<16xi32>
      %gather3A_1010 = tpu.vector_load_idx %arg10[%add3A_799, %add3A_1009] : memref<256x128xf32, #tpu.memory_space<vmem>>[vector<16xi32>, vector<16xi32>], vector<16xf32>,
      tpu.vector_store_idx %arg12[%add3A_807, %and3A_1008, %add3A_803], %gather3A_1010 : memref<2x32x128xf32, #tpu.memory_space<vmem>>[vector<16xi32>, vector<16xi32>, vector<16xi32>], vector<16xf32>,
      %add3A_1011 = arith.constant 25 : i32
      %add3A_1012 = vector.broadcast %add3A_1011 : i32 to vector<16xi32>
      %add3A_1013 = arith.addi %add3A_1012, %iota3A : vector<16xi32>
      %and3A_1014 = arith.constant 31 : i32
      %and3A_1015 = vector.broadcast %and3A_1014 : i32 to vector<16xi32>
      %and3A_1016 = arith.andi %add3A_1013, %and3A_1015 : vector<16xi32>
      %add3A_1017 = arith.addi %get3A_810, %and3A_1016 : vector<16xi32>
      %gather3A_1018 = tpu.vector_load_idx %arg10[%add3A_799, %add3A_1017] : memref<256x128xf32, #tpu.memory_space<vmem>>[vector<16xi32>, vector<16xi32>], vector<16xf32>,
      tpu.vector_store_idx %arg12[%add3A_807, %and3A_1016, %add3A_803], %gather3A_1018 : memref<2x32x128xf32, #tpu.memory_space<vmem>>[vector<16xi32>, vector<16xi32>, vector<16xi32>], vector<16xf32>,
      %add3A_1019 = arith.constant 26 : i32
      %add3A_1020 = vector.broadcast %add3A_1019 : i32 to vector<16xi32>
      %add3A_1021 = arith.addi %add3A_1020, %iota3A : vector<16xi32>
      %and3A_1022 = arith.constant 31 : i32
      %and3A_1023 = vector.broadcast %and3A_1022 : i32 to vector<16xi32>
      %and3A_1024 = arith.andi %add3A_1021, %and3A_1023 : vector<16xi32>
      %add3A_1025 = arith.addi %get3A_810, %and3A_1024 : vector<16xi32>
      %gather3A_1026 = tpu.vector_load_idx %arg10[%add3A_799, %add3A_1025] : memref<256x128xf32, #tpu.memory_space<vmem>>[vector<16xi32>, vector<16xi32>], vector<16xf32>,
      tpu.vector_store_idx %arg12[%add3A_807, %and3A_1024, %add3A_803], %gather3A_1026 : memref<2x32x128xf32, #tpu.memory_space<vmem>>[vector<16xi32>, vector<16xi32>, vector<16xi32>], vector<16xf32>,
      %add3A_1027 = arith.constant 27 : i32
      %add3A_1028 = vector.broadcast %add3A_1027 : i32 to vector<16xi32>
      %add3A_1029 = arith.addi %add3A_1028, %iota3A : vector<16xi32>
      %and3A_1030 = arith.constant 31 : i32
      %and3A_1031 = vector.broadcast %and3A_1030 : i32 to vector<16xi32>
      %and3A_1032 = arith.andi %add3A_1029, %and3A_1031 : vector<16xi32>
      %add3A_1033 = arith.addi %get3A_810, %and3A_1032 : vector<16xi32>
      %gather3A_1034 = tpu.vector_load_idx %arg10[%add3A_799, %add3A_1033] : memref<256x128xf32, #tpu.memory_space<vmem>>[vector<16xi32>, vector<16xi32>], vector<16xf32>,
      tpu.vector_store_idx %arg12[%add3A_807, %and3A_1032, %add3A_803], %gather3A_1034 : memref<2x32x128xf32, #tpu.memory_space<vmem>>[vector<16xi32>, vector<16xi32>, vector<16xi32>], vector<16xf32>,
      %add3A_1035 = arith.constant 28 : i32
      %add3A_1036 = vector.broadcast %add3A_1035 : i32 to vector<16xi32>
      %add3A_1037 = arith.addi %add3A_1036, %iota3A : vector<16xi32>
      %and3A_1038 = arith.constant 31 : i32
      %and3A_1039 = vector.broadcast %and3A_1038 : i32 to vector<16xi32>
      %and3A_1040 = arith.andi %add3A_1037, %and3A_1039 : vector<16xi32>
      %add3A_1041 = arith.addi %get3A_810, %and3A_1040 : vector<16xi32>
      %gather3A_1042 = tpu.vector_load_idx %arg10[%add3A_799, %add3A_1041] : memref<256x128xf32, #tpu.memory_space<vmem>>[vector<16xi32>, vector<16xi32>], vector<16xf32>,
      tpu.vector_store_idx %arg12[%add3A_807, %and3A_1040, %add3A_803], %gather3A_1042 : memref<2x32x128xf32, #tpu.memory_space<vmem>>[vector<16xi32>, vector<16xi32>, vector<16xi32>], vector<16xf32>,
      %add3A_1043 = arith.constant 29 : i32
      %add3A_1044 = vector.broadcast %add3A_1043 : i32 to vector<16xi32>
      %add3A_1045 = arith.addi %add3A_1044, %iota3A : vector<16xi32>
      %and3A_1046 = arith.constant 31 : i32
      %and3A_1047 = vector.broadcast %and3A_1046 : i32 to vector<16xi32>
      %and3A_1048 = arith.andi %add3A_1045, %and3A_1047 : vector<16xi32>
      %add3A_1049 = arith.addi %get3A_810, %and3A_1048 : vector<16xi32>
      %gather3A_1050 = tpu.vector_load_idx %arg10[%add3A_799, %add3A_1049] : memref<256x128xf32, #tpu.memory_space<vmem>>[vector<16xi32>, vector<16xi32>], vector<16xf32>,
      tpu.vector_store_idx %arg12[%add3A_807, %and3A_1048, %add3A_803], %gather3A_1050 : memref<2x32x128xf32, #tpu.memory_space<vmem>>[vector<16xi32>, vector<16xi32>, vector<16xi32>], vector<16xf32>,
      %add3A_1051 = arith.constant 30 : i32
      %add3A_1052 = vector.broadcast %add3A_1051 : i32 to vector<16xi32>
      %add3A_1053 = arith.addi %add3A_1052, %iota3A : vector<16xi32>
      %and3A_1054 = arith.constant 31 : i32
      %and3A_1055 = vector.broadcast %and3A_1054 : i32 to vector<16xi32>
      %and3A_1056 = arith.andi %add3A_1053, %and3A_1055 : vector<16xi32>
      %add3A_1057 = arith.addi %get3A_810, %and3A_1056 : vector<16xi32>
      %gather3A_1058 = tpu.vector_load_idx %arg10[%add3A_799, %add3A_1057] : memref<256x128xf32, #tpu.memory_space<vmem>>[vector<16xi32>, vector<16xi32>], vector<16xf32>,
      tpu.vector_store_idx %arg12[%add3A_807, %and3A_1056, %add3A_803], %gather3A_1058 : memref<2x32x128xf32, #tpu.memory_space<vmem>>[vector<16xi32>, vector<16xi32>, vector<16xi32>], vector<16xf32>,
      %add3A_1059 = arith.constant 31 : i32
      %add3A_1060 = vector.broadcast %add3A_1059 : i32 to vector<16xi32>
      %add3A_1061 = arith.addi %add3A_1060, %iota3A : vector<16xi32>
      %and3A_1062 = arith.constant 31 : i32
      %and3A_1063 = vector.broadcast %and3A_1062 : i32 to vector<16xi32>
      %and3A_1064 = arith.andi %add3A_1061, %and3A_1063 : vector<16xi32>
      %add3A_1065 = arith.addi %get3A_810, %and3A_1064 : vector<16xi32>
      %gather3A_1066 = tpu.vector_load_idx %arg10[%add3A_799, %add3A_1065] : memref<256x128xf32, #tpu.memory_space<vmem>>[vector<16xi32>, vector<16xi32>], vector<16xf32>,
      tpu.vector_store_idx %arg12[%add3A_807, %and3A_1064, %add3A_803], %gather3A_1066 : memref<2x32x128xf32, #tpu.memory_space<vmem>>[vector<16xi32>, vector<16xi32>, vector<16xi32>], vector<16xf32>,
    }
    %scan3A_713 = arith.constant 16 : i32
    %add3A_714 = arith.constant 0 : i32
    %add3A_715 = arith.addi %mul3A_2, %add3A_714 : i32
    %dma_start3A_716 = arith.constant 0 : i32
    %dma_start3A_717 = arith.constant 0 : i32
    %dma_start3A_718 = tpu.memref_slice %arg4[%dma_start3A_716, %dma_start3A_717, %add3A_715] : memref<50x32x16384xf32, #tpu.memory_space<hbm>> -> memref<2x32x128xf32, #tpu.memory_space<hbm>>
    %dma_start3A_719 = arith.constant 0 : i32
    %dma_start3A_720 = arith.constant 0 : i32
    %dma_start3A_721 = tpu.memref_slice %arg4[%dma_start3A_719, %dma_start3A_720, %add3A_715] : memref<50x32x16384xf32, #tpu.memory_space<hbm>> -> memref<2x32x128xf32, #tpu.memory_space<hbm>>
    tpu.enqueue_dma source(%arg12 : memref<2x32x128xf32, #tpu.memory_space<vmem>>) target(%dma_start3A_721 : memref<2x32x128xf32, #tpu.memory_space<hbm>>) target_semaphore(%arg16 : memref<!tpu.dma_semaphore, #tpu.memory_space<semaphore_mem>>)
    %dma_wait3A_722 = arith.constant 0 : i32
    %dma_wait3A_723 = arith.constant 0 : i32
    %dma_wait3A_724 = tpu.memref_slice %arg2[%dma_wait3A_722, %dma_wait3A_723] : memref<250000x128xf32, #tpu.memory_space<hbm>> -> memref<250000x128xf32, #tpu.memory_space<hbm>>
    tpu.wait_indirect_dma semaphore(%arg15 : memref<!tpu.dma_semaphore, #tpu.memory_space<semaphore_mem>>) src(%dma_wait3A_724 : memref<250000x128xf32, #tpu.memory_space<hbm>>) dst(%arg11 : memref<256x128xf32, #tpu.memory_space<vmem>>)
    %scan3A_725 = arith.constant 0 : i32
    %scan3A_726 = arith.constant 0 : i32
    %scan3A_727 = arith.constant 16 : i32
    %scan3A_728 = arith.addi %scan3A_726, %scan3A_727 : i32
    %scan3A_729 = arith.constant 1 : i32
    scf.for %scan3A_761 = %scan3A_726 to %scan3A_728 step %scan3A_729  : i32 {
      %jit3A = arith.constant 8 : i32
      %div3A = arith.divsi %scan3A_761, %jit3A : i32
      %sign3A = arith.constant 0 : i32
      %sign3A_762 = arith.cmpi sgt, %scan3A_761, %sign3A : i32
      %sign3A_763 = arith.extui %sign3A_762 : i1 to i32
      %sign3A_764 = arith.constant 0 : i32
      %sign3A_765 = arith.cmpi slt, %scan3A_761, %sign3A_764 : i32
      %sign3A_766 = arith.extui %sign3A_765 : i1 to i32
      %sign3A_767 = arith.subi %sign3A_763, %sign3A_766 : i32
      %sign3A_768 = arith.constant 0 : i32
      %sign3A_769 = arith.cmpi sgt, %jit3A, %sign3A_768 : i32
      %sign3A_770 = arith.extui %sign3A_769 : i1 to i32
      %sign3A_771 = arith.constant 0 : i32
      %sign3A_772 = arith.cmpi slt, %jit3A, %sign3A_771 : i32
      %sign3A_773 = arith.extui %sign3A_772 : i1 to i32
      %sign3A_774 = arith.subi %sign3A_770, %sign3A_773 : i32
      %ne3A = arith.cmpi ne, %sign3A_767, %sign3A_774 : i32
      %rem3A = arith.remsi %scan3A_761, %jit3A : i32
      %ne3A_775 = arith.constant 0 : i32
      %ne3A_776 = arith.cmpi ne, %rem3A, %ne3A_775 : i32
      %and3A_777 = arith.andi %ne3A, %ne3A_776 : i1
      %sub3A = arith.constant 1 : i32
      %sub3A_778 = arith.subi %div3A, %sub3A : i32
      %select_n3A = arith.select %and3A_777, %sub3A_778, %div3A : i32
      %jit3A_779 = arith.constant 8 : i32
      %eq3A = arith.constant 0 : i32
      %eq3A_780 = arith.cmpi eq, %jit3A_779, %eq3A : i32
      %jit3A_781 = arith.constant 1 : i32
      %select_n3A_782 = arith.select %eq3A_780, %jit3A_781, %jit3A_779 : i32
      %rem3A_783 = arith.remsi %scan3A_761, %select_n3A_782 : i32
      %ne3A_784 = arith.constant 0 : i32
      %ne3A_785 = arith.cmpi ne, %rem3A_783, %ne3A_784 : i32
      %lt3A = arith.constant 0 : i32
      %lt3A_786 = arith.cmpi slt, %rem3A_783, %lt3A : i32
      %lt3A_787 = arith.constant 0 : i32
      %lt3A_788 = arith.cmpi slt, %select_n3A_782, %lt3A_787 : i32
      %ne3A_789 = arith.xori %lt3A_786, %lt3A_788 : i1
      %and3A_790 = arith.andi %ne3A_789, %ne3A_785 : i1
      %add3A_791 = arith.addi %rem3A_783, %select_n3A_782 : i32
      %select_n3A_792 = arith.select %and3A_790, %add3A_791, %rem3A_783 : i32
      %mul3A_793 = arith.constant 128 : i32
      %mul3A_794 = arith.muli %select_n3A, %mul3A_793 : i32
      %mul3A_795 = arith.constant 16 : i32
      %mul3A_796 = arith.muli %select_n3A_792, %mul3A_795 : i32
      %add3A_797 = arith.addi %mul3A_794, %mul3A_796 : i32
      %add3A_798 = vector.broadcast %add3A_797 : i32 to vector<16xi32>
      %add3A_799 = arith.addi %add3A_798, %iota3A : vector<16xi32>
      %mul3A_800 = arith.constant 16 : i32
      %mul3A_801 = arith.muli %select_n3A_792, %mul3A_800 : i32
      %add3A_802 = vector.broadcast %mul3A_801 : i32 to vector<16xi32>
      %add3A_803 = arith.addi %add3A_802, %iota3A : vector<16xi32>
      %broadcast_in_dim3A_804 = arith.constant 0 : i32
      %broadcast_in_dim3A_805 = vector.broadcast %broadcast_in_dim3A_804 : i32 to vector<16xi32>
      %add3A_806 = vector.broadcast %select_n3A : i32 to vector<16xi32>
      %add3A_807 = arith.addi %broadcast_in_dim3A_805, %add3A_806 : vector<16xi32>
      %mul3A_808 = arith.constant 16 : i32
      %mul3A_809 = arith.muli %scan3A_761, %mul3A_808 : i32
      %get3A = arith.index_cast %mul3A_809 : i32 to index
      %get3A_810 = tpu.vector_load %arg9[%get3A] {strides = array<i32>} : memref<256xi32, #tpu.memory_space<vmem>>, vector<16xi32>,
      %add3A_811 = arith.constant 0 : i32
      %add3A_812 = vector.broadcast %add3A_811 : i32 to vector<16xi32>
      %add3A_813 = arith.addi %add3A_812, %iota3A : vector<16xi32>
      %and3A_814 = arith.constant 31 : i32
      %and3A_815 = vector.broadcast %and3A_814 : i32 to vector<16xi32>
      %and3A_816 = arith.andi %add3A_813, %and3A_815 : vector<16xi32>
      %add3A_817 = arith.addi %get3A_810, %and3A_816 : vector<16xi32>
      %gather3A_818 = tpu.vector_load_idx %arg11[%add3A_799, %add3A_817] : memref<256x128xf32, #tpu.memory_space<vmem>>[vector<16xi32>, vector<16xi32>], vector<16xf32>,
      tpu.vector_store_idx %arg13[%add3A_807, %and3A_816, %add3A_803], %gather3A_818 : memref<2x32x128xf32, #tpu.memory_space<vmem>>[vector<16xi32>, vector<16xi32>, vector<16xi32>], vector<16xf32>,
      %add3A_819 = arith.constant 1 : i32
      %add3A_820 = vector.broadcast %add3A_819 : i32 to vector<16xi32>
      %add3A_821 = arith.addi %add3A_820, %iota3A : vector<16xi32>
      %and3A_822 = arith.constant 31 : i32
      %and3A_823 = vector.broadcast %and3A_822 : i32 to vector<16xi32>
      %and3A_824 = arith.andi %add3A_821, %and3A_823 : vector<16xi32>
      %add3A_825 = arith.addi %get3A_810, %and3A_824 : vector<16xi32>
      %gather3A_826 = tpu.vector_load_idx %arg11[%add3A_799, %add3A_825] : memref<256x128xf32, #tpu.memory_space<vmem>>[vector<16xi32>, vector<16xi32>], vector<16xf32>,
      tpu.vector_store_idx %arg13[%add3A_807, %and3A_824, %add3A_803], %gather3A_826 : memref<2x32x128xf32, #tpu.memory_space<vmem>>[vector<16xi32>, vector<16xi32>, vector<16xi32>], vector<16xf32>,
      %add3A_827 = arith.constant 2 : i32
      %add3A_828 = vector.broadcast %add3A_827 : i32 to vector<16xi32>
      %add3A_829 = arith.addi %add3A_828, %iota3A : vector<16xi32>
      %and3A_830 = arith.constant 31 : i32
      %and3A_831 = vector.broadcast %and3A_830 : i32 to vector<16xi32>
      %and3A_832 = arith.andi %add3A_829, %and3A_831 : vector<16xi32>
      %add3A_833 = arith.addi %get3A_810, %and3A_832 : vector<16xi32>
      %gather3A_834 = tpu.vector_load_idx %arg11[%add3A_799, %add3A_833] : memref<256x128xf32, #tpu.memory_space<vmem>>[vector<16xi32>, vector<16xi32>], vector<16xf32>,
      tpu.vector_store_idx %arg13[%add3A_807, %and3A_832, %add3A_803], %gather3A_834 : memref<2x32x128xf32, #tpu.memory_space<vmem>>[vector<16xi32>, vector<16xi32>, vector<16xi32>], vector<16xf32>,
      %add3A_835 = arith.constant 3 : i32
      %add3A_836 = vector.broadcast %add3A_835 : i32 to vector<16xi32>
      %add3A_837 = arith.addi %add3A_836, %iota3A : vector<16xi32>
      %and3A_838 = arith.constant 31 : i32
      %and3A_839 = vector.broadcast %and3A_838 : i32 to vector<16xi32>
      %and3A_840 = arith.andi %add3A_837, %and3A_839 : vector<16xi32>
      %add3A_841 = arith.addi %get3A_810, %and3A_840 : vector<16xi32>
      %gather3A_842 = tpu.vector_load_idx %arg11[%add3A_799, %add3A_841] : memref<256x128xf32, #tpu.memory_space<vmem>>[vector<16xi32>, vector<16xi32>], vector<16xf32>,
      tpu.vector_store_idx %arg13[%add3A_807, %and3A_840, %add3A_803], %gather3A_842 : memref<2x32x128xf32, #tpu.memory_space<vmem>>[vector<16xi32>, vector<16xi32>, vector<16xi32>], vector<16xf32>,
      %add3A_843 = arith.constant 4 : i32
      %add3A_844 = vector.broadcast %add3A_843 : i32 to vector<16xi32>
      %add3A_845 = arith.addi %add3A_844, %iota3A : vector<16xi32>
      %and3A_846 = arith.constant 31 : i32
      %and3A_847 = vector.broadcast %and3A_846 : i32 to vector<16xi32>
      %and3A_848 = arith.andi %add3A_845, %and3A_847 : vector<16xi32>
      %add3A_849 = arith.addi %get3A_810, %and3A_848 : vector<16xi32>
      %gather3A_850 = tpu.vector_load_idx %arg11[%add3A_799, %add3A_849] : memref<256x128xf32, #tpu.memory_space<vmem>>[vector<16xi32>, vector<16xi32>], vector<16xf32>,
      tpu.vector_store_idx %arg13[%add3A_807, %and3A_848, %add3A_803], %gather3A_850 : memref<2x32x128xf32, #tpu.memory_space<vmem>>[vector<16xi32>, vector<16xi32>, vector<16xi32>], vector<16xf32>,
      %add3A_851 = arith.constant 5 : i32
      %add3A_852 = vector.broadcast %add3A_851 : i32 to vector<16xi32>
      %add3A_853 = arith.addi %add3A_852, %iota3A : vector<16xi32>
      %and3A_854 = arith.constant 31 : i32
      %and3A_855 = vector.broadcast %and3A_854 : i32 to vector<16xi32>
      %and3A_856 = arith.andi %add3A_853, %and3A_855 : vector<16xi32>
      %add3A_857 = arith.addi %get3A_810, %and3A_856 : vector<16xi32>
      %gather3A_858 = tpu.vector_load_idx %arg11[%add3A_799, %add3A_857] : memref<256x128xf32, #tpu.memory_space<vmem>>[vector<16xi32>, vector<16xi32>], vector<16xf32>,
      tpu.vector_store_idx %arg13[%add3A_807, %and3A_856, %add3A_803], %gather3A_858 : memref<2x32x128xf32, #tpu.memory_space<vmem>>[vector<16xi32>, vector<16xi32>, vector<16xi32>], vector<16xf32>,
      %add3A_859 = arith.constant 6 : i32
      %add3A_860 = vector.broadcast %add3A_859 : i32 to vector<16xi32>
      %add3A_861 = arith.addi %add3A_860, %iota3A : vector<16xi32>
      %and3A_862 = arith.constant 31 : i32
      %and3A_863 = vector.broadcast %and3A_862 : i32 to vector<16xi32>
      %and3A_864 = arith.andi %add3A_861, %and3A_863 : vector<16xi32>
      %add3A_865 = arith.addi %get3A_810, %and3A_864 : vector<16xi32>
      %gather3A_866 = tpu.vector_load_idx %arg11[%add3A_799, %add3A_865] : memref<256x128xf32, #tpu.memory_space<vmem>>[vector<16xi32>, vector<16xi32>], vector<16xf32>,
      tpu.vector_store_idx %arg13[%add3A_807, %and3A_864, %add3A_803], %gather3A_866 : memref<2x32x128xf32, #tpu.memory_space<vmem>>[vector<16xi32>, vector<16xi32>, vector<16xi32>], vector<16xf32>,
      %add3A_867 = arith.constant 7 : i32
      %add3A_868 = vector.broadcast %add3A_867 : i32 to vector<16xi32>
      %add3A_869 = arith.addi %add3A_868, %iota3A : vector<16xi32>
      %and3A_870 = arith.constant 31 : i32
      %and3A_871 = vector.broadcast %and3A_870 : i32 to vector<16xi32>
      %and3A_872 = arith.andi %add3A_869, %and3A_871 : vector<16xi32>
      %add3A_873 = arith.addi %get3A_810, %and3A_872 : vector<16xi32>
      %gather3A_874 = tpu.vector_load_idx %arg11[%add3A_799, %add3A_873] : memref<256x128xf32, #tpu.memory_space<vmem>>[vector<16xi32>, vector<16xi32>], vector<16xf32>,
      tpu.vector_store_idx %arg13[%add3A_807, %and3A_872, %add3A_803], %gather3A_874 : memref<2x32x128xf32, #tpu.memory_space<vmem>>[vector<16xi32>, vector<16xi32>, vector<16xi32>], vector<16xf32>,
      %add3A_875 = arith.constant 8 : i32
      %add3A_876 = vector.broadcast %add3A_875 : i32 to vector<16xi32>
      %add3A_877 = arith.addi %add3A_876, %iota3A : vector<16xi32>
      %and3A_878 = arith.constant 31 : i32
      %and3A_879 = vector.broadcast %and3A_878 : i32 to vector<16xi32>
      %and3A_880 = arith.andi %add3A_877, %and3A_879 : vector<16xi32>
      %add3A_881 = arith.addi %get3A_810, %and3A_880 : vector<16xi32>
      %gather3A_882 = tpu.vector_load_idx %arg11[%add3A_799, %add3A_881] : memref<256x128xf32, #tpu.memory_space<vmem>>[vector<16xi32>, vector<16xi32>], vector<16xf32>,
      tpu.vector_store_idx %arg13[%add3A_807, %and3A_880, %add3A_803], %gather3A_882 : memref<2x32x128xf32, #tpu.memory_space<vmem>>[vector<16xi32>, vector<16xi32>, vector<16xi32>], vector<16xf32>,
      %add3A_883 = arith.constant 9 : i32
      %add3A_884 = vector.broadcast %add3A_883 : i32 to vector<16xi32>
      %add3A_885 = arith.addi %add3A_884, %iota3A : vector<16xi32>
      %and3A_886 = arith.constant 31 : i32
      %and3A_887 = vector.broadcast %and3A_886 : i32 to vector<16xi32>
      %and3A_888 = arith.andi %add3A_885, %and3A_887 : vector<16xi32>
      %add3A_889 = arith.addi %get3A_810, %and3A_888 : vector<16xi32>
      %gather3A_890 = tpu.vector_load_idx %arg11[%add3A_799, %add3A_889] : memref<256x128xf32, #tpu.memory_space<vmem>>[vector<16xi32>, vector<16xi32>], vector<16xf32>,
      tpu.vector_store_idx %arg13[%add3A_807, %and3A_888, %add3A_803], %gather3A_890 : memref<2x32x128xf32, #tpu.memory_space<vmem>>[vector<16xi32>, vector<16xi32>, vector<16xi32>], vector<16xf32>,
      %add3A_891 = arith.constant 10 : i32
      %add3A_892 = vector.broadcast %add3A_891 : i32 to vector<16xi32>
      %add3A_893 = arith.addi %add3A_892, %iota3A : vector<16xi32>
      %and3A_894 = arith.constant 31 : i32
      %and3A_895 = vector.broadcast %and3A_894 : i32 to vector<16xi32>
      %and3A_896 = arith.andi %add3A_893, %and3A_895 : vector<16xi32>
      %add3A_897 = arith.addi %get3A_810, %and3A_896 : vector<16xi32>
      %gather3A_898 = tpu.vector_load_idx %arg11[%add3A_799, %add3A_897] : memref<256x128xf32, #tpu.memory_space<vmem>>[vector<16xi32>, vector<16xi32>], vector<16xf32>,
      tpu.vector_store_idx %arg13[%add3A_807, %and3A_896, %add3A_803], %gather3A_898 : memref<2x32x128xf32, #tpu.memory_space<vmem>>[vector<16xi32>, vector<16xi32>, vector<16xi32>], vector<16xf32>,
      %add3A_899 = arith.constant 11 : i32
      %add3A_900 = vector.broadcast %add3A_899 : i32 to vector<16xi32>
      %add3A_901 = arith.addi %add3A_900, %iota3A : vector<16xi32>
      %and3A_902 = arith.constant 31 : i32
      %and3A_903 = vector.broadcast %and3A_902 : i32 to vector<16xi32>
      %and3A_904 = arith.andi %add3A_901, %and3A_903 : vector<16xi32>
      %add3A_905 = arith.addi %get3A_810, %and3A_904 : vector<16xi32>
      %gather3A_906 = tpu.vector_load_idx %arg11[%add3A_799, %add3A_905] : memref<256x128xf32, #tpu.memory_space<vmem>>[vector<16xi32>, vector<16xi32>], vector<16xf32>,
      tpu.vector_store_idx %arg13[%add3A_807, %and3A_904, %add3A_803], %gather3A_906 : memref<2x32x128xf32, #tpu.memory_space<vmem>>[vector<16xi32>, vector<16xi32>, vector<16xi32>], vector<16xf32>,
      %add3A_907 = arith.constant 12 : i32
      %add3A_908 = vector.broadcast %add3A_907 : i32 to vector<16xi32>
      %add3A_909 = arith.addi %add3A_908, %iota3A : vector<16xi32>
      %and3A_910 = arith.constant 31 : i32
      %and3A_911 = vector.broadcast %and3A_910 : i32 to vector<16xi32>
      %and3A_912 = arith.andi %add3A_909, %and3A_911 : vector<16xi32>
      %add3A_913 = arith.addi %get3A_810, %and3A_912 : vector<16xi32>
      %gather3A_914 = tpu.vector_load_idx %arg11[%add3A_799, %add3A_913] : memref<256x128xf32, #tpu.memory_space<vmem>>[vector<16xi32>, vector<16xi32>], vector<16xf32>,
      tpu.vector_store_idx %arg13[%add3A_807, %and3A_912, %add3A_803], %gather3A_914 : memref<2x32x128xf32, #tpu.memory_space<vmem>>[vector<16xi32>, vector<16xi32>, vector<16xi32>], vector<16xf32>,
      %add3A_915 = arith.constant 13 : i32
      %add3A_916 = vector.broadcast %add3A_915 : i32 to vector<16xi32>
      %add3A_917 = arith.addi %add3A_916, %iota3A : vector<16xi32>
      %and3A_918 = arith.constant 31 : i32
      %and3A_919 = vector.broadcast %and3A_918 : i32 to vector<16xi32>
      %and3A_920 = arith.andi %add3A_917, %and3A_919 : vector<16xi32>
      %add3A_921 = arith.addi %get3A_810, %and3A_920 : vector<16xi32>
      %gather3A_922 = tpu.vector_load_idx %arg11[%add3A_799, %add3A_921] : memref<256x128xf32, #tpu.memory_space<vmem>>[vector<16xi32>, vector<16xi32>], vector<16xf32>,
      tpu.vector_store_idx %arg13[%add3A_807, %and3A_920, %add3A_803], %gather3A_922 : memref<2x32x128xf32, #tpu.memory_space<vmem>>[vector<16xi32>, vector<16xi32>, vector<16xi32>], vector<16xf32>,
      %add3A_923 = arith.constant 14 : i32
      %add3A_924 = vector.broadcast %add3A_923 : i32 to vector<16xi32>
      %add3A_925 = arith.addi %add3A_924, %iota3A : vector<16xi32>
      %and3A_926 = arith.constant 31 : i32
      %and3A_927 = vector.broadcast %and3A_926 : i32 to vector<16xi32>
      %and3A_928 = arith.andi %add3A_925, %and3A_927 : vector<16xi32>
      %add3A_929 = arith.addi %get3A_810, %and3A_928 : vector<16xi32>
      %gather3A_930 = tpu.vector_load_idx %arg11[%add3A_799, %add3A_929] : memref<256x128xf32, #tpu.memory_space<vmem>>[vector<16xi32>, vector<16xi32>], vector<16xf32>,
      tpu.vector_store_idx %arg13[%add3A_807, %and3A_928, %add3A_803], %gather3A_930 : memref<2x32x128xf32, #tpu.memory_space<vmem>>[vector<16xi32>, vector<16xi32>, vector<16xi32>], vector<16xf32>,
      %add3A_931 = arith.constant 15 : i32
      %add3A_932 = vector.broadcast %add3A_931 : i32 to vector<16xi32>
      %add3A_933 = arith.addi %add3A_932, %iota3A : vector<16xi32>
      %and3A_934 = arith.constant 31 : i32
      %and3A_935 = vector.broadcast %and3A_934 : i32 to vector<16xi32>
      %and3A_936 = arith.andi %add3A_933, %and3A_935 : vector<16xi32>
      %add3A_937 = arith.addi %get3A_810, %and3A_936 : vector<16xi32>
      %gather3A_938 = tpu.vector_load_idx %arg11[%add3A_799, %add3A_937] : memref<256x128xf32, #tpu.memory_space<vmem>>[vector<16xi32>, vector<16xi32>], vector<16xf32>,
      tpu.vector_store_idx %arg13[%add3A_807, %and3A_936, %add3A_803], %gather3A_938 : memref<2x32x128xf32, #tpu.memory_space<vmem>>[vector<16xi32>, vector<16xi32>, vector<16xi32>], vector<16xf32>,
      %add3A_939 = arith.constant 16 : i32
      %add3A_940 = vector.broadcast %add3A_939 : i32 to vector<16xi32>
      %add3A_941 = arith.addi %add3A_940, %iota3A : vector<16xi32>
      %and3A_942 = arith.constant 31 : i32
      %and3A_943 = vector.broadcast %and3A_942 : i32 to vector<16xi32>
      %and3A_944 = arith.andi %add3A_941, %and3A_943 : vector<16xi32>
      %add3A_945 = arith.addi %get3A_810, %and3A_944 : vector<16xi32>
      %gather3A_946 = tpu.vector_load_idx %arg11[%add3A_799, %add3A_945] : memref<256x128xf32, #tpu.memory_space<vmem>>[vector<16xi32>, vector<16xi32>], vector<16xf32>,
      tpu.vector_store_idx %arg13[%add3A_807, %and3A_944, %add3A_803], %gather3A_946 : memref<2x32x128xf32, #tpu.memory_space<vmem>>[vector<16xi32>, vector<16xi32>, vector<16xi32>], vector<16xf32>,
      %add3A_947 = arith.constant 17 : i32
      %add3A_948 = vector.broadcast %add3A_947 : i32 to vector<16xi32>
      %add3A_949 = arith.addi %add3A_948, %iota3A : vector<16xi32>
      %and3A_950 = arith.constant 31 : i32
      %and3A_951 = vector.broadcast %and3A_950 : i32 to vector<16xi32>
      %and3A_952 = arith.andi %add3A_949, %and3A_951 : vector<16xi32>
      %add3A_953 = arith.addi %get3A_810, %and3A_952 : vector<16xi32>
      %gather3A_954 = tpu.vector_load_idx %arg11[%add3A_799, %add3A_953] : memref<256x128xf32, #tpu.memory_space<vmem>>[vector<16xi32>, vector<16xi32>], vector<16xf32>,
      tpu.vector_store_idx %arg13[%add3A_807, %and3A_952, %add3A_803], %gather3A_954 : memref<2x32x128xf32, #tpu.memory_space<vmem>>[vector<16xi32>, vector<16xi32>, vector<16xi32>], vector<16xf32>,
      %add3A_955 = arith.constant 18 : i32
      %add3A_956 = vector.broadcast %add3A_955 : i32 to vector<16xi32>
      %add3A_957 = arith.addi %add3A_956, %iota3A : vector<16xi32>
      %and3A_958 = arith.constant 31 : i32
      %and3A_959 = vector.broadcast %and3A_958 : i32 to vector<16xi32>
      %and3A_960 = arith.andi %add3A_957, %and3A_959 : vector<16xi32>
      %add3A_961 = arith.addi %get3A_810, %and3A_960 : vector<16xi32>
      %gather3A_962 = tpu.vector_load_idx %arg11[%add3A_799, %add3A_961] : memref<256x128xf32, #tpu.memory_space<vmem>>[vector<16xi32>, vector<16xi32>], vector<16xf32>,
      tpu.vector_store_idx %arg13[%add3A_807, %and3A_960, %add3A_803], %gather3A_962 : memref<2x32x128xf32, #tpu.memory_space<vmem>>[vector<16xi32>, vector<16xi32>, vector<16xi32>], vector<16xf32>,
      %add3A_963 = arith.constant 19 : i32
      %add3A_964 = vector.broadcast %add3A_963 : i32 to vector<16xi32>
      %add3A_965 = arith.addi %add3A_964, %iota3A : vector<16xi32>
      %and3A_966 = arith.constant 31 : i32
      %and3A_967 = vector.broadcast %and3A_966 : i32 to vector<16xi32>
      %and3A_968 = arith.andi %add3A_965, %and3A_967 : vector<16xi32>
      %add3A_969 = arith.addi %get3A_810, %and3A_968 : vector<16xi32>
      %gather3A_970 = tpu.vector_load_idx %arg11[%add3A_799, %add3A_969] : memref<256x128xf32, #tpu.memory_space<vmem>>[vector<16xi32>, vector<16xi32>], vector<16xf32>,
      tpu.vector_store_idx %arg13[%add3A_807, %and3A_968, %add3A_803], %gather3A_970 : memref<2x32x128xf32, #tpu.memory_space<vmem>>[vector<16xi32>, vector<16xi32>, vector<16xi32>], vector<16xf32>,
      %add3A_971 = arith.constant 20 : i32
      %add3A_972 = vector.broadcast %add3A_971 : i32 to vector<16xi32>
      %add3A_973 = arith.addi %add3A_972, %iota3A : vector<16xi32>
      %and3A_974 = arith.constant 31 : i32
      %and3A_975 = vector.broadcast %and3A_974 : i32 to vector<16xi32>
      %and3A_976 = arith.andi %add3A_973, %and3A_975 : vector<16xi32>
      %add3A_977 = arith.addi %get3A_810, %and3A_976 : vector<16xi32>
      %gather3A_978 = tpu.vector_load_idx %arg11[%add3A_799, %add3A_977] : memref<256x128xf32, #tpu.memory_space<vmem>>[vector<16xi32>, vector<16xi32>], vector<16xf32>,
      tpu.vector_store_idx %arg13[%add3A_807, %and3A_976, %add3A_803], %gather3A_978 : memref<2x32x128xf32, #tpu.memory_space<vmem>>[vector<16xi32>, vector<16xi32>, vector<16xi32>], vector<16xf32>,
      %add3A_979 = arith.constant 21 : i32
      %add3A_980 = vector.broadcast %add3A_979 : i32 to vector<16xi32>
      %add3A_981 = arith.addi %add3A_980, %iota3A : vector<16xi32>
      %and3A_982 = arith.constant 31 : i32
      %and3A_983 = vector.broadcast %and3A_982 : i32 to vector<16xi32>
      %and3A_984 = arith.andi %add3A_981, %and3A_983 : vector<16xi32>
      %add3A_985 = arith.addi %get3A_810, %and3A_984 : vector<16xi32>
      %gather3A_986 = tpu.vector_load_idx %arg11[%add3A_799, %add3A_985] : memref<256x128xf32, #tpu.memory_space<vmem>>[vector<16xi32>, vector<16xi32>], vector<16xf32>,
      tpu.vector_store_idx %arg13[%add3A_807, %and3A_984, %add3A_803], %gather3A_986 : memref<2x32x128xf32, #tpu.memory_space<vmem>>[vector<16xi32>, vector<16xi32>, vector<16xi32>], vector<16xf32>,
      %add3A_987 = arith.constant 22 : i32
      %add3A_988 = vector.broadcast %add3A_987 : i32 to vector<16xi32>
      %add3A_989 = arith.addi %add3A_988, %iota3A : vector<16xi32>
      %and3A_990 = arith.constant 31 : i32
      %and3A_991 = vector.broadcast %and3A_990 : i32 to vector<16xi32>
      %and3A_992 = arith.andi %add3A_989, %and3A_991 : vector<16xi32>
      %add3A_993 = arith.addi %get3A_810, %and3A_992 : vector<16xi32>
      %gather3A_994 = tpu.vector_load_idx %arg11[%add3A_799, %add3A_993] : memref<256x128xf32, #tpu.memory_space<vmem>>[vector<16xi32>, vector<16xi32>], vector<16xf32>,
      tpu.vector_store_idx %arg13[%add3A_807, %and3A_992, %add3A_803], %gather3A_994 : memref<2x32x128xf32, #tpu.memory_space<vmem>>[vector<16xi32>, vector<16xi32>, vector<16xi32>], vector<16xf32>,
      %add3A_995 = arith.constant 23 : i32
      %add3A_996 = vector.broadcast %add3A_995 : i32 to vector<16xi32>
      %add3A_997 = arith.addi %add3A_996, %iota3A : vector<16xi32>
      %and3A_998 = arith.constant 31 : i32
      %and3A_999 = vector.broadcast %and3A_998 : i32 to vector<16xi32>
      %and3A_1000 = arith.andi %add3A_997, %and3A_999 : vector<16xi32>
      %add3A_1001 = arith.addi %get3A_810, %and3A_1000 : vector<16xi32>
      %gather3A_1002 = tpu.vector_load_idx %arg11[%add3A_799, %add3A_1001] : memref<256x128xf32, #tpu.memory_space<vmem>>[vector<16xi32>, vector<16xi32>], vector<16xf32>,
      tpu.vector_store_idx %arg13[%add3A_807, %and3A_1000, %add3A_803], %gather3A_1002 : memref<2x32x128xf32, #tpu.memory_space<vmem>>[vector<16xi32>, vector<16xi32>, vector<16xi32>], vector<16xf32>,
      %add3A_1003 = arith.constant 24 : i32
      %add3A_1004 = vector.broadcast %add3A_1003 : i32 to vector<16xi32>
      %add3A_1005 = arith.addi %add3A_1004, %iota3A : vector<16xi32>
      %and3A_1006 = arith.constant 31 : i32
      %and3A_1007 = vector.broadcast %and3A_1006 : i32 to vector<16xi32>
      %and3A_1008 = arith.andi %add3A_1005, %and3A_1007 : vector<16xi32>
      %add3A_1009 = arith.addi %get3A_810, %and3A_1008 : vector<16xi32>
      %gather3A_1010 = tpu.vector_load_idx %arg11[%add3A_799, %add3A_1009] : memref<256x128xf32, #tpu.memory_space<vmem>>[vector<16xi32>, vector<16xi32>], vector<16xf32>,
      tpu.vector_store_idx %arg13[%add3A_807, %and3A_1008, %add3A_803], %gather3A_1010 : memref<2x32x128xf32, #tpu.memory_space<vmem>>[vector<16xi32>, vector<16xi32>, vector<16xi32>], vector<16xf32>,
      %add3A_1011 = arith.constant 25 : i32
      %add3A_1012 = vector.broadcast %add3A_1011 : i32 to vector<16xi32>
      %add3A_1013 = arith.addi %add3A_1012, %iota3A : vector<16xi32>
      %and3A_1014 = arith.constant 31 : i32
      %and3A_1015 = vector.broadcast %and3A_1014 : i32 to vector<16xi32>
      %and3A_1016 = arith.andi %add3A_1013, %and3A_1015 : vector<16xi32>
      %add3A_1017 = arith.addi %get3A_810, %and3A_1016 : vector<16xi32>
      %gather3A_1018 = tpu.vector_load_idx %arg11[%add3A_799, %add3A_1017] : memref<256x128xf32, #tpu.memory_space<vmem>>[vector<16xi32>, vector<16xi32>], vector<16xf32>,
      tpu.vector_store_idx %arg13[%add3A_807, %and3A_1016, %add3A_803], %gather3A_1018 : memref<2x32x128xf32, #tpu.memory_space<vmem>>[vector<16xi32>, vector<16xi32>, vector<16xi32>], vector<16xf32>,
      %add3A_1019 = arith.constant 26 : i32
      %add3A_1020 = vector.broadcast %add3A_1019 : i32 to vector<16xi32>
      %add3A_1021 = arith.addi %add3A_1020, %iota3A : vector<16xi32>
      %and3A_1022 = arith.constant 31 : i32
      %and3A_1023 = vector.broadcast %and3A_1022 : i32 to vector<16xi32>
      %and3A_1024 = arith.andi %add3A_1021, %and3A_1023 : vector<16xi32>
      %add3A_1025 = arith.addi %get3A_810, %and3A_1024 : vector<16xi32>
      %gather3A_1026 = tpu.vector_load_idx %arg11[%add3A_799, %add3A_1025] : memref<256x128xf32, #tpu.memory_space<vmem>>[vector<16xi32>, vector<16xi32>], vector<16xf32>,
      tpu.vector_store_idx %arg13[%add3A_807, %and3A_1024, %add3A_803], %gather3A_1026 : memref<2x32x128xf32, #tpu.memory_space<vmem>>[vector<16xi32>, vector<16xi32>, vector<16xi32>], vector<16xf32>,
      %add3A_1027 = arith.constant 27 : i32
      %add3A_1028 = vector.broadcast %add3A_1027 : i32 to vector<16xi32>
      %add3A_1029 = arith.addi %add3A_1028, %iota3A : vector<16xi32>
      %and3A_1030 = arith.constant 31 : i32
      %and3A_1031 = vector.broadcast %and3A_1030 : i32 to vector<16xi32>
      %and3A_1032 = arith.andi %add3A_1029, %and3A_1031 : vector<16xi32>
      %add3A_1033 = arith.addi %get3A_810, %and3A_1032 : vector<16xi32>
      %gather3A_1034 = tpu.vector_load_idx %arg11[%add3A_799, %add3A_1033] : memref<256x128xf32, #tpu.memory_space<vmem>>[vector<16xi32>, vector<16xi32>], vector<16xf32>,
      tpu.vector_store_idx %arg13[%add3A_807, %and3A_1032, %add3A_803], %gather3A_1034 : memref<2x32x128xf32, #tpu.memory_space<vmem>>[vector<16xi32>, vector<16xi32>, vector<16xi32>], vector<16xf32>,
      %add3A_1035 = arith.constant 28 : i32
      %add3A_1036 = vector.broadcast %add3A_1035 : i32 to vector<16xi32>
      %add3A_1037 = arith.addi %add3A_1036, %iota3A : vector<16xi32>
      %and3A_1038 = arith.constant 31 : i32
      %and3A_1039 = vector.broadcast %and3A_1038 : i32 to vector<16xi32>
      %and3A_1040 = arith.andi %add3A_1037, %and3A_1039 : vector<16xi32>
      %add3A_1041 = arith.addi %get3A_810, %and3A_1040 : vector<16xi32>
      %gather3A_1042 = tpu.vector_load_idx %arg11[%add3A_799, %add3A_1041] : memref<256x128xf32, #tpu.memory_space<vmem>>[vector<16xi32>, vector<16xi32>], vector<16xf32>,
      tpu.vector_store_idx %arg13[%add3A_807, %and3A_1040, %add3A_803], %gather3A_1042 : memref<2x32x128xf32, #tpu.memory_space<vmem>>[vector<16xi32>, vector<16xi32>, vector<16xi32>], vector<16xf32>,
      %add3A_1043 = arith.constant 29 : i32
      %add3A_1044 = vector.broadcast %add3A_1043 : i32 to vector<16xi32>
      %add3A_1045 = arith.addi %add3A_1044, %iota3A : vector<16xi32>
      %and3A_1046 = arith.constant 31 : i32
      %and3A_1047 = vector.broadcast %and3A_1046 : i32 to vector<16xi32>
      %and3A_1048 = arith.andi %add3A_1045, %and3A_1047 : vector<16xi32>
      %add3A_1049 = arith.addi %get3A_810, %and3A_1048 : vector<16xi32>
      %gather3A_1050 = tpu.vector_load_idx %arg11[%add3A_799, %add3A_1049] : memref<256x128xf32, #tpu.memory_space<vmem>>[vector<16xi32>, vector<16xi32>], vector<16xf32>,
      tpu.vector_store_idx %arg13[%add3A_807, %and3A_1048, %add3A_803], %gather3A_1050 : memref<2x32x128xf32, #tpu.memory_space<vmem>>[vector<16xi32>, vector<16xi32>, vector<16xi32>], vector<16xf32>,
      %add3A_1051 = arith.constant 30 : i32
      %add3A_1052 = vector.broadcast %add3A_1051 : i32 to vector<16xi32>
      %add3A_1053 = arith.addi %add3A_1052, %iota3A : vector<16xi32>
      %and3A_1054 = arith.constant 31 : i32
      %and3A_1055 = vector.broadcast %and3A_1054 : i32 to vector<16xi32>
      %and3A_1056 = arith.andi %add3A_1053, %and3A_1055 : vector<16xi32>
      %add3A_1057 = arith.addi %get3A_810, %and3A_1056 : vector<16xi32>
      %gather3A_1058 = tpu.vector_load_idx %arg11[%add3A_799, %add3A_1057] : memref<256x128xf32, #tpu.memory_space<vmem>>[vector<16xi32>, vector<16xi32>], vector<16xf32>,
      tpu.vector_store_idx %arg13[%add3A_807, %and3A_1056, %add3A_803], %gather3A_1058 : memref<2x32x128xf32, #tpu.memory_space<vmem>>[vector<16xi32>, vector<16xi32>, vector<16xi32>], vector<16xf32>,
      %add3A_1059 = arith.constant 31 : i32
      %add3A_1060 = vector.broadcast %add3A_1059 : i32 to vector<16xi32>
      %add3A_1061 = arith.addi %add3A_1060, %iota3A : vector<16xi32>
      %and3A_1062 = arith.constant 31 : i32
      %and3A_1063 = vector.broadcast %and3A_1062 : i32 to vector<16xi32>
      %and3A_1064 = arith.andi %add3A_1061, %and3A_1063 : vector<16xi32>
      %add3A_1065 = arith.addi %get3A_810, %and3A_1064 : vector<16xi32>
      %gather3A_1066 = tpu.vector_load_idx %arg11[%add3A_799, %add3A_1065] : memref<256x128xf32, #tpu.memory_space<vmem>>[vector<16xi32>, vector<16xi32>], vector<16xf32>,
      tpu.vector_store_idx %arg13[%add3A_807, %and3A_1064, %add3A_803], %gather3A_1066 : memref<2x32x128xf32, #tpu.memory_space<vmem>>[vector<16xi32>, vector<16xi32>, vector<16xi32>], vector<16xf32>,
    }
    %scan3A_730 = arith.constant 16 : i32
    %add3A_731 = arith.constant 0 : i32
    %add3A_732 = arith.addi %mul3A_2, %add3A_731 : i32
    %dma_start3A_733 = arith.constant 2 : i32
    %dma_start3A_734 = arith.constant 0 : i32
    %dma_start3A_735 = tpu.memref_slice %arg4[%dma_start3A_733, %dma_start3A_734, %add3A_732] : memref<50x32x16384xf32, #tpu.memory_space<hbm>> -> memref<2x32x128xf32, #tpu.memory_space<hbm>>
    %dma_start3A_736 = arith.constant 2 : i32
    %dma_start3A_737 = arith.constant 0 : i32
    %dma_start3A_738 = tpu.memref_slice %arg4[%dma_start3A_736, %dma_start3A_737, %add3A_732] : memref<50x32x16384xf32, #tpu.memory_space<hbm>> -> memref<2x32x128xf32, #tpu.memory_space<hbm>>
    tpu.enqueue_dma source(%arg13 : memref<2x32x128xf32, #tpu.memory_space<vmem>>) target(%dma_start3A_738 : memref<2x32x128xf32, #tpu.memory_space<hbm>>) target_semaphore(%arg17 : memref<!tpu.dma_semaphore, #tpu.memory_space<semaphore_mem>>)
    %scan3A_739 = arith.constant 0 : i32
    %scan3A_740 = arith.constant 1 : i32
    %scan3A_741 = arith.constant 49 : i32
    %scan3A_742 = arith.addi %scan3A_740, %scan3A_741 : i32
    %scan3A_743 = arith.constant 1 : i32
    scf.for %scan3A_761 = %scan3A_740 to %scan3A_742 step %scan3A_743  : i32 {
      %mul3A_762 = arith.constant 2 : i32
      %mul3A_763 = arith.muli %mul3A_762, %scan3A_761 : i32
      %add3A_764 = arith.constant 1 : i32
      %add3A_765 = arith.addi %mul3A_763, %add3A_764 : i32
      %jit3A = arith.constant 25 : i32
      %div3A = arith.divsi %mul3A_763, %jit3A : i32
      %sign3A = arith.constant 0 : i32
      %sign3A_766 = arith.cmpi sgt, %mul3A_763, %sign3A : i32
      %sign3A_767 = arith.extui %sign3A_766 : i1 to i32
      %sign3A_768 = arith.constant 0 : i32
      %sign3A_769 = arith.cmpi slt, %mul3A_763, %sign3A_768 : i32
      %sign3A_770 = arith.extui %sign3A_769 : i1 to i32
      %sign3A_771 = arith.subi %sign3A_767, %sign3A_770 : i32
      %sign3A_772 = arith.constant 0 : i32
      %sign3A_773 = arith.cmpi sgt, %jit3A, %sign3A_772 : i32
      %sign3A_774 = arith.extui %sign3A_773 : i1 to i32
      %sign3A_775 = arith.constant 0 : i32
      %sign3A_776 = arith.cmpi slt, %jit3A, %sign3A_775 : i32
      %sign3A_777 = arith.extui %sign3A_776 : i1 to i32
      %sign3A_778 = arith.subi %sign3A_774, %sign3A_777 : i32
      %ne3A = arith.cmpi ne, %sign3A_771, %sign3A_778 : i32
      %rem3A = arith.remsi %mul3A_763, %jit3A : i32
      %ne3A_779 = arith.constant 0 : i32
      %ne3A_780 = arith.cmpi ne, %rem3A, %ne3A_779 : i32
      %and3A_781 = arith.andi %ne3A, %ne3A_780 : i1
      %sub3A = arith.constant 1 : i32
      %sub3A_782 = arith.subi %div3A, %sub3A : i32
      %select_n3A = arith.select %and3A_781, %sub3A_782, %div3A : i32
      %jit3A_783 = arith.constant 25 : i32
      %eq3A = arith.constant 0 : i32
      %eq3A_784 = arith.cmpi eq, %jit3A_783, %eq3A : i32
      %jit3A_785 = arith.constant 1 : i32
      %select_n3A_786 = arith.select %eq3A_784, %jit3A_785, %jit3A_783 : i32
      %rem3A_787 = arith.remsi %mul3A_763, %select_n3A_786 : i32
      %ne3A_788 = arith.constant 0 : i32
      %ne3A_789 = arith.cmpi ne, %rem3A_787, %ne3A_788 : i32
      %lt3A = arith.constant 0 : i32
      %lt3A_790 = arith.cmpi slt, %rem3A_787, %lt3A : i32
      %lt3A_791 = arith.constant 0 : i32
      %lt3A_792 = arith.cmpi slt, %select_n3A_786, %lt3A_791 : i32
      %ne3A_793 = arith.xori %lt3A_790, %lt3A_792 : i1
      %and3A_794 = arith.andi %ne3A_793, %ne3A_789 : i1
      %add3A_795 = arith.addi %rem3A_787, %select_n3A_786 : i32
      %select_n3A_796 = arith.select %and3A_794, %add3A_795, %rem3A_787 : i32
      %mul3A_797 = arith.constant 2 : i32
      %mul3A_798 = arith.muli %select_n3A_796, %mul3A_797 : i32
      %broadcast_in_dim3A_799 = arith.constant 0 : i32
      %broadcast_in_dim3A_800 = vector.broadcast %broadcast_in_dim3A_799 : i32 to vector<16xi32>
      %add3A_801 = arith.constant 0 : i32
      %add3A_802 = arith.addi %mul3A_798, %add3A_801 : i32
      %add3A_803 = vector.broadcast %add3A_802 : i32 to vector<16xi32>
      %add3A_804 = arith.addi %broadcast_in_dim3A_800, %add3A_803 : vector<16xi32>
      %mul3A_805 = arith.constant 128 : i32
      %mul3A_806 = arith.muli %select_n3A, %mul3A_805 : i32
      %add3A_807 = arith.constant 0 : i32
      %add3A_808 = arith.addi %mul3A_806, %add3A_807 : i32
      %add3A_809 = vector.broadcast %add3A_808 : i32 to vector<16xi32>
      %add3A_810 = arith.addi %add3A_809, %iota3A : vector<16xi32>
      %gather3A_811 = tpu.vector_load_idx %arg5[%add3A_804, %add3A_810] : memref<50x512xi32, #tpu.memory_space<vmem>>[vector<16xi32>, vector<16xi32>], vector<16xi32>,
      %shift_right_arithmetic3A_812 = arith.constant 2 : i32
      %shift_right_arithmetic3A_813 = vector.broadcast %shift_right_arithmetic3A_812 : i32 to vector<16xi32>
      %shift_right_arithmetic3A_814 = arith.shrsi %gather3A_811, %shift_right_arithmetic3A_813 : vector<16xi32>
      %swap3A_815 = arith.constant 0 : index
      %swap3A_816 = tpu.vector_load %arg6[%swap3A_815] {strides = array<i32>} : memref<256xi32, #tpu.memory_space<vmem>>, vector<16xi32>,
      tpu.vector_store %arg6[%swap3A_815], %shift_right_arithmetic3A_814 {strides = array<i32>} : memref<256xi32, #tpu.memory_space<vmem>>, vector<16xi32>,
      %and3A_817 = arith.constant 3 : i32
      %and3A_818 = vector.broadcast %and3A_817 : i32 to vector<16xi32>
      %and3A_819 = arith.andi %gather3A_811, %and3A_818 : vector<16xi32>
      %mul3A_820 = arith.constant 32 : i32
      %mul3A_821 = vector.broadcast %mul3A_820 : i32 to vector<16xi32>
      %mul3A_822 = arith.muli %and3A_819, %mul3A_821 : vector<16xi32>
      %swap3A_823 = arith.constant 0 : index
      %swap3A_824 = tpu.vector_load %arg8[%swap3A_823] {strides = array<i32>} : memref<256xi32, #tpu.memory_space<vmem>>, vector<16xi32>,
      tpu.vector_store %arg8[%swap3A_823], %mul3A_822 {strides = array<i32>} : memref<256xi32, #tpu.memory_space<vmem>>, vector<16xi32>,
      %broadcast_in_dim3A_825 = arith.constant 0 : i32
      %broadcast_in_dim3A_826 = vector.broadcast %broadcast_in_dim3A_825 : i32 to vector<16xi32>
      %add3A_827 = arith.constant 0 : i32
      %add3A_828 = arith.addi %mul3A_798, %add3A_827 : i32
      %add3A_829 = vector.broadcast %add3A_828 : i32 to vector<16xi32>
      %add3A_830 = arith.addi %broadcast_in_dim3A_826, %add3A_829 : vector<16xi32>
      %mul3A_831 = arith.constant 128 : i32
      %mul3A_832 = arith.muli %select_n3A, %mul3A_831 : i32
      %add3A_833 = arith.constant 16 : i32
      %add3A_834 = arith.addi %mul3A_832, %add3A_833 : i32
      %add3A_835 = vector.broadcast %add3A_834 : i32 to vector<16xi32>
      %add3A_836 = arith.addi %add3A_835, %iota3A : vector<16xi32>
      %gather3A_837 = tpu.vector_load_idx %arg5[%add3A_830, %add3A_836] : memref<50x512xi32, #tpu.memory_space<vmem>>[vector<16xi32>, vector<16xi32>], vector<16xi32>,
      %shift_right_arithmetic3A_838 = arith.constant 2 : i32
      %shift_right_arithmetic3A_839 = vector.broadcast %shift_right_arithmetic3A_838 : i32 to vector<16xi32>
      %shift_right_arithmetic3A_840 = arith.shrsi %gather3A_837, %shift_right_arithmetic3A_839 : vector<16xi32>
      %swap3A_841 = arith.constant 16 : index
      %swap3A_842 = tpu.vector_load %arg6[%swap3A_841] {strides = array<i32>} : memref<256xi32, #tpu.memory_space<vmem>>, vector<16xi32>,
      tpu.vector_store %arg6[%swap3A_841], %shift_right_arithmetic3A_840 {strides = array<i32>} : memref<256xi32, #tpu.memory_space<vmem>>, vector<16xi32>,
      %and3A_843 = arith.constant 3 : i32
      %and3A_844 = vector.broadcast %and3A_843 : i32 to vector<16xi32>
      %and3A_845 = arith.andi %gather3A_837, %and3A_844 : vector<16xi32>
      %mul3A_846 = arith.constant 32 : i32
      %mul3A_847 = vector.broadcast %mul3A_846 : i32 to vector<16xi32>
      %mul3A_848 = arith.muli %and3A_845, %mul3A_847 : vector<16xi32>
      %swap3A_849 = arith.constant 16 : index
      %swap3A_850 = tpu.vector_load %arg8[%swap3A_849] {strides = array<i32>} : memref<256xi32, #tpu.memory_space<vmem>>, vector<16xi32>,
      tpu.vector_store %arg8[%swap3A_849], %mul3A_848 {strides = array<i32>} : memref<256xi32, #tpu.memory_space<vmem>>, vector<16xi32>,
      %broadcast_in_dim3A_851 = arith.constant 0 : i32
      %broadcast_in_dim3A_852 = vector.broadcast %broadcast_in_dim3A_851 : i32 to vector<16xi32>
      %add3A_853 = arith.constant 0 : i32
      %add3A_854 = arith.addi %mul3A_798, %add3A_853 : i32
      %add3A_855 = vector.broadcast %add3A_854 : i32 to vector<16xi32>
      %add3A_856 = arith.addi %broadcast_in_dim3A_852, %add3A_855 : vector<16xi32>
      %mul3A_857 = arith.constant 128 : i32
      %mul3A_858 = arith.muli %select_n3A, %mul3A_857 : i32
      %add3A_859 = arith.constant 32 : i32
      %add3A_860 = arith.addi %mul3A_858, %add3A_859 : i32
      %add3A_861 = vector.broadcast %add3A_860 : i32 to vector<16xi32>
      %add3A_862 = arith.addi %add3A_861, %iota3A : vector<16xi32>
      %gather3A_863 = tpu.vector_load_idx %arg5[%add3A_856, %add3A_862] : memref<50x512xi32, #tpu.memory_space<vmem>>[vector<16xi32>, vector<16xi32>], vector<16xi32>,
      %shift_right_arithmetic3A_864 = arith.constant 2 : i32
      %shift_right_arithmetic3A_865 = vector.broadcast %shift_right_arithmetic3A_864 : i32 to vector<16xi32>
      %shift_right_arithmetic3A_866 = arith.shrsi %gather3A_863, %shift_right_arithmetic3A_865 : vector<16xi32>
      %swap3A_867 = arith.constant 32 : index
      %swap3A_868 = tpu.vector_load %arg6[%swap3A_867] {strides = array<i32>} : memref<256xi32, #tpu.memory_space<vmem>>, vector<16xi32>,
      tpu.vector_store %arg6[%swap3A_867], %shift_right_arithmetic3A_866 {strides = array<i32>} : memref<256xi32, #tpu.memory_space<vmem>>, vector<16xi32>,
      %and3A_869 = arith.constant 3 : i32
      %and3A_870 = vector.broadcast %and3A_869 : i32 to vector<16xi32>
      %and3A_871 = arith.andi %gather3A_863, %and3A_870 : vector<16xi32>
      %mul3A_872 = arith.constant 32 : i32
      %mul3A_873 = vector.broadcast %mul3A_872 : i32 to vector<16xi32>
      %mul3A_874 = arith.muli %and3A_871, %mul3A_873 : vector<16xi32>
      %swap3A_875 = arith.constant 32 : index
      %swap3A_876 = tpu.vector_load %arg8[%swap3A_875] {strides = array<i32>} : memref<256xi32, #tpu.memory_space<vmem>>, vector<16xi32>,
      tpu.vector_store %arg8[%swap3A_875], %mul3A_874 {strides = array<i32>} : memref<256xi32, #tpu.memory_space<vmem>>, vector<16xi32>,
      %broadcast_in_dim3A_877 = arith.constant 0 : i32
      %broadcast_in_dim3A_878 = vector.broadcast %broadcast_in_dim3A_877 : i32 to vector<16xi32>
      %add3A_879 = arith.constant 0 : i32
      %add3A_880 = arith.addi %mul3A_798, %add3A_879 : i32
      %add3A_881 = vector.broadcast %add3A_880 : i32 to vector<16xi32>
      %add3A_882 = arith.addi %broadcast_in_dim3A_878, %add3A_881 : vector<16xi32>
      %mul3A_883 = arith.constant 128 : i32
      %mul3A_884 = arith.muli %select_n3A, %mul3A_883 : i32
      %add3A_885 = arith.constant 48 : i32
      %add3A_886 = arith.addi %mul3A_884, %add3A_885 : i32
      %add3A_887 = vector.broadcast %add3A_886 : i32 to vector<16xi32>
      %add3A_888 = arith.addi %add3A_887, %iota3A : vector<16xi32>
      %gather3A_889 = tpu.vector_load_idx %arg5[%add3A_882, %add3A_888] : memref<50x512xi32, #tpu.memory_space<vmem>>[vector<16xi32>, vector<16xi32>], vector<16xi32>,
      %shift_right_arithmetic3A_890 = arith.constant 2 : i32
      %shift_right_arithmetic3A_891 = vector.broadcast %shift_right_arithmetic3A_890 : i32 to vector<16xi32>
      %shift_right_arithmetic3A_892 = arith.shrsi %gather3A_889, %shift_right_arithmetic3A_891 : vector<16xi32>
      %swap3A_893 = arith.constant 48 : index
      %swap3A_894 = tpu.vector_load %arg6[%swap3A_893] {strides = array<i32>} : memref<256xi32, #tpu.memory_space<vmem>>, vector<16xi32>,
      tpu.vector_store %arg6[%swap3A_893], %shift_right_arithmetic3A_892 {strides = array<i32>} : memref<256xi32, #tpu.memory_space<vmem>>, vector<16xi32>,
      %and3A_895 = arith.constant 3 : i32
      %and3A_896 = vector.broadcast %and3A_895 : i32 to vector<16xi32>
      %and3A_897 = arith.andi %gather3A_889, %and3A_896 : vector<16xi32>
      %mul3A_898 = arith.constant 32 : i32
      %mul3A_899 = vector.broadcast %mul3A_898 : i32 to vector<16xi32>
      %mul3A_900 = arith.muli %and3A_897, %mul3A_899 : vector<16xi32>
      %swap3A_901 = arith.constant 48 : index
      %swap3A_902 = tpu.vector_load %arg8[%swap3A_901] {strides = array<i32>} : memref<256xi32, #tpu.memory_space<vmem>>, vector<16xi32>,
      tpu.vector_store %arg8[%swap3A_901], %mul3A_900 {strides = array<i32>} : memref<256xi32, #tpu.memory_space<vmem>>, vector<16xi32>,
      %broadcast_in_dim3A_903 = arith.constant 0 : i32
      %broadcast_in_dim3A_904 = vector.broadcast %broadcast_in_dim3A_903 : i32 to vector<16xi32>
      %add3A_905 = arith.constant 0 : i32
      %add3A_906 = arith.addi %mul3A_798, %add3A_905 : i32
      %add3A_907 = vector.broadcast %add3A_906 : i32 to vector<16xi32>
      %add3A_908 = arith.addi %broadcast_in_dim3A_904, %add3A_907 : vector<16xi32>
      %mul3A_909 = arith.constant 128 : i32
      %mul3A_910 = arith.muli %select_n3A, %mul3A_909 : i32
      %add3A_911 = arith.constant 64 : i32
      %add3A_912 = arith.addi %mul3A_910, %add3A_911 : i32
      %add3A_913 = vector.broadcast %add3A_912 : i32 to vector<16xi32>
      %add3A_914 = arith.addi %add3A_913, %iota3A : vector<16xi32>
      %gather3A_915 = tpu.vector_load_idx %arg5[%add3A_908, %add3A_914] : memref<50x512xi32, #tpu.memory_space<vmem>>[vector<16xi32>, vector<16xi32>], vector<16xi32>,
      %shift_right_arithmetic3A_916 = arith.constant 2 : i32
      %shift_right_arithmetic3A_917 = vector.broadcast %shift_right_arithmetic3A_916 : i32 to vector<16xi32>
      %shift_right_arithmetic3A_918 = arith.shrsi %gather3A_915, %shift_right_arithmetic3A_917 : vector<16xi32>
      %swap3A_919 = arith.constant 64 : index
      %swap3A_920 = tpu.vector_load %arg6[%swap3A_919] {strides = array<i32>} : memref<256xi32, #tpu.memory_space<vmem>>, vector<16xi32>,
      tpu.vector_store %arg6[%swap3A_919], %shift_right_arithmetic3A_918 {strides = array<i32>} : memref<256xi32, #tpu.memory_space<vmem>>, vector<16xi32>,
      %and3A_921 = arith.constant 3 : i32
      %and3A_922 = vector.broadcast %and3A_921 : i32 to vector<16xi32>
      %and3A_923 = arith.andi %gather3A_915, %and3A_922 : vector<16xi32>
      %mul3A_924 = arith.constant 32 : i32
      %mul3A_925 = vector.broadcast %mul3A_924 : i32 to vector<16xi32>
      %mul3A_926 = arith.muli %and3A_923, %mul3A_925 : vector<16xi32>
      %swap3A_927 = arith.constant 64 : index
      %swap3A_928 = tpu.vector_load %arg8[%swap3A_927] {strides = array<i32>} : memref<256xi32, #tpu.memory_space<vmem>>, vector<16xi32>,
      tpu.vector_store %arg8[%swap3A_927], %mul3A_926 {strides = array<i32>} : memref<256xi32, #tpu.memory_space<vmem>>, vector<16xi32>,
      %broadcast_in_dim3A_929 = arith.constant 0 : i32
      %broadcast_in_dim3A_930 = vector.broadcast %broadcast_in_dim3A_929 : i32 to vector<16xi32>
      %add3A_931 = arith.constant 0 : i32
      %add3A_932 = arith.addi %mul3A_798, %add3A_931 : i32
      %add3A_933 = vector.broadcast %add3A_932 : i32 to vector<16xi32>
      %add3A_934 = arith.addi %broadcast_in_dim3A_930, %add3A_933 : vector<16xi32>
      %mul3A_935 = arith.constant 128 : i32
      %mul3A_936 = arith.muli %select_n3A, %mul3A_935 : i32
      %add3A_937 = arith.constant 80 : i32
      %add3A_938 = arith.addi %mul3A_936, %add3A_937 : i32
      %add3A_939 = vector.broadcast %add3A_938 : i32 to vector<16xi32>
      %add3A_940 = arith.addi %add3A_939, %iota3A : vector<16xi32>
      %gather3A_941 = tpu.vector_load_idx %arg5[%add3A_934, %add3A_940] : memref<50x512xi32, #tpu.memory_space<vmem>>[vector<16xi32>, vector<16xi32>], vector<16xi32>,
      %shift_right_arithmetic3A_942 = arith.constant 2 : i32
      %shift_right_arithmetic3A_943 = vector.broadcast %shift_right_arithmetic3A_942 : i32 to vector<16xi32>
      %shift_right_arithmetic3A_944 = arith.shrsi %gather3A_941, %shift_right_arithmetic3A_943 : vector<16xi32>
      %swap3A_945 = arith.constant 80 : index
      %swap3A_946 = tpu.vector_load %arg6[%swap3A_945] {strides = array<i32>} : memref<256xi32, #tpu.memory_space<vmem>>, vector<16xi32>,
      tpu.vector_store %arg6[%swap3A_945], %shift_right_arithmetic3A_944 {strides = array<i32>} : memref<256xi32, #tpu.memory_space<vmem>>, vector<16xi32>,
      %and3A_947 = arith.constant 3 : i32
      %and3A_948 = vector.broadcast %and3A_947 : i32 to vector<16xi32>
      %and3A_949 = arith.andi %gather3A_941, %and3A_948 : vector<16xi32>
      %mul3A_950 = arith.constant 32 : i32
      %mul3A_951 = vector.broadcast %mul3A_950 : i32 to vector<16xi32>
      %mul3A_952 = arith.muli %and3A_949, %mul3A_951 : vector<16xi32>
      %swap3A_953 = arith.constant 80 : index
      %swap3A_954 = tpu.vector_load %arg8[%swap3A_953] {strides = array<i32>} : memref<256xi32, #tpu.memory_space<vmem>>, vector<16xi32>,
      tpu.vector_store %arg8[%swap3A_953], %mul3A_952 {strides = array<i32>} : memref<256xi32, #tpu.memory_space<vmem>>, vector<16xi32>,
      %broadcast_in_dim3A_955 = arith.constant 0 : i32
      %broadcast_in_dim3A_956 = vector.broadcast %broadcast_in_dim3A_955 : i32 to vector<16xi32>
      %add3A_957 = arith.constant 0 : i32
      %add3A_958 = arith.addi %mul3A_798, %add3A_957 : i32
      %add3A_959 = vector.broadcast %add3A_958 : i32 to vector<16xi32>
      %add3A_960 = arith.addi %broadcast_in_dim3A_956, %add3A_959 : vector<16xi32>
      %mul3A_961 = arith.constant 128 : i32
      %mul3A_962 = arith.muli %select_n3A, %mul3A_961 : i32
      %add3A_963 = arith.constant 96 : i32
      %add3A_964 = arith.addi %mul3A_962, %add3A_963 : i32
      %add3A_965 = vector.broadcast %add3A_964 : i32 to vector<16xi32>
      %add3A_966 = arith.addi %add3A_965, %iota3A : vector<16xi32>
      %gather3A_967 = tpu.vector_load_idx %arg5[%add3A_960, %add3A_966] : memref<50x512xi32, #tpu.memory_space<vmem>>[vector<16xi32>, vector<16xi32>], vector<16xi32>,
      %shift_right_arithmetic3A_968 = arith.constant 2 : i32
      %shift_right_arithmetic3A_969 = vector.broadcast %shift_right_arithmetic3A_968 : i32 to vector<16xi32>
      %shift_right_arithmetic3A_970 = arith.shrsi %gather3A_967, %shift_right_arithmetic3A_969 : vector<16xi32>
      %swap3A_971 = arith.constant 96 : index
      %swap3A_972 = tpu.vector_load %arg6[%swap3A_971] {strides = array<i32>} : memref<256xi32, #tpu.memory_space<vmem>>, vector<16xi32>,
      tpu.vector_store %arg6[%swap3A_971], %shift_right_arithmetic3A_970 {strides = array<i32>} : memref<256xi32, #tpu.memory_space<vmem>>, vector<16xi32>,
      %and3A_973 = arith.constant 3 : i32
      %and3A_974 = vector.broadcast %and3A_973 : i32 to vector<16xi32>
      %and3A_975 = arith.andi %gather3A_967, %and3A_974 : vector<16xi32>
      %mul3A_976 = arith.constant 32 : i32
      %mul3A_977 = vector.broadcast %mul3A_976 : i32 to vector<16xi32>
      %mul3A_978 = arith.muli %and3A_975, %mul3A_977 : vector<16xi32>
      %swap3A_979 = arith.constant 96 : index
      %swap3A_980 = tpu.vector_load %arg8[%swap3A_979] {strides = array<i32>} : memref<256xi32, #tpu.memory_space<vmem>>, vector<16xi32>,
      tpu.vector_store %arg8[%swap3A_979], %mul3A_978 {strides = array<i32>} : memref<256xi32, #tpu.memory_space<vmem>>, vector<16xi32>,
      %broadcast_in_dim3A_981 = arith.constant 0 : i32
      %broadcast_in_dim3A_982 = vector.broadcast %broadcast_in_dim3A_981 : i32 to vector<16xi32>
      %add3A_983 = arith.constant 0 : i32
      %add3A_984 = arith.addi %mul3A_798, %add3A_983 : i32
      %add3A_985 = vector.broadcast %add3A_984 : i32 to vector<16xi32>
      %add3A_986 = arith.addi %broadcast_in_dim3A_982, %add3A_985 : vector<16xi32>
      %mul3A_987 = arith.constant 128 : i32
      %mul3A_988 = arith.muli %select_n3A, %mul3A_987 : i32
      %add3A_989 = arith.constant 112 : i32
      %add3A_990 = arith.addi %mul3A_988, %add3A_989 : i32
      %add3A_991 = vector.broadcast %add3A_990 : i32 to vector<16xi32>
      %add3A_992 = arith.addi %add3A_991, %iota3A : vector<16xi32>
      %gather3A_993 = tpu.vector_load_idx %arg5[%add3A_986, %add3A_992] : memref<50x512xi32, #tpu.memory_space<vmem>>[vector<16xi32>, vector<16xi32>], vector<16xi32>,
      %shift_right_arithmetic3A_994 = arith.constant 2 : i32
      %shift_right_arithmetic3A_995 = vector.broadcast %shift_right_arithmetic3A_994 : i32 to vector<16xi32>
      %shift_right_arithmetic3A_996 = arith.shrsi %gather3A_993, %shift_right_arithmetic3A_995 : vector<16xi32>
      %swap3A_997 = arith.constant 112 : index
      %swap3A_998 = tpu.vector_load %arg6[%swap3A_997] {strides = array<i32>} : memref<256xi32, #tpu.memory_space<vmem>>, vector<16xi32>,
      tpu.vector_store %arg6[%swap3A_997], %shift_right_arithmetic3A_996 {strides = array<i32>} : memref<256xi32, #tpu.memory_space<vmem>>, vector<16xi32>,
      %and3A_999 = arith.constant 3 : i32
      %and3A_1000 = vector.broadcast %and3A_999 : i32 to vector<16xi32>
      %and3A_1001 = arith.andi %gather3A_993, %and3A_1000 : vector<16xi32>
      %mul3A_1002 = arith.constant 32 : i32
      %mul3A_1003 = vector.broadcast %mul3A_1002 : i32 to vector<16xi32>
      %mul3A_1004 = arith.muli %and3A_1001, %mul3A_1003 : vector<16xi32>
      %swap3A_1005 = arith.constant 112 : index
      %swap3A_1006 = tpu.vector_load %arg8[%swap3A_1005] {strides = array<i32>} : memref<256xi32, #tpu.memory_space<vmem>>, vector<16xi32>,
      tpu.vector_store %arg8[%swap3A_1005], %mul3A_1004 {strides = array<i32>} : memref<256xi32, #tpu.memory_space<vmem>>, vector<16xi32>,
      %broadcast_in_dim3A_1007 = arith.constant 0 : i32
      %broadcast_in_dim3A_1008 = vector.broadcast %broadcast_in_dim3A_1007 : i32 to vector<16xi32>
      %add3A_1009 = arith.constant 1 : i32
      %add3A_1010 = arith.addi %mul3A_798, %add3A_1009 : i32
      %add3A_1011 = vector.broadcast %add3A_1010 : i32 to vector<16xi32>
      %add3A_1012 = arith.addi %broadcast_in_dim3A_1008, %add3A_1011 : vector<16xi32>
      %mul3A_1013 = arith.constant 128 : i32
      %mul3A_1014 = arith.muli %select_n3A, %mul3A_1013 : i32
      %add3A_1015 = arith.constant 0 : i32
      %add3A_1016 = arith.addi %mul3A_1014, %add3A_1015 : i32
      %add3A_1017 = vector.broadcast %add3A_1016 : i32 to vector<16xi32>
      %add3A_1018 = arith.addi %add3A_1017, %iota3A : vector<16xi32>
      %gather3A_1019 = tpu.vector_load_idx %arg5[%add3A_1012, %add3A_1018] : memref<50x512xi32, #tpu.memory_space<vmem>>[vector<16xi32>, vector<16xi32>], vector<16xi32>,
      %shift_right_arithmetic3A_1020 = arith.constant 2 : i32
      %shift_right_arithmetic3A_1021 = vector.broadcast %shift_right_arithmetic3A_1020 : i32 to vector<16xi32>
      %shift_right_arithmetic3A_1022 = arith.shrsi %gather3A_1019, %shift_right_arithmetic3A_1021 : vector<16xi32>
      %swap3A_1023 = arith.constant 128 : index
      %swap3A_1024 = tpu.vector_load %arg6[%swap3A_1023] {strides = array<i32>} : memref<256xi32, #tpu.memory_space<vmem>>, vector<16xi32>,
      tpu.vector_store %arg6[%swap3A_1023], %shift_right_arithmetic3A_1022 {strides = array<i32>} : memref<256xi32, #tpu.memory_space<vmem>>, vector<16xi32>,
      %and3A_1025 = arith.constant 3 : i32
      %and3A_1026 = vector.broadcast %and3A_1025 : i32 to vector<16xi32>
      %and3A_1027 = arith.andi %gather3A_1019, %and3A_1026 : vector<16xi32>
      %mul3A_1028 = arith.constant 32 : i32
      %mul3A_1029 = vector.broadcast %mul3A_1028 : i32 to vector<16xi32>
      %mul3A_1030 = arith.muli %and3A_1027, %mul3A_1029 : vector<16xi32>
      %swap3A_1031 = arith.constant 128 : index
      %swap3A_1032 = tpu.vector_load %arg8[%swap3A_1031] {strides = array<i32>} : memref<256xi32, #tpu.memory_space<vmem>>, vector<16xi32>,
      tpu.vector_store %arg8[%swap3A_1031], %mul3A_1030 {strides = array<i32>} : memref<256xi32, #tpu.memory_space<vmem>>, vector<16xi32>,
      %broadcast_in_dim3A_1033 = arith.constant 0 : i32
      %broadcast_in_dim3A_1034 = vector.broadcast %broadcast_in_dim3A_1033 : i32 to vector<16xi32>
      %add3A_1035 = arith.constant 1 : i32
      %add3A_1036 = arith.addi %mul3A_798, %add3A_1035 : i32
      %add3A_1037 = vector.broadcast %add3A_1036 : i32 to vector<16xi32>
      %add3A_1038 = arith.addi %broadcast_in_dim3A_1034, %add3A_1037 : vector<16xi32>
      %mul3A_1039 = arith.constant 128 : i32
      %mul3A_1040 = arith.muli %select_n3A, %mul3A_1039 : i32
      %add3A_1041 = arith.constant 16 : i32
      %add3A_1042 = arith.addi %mul3A_1040, %add3A_1041 : i32
      %add3A_1043 = vector.broadcast %add3A_1042 : i32 to vector<16xi32>
      %add3A_1044 = arith.addi %add3A_1043, %iota3A : vector<16xi32>
      %gather3A_1045 = tpu.vector_load_idx %arg5[%add3A_1038, %add3A_1044] : memref<50x512xi32, #tpu.memory_space<vmem>>[vector<16xi32>, vector<16xi32>], vector<16xi32>,
      %shift_right_arithmetic3A_1046 = arith.constant 2 : i32
      %shift_right_arithmetic3A_1047 = vector.broadcast %shift_right_arithmetic3A_1046 : i32 to vector<16xi32>
      %shift_right_arithmetic3A_1048 = arith.shrsi %gather3A_1045, %shift_right_arithmetic3A_1047 : vector<16xi32>
      %swap3A_1049 = arith.constant 144 : index
      %swap3A_1050 = tpu.vector_load %arg6[%swap3A_1049] {strides = array<i32>} : memref<256xi32, #tpu.memory_space<vmem>>, vector<16xi32>,
      tpu.vector_store %arg6[%swap3A_1049], %shift_right_arithmetic3A_1048 {strides = array<i32>} : memref<256xi32, #tpu.memory_space<vmem>>, vector<16xi32>,
      %and3A_1051 = arith.constant 3 : i32
      %and3A_1052 = vector.broadcast %and3A_1051 : i32 to vector<16xi32>
      %and3A_1053 = arith.andi %gather3A_1045, %and3A_1052 : vector<16xi32>
      %mul3A_1054 = arith.constant 32 : i32
      %mul3A_1055 = vector.broadcast %mul3A_1054 : i32 to vector<16xi32>
      %mul3A_1056 = arith.muli %and3A_1053, %mul3A_1055 : vector<16xi32>
      %swap3A_1057 = arith.constant 144 : index
      %swap3A_1058 = tpu.vector_load %arg8[%swap3A_1057] {strides = array<i32>} : memref<256xi32, #tpu.memory_space<vmem>>, vector<16xi32>,
      tpu.vector_store %arg8[%swap3A_1057], %mul3A_1056 {strides = array<i32>} : memref<256xi32, #tpu.memory_space<vmem>>, vector<16xi32>,
      %broadcast_in_dim3A_1059 = arith.constant 0 : i32
      %broadcast_in_dim3A_1060 = vector.broadcast %broadcast_in_dim3A_1059 : i32 to vector<16xi32>
      %add3A_1061 = arith.constant 1 : i32
      %add3A_1062 = arith.addi %mul3A_798, %add3A_1061 : i32
      %add3A_1063 = vector.broadcast %add3A_1062 : i32 to vector<16xi32>
      %add3A_1064 = arith.addi %broadcast_in_dim3A_1060, %add3A_1063 : vector<16xi32>
      %mul3A_1065 = arith.constant 128 : i32
      %mul3A_1066 = arith.muli %select_n3A, %mul3A_1065 : i32
      %add3A_1067 = arith.constant 32 : i32
      %add3A_1068 = arith.addi %mul3A_1066, %add3A_1067 : i32
      %add3A_1069 = vector.broadcast %add3A_1068 : i32 to vector<16xi32>
      %add3A_1070 = arith.addi %add3A_1069, %iota3A : vector<16xi32>
      %gather3A_1071 = tpu.vector_load_idx %arg5[%add3A_1064, %add3A_1070] : memref<50x512xi32, #tpu.memory_space<vmem>>[vector<16xi32>, vector<16xi32>], vector<16xi32>,
      %shift_right_arithmetic3A_1072 = arith.constant 2 : i32
      %shift_right_arithmetic3A_1073 = vector.broadcast %shift_right_arithmetic3A_1072 : i32 to vector<16xi32>
      %shift_right_arithmetic3A_1074 = arith.shrsi %gather3A_1071, %shift_right_arithmetic3A_1073 : vector<16xi32>
      %swap3A_1075 = arith.constant 160 : index
      %swap3A_1076 = tpu.vector_load %arg6[%swap3A_1075] {strides = array<i32>} : memref<256xi32, #tpu.memory_space<vmem>>, vector<16xi32>,
      tpu.vector_store %arg6[%swap3A_1075], %shift_right_arithmetic3A_1074 {strides = array<i32>} : memref<256xi32, #tpu.memory_space<vmem>>, vector<16xi32>,
      %and3A_1077 = arith.constant 3 : i32
      %and3A_1078 = vector.broadcast %and3A_1077 : i32 to vector<16xi32>
      %and3A_1079 = arith.andi %gather3A_1071, %and3A_1078 : vector<16xi32>
      %mul3A_1080 = arith.constant 32 : i32
      %mul3A_1081 = vector.broadcast %mul3A_1080 : i32 to vector<16xi32>
      %mul3A_1082 = arith.muli %and3A_1079, %mul3A_1081 : vector<16xi32>
      %swap3A_1083 = arith.constant 160 : index
      %swap3A_1084 = tpu.vector_load %arg8[%swap3A_1083] {strides = array<i32>} : memref<256xi32, #tpu.memory_space<vmem>>, vector<16xi32>,
      tpu.vector_store %arg8[%swap3A_1083], %mul3A_1082 {strides = array<i32>} : memref<256xi32, #tpu.memory_space<vmem>>, vector<16xi32>,
      %broadcast_in_dim3A_1085 = arith.constant 0 : i32
      %broadcast_in_dim3A_1086 = vector.broadcast %broadcast_in_dim3A_1085 : i32 to vector<16xi32>
      %add3A_1087 = arith.constant 1 : i32
      %add3A_1088 = arith.addi %mul3A_798, %add3A_1087 : i32
      %add3A_1089 = vector.broadcast %add3A_1088 : i32 to vector<16xi32>
      %add3A_1090 = arith.addi %broadcast_in_dim3A_1086, %add3A_1089 : vector<16xi32>
      %mul3A_1091 = arith.constant 128 : i32
      %mul3A_1092 = arith.muli %select_n3A, %mul3A_1091 : i32
      %add3A_1093 = arith.constant 48 : i32
      %add3A_1094 = arith.addi %mul3A_1092, %add3A_1093 : i32
      %add3A_1095 = vector.broadcast %add3A_1094 : i32 to vector<16xi32>
      %add3A_1096 = arith.addi %add3A_1095, %iota3A : vector<16xi32>
      %gather3A_1097 = tpu.vector_load_idx %arg5[%add3A_1090, %add3A_1096] : memref<50x512xi32, #tpu.memory_space<vmem>>[vector<16xi32>, vector<16xi32>], vector<16xi32>,
      %shift_right_arithmetic3A_1098 = arith.constant 2 : i32
      %shift_right_arithmetic3A_1099 = vector.broadcast %shift_right_arithmetic3A_1098 : i32 to vector<16xi32>
      %shift_right_arithmetic3A_1100 = arith.shrsi %gather3A_1097, %shift_right_arithmetic3A_1099 : vector<16xi32>
      %swap3A_1101 = arith.constant 176 : index
      %swap3A_1102 = tpu.vector_load %arg6[%swap3A_1101] {strides = array<i32>} : memref<256xi32, #tpu.memory_space<vmem>>, vector<16xi32>,
      tpu.vector_store %arg6[%swap3A_1101], %shift_right_arithmetic3A_1100 {strides = array<i32>} : memref<256xi32, #tpu.memory_space<vmem>>, vector<16xi32>,
      %and3A_1103 = arith.constant 3 : i32
      %and3A_1104 = vector.broadcast %and3A_1103 : i32 to vector<16xi32>
      %and3A_1105 = arith.andi %gather3A_1097, %and3A_1104 : vector<16xi32>
      %mul3A_1106 = arith.constant 32 : i32
      %mul3A_1107 = vector.broadcast %mul3A_1106 : i32 to vector<16xi32>
      %mul3A_1108 = arith.muli %and3A_1105, %mul3A_1107 : vector<16xi32>
      %swap3A_1109 = arith.constant 176 : index
      %swap3A_1110 = tpu.vector_load %arg8[%swap3A_1109] {strides = array<i32>} : memref<256xi32, #tpu.memory_space<vmem>>, vector<16xi32>,
      tpu.vector_store %arg8[%swap3A_1109], %mul3A_1108 {strides = array<i32>} : memref<256xi32, #tpu.memory_space<vmem>>, vector<16xi32>,
      %broadcast_in_dim3A_1111 = arith.constant 0 : i32
      %broadcast_in_dim3A_1112 = vector.broadcast %broadcast_in_dim3A_1111 : i32 to vector<16xi32>
      %add3A_1113 = arith.constant 1 : i32
      %add3A_1114 = arith.addi %mul3A_798, %add3A_1113 : i32
      %add3A_1115 = vector.broadcast %add3A_1114 : i32 to vector<16xi32>
      %add3A_1116 = arith.addi %broadcast_in_dim3A_1112, %add3A_1115 : vector<16xi32>
      %mul3A_1117 = arith.constant 128 : i32
      %mul3A_1118 = arith.muli %select_n3A, %mul3A_1117 : i32
      %add3A_1119 = arith.constant 64 : i32
      %add3A_1120 = arith.addi %mul3A_1118, %add3A_1119 : i32
      %add3A_1121 = vector.broadcast %add3A_1120 : i32 to vector<16xi32>
      %add3A_1122 = arith.addi %add3A_1121, %iota3A : vector<16xi32>
      %gather3A_1123 = tpu.vector_load_idx %arg5[%add3A_1116, %add3A_1122] : memref<50x512xi32, #tpu.memory_space<vmem>>[vector<16xi32>, vector<16xi32>], vector<16xi32>,
      %shift_right_arithmetic3A_1124 = arith.constant 2 : i32
      %shift_right_arithmetic3A_1125 = vector.broadcast %shift_right_arithmetic3A_1124 : i32 to vector<16xi32>
      %shift_right_arithmetic3A_1126 = arith.shrsi %gather3A_1123, %shift_right_arithmetic3A_1125 : vector<16xi32>
      %swap3A_1127 = arith.constant 192 : index
      %swap3A_1128 = tpu.vector_load %arg6[%swap3A_1127] {strides = array<i32>} : memref<256xi32, #tpu.memory_space<vmem>>, vector<16xi32>,
      tpu.vector_store %arg6[%swap3A_1127], %shift_right_arithmetic3A_1126 {strides = array<i32>} : memref<256xi32, #tpu.memory_space<vmem>>, vector<16xi32>,
      %and3A_1129 = arith.constant 3 : i32
      %and3A_1130 = vector.broadcast %and3A_1129 : i32 to vector<16xi32>
      %and3A_1131 = arith.andi %gather3A_1123, %and3A_1130 : vector<16xi32>
      %mul3A_1132 = arith.constant 32 : i32
      %mul3A_1133 = vector.broadcast %mul3A_1132 : i32 to vector<16xi32>
      %mul3A_1134 = arith.muli %and3A_1131, %mul3A_1133 : vector<16xi32>
      %swap3A_1135 = arith.constant 192 : index
      %swap3A_1136 = tpu.vector_load %arg8[%swap3A_1135] {strides = array<i32>} : memref<256xi32, #tpu.memory_space<vmem>>, vector<16xi32>,
      tpu.vector_store %arg8[%swap3A_1135], %mul3A_1134 {strides = array<i32>} : memref<256xi32, #tpu.memory_space<vmem>>, vector<16xi32>,
      %broadcast_in_dim3A_1137 = arith.constant 0 : i32
      %broadcast_in_dim3A_1138 = vector.broadcast %broadcast_in_dim3A_1137 : i32 to vector<16xi32>
      %add3A_1139 = arith.constant 1 : i32
      %add3A_1140 = arith.addi %mul3A_798, %add3A_1139 : i32
      %add3A_1141 = vector.broadcast %add3A_1140 : i32 to vector<16xi32>
      %add3A_1142 = arith.addi %broadcast_in_dim3A_1138, %add3A_1141 : vector<16xi32>
      %mul3A_1143 = arith.constant 128 : i32
      %mul3A_1144 = arith.muli %select_n3A, %mul3A_1143 : i32
      %add3A_1145 = arith.constant 80 : i32
      %add3A_1146 = arith.addi %mul3A_1144, %add3A_1145 : i32
      %add3A_1147 = vector.broadcast %add3A_1146 : i32 to vector<16xi32>
      %add3A_1148 = arith.addi %add3A_1147, %iota3A : vector<16xi32>
      %gather3A_1149 = tpu.vector_load_idx %arg5[%add3A_1142, %add3A_1148] : memref<50x512xi32, #tpu.memory_space<vmem>>[vector<16xi32>, vector<16xi32>], vector<16xi32>,
      %shift_right_arithmetic3A_1150 = arith.constant 2 : i32
      %shift_right_arithmetic3A_1151 = vector.broadcast %shift_right_arithmetic3A_1150 : i32 to vector<16xi32>
      %shift_right_arithmetic3A_1152 = arith.shrsi %gather3A_1149, %shift_right_arithmetic3A_1151 : vector<16xi32>
      %swap3A_1153 = arith.constant 208 : index
      %swap3A_1154 = tpu.vector_load %arg6[%swap3A_1153] {strides = array<i32>} : memref<256xi32, #tpu.memory_space<vmem>>, vector<16xi32>,
      tpu.vector_store %arg6[%swap3A_1153], %shift_right_arithmetic3A_1152 {strides = array<i32>} : memref<256xi32, #tpu.memory_space<vmem>>, vector<16xi32>,
      %and3A_1155 = arith.constant 3 : i32
      %and3A_1156 = vector.broadcast %and3A_1155 : i32 to vector<16xi32>
      %and3A_1157 = arith.andi %gather3A_1149, %and3A_1156 : vector<16xi32>
      %mul3A_1158 = arith.constant 32 : i32
      %mul3A_1159 = vector.broadcast %mul3A_1158 : i32 to vector<16xi32>
      %mul3A_1160 = arith.muli %and3A_1157, %mul3A_1159 : vector<16xi32>
      %swap3A_1161 = arith.constant 208 : index
      %swap3A_1162 = tpu.vector_load %arg8[%swap3A_1161] {strides = array<i32>} : memref<256xi32, #tpu.memory_space<vmem>>, vector<16xi32>,
      tpu.vector_store %arg8[%swap3A_1161], %mul3A_1160 {strides = array<i32>} : memref<256xi32, #tpu.memory_space<vmem>>, vector<16xi32>,
      %broadcast_in_dim3A_1163 = arith.constant 0 : i32
      %broadcast_in_dim3A_1164 = vector.broadcast %broadcast_in_dim3A_1163 : i32 to vector<16xi32>
      %add3A_1165 = arith.constant 1 : i32
      %add3A_1166 = arith.addi %mul3A_798, %add3A_1165 : i32
      %add3A_1167 = vector.broadcast %add3A_1166 : i32 to vector<16xi32>
      %add3A_1168 = arith.addi %broadcast_in_dim3A_1164, %add3A_1167 : vector<16xi32>
      %mul3A_1169 = arith.constant 128 : i32
      %mul3A_1170 = arith.muli %select_n3A, %mul3A_1169 : i32
      %add3A_1171 = arith.constant 96 : i32
      %add3A_1172 = arith.addi %mul3A_1170, %add3A_1171 : i32
      %add3A_1173 = vector.broadcast %add3A_1172 : i32 to vector<16xi32>
      %add3A_1174 = arith.addi %add3A_1173, %iota3A : vector<16xi32>
      %gather3A_1175 = tpu.vector_load_idx %arg5[%add3A_1168, %add3A_1174] : memref<50x512xi32, #tpu.memory_space<vmem>>[vector<16xi32>, vector<16xi32>], vector<16xi32>,
      %shift_right_arithmetic3A_1176 = arith.constant 2 : i32
      %shift_right_arithmetic3A_1177 = vector.broadcast %shift_right_arithmetic3A_1176 : i32 to vector<16xi32>
      %shift_right_arithmetic3A_1178 = arith.shrsi %gather3A_1175, %shift_right_arithmetic3A_1177 : vector<16xi32>
      %swap3A_1179 = arith.constant 224 : index
      %swap3A_1180 = tpu.vector_load %arg6[%swap3A_1179] {strides = array<i32>} : memref<256xi32, #tpu.memory_space<vmem>>, vector<16xi32>,
      tpu.vector_store %arg6[%swap3A_1179], %shift_right_arithmetic3A_1178 {strides = array<i32>} : memref<256xi32, #tpu.memory_space<vmem>>, vector<16xi32>,
      %and3A_1181 = arith.constant 3 : i32
      %and3A_1182 = vector.broadcast %and3A_1181 : i32 to vector<16xi32>
      %and3A_1183 = arith.andi %gather3A_1175, %and3A_1182 : vector<16xi32>
      %mul3A_1184 = arith.constant 32 : i32
      %mul3A_1185 = vector.broadcast %mul3A_1184 : i32 to vector<16xi32>
      %mul3A_1186 = arith.muli %and3A_1183, %mul3A_1185 : vector<16xi32>
      %swap3A_1187 = arith.constant 224 : index
      %swap3A_1188 = tpu.vector_load %arg8[%swap3A_1187] {strides = array<i32>} : memref<256xi32, #tpu.memory_space<vmem>>, vector<16xi32>,
      tpu.vector_store %arg8[%swap3A_1187], %mul3A_1186 {strides = array<i32>} : memref<256xi32, #tpu.memory_space<vmem>>, vector<16xi32>,
      %broadcast_in_dim3A_1189 = arith.constant 0 : i32
      %broadcast_in_dim3A_1190 = vector.broadcast %broadcast_in_dim3A_1189 : i32 to vector<16xi32>
      %add3A_1191 = arith.constant 1 : i32
      %add3A_1192 = arith.addi %mul3A_798, %add3A_1191 : i32
      %add3A_1193 = vector.broadcast %add3A_1192 : i32 to vector<16xi32>
      %add3A_1194 = arith.addi %broadcast_in_dim3A_1190, %add3A_1193 : vector<16xi32>
      %mul3A_1195 = arith.constant 128 : i32
      %mul3A_1196 = arith.muli %select_n3A, %mul3A_1195 : i32
      %add3A_1197 = arith.constant 112 : i32
      %add3A_1198 = arith.addi %mul3A_1196, %add3A_1197 : i32
      %add3A_1199 = vector.broadcast %add3A_1198 : i32 to vector<16xi32>
      %add3A_1200 = arith.addi %add3A_1199, %iota3A : vector<16xi32>
      %gather3A_1201 = tpu.vector_load_idx %arg5[%add3A_1194, %add3A_1200] : memref<50x512xi32, #tpu.memory_space<vmem>>[vector<16xi32>, vector<16xi32>], vector<16xi32>,
      %shift_right_arithmetic3A_1202 = arith.constant 2 : i32
      %shift_right_arithmetic3A_1203 = vector.broadcast %shift_right_arithmetic3A_1202 : i32 to vector<16xi32>
      %shift_right_arithmetic3A_1204 = arith.shrsi %gather3A_1201, %shift_right_arithmetic3A_1203 : vector<16xi32>
      %swap3A_1205 = arith.constant 240 : index
      %swap3A_1206 = tpu.vector_load %arg6[%swap3A_1205] {strides = array<i32>} : memref<256xi32, #tpu.memory_space<vmem>>, vector<16xi32>,
      tpu.vector_store %arg6[%swap3A_1205], %shift_right_arithmetic3A_1204 {strides = array<i32>} : memref<256xi32, #tpu.memory_space<vmem>>, vector<16xi32>,
      %and3A_1207 = arith.constant 3 : i32
      %and3A_1208 = vector.broadcast %and3A_1207 : i32 to vector<16xi32>
      %and3A_1209 = arith.andi %gather3A_1201, %and3A_1208 : vector<16xi32>
      %mul3A_1210 = arith.constant 32 : i32
      %mul3A_1211 = vector.broadcast %mul3A_1210 : i32 to vector<16xi32>
      %mul3A_1212 = arith.muli %and3A_1209, %mul3A_1211 : vector<16xi32>
      %swap3A_1213 = arith.constant 240 : index
      %swap3A_1214 = tpu.vector_load %arg8[%swap3A_1213] {strides = array<i32>} : memref<256xi32, #tpu.memory_space<vmem>>, vector<16xi32>,
      tpu.vector_store %arg8[%swap3A_1213], %mul3A_1212 {strides = array<i32>} : memref<256xi32, #tpu.memory_space<vmem>>, vector<16xi32>,
      %dma_start3A_1215 = arith.constant 0 : i32
      %dma_start3A_1216 = arith.constant 0 : i32
      %dma_start3A_1217 = tpu.memref_slice %arg2[%dma_start3A_1215, %dma_start3A_1216] : memref<250000x128xf32, #tpu.memory_space<hbm>> -> memref<250000x128xf32, #tpu.memory_space<hbm>>
      tpu.enqueue_indirect_dma source(%dma_start3A_1217 : memref<250000x128xf32, #tpu.memory_space<hbm>>) target(%arg10 : memref<256x128xf32, #tpu.memory_space<vmem>>) offsets(%arg6 : memref<256xi32, #tpu.memory_space<vmem>>) semaphore(%arg14 : memref<!tpu.dma_semaphore, #tpu.memory_space<semaphore_mem>>)
      %jit3A_1218 = arith.constant 25 : i32
      %div3A_1219 = arith.divsi %add3A_765, %jit3A_1218 : i32
      %sign3A_1220 = arith.constant 0 : i32
      %sign3A_1221 = arith.cmpi sgt, %add3A_765, %sign3A_1220 : i32
      %sign3A_1222 = arith.extui %sign3A_1221 : i1 to i32
      %sign3A_1223 = arith.constant 0 : i32
      %sign3A_1224 = arith.cmpi slt, %add3A_765, %sign3A_1223 : i32
      %sign3A_1225 = arith.extui %sign3A_1224 : i1 to i32
      %sign3A_1226 = arith.subi %sign3A_1222, %sign3A_1225 : i32
      %sign3A_1227 = arith.constant 0 : i32
      %sign3A_1228 = arith.cmpi sgt, %jit3A_1218, %sign3A_1227 : i32
      %sign3A_1229 = arith.extui %sign3A_1228 : i1 to i32
      %sign3A_1230 = arith.constant 0 : i32
      %sign3A_1231 = arith.cmpi slt, %jit3A_1218, %sign3A_1230 : i32
      %sign3A_1232 = arith.extui %sign3A_1231 : i1 to i32
      %sign3A_1233 = arith.subi %sign3A_1229, %sign3A_1232 : i32
      %ne3A_1234 = arith.cmpi ne, %sign3A_1226, %sign3A_1233 : i32
      %rem3A_1235 = arith.remsi %add3A_765, %jit3A_1218 : i32
      %ne3A_1236 = arith.constant 0 : i32
      %ne3A_1237 = arith.cmpi ne, %rem3A_1235, %ne3A_1236 : i32
      %and3A_1238 = arith.andi %ne3A_1234, %ne3A_1237 : i1
      %sub3A_1239 = arith.constant 1 : i32
      %sub3A_1240 = arith.subi %div3A_1219, %sub3A_1239 : i32
      %select_n3A_1241 = arith.select %and3A_1238, %sub3A_1240, %div3A_1219 : i32
      %jit3A_1242 = arith.constant 25 : i32
      %eq3A_1243 = arith.constant 0 : i32
      %eq3A_1244 = arith.cmpi eq, %jit3A_1242, %eq3A_1243 : i32
      %jit3A_1245 = arith.constant 1 : i32
      %select_n3A_1246 = arith.select %eq3A_1244, %jit3A_1245, %jit3A_1242 : i32
      %rem3A_1247 = arith.remsi %add3A_765, %select_n3A_1246 : i32
      %ne3A_1248 = arith.constant 0 : i32
      %ne3A_1249 = arith.cmpi ne, %rem3A_1247, %ne3A_1248 : i32
      %lt3A_1250 = arith.constant 0 : i32
      %lt3A_1251 = arith.cmpi slt, %rem3A_1247, %lt3A_1250 : i32
      %lt3A_1252 = arith.constant 0 : i32
      %lt3A_1253 = arith.cmpi slt, %select_n3A_1246, %lt3A_1252 : i32
      %ne3A_1254 = arith.xori %lt3A_1251, %lt3A_1253 : i1
      %and3A_1255 = arith.andi %ne3A_1254, %ne3A_1249 : i1
      %add3A_1256 = arith.addi %rem3A_1247, %select_n3A_1246 : i32
      %select_n3A_1257 = arith.select %and3A_1255, %add3A_1256, %rem3A_1247 : i32
      %mul3A_1258 = arith.constant 2 : i32
      %mul3A_1259 = arith.muli %select_n3A_1257, %mul3A_1258 : i32
      %broadcast_in_dim3A_1260 = arith.constant 0 : i32
      %broadcast_in_dim3A_1261 = vector.broadcast %broadcast_in_dim3A_1260 : i32 to vector<16xi32>
      %add3A_1262 = arith.constant 0 : i32
      %add3A_1263 = arith.addi %mul3A_1259, %add3A_1262 : i32
      %add3A_1264 = vector.broadcast %add3A_1263 : i32 to vector<16xi32>
      %add3A_1265 = arith.addi %broadcast_in_dim3A_1261, %add3A_1264 : vector<16xi32>
      %mul3A_1266 = arith.constant 128 : i32
      %mul3A_1267 = arith.muli %select_n3A_1241, %mul3A_1266 : i32
      %add3A_1268 = arith.constant 0 : i32
      %add3A_1269 = arith.addi %mul3A_1267, %add3A_1268 : i32
      %add3A_1270 = vector.broadcast %add3A_1269 : i32 to vector<16xi32>
      %add3A_1271 = arith.addi %add3A_1270, %iota3A : vector<16xi32>
      %gather3A_1272 = tpu.vector_load_idx %arg5[%add3A_1265, %add3A_1271] : memref<50x512xi32, #tpu.memory_space<vmem>>[vector<16xi32>, vector<16xi32>], vector<16xi32>,
      %shift_right_arithmetic3A_1273 = arith.constant 2 : i32
      %shift_right_arithmetic3A_1274 = vector.broadcast %shift_right_arithmetic3A_1273 : i32 to vector<16xi32>
      %shift_right_arithmetic3A_1275 = arith.shrsi %gather3A_1272, %shift_right_arithmetic3A_1274 : vector<16xi32>
      %swap3A_1276 = arith.constant 0 : index
      %swap3A_1277 = tpu.vector_load %arg7[%swap3A_1276] {strides = array<i32>} : memref<256xi32, #tpu.memory_space<vmem>>, vector<16xi32>,
      tpu.vector_store %arg7[%swap3A_1276], %shift_right_arithmetic3A_1275 {strides = array<i32>} : memref<256xi32, #tpu.memory_space<vmem>>, vector<16xi32>,
      %and3A_1278 = arith.constant 3 : i32
      %and3A_1279 = vector.broadcast %and3A_1278 : i32 to vector<16xi32>
      %and3A_1280 = arith.andi %gather3A_1272, %and3A_1279 : vector<16xi32>
      %mul3A_1281 = arith.constant 32 : i32
      %mul3A_1282 = vector.broadcast %mul3A_1281 : i32 to vector<16xi32>
      %mul3A_1283 = arith.muli %and3A_1280, %mul3A_1282 : vector<16xi32>
      %swap3A_1284 = arith.constant 0 : index
      %swap3A_1285 = tpu.vector_load %arg9[%swap3A_1284] {strides = array<i32>} : memref<256xi32, #tpu.memory_space<vmem>>, vector<16xi32>,
      tpu.vector_store %arg9[%swap3A_1284], %mul3A_1283 {strides = array<i32>} : memref<256xi32, #tpu.memory_space<vmem>>, vector<16xi32>,
      %broadcast_in_dim3A_1286 = arith.constant 0 : i32
      %broadcast_in_dim3A_1287 = vector.broadcast %broadcast_in_dim3A_1286 : i32 to vector<16xi32>
      %add3A_1288 = arith.constant 0 : i32
      %add3A_1289 = arith.addi %mul3A_1259, %add3A_1288 : i32
      %add3A_1290 = vector.broadcast %add3A_1289 : i32 to vector<16xi32>
      %add3A_1291 = arith.addi %broadcast_in_dim3A_1287, %add3A_1290 : vector<16xi32>
      %mul3A_1292 = arith.constant 128 : i32
      %mul3A_1293 = arith.muli %select_n3A_1241, %mul3A_1292 : i32
      %add3A_1294 = arith.constant 16 : i32
      %add3A_1295 = arith.addi %mul3A_1293, %add3A_1294 : i32
      %add3A_1296 = vector.broadcast %add3A_1295 : i32 to vector<16xi32>
      %add3A_1297 = arith.addi %add3A_1296, %iota3A : vector<16xi32>
      %gather3A_1298 = tpu.vector_load_idx %arg5[%add3A_1291, %add3A_1297] : memref<50x512xi32, #tpu.memory_space<vmem>>[vector<16xi32>, vector<16xi32>], vector<16xi32>,
      %shift_right_arithmetic3A_1299 = arith.constant 2 : i32
      %shift_right_arithmetic3A_1300 = vector.broadcast %shift_right_arithmetic3A_1299 : i32 to vector<16xi32>
      %shift_right_arithmetic3A_1301 = arith.shrsi %gather3A_1298, %shift_right_arithmetic3A_1300 : vector<16xi32>
      %swap3A_1302 = arith.constant 16 : index
      %swap3A_1303 = tpu.vector_load %arg7[%swap3A_1302] {strides = array<i32>} : memref<256xi32, #tpu.memory_space<vmem>>, vector<16xi32>,
      tpu.vector_store %arg7[%swap3A_1302], %shift_right_arithmetic3A_1301 {strides = array<i32>} : memref<256xi32, #tpu.memory_space<vmem>>, vector<16xi32>,
      %and3A_1304 = arith.constant 3 : i32
      %and3A_1305 = vector.broadcast %and3A_1304 : i32 to vector<16xi32>
      %and3A_1306 = arith.andi %gather3A_1298, %and3A_1305 : vector<16xi32>
      %mul3A_1307 = arith.constant 32 : i32
      %mul3A_1308 = vector.broadcast %mul3A_1307 : i32 to vector<16xi32>
      %mul3A_1309 = arith.muli %and3A_1306, %mul3A_1308 : vector<16xi32>
      %swap3A_1310 = arith.constant 16 : index
      %swap3A_1311 = tpu.vector_load %arg9[%swap3A_1310] {strides = array<i32>} : memref<256xi32, #tpu.memory_space<vmem>>, vector<16xi32>,
      tpu.vector_store %arg9[%swap3A_1310], %mul3A_1309 {strides = array<i32>} : memref<256xi32, #tpu.memory_space<vmem>>, vector<16xi32>,
      %broadcast_in_dim3A_1312 = arith.constant 0 : i32
      %broadcast_in_dim3A_1313 = vector.broadcast %broadcast_in_dim3A_1312 : i32 to vector<16xi32>
      %add3A_1314 = arith.constant 0 : i32
      %add3A_1315 = arith.addi %mul3A_1259, %add3A_1314 : i32
      %add3A_1316 = vector.broadcast %add3A_1315 : i32 to vector<16xi32>
      %add3A_1317 = arith.addi %broadcast_in_dim3A_1313, %add3A_1316 : vector<16xi32>
      %mul3A_1318 = arith.constant 128 : i32
      %mul3A_1319 = arith.muli %select_n3A_1241, %mul3A_1318 : i32
      %add3A_1320 = arith.constant 32 : i32
      %add3A_1321 = arith.addi %mul3A_1319, %add3A_1320 : i32
      %add3A_1322 = vector.broadcast %add3A_1321 : i32 to vector<16xi32>
      %add3A_1323 = arith.addi %add3A_1322, %iota3A : vector<16xi32>
      %gather3A_1324 = tpu.vector_load_idx %arg5[%add3A_1317, %add3A_1323] : memref<50x512xi32, #tpu.memory_space<vmem>>[vector<16xi32>, vector<16xi32>], vector<16xi32>,
      %shift_right_arithmetic3A_1325 = arith.constant 2 : i32
      %shift_right_arithmetic3A_1326 = vector.broadcast %shift_right_arithmetic3A_1325 : i32 to vector<16xi32>
      %shift_right_arithmetic3A_1327 = arith.shrsi %gather3A_1324, %shift_right_arithmetic3A_1326 : vector<16xi32>
      %swap3A_1328 = arith.constant 32 : index
      %swap3A_1329 = tpu.vector_load %arg7[%swap3A_1328] {strides = array<i32>} : memref<256xi32, #tpu.memory_space<vmem>>, vector<16xi32>,
      tpu.vector_store %arg7[%swap3A_1328], %shift_right_arithmetic3A_1327 {strides = array<i32>} : memref<256xi32, #tpu.memory_space<vmem>>, vector<16xi32>,
      %and3A_1330 = arith.constant 3 : i32
      %and3A_1331 = vector.broadcast %and3A_1330 : i32 to vector<16xi32>
      %and3A_1332 = arith.andi %gather3A_1324, %and3A_1331 : vector<16xi32>
      %mul3A_1333 = arith.constant 32 : i32
      %mul3A_1334 = vector.broadcast %mul3A_1333 : i32 to vector<16xi32>
      %mul3A_1335 = arith.muli %and3A_1332, %mul3A_1334 : vector<16xi32>
      %swap3A_1336 = arith.constant 32 : index
      %swap3A_1337 = tpu.vector_load %arg9[%swap3A_1336] {strides = array<i32>} : memref<256xi32, #tpu.memory_space<vmem>>, vector<16xi32>,
      tpu.vector_store %arg9[%swap3A_1336], %mul3A_1335 {strides = array<i32>} : memref<256xi32, #tpu.memory_space<vmem>>, vector<16xi32>,
      %broadcast_in_dim3A_1338 = arith.constant 0 : i32
      %broadcast_in_dim3A_1339 = vector.broadcast %broadcast_in_dim3A_1338 : i32 to vector<16xi32>
      %add3A_1340 = arith.constant 0 : i32
      %add3A_1341 = arith.addi %mul3A_1259, %add3A_1340 : i32
      %add3A_1342 = vector.broadcast %add3A_1341 : i32 to vector<16xi32>
      %add3A_1343 = arith.addi %broadcast_in_dim3A_1339, %add3A_1342 : vector<16xi32>
      %mul3A_1344 = arith.constant 128 : i32
      %mul3A_1345 = arith.muli %select_n3A_1241, %mul3A_1344 : i32
      %add3A_1346 = arith.constant 48 : i32
      %add3A_1347 = arith.addi %mul3A_1345, %add3A_1346 : i32
      %add3A_1348 = vector.broadcast %add3A_1347 : i32 to vector<16xi32>
      %add3A_1349 = arith.addi %add3A_1348, %iota3A : vector<16xi32>
      %gather3A_1350 = tpu.vector_load_idx %arg5[%add3A_1343, %add3A_1349] : memref<50x512xi32, #tpu.memory_space<vmem>>[vector<16xi32>, vector<16xi32>], vector<16xi32>,
      %shift_right_arithmetic3A_1351 = arith.constant 2 : i32
      %shift_right_arithmetic3A_1352 = vector.broadcast %shift_right_arithmetic3A_1351 : i32 to vector<16xi32>
      %shift_right_arithmetic3A_1353 = arith.shrsi %gather3A_1350, %shift_right_arithmetic3A_1352 : vector<16xi32>
      %swap3A_1354 = arith.constant 48 : index
      %swap3A_1355 = tpu.vector_load %arg7[%swap3A_1354] {strides = array<i32>} : memref<256xi32, #tpu.memory_space<vmem>>, vector<16xi32>,
      tpu.vector_store %arg7[%swap3A_1354], %shift_right_arithmetic3A_1353 {strides = array<i32>} : memref<256xi32, #tpu.memory_space<vmem>>, vector<16xi32>,
      %and3A_1356 = arith.constant 3 : i32
      %and3A_1357 = vector.broadcast %and3A_1356 : i32 to vector<16xi32>
      %and3A_1358 = arith.andi %gather3A_1350, %and3A_1357 : vector<16xi32>
      %mul3A_1359 = arith.constant 32 : i32
      %mul3A_1360 = vector.broadcast %mul3A_1359 : i32 to vector<16xi32>
      %mul3A_1361 = arith.muli %and3A_1358, %mul3A_1360 : vector<16xi32>
      %swap3A_1362 = arith.constant 48 : index
      %swap3A_1363 = tpu.vector_load %arg9[%swap3A_1362] {strides = array<i32>} : memref<256xi32, #tpu.memory_space<vmem>>, vector<16xi32>,
      tpu.vector_store %arg9[%swap3A_1362], %mul3A_1361 {strides = array<i32>} : memref<256xi32, #tpu.memory_space<vmem>>, vector<16xi32>,
      %broadcast_in_dim3A_1364 = arith.constant 0 : i32
      %broadcast_in_dim3A_1365 = vector.broadcast %broadcast_in_dim3A_1364 : i32 to vector<16xi32>
      %add3A_1366 = arith.constant 0 : i32
      %add3A_1367 = arith.addi %mul3A_1259, %add3A_1366 : i32
      %add3A_1368 = vector.broadcast %add3A_1367 : i32 to vector<16xi32>
      %add3A_1369 = arith.addi %broadcast_in_dim3A_1365, %add3A_1368 : vector<16xi32>
      %mul3A_1370 = arith.constant 128 : i32
      %mul3A_1371 = arith.muli %select_n3A_1241, %mul3A_1370 : i32
      %add3A_1372 = arith.constant 64 : i32
      %add3A_1373 = arith.addi %mul3A_1371, %add3A_1372 : i32
      %add3A_1374 = vector.broadcast %add3A_1373 : i32 to vector<16xi32>
      %add3A_1375 = arith.addi %add3A_1374, %iota3A : vector<16xi32>
      %gather3A_1376 = tpu.vector_load_idx %arg5[%add3A_1369, %add3A_1375] : memref<50x512xi32, #tpu.memory_space<vmem>>[vector<16xi32>, vector<16xi32>], vector<16xi32>,
      %shift_right_arithmetic3A_1377 = arith.constant 2 : i32
      %shift_right_arithmetic3A_1378 = vector.broadcast %shift_right_arithmetic3A_1377 : i32 to vector<16xi32>
      %shift_right_arithmetic3A_1379 = arith.shrsi %gather3A_1376, %shift_right_arithmetic3A_1378 : vector<16xi32>
      %swap3A_1380 = arith.constant 64 : index
      %swap3A_1381 = tpu.vector_load %arg7[%swap3A_1380] {strides = array<i32>} : memref<256xi32, #tpu.memory_space<vmem>>, vector<16xi32>,
      tpu.vector_store %arg7[%swap3A_1380], %shift_right_arithmetic3A_1379 {strides = array<i32>} : memref<256xi32, #tpu.memory_space<vmem>>, vector<16xi32>,
      %and3A_1382 = arith.constant 3 : i32
      %and3A_1383 = vector.broadcast %and3A_1382 : i32 to vector<16xi32>
      %and3A_1384 = arith.andi %gather3A_1376, %and3A_1383 : vector<16xi32>
      %mul3A_1385 = arith.constant 32 : i32
      %mul3A_1386 = vector.broadcast %mul3A_1385 : i32 to vector<16xi32>
      %mul3A_1387 = arith.muli %and3A_1384, %mul3A_1386 : vector<16xi32>
      %swap3A_1388 = arith.constant 64 : index
      %swap3A_1389 = tpu.vector_load %arg9[%swap3A_1388] {strides = array<i32>} : memref<256xi32, #tpu.memory_space<vmem>>, vector<16xi32>,
      tpu.vector_store %arg9[%swap3A_1388], %mul3A_1387 {strides = array<i32>} : memref<256xi32, #tpu.memory_space<vmem>>, vector<16xi32>,
      %broadcast_in_dim3A_1390 = arith.constant 0 : i32
      %broadcast_in_dim3A_1391 = vector.broadcast %broadcast_in_dim3A_1390 : i32 to vector<16xi32>
      %add3A_1392 = arith.constant 0 : i32
      %add3A_1393 = arith.addi %mul3A_1259, %add3A_1392 : i32
      %add3A_1394 = vector.broadcast %add3A_1393 : i32 to vector<16xi32>
      %add3A_1395 = arith.addi %broadcast_in_dim3A_1391, %add3A_1394 : vector<16xi32>
      %mul3A_1396 = arith.constant 128 : i32
      %mul3A_1397 = arith.muli %select_n3A_1241, %mul3A_1396 : i32
      %add3A_1398 = arith.constant 80 : i32
      %add3A_1399 = arith.addi %mul3A_1397, %add3A_1398 : i32
      %add3A_1400 = vector.broadcast %add3A_1399 : i32 to vector<16xi32>
      %add3A_1401 = arith.addi %add3A_1400, %iota3A : vector<16xi32>
      %gather3A_1402 = tpu.vector_load_idx %arg5[%add3A_1395, %add3A_1401] : memref<50x512xi32, #tpu.memory_space<vmem>>[vector<16xi32>, vector<16xi32>], vector<16xi32>,
      %shift_right_arithmetic3A_1403 = arith.constant 2 : i32
      %shift_right_arithmetic3A_1404 = vector.broadcast %shift_right_arithmetic3A_1403 : i32 to vector<16xi32>
      %shift_right_arithmetic3A_1405 = arith.shrsi %gather3A_1402, %shift_right_arithmetic3A_1404 : vector<16xi32>
      %swap3A_1406 = arith.constant 80 : index
      %swap3A_1407 = tpu.vector_load %arg7[%swap3A_1406] {strides = array<i32>} : memref<256xi32, #tpu.memory_space<vmem>>, vector<16xi32>,
      tpu.vector_store %arg7[%swap3A_1406], %shift_right_arithmetic3A_1405 {strides = array<i32>} : memref<256xi32, #tpu.memory_space<vmem>>, vector<16xi32>,
      %and3A_1408 = arith.constant 3 : i32
      %and3A_1409 = vector.broadcast %and3A_1408 : i32 to vector<16xi32>
      %and3A_1410 = arith.andi %gather3A_1402, %and3A_1409 : vector<16xi32>
      %mul3A_1411 = arith.constant 32 : i32
      %mul3A_1412 = vector.broadcast %mul3A_1411 : i32 to vector<16xi32>
      %mul3A_1413 = arith.muli %and3A_1410, %mul3A_1412 : vector<16xi32>
      %swap3A_1414 = arith.constant 80 : index
      %swap3A_1415 = tpu.vector_load %arg9[%swap3A_1414] {strides = array<i32>} : memref<256xi32, #tpu.memory_space<vmem>>, vector<16xi32>,
      tpu.vector_store %arg9[%swap3A_1414], %mul3A_1413 {strides = array<i32>} : memref<256xi32, #tpu.memory_space<vmem>>, vector<16xi32>,
      %broadcast_in_dim3A_1416 = arith.constant 0 : i32
      %broadcast_in_dim3A_1417 = vector.broadcast %broadcast_in_dim3A_1416 : i32 to vector<16xi32>
      %add3A_1418 = arith.constant 0 : i32
      %add3A_1419 = arith.addi %mul3A_1259, %add3A_1418 : i32
      %add3A_1420 = vector.broadcast %add3A_1419 : i32 to vector<16xi32>
      %add3A_1421 = arith.addi %broadcast_in_dim3A_1417, %add3A_1420 : vector<16xi32>
      %mul3A_1422 = arith.constant 128 : i32
      %mul3A_1423 = arith.muli %select_n3A_1241, %mul3A_1422 : i32
      %add3A_1424 = arith.constant 96 : i32
      %add3A_1425 = arith.addi %mul3A_1423, %add3A_1424 : i32
      %add3A_1426 = vector.broadcast %add3A_1425 : i32 to vector<16xi32>
      %add3A_1427 = arith.addi %add3A_1426, %iota3A : vector<16xi32>
      %gather3A_1428 = tpu.vector_load_idx %arg5[%add3A_1421, %add3A_1427] : memref<50x512xi32, #tpu.memory_space<vmem>>[vector<16xi32>, vector<16xi32>], vector<16xi32>,
      %shift_right_arithmetic3A_1429 = arith.constant 2 : i32
      %shift_right_arithmetic3A_1430 = vector.broadcast %shift_right_arithmetic3A_1429 : i32 to vector<16xi32>
      %shift_right_arithmetic3A_1431 = arith.shrsi %gather3A_1428, %shift_right_arithmetic3A_1430 : vector<16xi32>
      %swap3A_1432 = arith.constant 96 : index
      %swap3A_1433 = tpu.vector_load %arg7[%swap3A_1432] {strides = array<i32>} : memref<256xi32, #tpu.memory_space<vmem>>, vector<16xi32>,
      tpu.vector_store %arg7[%swap3A_1432], %shift_right_arithmetic3A_1431 {strides = array<i32>} : memref<256xi32, #tpu.memory_space<vmem>>, vector<16xi32>,
      %and3A_1434 = arith.constant 3 : i32
      %and3A_1435 = vector.broadcast %and3A_1434 : i32 to vector<16xi32>
      %and3A_1436 = arith.andi %gather3A_1428, %and3A_1435 : vector<16xi32>
      %mul3A_1437 = arith.constant 32 : i32
      %mul3A_1438 = vector.broadcast %mul3A_1437 : i32 to vector<16xi32>
      %mul3A_1439 = arith.muli %and3A_1436, %mul3A_1438 : vector<16xi32>
      %swap3A_1440 = arith.constant 96 : index
      %swap3A_1441 = tpu.vector_load %arg9[%swap3A_1440] {strides = array<i32>} : memref<256xi32, #tpu.memory_space<vmem>>, vector<16xi32>,
      tpu.vector_store %arg9[%swap3A_1440], %mul3A_1439 {strides = array<i32>} : memref<256xi32, #tpu.memory_space<vmem>>, vector<16xi32>,
      %broadcast_in_dim3A_1442 = arith.constant 0 : i32
      %broadcast_in_dim3A_1443 = vector.broadcast %broadcast_in_dim3A_1442 : i32 to vector<16xi32>
      %add3A_1444 = arith.constant 0 : i32
      %add3A_1445 = arith.addi %mul3A_1259, %add3A_1444 : i32
      %add3A_1446 = vector.broadcast %add3A_1445 : i32 to vector<16xi32>
      %add3A_1447 = arith.addi %broadcast_in_dim3A_1443, %add3A_1446 : vector<16xi32>
      %mul3A_1448 = arith.constant 128 : i32
      %mul3A_1449 = arith.muli %select_n3A_1241, %mul3A_1448 : i32
      %add3A_1450 = arith.constant 112 : i32
      %add3A_1451 = arith.addi %mul3A_1449, %add3A_1450 : i32
      %add3A_1452 = vector.broadcast %add3A_1451 : i32 to vector<16xi32>
      %add3A_1453 = arith.addi %add3A_1452, %iota3A : vector<16xi32>
      %gather3A_1454 = tpu.vector_load_idx %arg5[%add3A_1447, %add3A_1453] : memref<50x512xi32, #tpu.memory_space<vmem>>[vector<16xi32>, vector<16xi32>], vector<16xi32>,
      %shift_right_arithmetic3A_1455 = arith.constant 2 : i32
      %shift_right_arithmetic3A_1456 = vector.broadcast %shift_right_arithmetic3A_1455 : i32 to vector<16xi32>
      %shift_right_arithmetic3A_1457 = arith.shrsi %gather3A_1454, %shift_right_arithmetic3A_1456 : vector<16xi32>
      %swap3A_1458 = arith.constant 112 : index
      %swap3A_1459 = tpu.vector_load %arg7[%swap3A_1458] {strides = array<i32>} : memref<256xi32, #tpu.memory_space<vmem>>, vector<16xi32>,
      tpu.vector_store %arg7[%swap3A_1458], %shift_right_arithmetic3A_1457 {strides = array<i32>} : memref<256xi32, #tpu.memory_space<vmem>>, vector<16xi32>,
      %and3A_1460 = arith.constant 3 : i32
      %and3A_1461 = vector.broadcast %and3A_1460 : i32 to vector<16xi32>
      %and3A_1462 = arith.andi %gather3A_1454, %and3A_1461 : vector<16xi32>
      %mul3A_1463 = arith.constant 32 : i32
      %mul3A_1464 = vector.broadcast %mul3A_1463 : i32 to vector<16xi32>
      %mul3A_1465 = arith.muli %and3A_1462, %mul3A_1464 : vector<16xi32>
      %swap3A_1466 = arith.constant 112 : index
      %swap3A_1467 = tpu.vector_load %arg9[%swap3A_1466] {strides = array<i32>} : memref<256xi32, #tpu.memory_space<vmem>>, vector<16xi32>,
      tpu.vector_store %arg9[%swap3A_1466], %mul3A_1465 {strides = array<i32>} : memref<256xi32, #tpu.memory_space<vmem>>, vector<16xi32>,
      %broadcast_in_dim3A_1468 = arith.constant 0 : i32
      %broadcast_in_dim3A_1469 = vector.broadcast %broadcast_in_dim3A_1468 : i32 to vector<16xi32>
      %add3A_1470 = arith.constant 1 : i32
      %add3A_1471 = arith.addi %mul3A_1259, %add3A_1470 : i32
      %add3A_1472 = vector.broadcast %add3A_1471 : i32 to vector<16xi32>
      %add3A_1473 = arith.addi %broadcast_in_dim3A_1469, %add3A_1472 : vector<16xi32>
      %mul3A_1474 = arith.constant 128 : i32
      %mul3A_1475 = arith.muli %select_n3A_1241, %mul3A_1474 : i32
      %add3A_1476 = arith.constant 0 : i32
      %add3A_1477 = arith.addi %mul3A_1475, %add3A_1476 : i32
      %add3A_1478 = vector.broadcast %add3A_1477 : i32 to vector<16xi32>
      %add3A_1479 = arith.addi %add3A_1478, %iota3A : vector<16xi32>
      %gather3A_1480 = tpu.vector_load_idx %arg5[%add3A_1473, %add3A_1479] : memref<50x512xi32, #tpu.memory_space<vmem>>[vector<16xi32>, vector<16xi32>], vector<16xi32>,
      %shift_right_arithmetic3A_1481 = arith.constant 2 : i32
      %shift_right_arithmetic3A_1482 = vector.broadcast %shift_right_arithmetic3A_1481 : i32 to vector<16xi32>
      %shift_right_arithmetic3A_1483 = arith.shrsi %gather3A_1480, %shift_right_arithmetic3A_1482 : vector<16xi32>
      %swap3A_1484 = arith.constant 128 : index
      %swap3A_1485 = tpu.vector_load %arg7[%swap3A_1484] {strides = array<i32>} : memref<256xi32, #tpu.memory_space<vmem>>, vector<16xi32>,
      tpu.vector_store %arg7[%swap3A_1484], %shift_right_arithmetic3A_1483 {strides = array<i32>} : memref<256xi32, #tpu.memory_space<vmem>>, vector<16xi32>,
      %and3A_1486 = arith.constant 3 : i32
      %and3A_1487 = vector.broadcast %and3A_1486 : i32 to vector<16xi32>
      %and3A_1488 = arith.andi %gather3A_1480, %and3A_1487 : vector<16xi32>
      %mul3A_1489 = arith.constant 32 : i32
      %mul3A_1490 = vector.broadcast %mul3A_1489 : i32 to vector<16xi32>
      %mul3A_1491 = arith.muli %and3A_1488, %mul3A_1490 : vector<16xi32>
      %swap3A_1492 = arith.constant 128 : index
      %swap3A_1493 = tpu.vector_load %arg9[%swap3A_1492] {strides = array<i32>} : memref<256xi32, #tpu.memory_space<vmem>>, vector<16xi32>,
      tpu.vector_store %arg9[%swap3A_1492], %mul3A_1491 {strides = array<i32>} : memref<256xi32, #tpu.memory_space<vmem>>, vector<16xi32>,
      %broadcast_in_dim3A_1494 = arith.constant 0 : i32
      %broadcast_in_dim3A_1495 = vector.broadcast %broadcast_in_dim3A_1494 : i32 to vector<16xi32>
      %add3A_1496 = arith.constant 1 : i32
      %add3A_1497 = arith.addi %mul3A_1259, %add3A_1496 : i32
      %add3A_1498 = vector.broadcast %add3A_1497 : i32 to vector<16xi32>
      %add3A_1499 = arith.addi %broadcast_in_dim3A_1495, %add3A_1498 : vector<16xi32>
      %mul3A_1500 = arith.constant 128 : i32
      %mul3A_1501 = arith.muli %select_n3A_1241, %mul3A_1500 : i32
      %add3A_1502 = arith.constant 16 : i32
      %add3A_1503 = arith.addi %mul3A_1501, %add3A_1502 : i32
      %add3A_1504 = vector.broadcast %add3A_1503 : i32 to vector<16xi32>
      %add3A_1505 = arith.addi %add3A_1504, %iota3A : vector<16xi32>
      %gather3A_1506 = tpu.vector_load_idx %arg5[%add3A_1499, %add3A_1505] : memref<50x512xi32, #tpu.memory_space<vmem>>[vector<16xi32>, vector<16xi32>], vector<16xi32>,
      %shift_right_arithmetic3A_1507 = arith.constant 2 : i32
      %shift_right_arithmetic3A_1508 = vector.broadcast %shift_right_arithmetic3A_1507 : i32 to vector<16xi32>
      %shift_right_arithmetic3A_1509 = arith.shrsi %gather3A_1506, %shift_right_arithmetic3A_1508 : vector<16xi32>
      %swap3A_1510 = arith.constant 144 : index
      %swap3A_1511 = tpu.vector_load %arg7[%swap3A_1510] {strides = array<i32>} : memref<256xi32, #tpu.memory_space<vmem>>, vector<16xi32>,
      tpu.vector_store %arg7[%swap3A_1510], %shift_right_arithmetic3A_1509 {strides = array<i32>} : memref<256xi32, #tpu.memory_space<vmem>>, vector<16xi32>,
      %and3A_1512 = arith.constant 3 : i32
      %and3A_1513 = vector.broadcast %and3A_1512 : i32 to vector<16xi32>
      %and3A_1514 = arith.andi %gather3A_1506, %and3A_1513 : vector<16xi32>
      %mul3A_1515 = arith.constant 32 : i32
      %mul3A_1516 = vector.broadcast %mul3A_1515 : i32 to vector<16xi32>
      %mul3A_1517 = arith.muli %and3A_1514, %mul3A_1516 : vector<16xi32>
      %swap3A_1518 = arith.constant 144 : index
      %swap3A_1519 = tpu.vector_load %arg9[%swap3A_1518] {strides = array<i32>} : memref<256xi32, #tpu.memory_space<vmem>>, vector<16xi32>,
      tpu.vector_store %arg9[%swap3A_1518], %mul3A_1517 {strides = array<i32>} : memref<256xi32, #tpu.memory_space<vmem>>, vector<16xi32>,
      %broadcast_in_dim3A_1520 = arith.constant 0 : i32
      %broadcast_in_dim3A_1521 = vector.broadcast %broadcast_in_dim3A_1520 : i32 to vector<16xi32>
      %add3A_1522 = arith.constant 1 : i32
      %add3A_1523 = arith.addi %mul3A_1259, %add3A_1522 : i32
      %add3A_1524 = vector.broadcast %add3A_1523 : i32 to vector<16xi32>
      %add3A_1525 = arith.addi %broadcast_in_dim3A_1521, %add3A_1524 : vector<16xi32>
      %mul3A_1526 = arith.constant 128 : i32
      %mul3A_1527 = arith.muli %select_n3A_1241, %mul3A_1526 : i32
      %add3A_1528 = arith.constant 32 : i32
      %add3A_1529 = arith.addi %mul3A_1527, %add3A_1528 : i32
      %add3A_1530 = vector.broadcast %add3A_1529 : i32 to vector<16xi32>
      %add3A_1531 = arith.addi %add3A_1530, %iota3A : vector<16xi32>
      %gather3A_1532 = tpu.vector_load_idx %arg5[%add3A_1525, %add3A_1531] : memref<50x512xi32, #tpu.memory_space<vmem>>[vector<16xi32>, vector<16xi32>], vector<16xi32>,
      %shift_right_arithmetic3A_1533 = arith.constant 2 : i32
      %shift_right_arithmetic3A_1534 = vector.broadcast %shift_right_arithmetic3A_1533 : i32 to vector<16xi32>
      %shift_right_arithmetic3A_1535 = arith.shrsi %gather3A_1532, %shift_right_arithmetic3A_1534 : vector<16xi32>
      %swap3A_1536 = arith.constant 160 : index
      %swap3A_1537 = tpu.vector_load %arg7[%swap3A_1536] {strides = array<i32>} : memref<256xi32, #tpu.memory_space<vmem>>, vector<16xi32>,
      tpu.vector_store %arg7[%swap3A_1536], %shift_right_arithmetic3A_1535 {strides = array<i32>} : memref<256xi32, #tpu.memory_space<vmem>>, vector<16xi32>,
      %and3A_1538 = arith.constant 3 : i32
      %and3A_1539 = vector.broadcast %and3A_1538 : i32 to vector<16xi32>
      %and3A_1540 = arith.andi %gather3A_1532, %and3A_1539 : vector<16xi32>
      %mul3A_1541 = arith.constant 32 : i32
      %mul3A_1542 = vector.broadcast %mul3A_1541 : i32 to vector<16xi32>
      %mul3A_1543 = arith.muli %and3A_1540, %mul3A_1542 : vector<16xi32>
      %swap3A_1544 = arith.constant 160 : index
      %swap3A_1545 = tpu.vector_load %arg9[%swap3A_1544] {strides = array<i32>} : memref<256xi32, #tpu.memory_space<vmem>>, vector<16xi32>,
      tpu.vector_store %arg9[%swap3A_1544], %mul3A_1543 {strides = array<i32>} : memref<256xi32, #tpu.memory_space<vmem>>, vector<16xi32>,
      %broadcast_in_dim3A_1546 = arith.constant 0 : i32
      %broadcast_in_dim3A_1547 = vector.broadcast %broadcast_in_dim3A_1546 : i32 to vector<16xi32>
      %add3A_1548 = arith.constant 1 : i32
      %add3A_1549 = arith.addi %mul3A_1259, %add3A_1548 : i32
      %add3A_1550 = vector.broadcast %add3A_1549 : i32 to vector<16xi32>
      %add3A_1551 = arith.addi %broadcast_in_dim3A_1547, %add3A_1550 : vector<16xi32>
      %mul3A_1552 = arith.constant 128 : i32
      %mul3A_1553 = arith.muli %select_n3A_1241, %mul3A_1552 : i32
      %add3A_1554 = arith.constant 48 : i32
      %add3A_1555 = arith.addi %mul3A_1553, %add3A_1554 : i32
      %add3A_1556 = vector.broadcast %add3A_1555 : i32 to vector<16xi32>
      %add3A_1557 = arith.addi %add3A_1556, %iota3A : vector<16xi32>
      %gather3A_1558 = tpu.vector_load_idx %arg5[%add3A_1551, %add3A_1557] : memref<50x512xi32, #tpu.memory_space<vmem>>[vector<16xi32>, vector<16xi32>], vector<16xi32>,
      %shift_right_arithmetic3A_1559 = arith.constant 2 : i32
      %shift_right_arithmetic3A_1560 = vector.broadcast %shift_right_arithmetic3A_1559 : i32 to vector<16xi32>
      %shift_right_arithmetic3A_1561 = arith.shrsi %gather3A_1558, %shift_right_arithmetic3A_1560 : vector<16xi32>
      %swap3A_1562 = arith.constant 176 : index
      %swap3A_1563 = tpu.vector_load %arg7[%swap3A_1562] {strides = array<i32>} : memref<256xi32, #tpu.memory_space<vmem>>, vector<16xi32>,
      tpu.vector_store %arg7[%swap3A_1562], %shift_right_arithmetic3A_1561 {strides = array<i32>} : memref<256xi32, #tpu.memory_space<vmem>>, vector<16xi32>,
      %and3A_1564 = arith.constant 3 : i32
      %and3A_1565 = vector.broadcast %and3A_1564 : i32 to vector<16xi32>
      %and3A_1566 = arith.andi %gather3A_1558, %and3A_1565 : vector<16xi32>
      %mul3A_1567 = arith.constant 32 : i32
      %mul3A_1568 = vector.broadcast %mul3A_1567 : i32 to vector<16xi32>
      %mul3A_1569 = arith.muli %and3A_1566, %mul3A_1568 : vector<16xi32>
      %swap3A_1570 = arith.constant 176 : index
      %swap3A_1571 = tpu.vector_load %arg9[%swap3A_1570] {strides = array<i32>} : memref<256xi32, #tpu.memory_space<vmem>>, vector<16xi32>,
      tpu.vector_store %arg9[%swap3A_1570], %mul3A_1569 {strides = array<i32>} : memref<256xi32, #tpu.memory_space<vmem>>, vector<16xi32>,
      %broadcast_in_dim3A_1572 = arith.constant 0 : i32
      %broadcast_in_dim3A_1573 = vector.broadcast %broadcast_in_dim3A_1572 : i32 to vector<16xi32>
      %add3A_1574 = arith.constant 1 : i32
      %add3A_1575 = arith.addi %mul3A_1259, %add3A_1574 : i32
      %add3A_1576 = vector.broadcast %add3A_1575 : i32 to vector<16xi32>
      %add3A_1577 = arith.addi %broadcast_in_dim3A_1573, %add3A_1576 : vector<16xi32>
      %mul3A_1578 = arith.constant 128 : i32
      %mul3A_1579 = arith.muli %select_n3A_1241, %mul3A_1578 : i32
      %add3A_1580 = arith.constant 64 : i32
      %add3A_1581 = arith.addi %mul3A_1579, %add3A_1580 : i32
      %add3A_1582 = vector.broadcast %add3A_1581 : i32 to vector<16xi32>
      %add3A_1583 = arith.addi %add3A_1582, %iota3A : vector<16xi32>
      %gather3A_1584 = tpu.vector_load_idx %arg5[%add3A_1577, %add3A_1583] : memref<50x512xi32, #tpu.memory_space<vmem>>[vector<16xi32>, vector<16xi32>], vector<16xi32>,
      %shift_right_arithmetic3A_1585 = arith.constant 2 : i32
      %shift_right_arithmetic3A_1586 = vector.broadcast %shift_right_arithmetic3A_1585 : i32 to vector<16xi32>
      %shift_right_arithmetic3A_1587 = arith.shrsi %gather3A_1584, %shift_right_arithmetic3A_1586 : vector<16xi32>
      %swap3A_1588 = arith.constant 192 : index
      %swap3A_1589 = tpu.vector_load %arg7[%swap3A_1588] {strides = array<i32>} : memref<256xi32, #tpu.memory_space<vmem>>, vector<16xi32>,
      tpu.vector_store %arg7[%swap3A_1588], %shift_right_arithmetic3A_1587 {strides = array<i32>} : memref<256xi32, #tpu.memory_space<vmem>>, vector<16xi32>,
      %and3A_1590 = arith.constant 3 : i32
      %and3A_1591 = vector.broadcast %and3A_1590 : i32 to vector<16xi32>
      %and3A_1592 = arith.andi %gather3A_1584, %and3A_1591 : vector<16xi32>
      %mul3A_1593 = arith.constant 32 : i32
      %mul3A_1594 = vector.broadcast %mul3A_1593 : i32 to vector<16xi32>
      %mul3A_1595 = arith.muli %and3A_1592, %mul3A_1594 : vector<16xi32>
      %swap3A_1596 = arith.constant 192 : index
      %swap3A_1597 = tpu.vector_load %arg9[%swap3A_1596] {strides = array<i32>} : memref<256xi32, #tpu.memory_space<vmem>>, vector<16xi32>,
      tpu.vector_store %arg9[%swap3A_1596], %mul3A_1595 {strides = array<i32>} : memref<256xi32, #tpu.memory_space<vmem>>, vector<16xi32>,
      %broadcast_in_dim3A_1598 = arith.constant 0 : i32
      %broadcast_in_dim3A_1599 = vector.broadcast %broadcast_in_dim3A_1598 : i32 to vector<16xi32>
      %add3A_1600 = arith.constant 1 : i32
      %add3A_1601 = arith.addi %mul3A_1259, %add3A_1600 : i32
      %add3A_1602 = vector.broadcast %add3A_1601 : i32 to vector<16xi32>
      %add3A_1603 = arith.addi %broadcast_in_dim3A_1599, %add3A_1602 : vector<16xi32>
      %mul3A_1604 = arith.constant 128 : i32
      %mul3A_1605 = arith.muli %select_n3A_1241, %mul3A_1604 : i32
      %add3A_1606 = arith.constant 80 : i32
      %add3A_1607 = arith.addi %mul3A_1605, %add3A_1606 : i32
      %add3A_1608 = vector.broadcast %add3A_1607 : i32 to vector<16xi32>
      %add3A_1609 = arith.addi %add3A_1608, %iota3A : vector<16xi32>
      %gather3A_1610 = tpu.vector_load_idx %arg5[%add3A_1603, %add3A_1609] : memref<50x512xi32, #tpu.memory_space<vmem>>[vector<16xi32>, vector<16xi32>], vector<16xi32>,
      %shift_right_arithmetic3A_1611 = arith.constant 2 : i32
      %shift_right_arithmetic3A_1612 = vector.broadcast %shift_right_arithmetic3A_1611 : i32 to vector<16xi32>
      %shift_right_arithmetic3A_1613 = arith.shrsi %gather3A_1610, %shift_right_arithmetic3A_1612 : vector<16xi32>
      %swap3A_1614 = arith.constant 208 : index
      %swap3A_1615 = tpu.vector_load %arg7[%swap3A_1614] {strides = array<i32>} : memref<256xi32, #tpu.memory_space<vmem>>, vector<16xi32>,
      tpu.vector_store %arg7[%swap3A_1614], %shift_right_arithmetic3A_1613 {strides = array<i32>} : memref<256xi32, #tpu.memory_space<vmem>>, vector<16xi32>,
      %and3A_1616 = arith.constant 3 : i32
      %and3A_1617 = vector.broadcast %and3A_1616 : i32 to vector<16xi32>
      %and3A_1618 = arith.andi %gather3A_1610, %and3A_1617 : vector<16xi32>
      %mul3A_1619 = arith.constant 32 : i32
      %mul3A_1620 = vector.broadcast %mul3A_1619 : i32 to vector<16xi32>
      %mul3A_1621 = arith.muli %and3A_1618, %mul3A_1620 : vector<16xi32>
      %swap3A_1622 = arith.constant 208 : index
      %swap3A_1623 = tpu.vector_load %arg9[%swap3A_1622] {strides = array<i32>} : memref<256xi32, #tpu.memory_space<vmem>>, vector<16xi32>,
      tpu.vector_store %arg9[%swap3A_1622], %mul3A_1621 {strides = array<i32>} : memref<256xi32, #tpu.memory_space<vmem>>, vector<16xi32>,
      %broadcast_in_dim3A_1624 = arith.constant 0 : i32
      %broadcast_in_dim3A_1625 = vector.broadcast %broadcast_in_dim3A_1624 : i32 to vector<16xi32>
      %add3A_1626 = arith.constant 1 : i32
      %add3A_1627 = arith.addi %mul3A_1259, %add3A_1626 : i32
      %add3A_1628 = vector.broadcast %add3A_1627 : i32 to vector<16xi32>
      %add3A_1629 = arith.addi %broadcast_in_dim3A_1625, %add3A_1628 : vector<16xi32>
      %mul3A_1630 = arith.constant 128 : i32
      %mul3A_1631 = arith.muli %select_n3A_1241, %mul3A_1630 : i32
      %add3A_1632 = arith.constant 96 : i32
      %add3A_1633 = arith.addi %mul3A_1631, %add3A_1632 : i32
      %add3A_1634 = vector.broadcast %add3A_1633 : i32 to vector<16xi32>
      %add3A_1635 = arith.addi %add3A_1634, %iota3A : vector<16xi32>
      %gather3A_1636 = tpu.vector_load_idx %arg5[%add3A_1629, %add3A_1635] : memref<50x512xi32, #tpu.memory_space<vmem>>[vector<16xi32>, vector<16xi32>], vector<16xi32>,
      %shift_right_arithmetic3A_1637 = arith.constant 2 : i32
      %shift_right_arithmetic3A_1638 = vector.broadcast %shift_right_arithmetic3A_1637 : i32 to vector<16xi32>
      %shift_right_arithmetic3A_1639 = arith.shrsi %gather3A_1636, %shift_right_arithmetic3A_1638 : vector<16xi32>
      %swap3A_1640 = arith.constant 224 : index
      %swap3A_1641 = tpu.vector_load %arg7[%swap3A_1640] {strides = array<i32>} : memref<256xi32, #tpu.memory_space<vmem>>, vector<16xi32>,
      tpu.vector_store %arg7[%swap3A_1640], %shift_right_arithmetic3A_1639 {strides = array<i32>} : memref<256xi32, #tpu.memory_space<vmem>>, vector<16xi32>,
      %and3A_1642 = arith.constant 3 : i32
      %and3A_1643 = vector.broadcast %and3A_1642 : i32 to vector<16xi32>
      %and3A_1644 = arith.andi %gather3A_1636, %and3A_1643 : vector<16xi32>
      %mul3A_1645 = arith.constant 32 : i32
      %mul3A_1646 = vector.broadcast %mul3A_1645 : i32 to vector<16xi32>
      %mul3A_1647 = arith.muli %and3A_1644, %mul3A_1646 : vector<16xi32>
      %swap3A_1648 = arith.constant 224 : index
      %swap3A_1649 = tpu.vector_load %arg9[%swap3A_1648] {strides = array<i32>} : memref<256xi32, #tpu.memory_space<vmem>>, vector<16xi32>,
      tpu.vector_store %arg9[%swap3A_1648], %mul3A_1647 {strides = array<i32>} : memref<256xi32, #tpu.memory_space<vmem>>, vector<16xi32>,
      %broadcast_in_dim3A_1650 = arith.constant 0 : i32
      %broadcast_in_dim3A_1651 = vector.broadcast %broadcast_in_dim3A_1650 : i32 to vector<16xi32>
      %add3A_1652 = arith.constant 1 : i32
      %add3A_1653 = arith.addi %mul3A_1259, %add3A_1652 : i32
      %add3A_1654 = vector.broadcast %add3A_1653 : i32 to vector<16xi32>
      %add3A_1655 = arith.addi %broadcast_in_dim3A_1651, %add3A_1654 : vector<16xi32>
      %mul3A_1656 = arith.constant 128 : i32
      %mul3A_1657 = arith.muli %select_n3A_1241, %mul3A_1656 : i32
      %add3A_1658 = arith.constant 112 : i32
      %add3A_1659 = arith.addi %mul3A_1657, %add3A_1658 : i32
      %add3A_1660 = vector.broadcast %add3A_1659 : i32 to vector<16xi32>
      %add3A_1661 = arith.addi %add3A_1660, %iota3A : vector<16xi32>
      %gather3A_1662 = tpu.vector_load_idx %arg5[%add3A_1655, %add3A_1661] : memref<50x512xi32, #tpu.memory_space<vmem>>[vector<16xi32>, vector<16xi32>], vector<16xi32>,
      %shift_right_arithmetic3A_1663 = arith.constant 2 : i32
      %shift_right_arithmetic3A_1664 = vector.broadcast %shift_right_arithmetic3A_1663 : i32 to vector<16xi32>
      %shift_right_arithmetic3A_1665 = arith.shrsi %gather3A_1662, %shift_right_arithmetic3A_1664 : vector<16xi32>
      %swap3A_1666 = arith.constant 240 : index
      %swap3A_1667 = tpu.vector_load %arg7[%swap3A_1666] {strides = array<i32>} : memref<256xi32, #tpu.memory_space<vmem>>, vector<16xi32>,
      tpu.vector_store %arg7[%swap3A_1666], %shift_right_arithmetic3A_1665 {strides = array<i32>} : memref<256xi32, #tpu.memory_space<vmem>>, vector<16xi32>,
      %and3A_1668 = arith.constant 3 : i32
      %and3A_1669 = vector.broadcast %and3A_1668 : i32 to vector<16xi32>
      %and3A_1670 = arith.andi %gather3A_1662, %and3A_1669 : vector<16xi32>
      %mul3A_1671 = arith.constant 32 : i32
      %mul3A_1672 = vector.broadcast %mul3A_1671 : i32 to vector<16xi32>
      %mul3A_1673 = arith.muli %and3A_1670, %mul3A_1672 : vector<16xi32>
      %swap3A_1674 = arith.constant 240 : index
      %swap3A_1675 = tpu.vector_load %arg9[%swap3A_1674] {strides = array<i32>} : memref<256xi32, #tpu.memory_space<vmem>>, vector<16xi32>,
      tpu.vector_store %arg9[%swap3A_1674], %mul3A_1673 {strides = array<i32>} : memref<256xi32, #tpu.memory_space<vmem>>, vector<16xi32>,
      %dma_start3A_1676 = arith.constant 0 : i32
      %dma_start3A_1677 = arith.constant 0 : i32
      %dma_start3A_1678 = tpu.memref_slice %arg2[%dma_start3A_1676, %dma_start3A_1677] : memref<250000x128xf32, #tpu.memory_space<hbm>> -> memref<250000x128xf32, #tpu.memory_space<hbm>>
      tpu.enqueue_indirect_dma source(%dma_start3A_1678 : memref<250000x128xf32, #tpu.memory_space<hbm>>) target(%arg11 : memref<256x128xf32, #tpu.memory_space<vmem>>) offsets(%arg7 : memref<256xi32, #tpu.memory_space<vmem>>) semaphore(%arg15 : memref<!tpu.dma_semaphore, #tpu.memory_space<semaphore_mem>>)
      %dma_wait3A_1679 = arith.constant 0 : i32
      %dma_wait3A_1680 = arith.constant 0 : i32
      %dma_wait3A_1681 = tpu.memref_slice %arg2[%dma_wait3A_1679, %dma_wait3A_1680] : memref<250000x128xf32, #tpu.memory_space<hbm>> -> memref<250000x128xf32, #tpu.memory_space<hbm>>
      tpu.wait_indirect_dma semaphore(%arg14 : memref<!tpu.dma_semaphore, #tpu.memory_space<semaphore_mem>>) src(%dma_wait3A_1681 : memref<250000x128xf32, #tpu.memory_space<hbm>>) dst(%arg10 : memref<256x128xf32, #tpu.memory_space<vmem>>)
      %jit3A_1682 = arith.constant 25 : i32
      %div3A_1683 = arith.divsi %mul3A_763, %jit3A_1682 : i32
      %sign3A_1684 = arith.constant 0 : i32
      %sign3A_1685 = arith.cmpi sgt, %mul3A_763, %sign3A_1684 : i32
      %sign3A_1686 = arith.extui %sign3A_1685 : i1 to i32
      %sign3A_1687 = arith.constant 0 : i32
      %sign3A_1688 = arith.cmpi slt, %mul3A_763, %sign3A_1687 : i32
      %sign3A_1689 = arith.extui %sign3A_1688 : i1 to i32
      %sign3A_1690 = arith.subi %sign3A_1686, %sign3A_1689 : i32
      %sign3A_1691 = arith.constant 0 : i32
      %sign3A_1692 = arith.cmpi sgt, %jit3A_1682, %sign3A_1691 : i32
      %sign3A_1693 = arith.extui %sign3A_1692 : i1 to i32
      %sign3A_1694 = arith.constant 0 : i32
      %sign3A_1695 = arith.cmpi slt, %jit3A_1682, %sign3A_1694 : i32
      %sign3A_1696 = arith.extui %sign3A_1695 : i1 to i32
      %sign3A_1697 = arith.subi %sign3A_1693, %sign3A_1696 : i32
      %ne3A_1698 = arith.cmpi ne, %sign3A_1690, %sign3A_1697 : i32
      %rem3A_1699 = arith.remsi %mul3A_763, %jit3A_1682 : i32
      %ne3A_1700 = arith.constant 0 : i32
      %ne3A_1701 = arith.cmpi ne, %rem3A_1699, %ne3A_1700 : i32
      %and3A_1702 = arith.andi %ne3A_1698, %ne3A_1701 : i1
      %sub3A_1703 = arith.constant 1 : i32
      %sub3A_1704 = arith.subi %div3A_1683, %sub3A_1703 : i32
      %select_n3A_1705 = arith.select %and3A_1702, %sub3A_1704, %div3A_1683 : i32
      %jit3A_1706 = arith.constant 25 : i32
      %eq3A_1707 = arith.constant 0 : i32
      %eq3A_1708 = arith.cmpi eq, %jit3A_1706, %eq3A_1707 : i32
      %jit3A_1709 = arith.constant 1 : i32
      %select_n3A_1710 = arith.select %eq3A_1708, %jit3A_1709, %jit3A_1706 : i32
      %rem3A_1711 = arith.remsi %mul3A_763, %select_n3A_1710 : i32
      %ne3A_1712 = arith.constant 0 : i32
      %ne3A_1713 = arith.cmpi ne, %rem3A_1711, %ne3A_1712 : i32
      %lt3A_1714 = arith.constant 0 : i32
      %lt3A_1715 = arith.cmpi slt, %rem3A_1711, %lt3A_1714 : i32
      %lt3A_1716 = arith.constant 0 : i32
      %lt3A_1717 = arith.cmpi slt, %select_n3A_1710, %lt3A_1716 : i32
      %ne3A_1718 = arith.xori %lt3A_1715, %lt3A_1717 : i1
      %and3A_1719 = arith.andi %ne3A_1718, %ne3A_1713 : i1
      %add3A_1720 = arith.addi %rem3A_1711, %select_n3A_1710 : i32
      %select_n3A_1721 = arith.select %and3A_1719, %add3A_1720, %rem3A_1711 : i32
      %mul3A_1722 = arith.constant 2 : i32
      %mul3A_1723 = arith.muli %select_n3A_1721, %mul3A_1722 : i32
      %mul3A_1724 = arith.constant 128 : i32
      %mul3A_1725 = arith.muli %select_n3A_1705, %mul3A_1724 : i32
      %add3A_1726 = arith.addi %mul3A_2, %mul3A_1725 : i32
      %dma_wait3A_1727 = arith.constant 0 : i32
      %dma_wait3A_1728 = tpu.memref_slice %arg4[%mul3A_1723, %dma_wait3A_1727, %add3A_1726] : memref<50x32x16384xf32, #tpu.memory_space<hbm>> -> memref<2x32x128xf32, #tpu.memory_space<hbm>>
      %dma_wait3A_1729 = arith.constant 0 : i32
      %dma_wait3A_1730 = tpu.memref_slice %arg4[%mul3A_1723, %dma_wait3A_1729, %add3A_1726] : memref<50x32x16384xf32, #tpu.memory_space<hbm>> -> memref<2x32x128xf32, #tpu.memory_space<hbm>>
      tpu.wait_dma2 semaphore(%arg16 : memref<!tpu.dma_semaphore, #tpu.memory_space<semaphore_mem>>) src(%arg12 : memref<2x32x128xf32, #tpu.memory_space<vmem>>) dst(%dma_wait3A_1730 : memref<2x32x128xf32, #tpu.memory_space<hbm>>)
      %scan3A_1731 = arith.constant 0 : i32
      %scan3A_1732 = arith.constant 0 : i32
      %scan3A_1733 = arith.constant 16 : i32
      %scan3A_1734 = arith.addi %scan3A_1732, %scan3A_1733 : i32
      %scan3A_1735 = arith.constant 1 : i32
      scf.for %scan3A_1893 = %scan3A_1732 to %scan3A_1734 step %scan3A_1735  : i32 {
        %jit3A_1894 = arith.constant 8 : i32
        %div3A_1895 = arith.divsi %scan3A_1893, %jit3A_1894 : i32
        %sign3A_1896 = arith.constant 0 : i32
        %sign3A_1897 = arith.cmpi sgt, %scan3A_1893, %sign3A_1896 : i32
        %sign3A_1898 = arith.extui %sign3A_1897 : i1 to i32
        %sign3A_1899 = arith.constant 0 : i32
        %sign3A_1900 = arith.cmpi slt, %scan3A_1893, %sign3A_1899 : i32
        %sign3A_1901 = arith.extui %sign3A_1900 : i1 to i32
        %sign3A_1902 = arith.subi %sign3A_1898, %sign3A_1901 : i32
        %sign3A_1903 = arith.constant 0 : i32
        %sign3A_1904 = arith.cmpi sgt, %jit3A_1894, %sign3A_1903 : i32
        %sign3A_1905 = arith.extui %sign3A_1904 : i1 to i32
        %sign3A_1906 = arith.constant 0 : i32
        %sign3A_1907 = arith.cmpi slt, %jit3A_1894, %sign3A_1906 : i32
        %sign3A_1908 = arith.extui %sign3A_1907 : i1 to i32
        %sign3A_1909 = arith.subi %sign3A_1905, %sign3A_1908 : i32
        %ne3A_1910 = arith.cmpi ne, %sign3A_1902, %sign3A_1909 : i32
        %rem3A_1911 = arith.remsi %scan3A_1893, %jit3A_1894 : i32
        %ne3A_1912 = arith.constant 0 : i32
        %ne3A_1913 = arith.cmpi ne, %rem3A_1911, %ne3A_1912 : i32
        %and3A_1914 = arith.andi %ne3A_1910, %ne3A_1913 : i1
        %sub3A_1915 = arith.constant 1 : i32
        %sub3A_1916 = arith.subi %div3A_1895, %sub3A_1915 : i32
        %select_n3A_1917 = arith.select %and3A_1914, %sub3A_1916, %div3A_1895 : i32
        %jit3A_1918 = arith.constant 8 : i32
        %eq3A_1919 = arith.constant 0 : i32
        %eq3A_1920 = arith.cmpi eq, %jit3A_1918, %eq3A_1919 : i32
        %jit3A_1921 = arith.constant 1 : i32
        %select_n3A_1922 = arith.select %eq3A_1920, %jit3A_1921, %jit3A_1918 : i32
        %rem3A_1923 = arith.remsi %scan3A_1893, %select_n3A_1922 : i32
        %ne3A_1924 = arith.constant 0 : i32
        %ne3A_1925 = arith.cmpi ne, %rem3A_1923, %ne3A_1924 : i32
        %lt3A_1926 = arith.constant 0 : i32
        %lt3A_1927 = arith.cmpi slt, %rem3A_1923, %lt3A_1926 : i32
        %lt3A_1928 = arith.constant 0 : i32
        %lt3A_1929 = arith.cmpi slt, %select_n3A_1922, %lt3A_1928 : i32
        %ne3A_1930 = arith.xori %lt3A_1927, %lt3A_1929 : i1
        %and3A_1931 = arith.andi %ne3A_1930, %ne3A_1925 : i1
        %add3A_1932 = arith.addi %rem3A_1923, %select_n3A_1922 : i32
        %select_n3A_1933 = arith.select %and3A_1931, %add3A_1932, %rem3A_1923 : i32
        %mul3A_1934 = arith.constant 128 : i32
        %mul3A_1935 = arith.muli %select_n3A_1917, %mul3A_1934 : i32
        %mul3A_1936 = arith.constant 16 : i32
        %mul3A_1937 = arith.muli %select_n3A_1933, %mul3A_1936 : i32
        %add3A_1938 = arith.addi %mul3A_1935, %mul3A_1937 : i32
        %add3A_1939 = vector.broadcast %add3A_1938 : i32 to vector<16xi32>
        %add3A_1940 = arith.addi %add3A_1939, %iota3A : vector<16xi32>
        %mul3A_1941 = arith.constant 16 : i32
        %mul3A_1942 = arith.muli %select_n3A_1933, %mul3A_1941 : i32
        %add3A_1943 = vector.broadcast %mul3A_1942 : i32 to vector<16xi32>
        %add3A_1944 = arith.addi %add3A_1943, %iota3A : vector<16xi32>
        %broadcast_in_dim3A_1945 = arith.constant 0 : i32
        %broadcast_in_dim3A_1946 = vector.broadcast %broadcast_in_dim3A_1945 : i32 to vector<16xi32>
        %add3A_1947 = vector.broadcast %select_n3A_1917 : i32 to vector<16xi32>
        %add3A_1948 = arith.addi %broadcast_in_dim3A_1946, %add3A_1947 : vector<16xi32>
        %mul3A_1949 = arith.constant 16 : i32
        %mul3A_1950 = arith.muli %scan3A_1893, %mul3A_1949 : i32
        %get3A = arith.index_cast %mul3A_1950 : i32 to index
        %get3A_1951 = tpu.vector_load %arg8[%get3A] {strides = array<i32>} : memref<256xi32, #tpu.memory_space<vmem>>, vector<16xi32>,
        %add3A_1952 = arith.constant 0 : i32
        %add3A_1953 = vector.broadcast %add3A_1952 : i32 to vector<16xi32>
        %add3A_1954 = arith.addi %add3A_1953, %iota3A : vector<16xi32>
        %and3A_1955 = arith.constant 31 : i32
        %and3A_1956 = vector.broadcast %and3A_1955 : i32 to vector<16xi32>
        %and3A_1957 = arith.andi %add3A_1954, %and3A_1956 : vector<16xi32>
        %add3A_1958 = arith.addi %get3A_1951, %and3A_1957 : vector<16xi32>
        %gather3A_1959 = tpu.vector_load_idx %arg10[%add3A_1940, %add3A_1958] : memref<256x128xf32, #tpu.memory_space<vmem>>[vector<16xi32>, vector<16xi32>], vector<16xf32>,
        tpu.vector_store_idx %arg12[%add3A_1948, %and3A_1957, %add3A_1944], %gather3A_1959 : memref<2x32x128xf32, #tpu.memory_space<vmem>>[vector<16xi32>, vector<16xi32>, vector<16xi32>], vector<16xf32>,
        %add3A_1960 = arith.constant 1 : i32
        %add3A_1961 = vector.broadcast %add3A_1960 : i32 to vector<16xi32>
        %add3A_1962 = arith.addi %add3A_1961, %iota3A : vector<16xi32>
        %and3A_1963 = arith.constant 31 : i32
        %and3A_1964 = vector.broadcast %and3A_1963 : i32 to vector<16xi32>
        %and3A_1965 = arith.andi %add3A_1962, %and3A_1964 : vector<16xi32>
        %add3A_1966 = arith.addi %get3A_1951, %and3A_1965 : vector<16xi32>
        %gather3A_1967 = tpu.vector_load_idx %arg10[%add3A_1940, %add3A_1966] : memref<256x128xf32, #tpu.memory_space<vmem>>[vector<16xi32>, vector<16xi32>], vector<16xf32>,
        tpu.vector_store_idx %arg12[%add3A_1948, %and3A_1965, %add3A_1944], %gather3A_1967 : memref<2x32x128xf32, #tpu.memory_space<vmem>>[vector<16xi32>, vector<16xi32>, vector<16xi32>], vector<16xf32>,
        %add3A_1968 = arith.constant 2 : i32
        %add3A_1969 = vector.broadcast %add3A_1968 : i32 to vector<16xi32>
        %add3A_1970 = arith.addi %add3A_1969, %iota3A : vector<16xi32>
        %and3A_1971 = arith.constant 31 : i32
        %and3A_1972 = vector.broadcast %and3A_1971 : i32 to vector<16xi32>
        %and3A_1973 = arith.andi %add3A_1970, %and3A_1972 : vector<16xi32>
        %add3A_1974 = arith.addi %get3A_1951, %and3A_1973 : vector<16xi32>
        %gather3A_1975 = tpu.vector_load_idx %arg10[%add3A_1940, %add3A_1974] : memref<256x128xf32, #tpu.memory_space<vmem>>[vector<16xi32>, vector<16xi32>], vector<16xf32>,
        tpu.vector_store_idx %arg12[%add3A_1948, %and3A_1973, %add3A_1944], %gather3A_1975 : memref<2x32x128xf32, #tpu.memory_space<vmem>>[vector<16xi32>, vector<16xi32>, vector<16xi32>], vector<16xf32>,
        %add3A_1976 = arith.constant 3 : i32
        %add3A_1977 = vector.broadcast %add3A_1976 : i32 to vector<16xi32>
        %add3A_1978 = arith.addi %add3A_1977, %iota3A : vector<16xi32>
        %and3A_1979 = arith.constant 31 : i32
        %and3A_1980 = vector.broadcast %and3A_1979 : i32 to vector<16xi32>
        %and3A_1981 = arith.andi %add3A_1978, %and3A_1980 : vector<16xi32>
        %add3A_1982 = arith.addi %get3A_1951, %and3A_1981 : vector<16xi32>
        %gather3A_1983 = tpu.vector_load_idx %arg10[%add3A_1940, %add3A_1982] : memref<256x128xf32, #tpu.memory_space<vmem>>[vector<16xi32>, vector<16xi32>], vector<16xf32>,
        tpu.vector_store_idx %arg12[%add3A_1948, %and3A_1981, %add3A_1944], %gather3A_1983 : memref<2x32x128xf32, #tpu.memory_space<vmem>>[vector<16xi32>, vector<16xi32>, vector<16xi32>], vector<16xf32>,
        %add3A_1984 = arith.constant 4 : i32
        %add3A_1985 = vector.broadcast %add3A_1984 : i32 to vector<16xi32>
        %add3A_1986 = arith.addi %add3A_1985, %iota3A : vector<16xi32>
        %and3A_1987 = arith.constant 31 : i32
        %and3A_1988 = vector.broadcast %and3A_1987 : i32 to vector<16xi32>
        %and3A_1989 = arith.andi %add3A_1986, %and3A_1988 : vector<16xi32>
        %add3A_1990 = arith.addi %get3A_1951, %and3A_1989 : vector<16xi32>
        %gather3A_1991 = tpu.vector_load_idx %arg10[%add3A_1940, %add3A_1990] : memref<256x128xf32, #tpu.memory_space<vmem>>[vector<16xi32>, vector<16xi32>], vector<16xf32>,
        tpu.vector_store_idx %arg12[%add3A_1948, %and3A_1989, %add3A_1944], %gather3A_1991 : memref<2x32x128xf32, #tpu.memory_space<vmem>>[vector<16xi32>, vector<16xi32>, vector<16xi32>], vector<16xf32>,
        %add3A_1992 = arith.constant 5 : i32
        %add3A_1993 = vector.broadcast %add3A_1992 : i32 to vector<16xi32>
        %add3A_1994 = arith.addi %add3A_1993, %iota3A : vector<16xi32>
        %and3A_1995 = arith.constant 31 : i32
        %and3A_1996 = vector.broadcast %and3A_1995 : i32 to vector<16xi32>
        %and3A_1997 = arith.andi %add3A_1994, %and3A_1996 : vector<16xi32>
        %add3A_1998 = arith.addi %get3A_1951, %and3A_1997 : vector<16xi32>
        %gather3A_1999 = tpu.vector_load_idx %arg10[%add3A_1940, %add3A_1998] : memref<256x128xf32, #tpu.memory_space<vmem>>[vector<16xi32>, vector<16xi32>], vector<16xf32>,
        tpu.vector_store_idx %arg12[%add3A_1948, %and3A_1997, %add3A_1944], %gather3A_1999 : memref<2x32x128xf32, #tpu.memory_space<vmem>>[vector<16xi32>, vector<16xi32>, vector<16xi32>], vector<16xf32>,
        %add3A_2000 = arith.constant 6 : i32
        %add3A_2001 = vector.broadcast %add3A_2000 : i32 to vector<16xi32>
        %add3A_2002 = arith.addi %add3A_2001, %iota3A : vector<16xi32>
        %and3A_2003 = arith.constant 31 : i32
        %and3A_2004 = vector.broadcast %and3A_2003 : i32 to vector<16xi32>
        %and3A_2005 = arith.andi %add3A_2002, %and3A_2004 : vector<16xi32>
        %add3A_2006 = arith.addi %get3A_1951, %and3A_2005 : vector<16xi32>
        %gather3A_2007 = tpu.vector_load_idx %arg10[%add3A_1940, %add3A_2006] : memref<256x128xf32, #tpu.memory_space<vmem>>[vector<16xi32>, vector<16xi32>], vector<16xf32>,
        tpu.vector_store_idx %arg12[%add3A_1948, %and3A_2005, %add3A_1944], %gather3A_2007 : memref<2x32x128xf32, #tpu.memory_space<vmem>>[vector<16xi32>, vector<16xi32>, vector<16xi32>], vector<16xf32>,
        %add3A_2008 = arith.constant 7 : i32
        %add3A_2009 = vector.broadcast %add3A_2008 : i32 to vector<16xi32>
        %add3A_2010 = arith.addi %add3A_2009, %iota3A : vector<16xi32>
        %and3A_2011 = arith.constant 31 : i32
        %and3A_2012 = vector.broadcast %and3A_2011 : i32 to vector<16xi32>
        %and3A_2013 = arith.andi %add3A_2010, %and3A_2012 : vector<16xi32>
        %add3A_2014 = arith.addi %get3A_1951, %and3A_2013 : vector<16xi32>
        %gather3A_2015 = tpu.vector_load_idx %arg10[%add3A_1940, %add3A_2014] : memref<256x128xf32, #tpu.memory_space<vmem>>[vector<16xi32>, vector<16xi32>], vector<16xf32>,
        tpu.vector_store_idx %arg12[%add3A_1948, %and3A_2013, %add3A_1944], %gather3A_2015 : memref<2x32x128xf32, #tpu.memory_space<vmem>>[vector<16xi32>, vector<16xi32>, vector<16xi32>], vector<16xf32>,
        %add3A_2016 = arith.constant 8 : i32
        %add3A_2017 = vector.broadcast %add3A_2016 : i32 to vector<16xi32>
        %add3A_2018 = arith.addi %add3A_2017, %iota3A : vector<16xi32>
        %and3A_2019 = arith.constant 31 : i32
        %and3A_2020 = vector.broadcast %and3A_2019 : i32 to vector<16xi32>
        %and3A_2021 = arith.andi %add3A_2018, %and3A_2020 : vector<16xi32>
        %add3A_2022 = arith.addi %get3A_1951, %and3A_2021 : vector<16xi32>
        %gather3A_2023 = tpu.vector_load_idx %arg10[%add3A_1940, %add3A_2022] : memref<256x128xf32, #tpu.memory_space<vmem>>[vector<16xi32>, vector<16xi32>], vector<16xf32>,
        tpu.vector_store_idx %arg12[%add3A_1948, %and3A_2021, %add3A_1944], %gather3A_2023 : memref<2x32x128xf32, #tpu.memory_space<vmem>>[vector<16xi32>, vector<16xi32>, vector<16xi32>], vector<16xf32>,
        %add3A_2024 = arith.constant 9 : i32
        %add3A_2025 = vector.broadcast %add3A_2024 : i32 to vector<16xi32>
        %add3A_2026 = arith.addi %add3A_2025, %iota3A : vector<16xi32>
        %and3A_2027 = arith.constant 31 : i32
        %and3A_2028 = vector.broadcast %and3A_2027 : i32 to vector<16xi32>
        %and3A_2029 = arith.andi %add3A_2026, %and3A_2028 : vector<16xi32>
        %add3A_2030 = arith.addi %get3A_1951, %and3A_2029 : vector<16xi32>
        %gather3A_2031 = tpu.vector_load_idx %arg10[%add3A_1940, %add3A_2030] : memref<256x128xf32, #tpu.memory_space<vmem>>[vector<16xi32>, vector<16xi32>], vector<16xf32>,
        tpu.vector_store_idx %arg12[%add3A_1948, %and3A_2029, %add3A_1944], %gather3A_2031 : memref<2x32x128xf32, #tpu.memory_space<vmem>>[vector<16xi32>, vector<16xi32>, vector<16xi32>], vector<16xf32>,
        %add3A_2032 = arith.constant 10 : i32
        %add3A_2033 = vector.broadcast %add3A_2032 : i32 to vector<16xi32>
        %add3A_2034 = arith.addi %add3A_2033, %iota3A : vector<16xi32>
        %and3A_2035 = arith.constant 31 : i32
        %and3A_2036 = vector.broadcast %and3A_2035 : i32 to vector<16xi32>
        %and3A_2037 = arith.andi %add3A_2034, %and3A_2036 : vector<16xi32>
        %add3A_2038 = arith.addi %get3A_1951, %and3A_2037 : vector<16xi32>
        %gather3A_2039 = tpu.vector_load_idx %arg10[%add3A_1940, %add3A_2038] : memref<256x128xf32, #tpu.memory_space<vmem>>[vector<16xi32>, vector<16xi32>], vector<16xf32>,
        tpu.vector_store_idx %arg12[%add3A_1948, %and3A_2037, %add3A_1944], %gather3A_2039 : memref<2x32x128xf32, #tpu.memory_space<vmem>>[vector<16xi32>, vector<16xi32>, vector<16xi32>], vector<16xf32>,
        %add3A_2040 = arith.constant 11 : i32
        %add3A_2041 = vector.broadcast %add3A_2040 : i32 to vector<16xi32>
        %add3A_2042 = arith.addi %add3A_2041, %iota3A : vector<16xi32>
        %and3A_2043 = arith.constant 31 : i32
        %and3A_2044 = vector.broadcast %and3A_2043 : i32 to vector<16xi32>
        %and3A_2045 = arith.andi %add3A_2042, %and3A_2044 : vector<16xi32>
        %add3A_2046 = arith.addi %get3A_1951, %and3A_2045 : vector<16xi32>
        %gather3A_2047 = tpu.vector_load_idx %arg10[%add3A_1940, %add3A_2046] : memref<256x128xf32, #tpu.memory_space<vmem>>[vector<16xi32>, vector<16xi32>], vector<16xf32>,
        tpu.vector_store_idx %arg12[%add3A_1948, %and3A_2045, %add3A_1944], %gather3A_2047 : memref<2x32x128xf32, #tpu.memory_space<vmem>>[vector<16xi32>, vector<16xi32>, vector<16xi32>], vector<16xf32>,
        %add3A_2048 = arith.constant 12 : i32
        %add3A_2049 = vector.broadcast %add3A_2048 : i32 to vector<16xi32>
        %add3A_2050 = arith.addi %add3A_2049, %iota3A : vector<16xi32>
        %and3A_2051 = arith.constant 31 : i32
        %and3A_2052 = vector.broadcast %and3A_2051 : i32 to vector<16xi32>
        %and3A_2053 = arith.andi %add3A_2050, %and3A_2052 : vector<16xi32>
        %add3A_2054 = arith.addi %get3A_1951, %and3A_2053 : vector<16xi32>
        %gather3A_2055 = tpu.vector_load_idx %arg10[%add3A_1940, %add3A_2054] : memref<256x128xf32, #tpu.memory_space<vmem>>[vector<16xi32>, vector<16xi32>], vector<16xf32>,
        tpu.vector_store_idx %arg12[%add3A_1948, %and3A_2053, %add3A_1944], %gather3A_2055 : memref<2x32x128xf32, #tpu.memory_space<vmem>>[vector<16xi32>, vector<16xi32>, vector<16xi32>], vector<16xf32>,
        %add3A_2056 = arith.constant 13 : i32
        %add3A_2057 = vector.broadcast %add3A_2056 : i32 to vector<16xi32>
        %add3A_2058 = arith.addi %add3A_2057, %iota3A : vector<16xi32>
        %and3A_2059 = arith.constant 31 : i32
        %and3A_2060 = vector.broadcast %and3A_2059 : i32 to vector<16xi32>
        %and3A_2061 = arith.andi %add3A_2058, %and3A_2060 : vector<16xi32>
        %add3A_2062 = arith.addi %get3A_1951, %and3A_2061 : vector<16xi32>
        %gather3A_2063 = tpu.vector_load_idx %arg10[%add3A_1940, %add3A_2062] : memref<256x128xf32, #tpu.memory_space<vmem>>[vector<16xi32>, vector<16xi32>], vector<16xf32>,
        tpu.vector_store_idx %arg12[%add3A_1948, %and3A_2061, %add3A_1944], %gather3A_2063 : memref<2x32x128xf32, #tpu.memory_space<vmem>>[vector<16xi32>, vector<16xi32>, vector<16xi32>], vector<16xf32>,
        %add3A_2064 = arith.constant 14 : i32
        %add3A_2065 = vector.broadcast %add3A_2064 : i32 to vector<16xi32>
        %add3A_2066 = arith.addi %add3A_2065, %iota3A : vector<16xi32>
        %and3A_2067 = arith.constant 31 : i32
        %and3A_2068 = vector.broadcast %and3A_2067 : i32 to vector<16xi32>
        %and3A_2069 = arith.andi %add3A_2066, %and3A_2068 : vector<16xi32>
        %add3A_2070 = arith.addi %get3A_1951, %and3A_2069 : vector<16xi32>
        %gather3A_2071 = tpu.vector_load_idx %arg10[%add3A_1940, %add3A_2070] : memref<256x128xf32, #tpu.memory_space<vmem>>[vector<16xi32>, vector<16xi32>], vector<16xf32>,
        tpu.vector_store_idx %arg12[%add3A_1948, %and3A_2069, %add3A_1944], %gather3A_2071 : memref<2x32x128xf32, #tpu.memory_space<vmem>>[vector<16xi32>, vector<16xi32>, vector<16xi32>], vector<16xf32>,
        %add3A_2072 = arith.constant 15 : i32
        %add3A_2073 = vector.broadcast %add3A_2072 : i32 to vector<16xi32>
        %add3A_2074 = arith.addi %add3A_2073, %iota3A : vector<16xi32>
        %and3A_2075 = arith.constant 31 : i32
        %and3A_2076 = vector.broadcast %and3A_2075 : i32 to vector<16xi32>
        %and3A_2077 = arith.andi %add3A_2074, %and3A_2076 : vector<16xi32>
        %add3A_2078 = arith.addi %get3A_1951, %and3A_2077 : vector<16xi32>
        %gather3A_2079 = tpu.vector_load_idx %arg10[%add3A_1940, %add3A_2078] : memref<256x128xf32, #tpu.memory_space<vmem>>[vector<16xi32>, vector<16xi32>], vector<16xf32>,
        tpu.vector_store_idx %arg12[%add3A_1948, %and3A_2077, %add3A_1944], %gather3A_2079 : memref<2x32x128xf32, #tpu.memory_space<vmem>>[vector<16xi32>, vector<16xi32>, vector<16xi32>], vector<16xf32>,
        %add3A_2080 = arith.constant 16 : i32
        %add3A_2081 = vector.broadcast %add3A_2080 : i32 to vector<16xi32>
        %add3A_2082 = arith.addi %add3A_2081, %iota3A : vector<16xi32>
        %and3A_2083 = arith.constant 31 : i32
        %and3A_2084 = vector.broadcast %and3A_2083 : i32 to vector<16xi32>
        %and3A_2085 = arith.andi %add3A_2082, %and3A_2084 : vector<16xi32>
        %add3A_2086 = arith.addi %get3A_1951, %and3A_2085 : vector<16xi32>
        %gather3A_2087 = tpu.vector_load_idx %arg10[%add3A_1940, %add3A_2086] : memref<256x128xf32, #tpu.memory_space<vmem>>[vector<16xi32>, vector<16xi32>], vector<16xf32>,
        tpu.vector_store_idx %arg12[%add3A_1948, %and3A_2085, %add3A_1944], %gather3A_2087 : memref<2x32x128xf32, #tpu.memory_space<vmem>>[vector<16xi32>, vector<16xi32>, vector<16xi32>], vector<16xf32>,
        %add3A_2088 = arith.constant 17 : i32
        %add3A_2089 = vector.broadcast %add3A_2088 : i32 to vector<16xi32>
        %add3A_2090 = arith.addi %add3A_2089, %iota3A : vector<16xi32>
        %and3A_2091 = arith.constant 31 : i32
        %and3A_2092 = vector.broadcast %and3A_2091 : i32 to vector<16xi32>
        %and3A_2093 = arith.andi %add3A_2090, %and3A_2092 : vector<16xi32>
        %add3A_2094 = arith.addi %get3A_1951, %and3A_2093 : vector<16xi32>
        %gather3A_2095 = tpu.vector_load_idx %arg10[%add3A_1940, %add3A_2094] : memref<256x128xf32, #tpu.memory_space<vmem>>[vector<16xi32>, vector<16xi32>], vector<16xf32>,
        tpu.vector_store_idx %arg12[%add3A_1948, %and3A_2093, %add3A_1944], %gather3A_2095 : memref<2x32x128xf32, #tpu.memory_space<vmem>>[vector<16xi32>, vector<16xi32>, vector<16xi32>], vector<16xf32>,
        %add3A_2096 = arith.constant 18 : i32
        %add3A_2097 = vector.broadcast %add3A_2096 : i32 to vector<16xi32>
        %add3A_2098 = arith.addi %add3A_2097, %iota3A : vector<16xi32>
        %and3A_2099 = arith.constant 31 : i32
        %and3A_2100 = vector.broadcast %and3A_2099 : i32 to vector<16xi32>
        %and3A_2101 = arith.andi %add3A_2098, %and3A_2100 : vector<16xi32>
        %add3A_2102 = arith.addi %get3A_1951, %and3A_2101 : vector<16xi32>
        %gather3A_2103 = tpu.vector_load_idx %arg10[%add3A_1940, %add3A_2102] : memref<256x128xf32, #tpu.memory_space<vmem>>[vector<16xi32>, vector<16xi32>], vector<16xf32>,
        tpu.vector_store_idx %arg12[%add3A_1948, %and3A_2101, %add3A_1944], %gather3A_2103 : memref<2x32x128xf32, #tpu.memory_space<vmem>>[vector<16xi32>, vector<16xi32>, vector<16xi32>], vector<16xf32>,
        %add3A_2104 = arith.constant 19 : i32
        %add3A_2105 = vector.broadcast %add3A_2104 : i32 to vector<16xi32>
        %add3A_2106 = arith.addi %add3A_2105, %iota3A : vector<16xi32>
        %and3A_2107 = arith.constant 31 : i32
        %and3A_2108 = vector.broadcast %and3A_2107 : i32 to vector<16xi32>
        %and3A_2109 = arith.andi %add3A_2106, %and3A_2108 : vector<16xi32>
        %add3A_2110 = arith.addi %get3A_1951, %and3A_2109 : vector<16xi32>
        %gather3A_2111 = tpu.vector_load_idx %arg10[%add3A_1940, %add3A_2110] : memref<256x128xf32, #tpu.memory_space<vmem>>[vector<16xi32>, vector<16xi32>], vector<16xf32>,
        tpu.vector_store_idx %arg12[%add3A_1948, %and3A_2109, %add3A_1944], %gather3A_2111 : memref<2x32x128xf32, #tpu.memory_space<vmem>>[vector<16xi32>, vector<16xi32>, vector<16xi32>], vector<16xf32>,
        %add3A_2112 = arith.constant 20 : i32
        %add3A_2113 = vector.broadcast %add3A_2112 : i32 to vector<16xi32>
        %add3A_2114 = arith.addi %add3A_2113, %iota3A : vector<16xi32>
        %and3A_2115 = arith.constant 31 : i32
        %and3A_2116 = vector.broadcast %and3A_2115 : i32 to vector<16xi32>
        %and3A_2117 = arith.andi %add3A_2114, %and3A_2116 : vector<16xi32>
        %add3A_2118 = arith.addi %get3A_1951, %and3A_2117 : vector<16xi32>
        %gather3A_2119 = tpu.vector_load_idx %arg10[%add3A_1940, %add3A_2118] : memref<256x128xf32, #tpu.memory_space<vmem>>[vector<16xi32>, vector<16xi32>], vector<16xf32>,
        tpu.vector_store_idx %arg12[%add3A_1948, %and3A_2117, %add3A_1944], %gather3A_2119 : memref<2x32x128xf32, #tpu.memory_space<vmem>>[vector<16xi32>, vector<16xi32>, vector<16xi32>], vector<16xf32>,
        %add3A_2120 = arith.constant 21 : i32
        %add3A_2121 = vector.broadcast %add3A_2120 : i32 to vector<16xi32>
        %add3A_2122 = arith.addi %add3A_2121, %iota3A : vector<16xi32>
        %and3A_2123 = arith.constant 31 : i32
        %and3A_2124 = vector.broadcast %and3A_2123 : i32 to vector<16xi32>
        %and3A_2125 = arith.andi %add3A_2122, %and3A_2124 : vector<16xi32>
        %add3A_2126 = arith.addi %get3A_1951, %and3A_2125 : vector<16xi32>
        %gather3A_2127 = tpu.vector_load_idx %arg10[%add3A_1940, %add3A_2126] : memref<256x128xf32, #tpu.memory_space<vmem>>[vector<16xi32>, vector<16xi32>], vector<16xf32>,
        tpu.vector_store_idx %arg12[%add3A_1948, %and3A_2125, %add3A_1944], %gather3A_2127 : memref<2x32x128xf32, #tpu.memory_space<vmem>>[vector<16xi32>, vector<16xi32>, vector<16xi32>], vector<16xf32>,
        %add3A_2128 = arith.constant 22 : i32
        %add3A_2129 = vector.broadcast %add3A_2128 : i32 to vector<16xi32>
        %add3A_2130 = arith.addi %add3A_2129, %iota3A : vector<16xi32>
        %and3A_2131 = arith.constant 31 : i32
        %and3A_2132 = vector.broadcast %and3A_2131 : i32 to vector<16xi32>
        %and3A_2133 = arith.andi %add3A_2130, %and3A_2132 : vector<16xi32>
        %add3A_2134 = arith.addi %get3A_1951, %and3A_2133 : vector<16xi32>
        %gather3A_2135 = tpu.vector_load_idx %arg10[%add3A_1940, %add3A_2134] : memref<256x128xf32, #tpu.memory_space<vmem>>[vector<16xi32>, vector<16xi32>], vector<16xf32>,
        tpu.vector_store_idx %arg12[%add3A_1948, %and3A_2133, %add3A_1944], %gather3A_2135 : memref<2x32x128xf32, #tpu.memory_space<vmem>>[vector<16xi32>, vector<16xi32>, vector<16xi32>], vector<16xf32>,
        %add3A_2136 = arith.constant 23 : i32
        %add3A_2137 = vector.broadcast %add3A_2136 : i32 to vector<16xi32>
        %add3A_2138 = arith.addi %add3A_2137, %iota3A : vector<16xi32>
        %and3A_2139 = arith.constant 31 : i32
        %and3A_2140 = vector.broadcast %and3A_2139 : i32 to vector<16xi32>
        %and3A_2141 = arith.andi %add3A_2138, %and3A_2140 : vector<16xi32>
        %add3A_2142 = arith.addi %get3A_1951, %and3A_2141 : vector<16xi32>
        %gather3A_2143 = tpu.vector_load_idx %arg10[%add3A_1940, %add3A_2142] : memref<256x128xf32, #tpu.memory_space<vmem>>[vector<16xi32>, vector<16xi32>], vector<16xf32>,
        tpu.vector_store_idx %arg12[%add3A_1948, %and3A_2141, %add3A_1944], %gather3A_2143 : memref<2x32x128xf32, #tpu.memory_space<vmem>>[vector<16xi32>, vector<16xi32>, vector<16xi32>], vector<16xf32>,
        %add3A_2144 = arith.constant 24 : i32
        %add3A_2145 = vector.broadcast %add3A_2144 : i32 to vector<16xi32>
        %add3A_2146 = arith.addi %add3A_2145, %iota3A : vector<16xi32>
        %and3A_2147 = arith.constant 31 : i32
        %and3A_2148 = vector.broadcast %and3A_2147 : i32 to vector<16xi32>
        %and3A_2149 = arith.andi %add3A_2146, %and3A_2148 : vector<16xi32>
        %add3A_2150 = arith.addi %get3A_1951, %and3A_2149 : vector<16xi32>
        %gather3A_2151 = tpu.vector_load_idx %arg10[%add3A_1940, %add3A_2150] : memref<256x128xf32, #tpu.memory_space<vmem>>[vector<16xi32>, vector<16xi32>], vector<16xf32>,
        tpu.vector_store_idx %arg12[%add3A_1948, %and3A_2149, %add3A_1944], %gather3A_2151 : memref<2x32x128xf32, #tpu.memory_space<vmem>>[vector<16xi32>, vector<16xi32>, vector<16xi32>], vector<16xf32>,
        %add3A_2152 = arith.constant 25 : i32
        %add3A_2153 = vector.broadcast %add3A_2152 : i32 to vector<16xi32>
        %add3A_2154 = arith.addi %add3A_2153, %iota3A : vector<16xi32>
        %and3A_2155 = arith.constant 31 : i32
        %and3A_2156 = vector.broadcast %and3A_2155 : i32 to vector<16xi32>
        %and3A_2157 = arith.andi %add3A_2154, %and3A_2156 : vector<16xi32>
        %add3A_2158 = arith.addi %get3A_1951, %and3A_2157 : vector<16xi32>
        %gather3A_2159 = tpu.vector_load_idx %arg10[%add3A_1940, %add3A_2158] : memref<256x128xf32, #tpu.memory_space<vmem>>[vector<16xi32>, vector<16xi32>], vector<16xf32>,
        tpu.vector_store_idx %arg12[%add3A_1948, %and3A_2157, %add3A_1944], %gather3A_2159 : memref<2x32x128xf32, #tpu.memory_space<vmem>>[vector<16xi32>, vector<16xi32>, vector<16xi32>], vector<16xf32>,
        %add3A_2160 = arith.constant 26 : i32
        %add3A_2161 = vector.broadcast %add3A_2160 : i32 to vector<16xi32>
        %add3A_2162 = arith.addi %add3A_2161, %iota3A : vector<16xi32>
        %and3A_2163 = arith.constant 31 : i32
        %and3A_2164 = vector.broadcast %and3A_2163 : i32 to vector<16xi32>
        %and3A_2165 = arith.andi %add3A_2162, %and3A_2164 : vector<16xi32>
        %add3A_2166 = arith.addi %get3A_1951, %and3A_2165 : vector<16xi32>
        %gather3A_2167 = tpu.vector_load_idx %arg10[%add3A_1940, %add3A_2166] : memref<256x128xf32, #tpu.memory_space<vmem>>[vector<16xi32>, vector<16xi32>], vector<16xf32>,
        tpu.vector_store_idx %arg12[%add3A_1948, %and3A_2165, %add3A_1944], %gather3A_2167 : memref<2x32x128xf32, #tpu.memory_space<vmem>>[vector<16xi32>, vector<16xi32>, vector<16xi32>], vector<16xf32>,
        %add3A_2168 = arith.constant 27 : i32
        %add3A_2169 = vector.broadcast %add3A_2168 : i32 to vector<16xi32>
        %add3A_2170 = arith.addi %add3A_2169, %iota3A : vector<16xi32>
        %and3A_2171 = arith.constant 31 : i32
        %and3A_2172 = vector.broadcast %and3A_2171 : i32 to vector<16xi32>
        %and3A_2173 = arith.andi %add3A_2170, %and3A_2172 : vector<16xi32>
        %add3A_2174 = arith.addi %get3A_1951, %and3A_2173 : vector<16xi32>
        %gather3A_2175 = tpu.vector_load_idx %arg10[%add3A_1940, %add3A_2174] : memref<256x128xf32, #tpu.memory_space<vmem>>[vector<16xi32>, vector<16xi32>], vector<16xf32>,
        tpu.vector_store_idx %arg12[%add3A_1948, %and3A_2173, %add3A_1944], %gather3A_2175 : memref<2x32x128xf32, #tpu.memory_space<vmem>>[vector<16xi32>, vector<16xi32>, vector<16xi32>], vector<16xf32>,
        %add3A_2176 = arith.constant 28 : i32
        %add3A_2177 = vector.broadcast %add3A_2176 : i32 to vector<16xi32>
        %add3A_2178 = arith.addi %add3A_2177, %iota3A : vector<16xi32>
        %and3A_2179 = arith.constant 31 : i32
        %and3A_2180 = vector.broadcast %and3A_2179 : i32 to vector<16xi32>
        %and3A_2181 = arith.andi %add3A_2178, %and3A_2180 : vector<16xi32>
        %add3A_2182 = arith.addi %get3A_1951, %and3A_2181 : vector<16xi32>
        %gather3A_2183 = tpu.vector_load_idx %arg10[%add3A_1940, %add3A_2182] : memref<256x128xf32, #tpu.memory_space<vmem>>[vector<16xi32>, vector<16xi32>], vector<16xf32>,
        tpu.vector_store_idx %arg12[%add3A_1948, %and3A_2181, %add3A_1944], %gather3A_2183 : memref<2x32x128xf32, #tpu.memory_space<vmem>>[vector<16xi32>, vector<16xi32>, vector<16xi32>], vector<16xf32>,
        %add3A_2184 = arith.constant 29 : i32
        %add3A_2185 = vector.broadcast %add3A_2184 : i32 to vector<16xi32>
        %add3A_2186 = arith.addi %add3A_2185, %iota3A : vector<16xi32>
        %and3A_2187 = arith.constant 31 : i32
        %and3A_2188 = vector.broadcast %and3A_2187 : i32 to vector<16xi32>
        %and3A_2189 = arith.andi %add3A_2186, %and3A_2188 : vector<16xi32>
        %add3A_2190 = arith.addi %get3A_1951, %and3A_2189 : vector<16xi32>
        %gather3A_2191 = tpu.vector_load_idx %arg10[%add3A_1940, %add3A_2190] : memref<256x128xf32, #tpu.memory_space<vmem>>[vector<16xi32>, vector<16xi32>], vector<16xf32>,
        tpu.vector_store_idx %arg12[%add3A_1948, %and3A_2189, %add3A_1944], %gather3A_2191 : memref<2x32x128xf32, #tpu.memory_space<vmem>>[vector<16xi32>, vector<16xi32>, vector<16xi32>], vector<16xf32>,
        %add3A_2192 = arith.constant 30 : i32
        %add3A_2193 = vector.broadcast %add3A_2192 : i32 to vector<16xi32>
        %add3A_2194 = arith.addi %add3A_2193, %iota3A : vector<16xi32>
        %and3A_2195 = arith.constant 31 : i32
        %and3A_2196 = vector.broadcast %and3A_2195 : i32 to vector<16xi32>
        %and3A_2197 = arith.andi %add3A_2194, %and3A_2196 : vector<16xi32>
        %add3A_2198 = arith.addi %get3A_1951, %and3A_2197 : vector<16xi32>
        %gather3A_2199 = tpu.vector_load_idx %arg10[%add3A_1940, %add3A_2198] : memref<256x128xf32, #tpu.memory_space<vmem>>[vector<16xi32>, vector<16xi32>], vector<16xf32>,
        tpu.vector_store_idx %arg12[%add3A_1948, %and3A_2197, %add3A_1944], %gather3A_2199 : memref<2x32x128xf32, #tpu.memory_space<vmem>>[vector<16xi32>, vector<16xi32>, vector<16xi32>], vector<16xf32>,
        %add3A_2200 = arith.constant 31 : i32
        %add3A_2201 = vector.broadcast %add3A_2200 : i32 to vector<16xi32>
        %add3A_2202 = arith.addi %add3A_2201, %iota3A : vector<16xi32>
        %and3A_2203 = arith.constant 31 : i32
        %and3A_2204 = vector.broadcast %and3A_2203 : i32 to vector<16xi32>
        %and3A_2205 = arith.andi %add3A_2202, %and3A_2204 : vector<16xi32>
        %add3A_2206 = arith.addi %get3A_1951, %and3A_2205 : vector<16xi32>
        %gather3A_2207 = tpu.vector_load_idx %arg10[%add3A_1940, %add3A_2206] : memref<256x128xf32, #tpu.memory_space<vmem>>[vector<16xi32>, vector<16xi32>], vector<16xf32>,
        tpu.vector_store_idx %arg12[%add3A_1948, %and3A_2205, %add3A_1944], %gather3A_2207 : memref<2x32x128xf32, #tpu.memory_space<vmem>>[vector<16xi32>, vector<16xi32>, vector<16xi32>], vector<16xf32>,
      }
      %scan3A_1736 = arith.constant 16 : i32
      %jit3A_1737 = arith.constant 25 : i32
      %div3A_1738 = arith.divsi %mul3A_763, %jit3A_1737 : i32
      %sign3A_1739 = arith.constant 0 : i32
      %sign3A_1740 = arith.cmpi sgt, %mul3A_763, %sign3A_1739 : i32
      %sign3A_1741 = arith.extui %sign3A_1740 : i1 to i32
      %sign3A_1742 = arith.constant 0 : i32
      %sign3A_1743 = arith.cmpi slt, %mul3A_763, %sign3A_1742 : i32
      %sign3A_1744 = arith.extui %sign3A_1743 : i1 to i32
      %sign3A_1745 = arith.subi %sign3A_1741, %sign3A_1744 : i32
      %sign3A_1746 = arith.constant 0 : i32
      %sign3A_1747 = arith.cmpi sgt, %jit3A_1737, %sign3A_1746 : i32
      %sign3A_1748 = arith.extui %sign3A_1747 : i1 to i32
      %sign3A_1749 = arith.constant 0 : i32
      %sign3A_1750 = arith.cmpi slt, %jit3A_1737, %sign3A_1749 : i32
      %sign3A_1751 = arith.extui %sign3A_1750 : i1 to i32
      %sign3A_1752 = arith.subi %sign3A_1748, %sign3A_1751 : i32
      %ne3A_1753 = arith.cmpi ne, %sign3A_1745, %sign3A_1752 : i32
      %rem3A_1754 = arith.remsi %mul3A_763, %jit3A_1737 : i32
      %ne3A_1755 = arith.constant 0 : i32
      %ne3A_1756 = arith.cmpi ne, %rem3A_1754, %ne3A_1755 : i32
      %and3A_1757 = arith.andi %ne3A_1753, %ne3A_1756 : i1
      %sub3A_1758 = arith.constant 1 : i32
      %sub3A_1759 = arith.subi %div3A_1738, %sub3A_1758 : i32
      %select_n3A_1760 = arith.select %and3A_1757, %sub3A_1759, %div3A_1738 : i32
      %jit3A_1761 = arith.constant 25 : i32
      %eq3A_1762 = arith.constant 0 : i32
      %eq3A_1763 = arith.cmpi eq, %jit3A_1761, %eq3A_1762 : i32
      %jit3A_1764 = arith.constant 1 : i32
      %select_n3A_1765 = arith.select %eq3A_1763, %jit3A_1764, %jit3A_1761 : i32
      %rem3A_1766 = arith.remsi %mul3A_763, %select_n3A_1765 : i32
      %ne3A_1767 = arith.constant 0 : i32
      %ne3A_1768 = arith.cmpi ne, %rem3A_1766, %ne3A_1767 : i32
      %lt3A_1769 = arith.constant 0 : i32
      %lt3A_1770 = arith.cmpi slt, %rem3A_1766, %lt3A_1769 : i32
      %lt3A_1771 = arith.constant 0 : i32
      %lt3A_1772 = arith.cmpi slt, %select_n3A_1765, %lt3A_1771 : i32
      %ne3A_1773 = arith.xori %lt3A_1770, %lt3A_1772 : i1
      %and3A_1774 = arith.andi %ne3A_1773, %ne3A_1768 : i1
      %add3A_1775 = arith.addi %rem3A_1766, %select_n3A_1765 : i32
      %select_n3A_1776 = arith.select %and3A_1774, %add3A_1775, %rem3A_1766 : i32
      %mul3A_1777 = arith.constant 2 : i32
      %mul3A_1778 = arith.muli %select_n3A_1776, %mul3A_1777 : i32
      %mul3A_1779 = arith.constant 128 : i32
      %mul3A_1780 = arith.muli %select_n3A_1760, %mul3A_1779 : i32
      %add3A_1781 = arith.addi %mul3A_2, %mul3A_1780 : i32
      %dma_start3A_1782 = arith.constant 0 : i32
      %dma_start3A_1783 = tpu.memref_slice %arg4[%mul3A_1778, %dma_start3A_1782, %add3A_1781] : memref<50x32x16384xf32, #tpu.memory_space<hbm>> -> memref<2x32x128xf32, #tpu.memory_space<hbm>>
      %dma_start3A_1784 = arith.constant 0 : i32
      %dma_start3A_1785 = tpu.memref_slice %arg4[%mul3A_1778, %dma_start3A_1784, %add3A_1781] : memref<50x32x16384xf32, #tpu.memory_space<hbm>> -> memref<2x32x128xf32, #tpu.memory_space<hbm>>
      tpu.enqueue_dma source(%arg12 : memref<2x32x128xf32, #tpu.memory_space<vmem>>) target(%dma_start3A_1785 : memref<2x32x128xf32, #tpu.memory_space<hbm>>) target_semaphore(%arg16 : memref<!tpu.dma_semaphore, #tpu.memory_space<semaphore_mem>>)
      %dma_wait3A_1786 = arith.constant 0 : i32
      %dma_wait3A_1787 = arith.constant 0 : i32
      %dma_wait3A_1788 = tpu.memref_slice %arg2[%dma_wait3A_1786, %dma_wait3A_1787] : memref<250000x128xf32, #tpu.memory_space<hbm>> -> memref<250000x128xf32, #tpu.memory_space<hbm>>
      tpu.wait_indirect_dma semaphore(%arg15 : memref<!tpu.dma_semaphore, #tpu.memory_space<semaphore_mem>>) src(%dma_wait3A_1788 : memref<250000x128xf32, #tpu.memory_space<hbm>>) dst(%arg11 : memref<256x128xf32, #tpu.memory_space<vmem>>)
      %jit3A_1789 = arith.constant 25 : i32
      %div3A_1790 = arith.divsi %add3A_765, %jit3A_1789 : i32
      %sign3A_1791 = arith.constant 0 : i32
      %sign3A_1792 = arith.cmpi sgt, %add3A_765, %sign3A_1791 : i32
      %sign3A_1793 = arith.extui %sign3A_1792 : i1 to i32
      %sign3A_1794 = arith.constant 0 : i32
      %sign3A_1795 = arith.cmpi slt, %add3A_765, %sign3A_1794 : i32
      %sign3A_1796 = arith.extui %sign3A_1795 : i1 to i32
      %sign3A_1797 = arith.subi %sign3A_1793, %sign3A_1796 : i32
      %sign3A_1798 = arith.constant 0 : i32
      %sign3A_1799 = arith.cmpi sgt, %jit3A_1789, %sign3A_1798 : i32
      %sign3A_1800 = arith.extui %sign3A_1799 : i1 to i32
      %sign3A_1801 = arith.constant 0 : i32
      %sign3A_1802 = arith.cmpi slt, %jit3A_1789, %sign3A_1801 : i32
      %sign3A_1803 = arith.extui %sign3A_1802 : i1 to i32
      %sign3A_1804 = arith.subi %sign3A_1800, %sign3A_1803 : i32
      %ne3A_1805 = arith.cmpi ne, %sign3A_1797, %sign3A_1804 : i32
      %rem3A_1806 = arith.remsi %add3A_765, %jit3A_1789 : i32
      %ne3A_1807 = arith.constant 0 : i32
      %ne3A_1808 = arith.cmpi ne, %rem3A_1806, %ne3A_1807 : i32
      %and3A_1809 = arith.andi %ne3A_1805, %ne3A_1808 : i1
      %sub3A_1810 = arith.constant 1 : i32
      %sub3A_1811 = arith.subi %div3A_1790, %sub3A_1810 : i32
      %select_n3A_1812 = arith.select %and3A_1809, %sub3A_1811, %div3A_1790 : i32
      %jit3A_1813 = arith.constant 25 : i32
      %eq3A_1814 = arith.constant 0 : i32
      %eq3A_1815 = arith.cmpi eq, %jit3A_1813, %eq3A_1814 : i32
      %jit3A_1816 = arith.constant 1 : i32
      %select_n3A_1817 = arith.select %eq3A_1815, %jit3A_1816, %jit3A_1813 : i32
      %rem3A_1818 = arith.remsi %add3A_765, %select_n3A_1817 : i32
      %ne3A_1819 = arith.constant 0 : i32
      %ne3A_1820 = arith.cmpi ne, %rem3A_1818, %ne3A_1819 : i32
      %lt3A_1821 = arith.constant 0 : i32
      %lt3A_1822 = arith.cmpi slt, %rem3A_1818, %lt3A_1821 : i32
      %lt3A_1823 = arith.constant 0 : i32
      %lt3A_1824 = arith.cmpi slt, %select_n3A_1817, %lt3A_1823 : i32
      %ne3A_1825 = arith.xori %lt3A_1822, %lt3A_1824 : i1
      %and3A_1826 = arith.andi %ne3A_1825, %ne3A_1820 : i1
      %add3A_1827 = arith.addi %rem3A_1818, %select_n3A_1817 : i32
      %select_n3A_1828 = arith.select %and3A_1826, %add3A_1827, %rem3A_1818 : i32
      %mul3A_1829 = arith.constant 2 : i32
      %mul3A_1830 = arith.muli %select_n3A_1828, %mul3A_1829 : i32
      %mul3A_1831 = arith.constant 128 : i32
      %mul3A_1832 = arith.muli %select_n3A_1812, %mul3A_1831 : i32
      %add3A_1833 = arith.addi %mul3A_2, %mul3A_1832 : i32
      %dma_wait3A_1834 = arith.constant 0 : i32
      %dma_wait3A_1835 = tpu.memref_slice %arg4[%mul3A_1830, %dma_wait3A_1834, %add3A_1833] : memref<50x32x16384xf32, #tpu.memory_space<hbm>> -> memref<2x32x128xf32, #tpu.memory_space<hbm>>
      %dma_wait3A_1836 = arith.constant 0 : i32
      %dma_wait3A_1837 = tpu.memref_slice %arg4[%mul3A_1830, %dma_wait3A_1836, %add3A_1833] : memref<50x32x16384xf32, #tpu.memory_space<hbm>> -> memref<2x32x128xf32, #tpu.memory_space<hbm>>
      tpu.wait_dma2 semaphore(%arg17 : memref<!tpu.dma_semaphore, #tpu.memory_space<semaphore_mem>>) src(%arg13 : memref<2x32x128xf32, #tpu.memory_space<vmem>>) dst(%dma_wait3A_1837 : memref<2x32x128xf32, #tpu.memory_space<hbm>>)
      %scan3A_1838 = arith.constant 0 : i32
      %scan3A_1839 = arith.constant 0 : i32
      %scan3A_1840 = arith.constant 16 : i32
      %scan3A_1841 = arith.addi %scan3A_1839, %scan3A_1840 : i32
      %scan3A_1842 = arith.constant 1 : i32
      scf.for %scan3A_1893 = %scan3A_1839 to %scan3A_1841 step %scan3A_1842  : i32 {
        %jit3A_1894 = arith.constant 8 : i32
        %div3A_1895 = arith.divsi %scan3A_1893, %jit3A_1894 : i32
        %sign3A_1896 = arith.constant 0 : i32
        %sign3A_1897 = arith.cmpi sgt, %scan3A_1893, %sign3A_1896 : i32
        %sign3A_1898 = arith.extui %sign3A_1897 : i1 to i32
        %sign3A_1899 = arith.constant 0 : i32
        %sign3A_1900 = arith.cmpi slt, %scan3A_1893, %sign3A_1899 : i32
        %sign3A_1901 = arith.extui %sign3A_1900 : i1 to i32
        %sign3A_1902 = arith.subi %sign3A_1898, %sign3A_1901 : i32
        %sign3A_1903 = arith.constant 0 : i32
        %sign3A_1904 = arith.cmpi sgt, %jit3A_1894, %sign3A_1903 : i32
        %sign3A_1905 = arith.extui %sign3A_1904 : i1 to i32
        %sign3A_1906 = arith.constant 0 : i32
        %sign3A_1907 = arith.cmpi slt, %jit3A_1894, %sign3A_1906 : i32
        %sign3A_1908 = arith.extui %sign3A_1907 : i1 to i32
        %sign3A_1909 = arith.subi %sign3A_1905, %sign3A_1908 : i32
        %ne3A_1910 = arith.cmpi ne, %sign3A_1902, %sign3A_1909 : i32
        %rem3A_1911 = arith.remsi %scan3A_1893, %jit3A_1894 : i32
        %ne3A_1912 = arith.constant 0 : i32
        %ne3A_1913 = arith.cmpi ne, %rem3A_1911, %ne3A_1912 : i32
        %and3A_1914 = arith.andi %ne3A_1910, %ne3A_1913 : i1
        %sub3A_1915 = arith.constant 1 : i32
        %sub3A_1916 = arith.subi %div3A_1895, %sub3A_1915 : i32
        %select_n3A_1917 = arith.select %and3A_1914, %sub3A_1916, %div3A_1895 : i32
        %jit3A_1918 = arith.constant 8 : i32
        %eq3A_1919 = arith.constant 0 : i32
        %eq3A_1920 = arith.cmpi eq, %jit3A_1918, %eq3A_1919 : i32
        %jit3A_1921 = arith.constant 1 : i32
        %select_n3A_1922 = arith.select %eq3A_1920, %jit3A_1921, %jit3A_1918 : i32
        %rem3A_1923 = arith.remsi %scan3A_1893, %select_n3A_1922 : i32
        %ne3A_1924 = arith.constant 0 : i32
        %ne3A_1925 = arith.cmpi ne, %rem3A_1923, %ne3A_1924 : i32
        %lt3A_1926 = arith.constant 0 : i32
        %lt3A_1927 = arith.cmpi slt, %rem3A_1923, %lt3A_1926 : i32
        %lt3A_1928 = arith.constant 0 : i32
        %lt3A_1929 = arith.cmpi slt, %select_n3A_1922, %lt3A_1928 : i32
        %ne3A_1930 = arith.xori %lt3A_1927, %lt3A_1929 : i1
        %and3A_1931 = arith.andi %ne3A_1930, %ne3A_1925 : i1
        %add3A_1932 = arith.addi %rem3A_1923, %select_n3A_1922 : i32
        %select_n3A_1933 = arith.select %and3A_1931, %add3A_1932, %rem3A_1923 : i32
        %mul3A_1934 = arith.constant 128 : i32
        %mul3A_1935 = arith.muli %select_n3A_1917, %mul3A_1934 : i32
        %mul3A_1936 = arith.constant 16 : i32
        %mul3A_1937 = arith.muli %select_n3A_1933, %mul3A_1936 : i32
        %add3A_1938 = arith.addi %mul3A_1935, %mul3A_1937 : i32
        %add3A_1939 = vector.broadcast %add3A_1938 : i32 to vector<16xi32>
        %add3A_1940 = arith.addi %add3A_1939, %iota3A : vector<16xi32>
        %mul3A_1941 = arith.constant 16 : i32
        %mul3A_1942 = arith.muli %select_n3A_1933, %mul3A_1941 : i32
        %add3A_1943 = vector.broadcast %mul3A_1942 : i32 to vector<16xi32>
        %add3A_1944 = arith.addi %add3A_1943, %iota3A : vector<16xi32>
        %broadcast_in_dim3A_1945 = arith.constant 0 : i32
        %broadcast_in_dim3A_1946 = vector.broadcast %broadcast_in_dim3A_1945 : i32 to vector<16xi32>
        %add3A_1947 = vector.broadcast %select_n3A_1917 : i32 to vector<16xi32>
        %add3A_1948 = arith.addi %broadcast_in_dim3A_1946, %add3A_1947 : vector<16xi32>
        %mul3A_1949 = arith.constant 16 : i32
        %mul3A_1950 = arith.muli %scan3A_1893, %mul3A_1949 : i32
        %get3A = arith.index_cast %mul3A_1950 : i32 to index
        %get3A_1951 = tpu.vector_load %arg9[%get3A] {strides = array<i32>} : memref<256xi32, #tpu.memory_space<vmem>>, vector<16xi32>,
        %add3A_1952 = arith.constant 0 : i32
        %add3A_1953 = vector.broadcast %add3A_1952 : i32 to vector<16xi32>
        %add3A_1954 = arith.addi %add3A_1953, %iota3A : vector<16xi32>
        %and3A_1955 = arith.constant 31 : i32
        %and3A_1956 = vector.broadcast %and3A_1955 : i32 to vector<16xi32>
        %and3A_1957 = arith.andi %add3A_1954, %and3A_1956 : vector<16xi32>
        %add3A_1958 = arith.addi %get3A_1951, %and3A_1957 : vector<16xi32>
        %gather3A_1959 = tpu.vector_load_idx %arg11[%add3A_1940, %add3A_1958] : memref<256x128xf32, #tpu.memory_space<vmem>>[vector<16xi32>, vector<16xi32>], vector<16xf32>,
        tpu.vector_store_idx %arg13[%add3A_1948, %and3A_1957, %add3A_1944], %gather3A_1959 : memref<2x32x128xf32, #tpu.memory_space<vmem>>[vector<16xi32>, vector<16xi32>, vector<16xi32>], vector<16xf32>,
        %add3A_1960 = arith.constant 1 : i32
        %add3A_1961 = vector.broadcast %add3A_1960 : i32 to vector<16xi32>
        %add3A_1962 = arith.addi %add3A_1961, %iota3A : vector<16xi32>
        %and3A_1963 = arith.constant 31 : i32
        %and3A_1964 = vector.broadcast %and3A_1963 : i32 to vector<16xi32>
        %and3A_1965 = arith.andi %add3A_1962, %and3A_1964 : vector<16xi32>
        %add3A_1966 = arith.addi %get3A_1951, %and3A_1965 : vector<16xi32>
        %gather3A_1967 = tpu.vector_load_idx %arg11[%add3A_1940, %add3A_1966] : memref<256x128xf32, #tpu.memory_space<vmem>>[vector<16xi32>, vector<16xi32>], vector<16xf32>,
        tpu.vector_store_idx %arg13[%add3A_1948, %and3A_1965, %add3A_1944], %gather3A_1967 : memref<2x32x128xf32, #tpu.memory_space<vmem>>[vector<16xi32>, vector<16xi32>, vector<16xi32>], vector<16xf32>,
        %add3A_1968 = arith.constant 2 : i32
        %add3A_1969 = vector.broadcast %add3A_1968 : i32 to vector<16xi32>
        %add3A_1970 = arith.addi %add3A_1969, %iota3A : vector<16xi32>
        %and3A_1971 = arith.constant 31 : i32
        %and3A_1972 = vector.broadcast %and3A_1971 : i32 to vector<16xi32>
        %and3A_1973 = arith.andi %add3A_1970, %and3A_1972 : vector<16xi32>
        %add3A_1974 = arith.addi %get3A_1951, %and3A_1973 : vector<16xi32>
        %gather3A_1975 = tpu.vector_load_idx %arg11[%add3A_1940, %add3A_1974] : memref<256x128xf32, #tpu.memory_space<vmem>>[vector<16xi32>, vector<16xi32>], vector<16xf32>,
        tpu.vector_store_idx %arg13[%add3A_1948, %and3A_1973, %add3A_1944], %gather3A_1975 : memref<2x32x128xf32, #tpu.memory_space<vmem>>[vector<16xi32>, vector<16xi32>, vector<16xi32>], vector<16xf32>,
        %add3A_1976 = arith.constant 3 : i32
        %add3A_1977 = vector.broadcast %add3A_1976 : i32 to vector<16xi32>
        %add3A_1978 = arith.addi %add3A_1977, %iota3A : vector<16xi32>
        %and3A_1979 = arith.constant 31 : i32
        %and3A_1980 = vector.broadcast %and3A_1979 : i32 to vector<16xi32>
        %and3A_1981 = arith.andi %add3A_1978, %and3A_1980 : vector<16xi32>
        %add3A_1982 = arith.addi %get3A_1951, %and3A_1981 : vector<16xi32>
        %gather3A_1983 = tpu.vector_load_idx %arg11[%add3A_1940, %add3A_1982] : memref<256x128xf32, #tpu.memory_space<vmem>>[vector<16xi32>, vector<16xi32>], vector<16xf32>,
        tpu.vector_store_idx %arg13[%add3A_1948, %and3A_1981, %add3A_1944], %gather3A_1983 : memref<2x32x128xf32, #tpu.memory_space<vmem>>[vector<16xi32>, vector<16xi32>, vector<16xi32>], vector<16xf32>,
        %add3A_1984 = arith.constant 4 : i32
        %add3A_1985 = vector.broadcast %add3A_1984 : i32 to vector<16xi32>
        %add3A_1986 = arith.addi %add3A_1985, %iota3A : vector<16xi32>
        %and3A_1987 = arith.constant 31 : i32
        %and3A_1988 = vector.broadcast %and3A_1987 : i32 to vector<16xi32>
        %and3A_1989 = arith.andi %add3A_1986, %and3A_1988 : vector<16xi32>
        %add3A_1990 = arith.addi %get3A_1951, %and3A_1989 : vector<16xi32>
        %gather3A_1991 = tpu.vector_load_idx %arg11[%add3A_1940, %add3A_1990] : memref<256x128xf32, #tpu.memory_space<vmem>>[vector<16xi32>, vector<16xi32>], vector<16xf32>,
        tpu.vector_store_idx %arg13[%add3A_1948, %and3A_1989, %add3A_1944], %gather3A_1991 : memref<2x32x128xf32, #tpu.memory_space<vmem>>[vector<16xi32>, vector<16xi32>, vector<16xi32>], vector<16xf32>,
        %add3A_1992 = arith.constant 5 : i32
        %add3A_1993 = vector.broadcast %add3A_1992 : i32 to vector<16xi32>
        %add3A_1994 = arith.addi %add3A_1993, %iota3A : vector<16xi32>
        %and3A_1995 = arith.constant 31 : i32
        %and3A_1996 = vector.broadcast %and3A_1995 : i32 to vector<16xi32>
        %and3A_1997 = arith.andi %add3A_1994, %and3A_1996 : vector<16xi32>
        %add3A_1998 = arith.addi %get3A_1951, %and3A_1997 : vector<16xi32>
        %gather3A_1999 = tpu.vector_load_idx %arg11[%add3A_1940, %add3A_1998] : memref<256x128xf32, #tpu.memory_space<vmem>>[vector<16xi32>, vector<16xi32>], vector<16xf32>,
        tpu.vector_store_idx %arg13[%add3A_1948, %and3A_1997, %add3A_1944], %gather3A_1999 : memref<2x32x128xf32, #tpu.memory_space<vmem>>[vector<16xi32>, vector<16xi32>, vector<16xi32>], vector<16xf32>,
        %add3A_2000 = arith.constant 6 : i32
        %add3A_2001 = vector.broadcast %add3A_2000 : i32 to vector<16xi32>
        %add3A_2002 = arith.addi %add3A_2001, %iota3A : vector<16xi32>
        %and3A_2003 = arith.constant 31 : i32
        %and3A_2004 = vector.broadcast %and3A_2003 : i32 to vector<16xi32>
        %and3A_2005 = arith.andi %add3A_2002, %and3A_2004 : vector<16xi32>
        %add3A_2006 = arith.addi %get3A_1951, %and3A_2005 : vector<16xi32>
        %gather3A_2007 = tpu.vector_load_idx %arg11[%add3A_1940, %add3A_2006] : memref<256x128xf32, #tpu.memory_space<vmem>>[vector<16xi32>, vector<16xi32>], vector<16xf32>,
        tpu.vector_store_idx %arg13[%add3A_1948, %and3A_2005, %add3A_1944], %gather3A_2007 : memref<2x32x128xf32, #tpu.memory_space<vmem>>[vector<16xi32>, vector<16xi32>, vector<16xi32>], vector<16xf32>,
        %add3A_2008 = arith.constant 7 : i32
        %add3A_2009 = vector.broadcast %add3A_2008 : i32 to vector<16xi32>
        %add3A_2010 = arith.addi %add3A_2009, %iota3A : vector<16xi32>
        %and3A_2011 = arith.constant 31 : i32
        %and3A_2012 = vector.broadcast %and3A_2011 : i32 to vector<16xi32>
        %and3A_2013 = arith.andi %add3A_2010, %and3A_2012 : vector<16xi32>
        %add3A_2014 = arith.addi %get3A_1951, %and3A_2013 : vector<16xi32>
        %gather3A_2015 = tpu.vector_load_idx %arg11[%add3A_1940, %add3A_2014] : memref<256x128xf32, #tpu.memory_space<vmem>>[vector<16xi32>, vector<16xi32>], vector<16xf32>,
        tpu.vector_store_idx %arg13[%add3A_1948, %and3A_2013, %add3A_1944], %gather3A_2015 : memref<2x32x128xf32, #tpu.memory_space<vmem>>[vector<16xi32>, vector<16xi32>, vector<16xi32>], vector<16xf32>,
        %add3A_2016 = arith.constant 8 : i32
        %add3A_2017 = vector.broadcast %add3A_2016 : i32 to vector<16xi32>
        %add3A_2018 = arith.addi %add3A_2017, %iota3A : vector<16xi32>
        %and3A_2019 = arith.constant 31 : i32
        %and3A_2020 = vector.broadcast %and3A_2019 : i32 to vector<16xi32>
        %and3A_2021 = arith.andi %add3A_2018, %and3A_2020 : vector<16xi32>
        %add3A_2022 = arith.addi %get3A_1951, %and3A_2021 : vector<16xi32>
        %gather3A_2023 = tpu.vector_load_idx %arg11[%add3A_1940, %add3A_2022] : memref<256x128xf32, #tpu.memory_space<vmem>>[vector<16xi32>, vector<16xi32>], vector<16xf32>,
        tpu.vector_store_idx %arg13[%add3A_1948, %and3A_2021, %add3A_1944], %gather3A_2023 : memref<2x32x128xf32, #tpu.memory_space<vmem>>[vector<16xi32>, vector<16xi32>, vector<16xi32>], vector<16xf32>,
        %add3A_2024 = arith.constant 9 : i32
        %add3A_2025 = vector.broadcast %add3A_2024 : i32 to vector<16xi32>
        %add3A_2026 = arith.addi %add3A_2025, %iota3A : vector<16xi32>
        %and3A_2027 = arith.constant 31 : i32
        %and3A_2028 = vector.broadcast %and3A_2027 : i32 to vector<16xi32>
        %and3A_2029 = arith.andi %add3A_2026, %and3A_2028 : vector<16xi32>
        %add3A_2030 = arith.addi %get3A_1951, %and3A_2029 : vector<16xi32>
        %gather3A_2031 = tpu.vector_load_idx %arg11[%add3A_1940, %add3A_2030] : memref<256x128xf32, #tpu.memory_space<vmem>>[vector<16xi32>, vector<16xi32>], vector<16xf32>,
        tpu.vector_store_idx %arg13[%add3A_1948, %and3A_2029, %add3A_1944], %gather3A_2031 : memref<2x32x128xf32, #tpu.memory_space<vmem>>[vector<16xi32>, vector<16xi32>, vector<16xi32>], vector<16xf32>,
        %add3A_2032 = arith.constant 10 : i32
        %add3A_2033 = vector.broadcast %add3A_2032 : i32 to vector<16xi32>
        %add3A_2034 = arith.addi %add3A_2033, %iota3A : vector<16xi32>
        %and3A_2035 = arith.constant 31 : i32
        %and3A_2036 = vector.broadcast %and3A_2035 : i32 to vector<16xi32>
        %and3A_2037 = arith.andi %add3A_2034, %and3A_2036 : vector<16xi32>
        %add3A_2038 = arith.addi %get3A_1951, %and3A_2037 : vector<16xi32>
        %gather3A_2039 = tpu.vector_load_idx %arg11[%add3A_1940, %add3A_2038] : memref<256x128xf32, #tpu.memory_space<vmem>>[vector<16xi32>, vector<16xi32>], vector<16xf32>,
        tpu.vector_store_idx %arg13[%add3A_1948, %and3A_2037, %add3A_1944], %gather3A_2039 : memref<2x32x128xf32, #tpu.memory_space<vmem>>[vector<16xi32>, vector<16xi32>, vector<16xi32>], vector<16xf32>,
        %add3A_2040 = arith.constant 11 : i32
        %add3A_2041 = vector.broadcast %add3A_2040 : i32 to vector<16xi32>
        %add3A_2042 = arith.addi %add3A_2041, %iota3A : vector<16xi32>
        %and3A_2043 = arith.constant 31 : i32
        %and3A_2044 = vector.broadcast %and3A_2043 : i32 to vector<16xi32>
        %and3A_2045 = arith.andi %add3A_2042, %and3A_2044 : vector<16xi32>
        %add3A_2046 = arith.addi %get3A_1951, %and3A_2045 : vector<16xi32>
        %gather3A_2047 = tpu.vector_load_idx %arg11[%add3A_1940, %add3A_2046] : memref<256x128xf32, #tpu.memory_space<vmem>>[vector<16xi32>, vector<16xi32>], vector<16xf32>,
        tpu.vector_store_idx %arg13[%add3A_1948, %and3A_2045, %add3A_1944], %gather3A_2047 : memref<2x32x128xf32, #tpu.memory_space<vmem>>[vector<16xi32>, vector<16xi32>, vector<16xi32>], vector<16xf32>,
        %add3A_2048 = arith.constant 12 : i32
        %add3A_2049 = vector.broadcast %add3A_2048 : i32 to vector<16xi32>
        %add3A_2050 = arith.addi %add3A_2049, %iota3A : vector<16xi32>
        %and3A_2051 = arith.constant 31 : i32
        %and3A_2052 = vector.broadcast %and3A_2051 : i32 to vector<16xi32>
        %and3A_2053 = arith.andi %add3A_2050, %and3A_2052 : vector<16xi32>
        %add3A_2054 = arith.addi %get3A_1951, %and3A_2053 : vector<16xi32>
        %gather3A_2055 = tpu.vector_load_idx %arg11[%add3A_1940, %add3A_2054] : memref<256x128xf32, #tpu.memory_space<vmem>>[vector<16xi32>, vector<16xi32>], vector<16xf32>,
        tpu.vector_store_idx %arg13[%add3A_1948, %and3A_2053, %add3A_1944], %gather3A_2055 : memref<2x32x128xf32, #tpu.memory_space<vmem>>[vector<16xi32>, vector<16xi32>, vector<16xi32>], vector<16xf32>,
        %add3A_2056 = arith.constant 13 : i32
        %add3A_2057 = vector.broadcast %add3A_2056 : i32 to vector<16xi32>
        %add3A_2058 = arith.addi %add3A_2057, %iota3A : vector<16xi32>
        %and3A_2059 = arith.constant 31 : i32
        %and3A_2060 = vector.broadcast %and3A_2059 : i32 to vector<16xi32>
        %and3A_2061 = arith.andi %add3A_2058, %and3A_2060 : vector<16xi32>
        %add3A_2062 = arith.addi %get3A_1951, %and3A_2061 : vector<16xi32>
        %gather3A_2063 = tpu.vector_load_idx %arg11[%add3A_1940, %add3A_2062] : memref<256x128xf32, #tpu.memory_space<vmem>>[vector<16xi32>, vector<16xi32>], vector<16xf32>,
        tpu.vector_store_idx %arg13[%add3A_1948, %and3A_2061, %add3A_1944], %gather3A_2063 : memref<2x32x128xf32, #tpu.memory_space<vmem>>[vector<16xi32>, vector<16xi32>, vector<16xi32>], vector<16xf32>,
        %add3A_2064 = arith.constant 14 : i32
        %add3A_2065 = vector.broadcast %add3A_2064 : i32 to vector<16xi32>
        %add3A_2066 = arith.addi %add3A_2065, %iota3A : vector<16xi32>
        %and3A_2067 = arith.constant 31 : i32
        %and3A_2068 = vector.broadcast %and3A_2067 : i32 to vector<16xi32>
        %and3A_2069 = arith.andi %add3A_2066, %and3A_2068 : vector<16xi32>
        %add3A_2070 = arith.addi %get3A_1951, %and3A_2069 : vector<16xi32>
        %gather3A_2071 = tpu.vector_load_idx %arg11[%add3A_1940, %add3A_2070] : memref<256x128xf32, #tpu.memory_space<vmem>>[vector<16xi32>, vector<16xi32>], vector<16xf32>,
        tpu.vector_store_idx %arg13[%add3A_1948, %and3A_2069, %add3A_1944], %gather3A_2071 : memref<2x32x128xf32, #tpu.memory_space<vmem>>[vector<16xi32>, vector<16xi32>, vector<16xi32>], vector<16xf32>,
        %add3A_2072 = arith.constant 15 : i32
        %add3A_2073 = vector.broadcast %add3A_2072 : i32 to vector<16xi32>
        %add3A_2074 = arith.addi %add3A_2073, %iota3A : vector<16xi32>
        %and3A_2075 = arith.constant 31 : i32
        %and3A_2076 = vector.broadcast %and3A_2075 : i32 to vector<16xi32>
        %and3A_2077 = arith.andi %add3A_2074, %and3A_2076 : vector<16xi32>
        %add3A_2078 = arith.addi %get3A_1951, %and3A_2077 : vector<16xi32>
        %gather3A_2079 = tpu.vector_load_idx %arg11[%add3A_1940, %add3A_2078] : memref<256x128xf32, #tpu.memory_space<vmem>>[vector<16xi32>, vector<16xi32>], vector<16xf32>,
        tpu.vector_store_idx %arg13[%add3A_1948, %and3A_2077, %add3A_1944], %gather3A_2079 : memref<2x32x128xf32, #tpu.memory_space<vmem>>[vector<16xi32>, vector<16xi32>, vector<16xi32>], vector<16xf32>,
        %add3A_2080 = arith.constant 16 : i32
        %add3A_2081 = vector.broadcast %add3A_2080 : i32 to vector<16xi32>
        %add3A_2082 = arith.addi %add3A_2081, %iota3A : vector<16xi32>
        %and3A_2083 = arith.constant 31 : i32
        %and3A_2084 = vector.broadcast %and3A_2083 : i32 to vector<16xi32>
        %and3A_2085 = arith.andi %add3A_2082, %and3A_2084 : vector<16xi32>
        %add3A_2086 = arith.addi %get3A_1951, %and3A_2085 : vector<16xi32>
        %gather3A_2087 = tpu.vector_load_idx %arg11[%add3A_1940, %add3A_2086] : memref<256x128xf32, #tpu.memory_space<vmem>>[vector<16xi32>, vector<16xi32>], vector<16xf32>,
        tpu.vector_store_idx %arg13[%add3A_1948, %and3A_2085, %add3A_1944], %gather3A_2087 : memref<2x32x128xf32, #tpu.memory_space<vmem>>[vector<16xi32>, vector<16xi32>, vector<16xi32>], vector<16xf32>,
        %add3A_2088 = arith.constant 17 : i32
        %add3A_2089 = vector.broadcast %add3A_2088 : i32 to vector<16xi32>
        %add3A_2090 = arith.addi %add3A_2089, %iota3A : vector<16xi32>
        %and3A_2091 = arith.constant 31 : i32
        %and3A_2092 = vector.broadcast %and3A_2091 : i32 to vector<16xi32>
        %and3A_2093 = arith.andi %add3A_2090, %and3A_2092 : vector<16xi32>
        %add3A_2094 = arith.addi %get3A_1951, %and3A_2093 : vector<16xi32>
        %gather3A_2095 = tpu.vector_load_idx %arg11[%add3A_1940, %add3A_2094] : memref<256x128xf32, #tpu.memory_space<vmem>>[vector<16xi32>, vector<16xi32>], vector<16xf32>,
        tpu.vector_store_idx %arg13[%add3A_1948, %and3A_2093, %add3A_1944], %gather3A_2095 : memref<2x32x128xf32, #tpu.memory_space<vmem>>[vector<16xi32>, vector<16xi32>, vector<16xi32>], vector<16xf32>,
        %add3A_2096 = arith.constant 18 : i32
        %add3A_2097 = vector.broadcast %add3A_2096 : i32 to vector<16xi32>
        %add3A_2098 = arith.addi %add3A_2097, %iota3A : vector<16xi32>
        %and3A_2099 = arith.constant 31 : i32
        %and3A_2100 = vector.broadcast %and3A_2099 : i32 to vector<16xi32>
        %and3A_2101 = arith.andi %add3A_2098, %and3A_2100 : vector<16xi32>
        %add3A_2102 = arith.addi %get3A_1951, %and3A_2101 : vector<16xi32>
        %gather3A_2103 = tpu.vector_load_idx %arg11[%add3A_1940, %add3A_2102] : memref<256x128xf32, #tpu.memory_space<vmem>>[vector<16xi32>, vector<16xi32>], vector<16xf32>,
        tpu.vector_store_idx %arg13[%add3A_1948, %and3A_2101, %add3A_1944], %gather3A_2103 : memref<2x32x128xf32, #tpu.memory_space<vmem>>[vector<16xi32>, vector<16xi32>, vector<16xi32>], vector<16xf32>,
        %add3A_2104 = arith.constant 19 : i32
        %add3A_2105 = vector.broadcast %add3A_2104 : i32 to vector<16xi32>
        %add3A_2106 = arith.addi %add3A_2105, %iota3A : vector<16xi32>
        %and3A_2107 = arith.constant 31 : i32
        %and3A_2108 = vector.broadcast %and3A_2107 : i32 to vector<16xi32>
        %and3A_2109 = arith.andi %add3A_2106, %and3A_2108 : vector<16xi32>
        %add3A_2110 = arith.addi %get3A_1951, %and3A_2109 : vector<16xi32>
        %gather3A_2111 = tpu.vector_load_idx %arg11[%add3A_1940, %add3A_2110] : memref<256x128xf32, #tpu.memory_space<vmem>>[vector<16xi32>, vector<16xi32>], vector<16xf32>,
        tpu.vector_store_idx %arg13[%add3A_1948, %and3A_2109, %add3A_1944], %gather3A_2111 : memref<2x32x128xf32, #tpu.memory_space<vmem>>[vector<16xi32>, vector<16xi32>, vector<16xi32>], vector<16xf32>,
        %add3A_2112 = arith.constant 20 : i32
        %add3A_2113 = vector.broadcast %add3A_2112 : i32 to vector<16xi32>
        %add3A_2114 = arith.addi %add3A_2113, %iota3A : vector<16xi32>
        %and3A_2115 = arith.constant 31 : i32
        %and3A_2116 = vector.broadcast %and3A_2115 : i32 to vector<16xi32>
        %and3A_2117 = arith.andi %add3A_2114, %and3A_2116 : vector<16xi32>
        %add3A_2118 = arith.addi %get3A_1951, %and3A_2117 : vector<16xi32>
        %gather3A_2119 = tpu.vector_load_idx %arg11[%add3A_1940, %add3A_2118] : memref<256x128xf32, #tpu.memory_space<vmem>>[vector<16xi32>, vector<16xi32>], vector<16xf32>,
        tpu.vector_store_idx %arg13[%add3A_1948, %and3A_2117, %add3A_1944], %gather3A_2119 : memref<2x32x128xf32, #tpu.memory_space<vmem>>[vector<16xi32>, vector<16xi32>, vector<16xi32>], vector<16xf32>,
        %add3A_2120 = arith.constant 21 : i32
        %add3A_2121 = vector.broadcast %add3A_2120 : i32 to vector<16xi32>
        %add3A_2122 = arith.addi %add3A_2121, %iota3A : vector<16xi32>
        %and3A_2123 = arith.constant 31 : i32
        %and3A_2124 = vector.broadcast %and3A_2123 : i32 to vector<16xi32>
        %and3A_2125 = arith.andi %add3A_2122, %and3A_2124 : vector<16xi32>
        %add3A_2126 = arith.addi %get3A_1951, %and3A_2125 : vector<16xi32>
        %gather3A_2127 = tpu.vector_load_idx %arg11[%add3A_1940, %add3A_2126] : memref<256x128xf32, #tpu.memory_space<vmem>>[vector<16xi32>, vector<16xi32>], vector<16xf32>,
        tpu.vector_store_idx %arg13[%add3A_1948, %and3A_2125, %add3A_1944], %gather3A_2127 : memref<2x32x128xf32, #tpu.memory_space<vmem>>[vector<16xi32>, vector<16xi32>, vector<16xi32>], vector<16xf32>,
        %add3A_2128 = arith.constant 22 : i32
        %add3A_2129 = vector.broadcast %add3A_2128 : i32 to vector<16xi32>
        %add3A_2130 = arith.addi %add3A_2129, %iota3A : vector<16xi32>
        %and3A_2131 = arith.constant 31 : i32
        %and3A_2132 = vector.broadcast %and3A_2131 : i32 to vector<16xi32>
        %and3A_2133 = arith.andi %add3A_2130, %and3A_2132 : vector<16xi32>
        %add3A_2134 = arith.addi %get3A_1951, %and3A_2133 : vector<16xi32>
        %gather3A_2135 = tpu.vector_load_idx %arg11[%add3A_1940, %add3A_2134] : memref<256x128xf32, #tpu.memory_space<vmem>>[vector<16xi32>, vector<16xi32>], vector<16xf32>,
        tpu.vector_store_idx %arg13[%add3A_1948, %and3A_2133, %add3A_1944], %gather3A_2135 : memref<2x32x128xf32, #tpu.memory_space<vmem>>[vector<16xi32>, vector<16xi32>, vector<16xi32>], vector<16xf32>,
        %add3A_2136 = arith.constant 23 : i32
        %add3A_2137 = vector.broadcast %add3A_2136 : i32 to vector<16xi32>
        %add3A_2138 = arith.addi %add3A_2137, %iota3A : vector<16xi32>
        %and3A_2139 = arith.constant 31 : i32
        %and3A_2140 = vector.broadcast %and3A_2139 : i32 to vector<16xi32>
        %and3A_2141 = arith.andi %add3A_2138, %and3A_2140 : vector<16xi32>
        %add3A_2142 = arith.addi %get3A_1951, %and3A_2141 : vector<16xi32>
        %gather3A_2143 = tpu.vector_load_idx %arg11[%add3A_1940, %add3A_2142] : memref<256x128xf32, #tpu.memory_space<vmem>>[vector<16xi32>, vector<16xi32>], vector<16xf32>,
        tpu.vector_store_idx %arg13[%add3A_1948, %and3A_2141, %add3A_1944], %gather3A_2143 : memref<2x32x128xf32, #tpu.memory_space<vmem>>[vector<16xi32>, vector<16xi32>, vector<16xi32>], vector<16xf32>,
        %add3A_2144 = arith.constant 24 : i32
        %add3A_2145 = vector.broadcast %add3A_2144 : i32 to vector<16xi32>
        %add3A_2146 = arith.addi %add3A_2145, %iota3A : vector<16xi32>
        %and3A_2147 = arith.constant 31 : i32
        %and3A_2148 = vector.broadcast %and3A_2147 : i32 to vector<16xi32>
        %and3A_2149 = arith.andi %add3A_2146, %and3A_2148 : vector<16xi32>
        %add3A_2150 = arith.addi %get3A_1951, %and3A_2149 : vector<16xi32>
        %gather3A_2151 = tpu.vector_load_idx %arg11[%add3A_1940, %add3A_2150] : memref<256x128xf32, #tpu.memory_space<vmem>>[vector<16xi32>, vector<16xi32>], vector<16xf32>,
        tpu.vector_store_idx %arg13[%add3A_1948, %and3A_2149, %add3A_1944], %gather3A_2151 : memref<2x32x128xf32, #tpu.memory_space<vmem>>[vector<16xi32>, vector<16xi32>, vector<16xi32>], vector<16xf32>,
        %add3A_2152 = arith.constant 25 : i32
        %add3A_2153 = vector.broadcast %add3A_2152 : i32 to vector<16xi32>
        %add3A_2154 = arith.addi %add3A_2153, %iota3A : vector<16xi32>
        %and3A_2155 = arith.constant 31 : i32
        %and3A_2156 = vector.broadcast %and3A_2155 : i32 to vector<16xi32>
        %and3A_2157 = arith.andi %add3A_2154, %and3A_2156 : vector<16xi32>
        %add3A_2158 = arith.addi %get3A_1951, %and3A_2157 : vector<16xi32>
        %gather3A_2159 = tpu.vector_load_idx %arg11[%add3A_1940, %add3A_2158] : memref<256x128xf32, #tpu.memory_space<vmem>>[vector<16xi32>, vector<16xi32>], vector<16xf32>,
        tpu.vector_store_idx %arg13[%add3A_1948, %and3A_2157, %add3A_1944], %gather3A_2159 : memref<2x32x128xf32, #tpu.memory_space<vmem>>[vector<16xi32>, vector<16xi32>, vector<16xi32>], vector<16xf32>,
        %add3A_2160 = arith.constant 26 : i32
        %add3A_2161 = vector.broadcast %add3A_2160 : i32 to vector<16xi32>
        %add3A_2162 = arith.addi %add3A_2161, %iota3A : vector<16xi32>
        %and3A_2163 = arith.constant 31 : i32
        %and3A_2164 = vector.broadcast %and3A_2163 : i32 to vector<16xi32>
        %and3A_2165 = arith.andi %add3A_2162, %and3A_2164 : vector<16xi32>
        %add3A_2166 = arith.addi %get3A_1951, %and3A_2165 : vector<16xi32>
        %gather3A_2167 = tpu.vector_load_idx %arg11[%add3A_1940, %add3A_2166] : memref<256x128xf32, #tpu.memory_space<vmem>>[vector<16xi32>, vector<16xi32>], vector<16xf32>,
        tpu.vector_store_idx %arg13[%add3A_1948, %and3A_2165, %add3A_1944], %gather3A_2167 : memref<2x32x128xf32, #tpu.memory_space<vmem>>[vector<16xi32>, vector<16xi32>, vector<16xi32>], vector<16xf32>,
        %add3A_2168 = arith.constant 27 : i32
        %add3A_2169 = vector.broadcast %add3A_2168 : i32 to vector<16xi32>
        %add3A_2170 = arith.addi %add3A_2169, %iota3A : vector<16xi32>
        %and3A_2171 = arith.constant 31 : i32
        %and3A_2172 = vector.broadcast %and3A_2171 : i32 to vector<16xi32>
        %and3A_2173 = arith.andi %add3A_2170, %and3A_2172 : vector<16xi32>
        %add3A_2174 = arith.addi %get3A_1951, %and3A_2173 : vector<16xi32>
        %gather3A_2175 = tpu.vector_load_idx %arg11[%add3A_1940, %add3A_2174] : memref<256x128xf32, #tpu.memory_space<vmem>>[vector<16xi32>, vector<16xi32>], vector<16xf32>,
        tpu.vector_store_idx %arg13[%add3A_1948, %and3A_2173, %add3A_1944], %gather3A_2175 : memref<2x32x128xf32, #tpu.memory_space<vmem>>[vector<16xi32>, vector<16xi32>, vector<16xi32>], vector<16xf32>,
        %add3A_2176 = arith.constant 28 : i32
        %add3A_2177 = vector.broadcast %add3A_2176 : i32 to vector<16xi32>
        %add3A_2178 = arith.addi %add3A_2177, %iota3A : vector<16xi32>
        %and3A_2179 = arith.constant 31 : i32
        %and3A_2180 = vector.broadcast %and3A_2179 : i32 to vector<16xi32>
        %and3A_2181 = arith.andi %add3A_2178, %and3A_2180 : vector<16xi32>
        %add3A_2182 = arith.addi %get3A_1951, %and3A_2181 : vector<16xi32>
        %gather3A_2183 = tpu.vector_load_idx %arg11[%add3A_1940, %add3A_2182] : memref<256x128xf32, #tpu.memory_space<vmem>>[vector<16xi32>, vector<16xi32>], vector<16xf32>,
        tpu.vector_store_idx %arg13[%add3A_1948, %and3A_2181, %add3A_1944], %gather3A_2183 : memref<2x32x128xf32, #tpu.memory_space<vmem>>[vector<16xi32>, vector<16xi32>, vector<16xi32>], vector<16xf32>,
        %add3A_2184 = arith.constant 29 : i32
        %add3A_2185 = vector.broadcast %add3A_2184 : i32 to vector<16xi32>
        %add3A_2186 = arith.addi %add3A_2185, %iota3A : vector<16xi32>
        %and3A_2187 = arith.constant 31 : i32
        %and3A_2188 = vector.broadcast %and3A_2187 : i32 to vector<16xi32>
        %and3A_2189 = arith.andi %add3A_2186, %and3A_2188 : vector<16xi32>
        %add3A_2190 = arith.addi %get3A_1951, %and3A_2189 : vector<16xi32>
        %gather3A_2191 = tpu.vector_load_idx %arg11[%add3A_1940, %add3A_2190] : memref<256x128xf32, #tpu.memory_space<vmem>>[vector<16xi32>, vector<16xi32>], vector<16xf32>,
        tpu.vector_store_idx %arg13[%add3A_1948, %and3A_2189, %add3A_1944], %gather3A_2191 : memref<2x32x128xf32, #tpu.memory_space<vmem>>[vector<16xi32>, vector<16xi32>, vector<16xi32>], vector<16xf32>,
        %add3A_2192 = arith.constant 30 : i32
        %add3A_2193 = vector.broadcast %add3A_2192 : i32 to vector<16xi32>
        %add3A_2194 = arith.addi %add3A_2193, %iota3A : vector<16xi32>
        %and3A_2195 = arith.constant 31 : i32
        %and3A_2196 = vector.broadcast %and3A_2195 : i32 to vector<16xi32>
        %and3A_2197 = arith.andi %add3A_2194, %and3A_2196 : vector<16xi32>
        %add3A_2198 = arith.addi %get3A_1951, %and3A_2197 : vector<16xi32>
        %gather3A_2199 = tpu.vector_load_idx %arg11[%add3A_1940, %add3A_2198] : memref<256x128xf32, #tpu.memory_space<vmem>>[vector<16xi32>, vector<16xi32>], vector<16xf32>,
        tpu.vector_store_idx %arg13[%add3A_1948, %and3A_2197, %add3A_1944], %gather3A_2199 : memref<2x32x128xf32, #tpu.memory_space<vmem>>[vector<16xi32>, vector<16xi32>, vector<16xi32>], vector<16xf32>,
        %add3A_2200 = arith.constant 31 : i32
        %add3A_2201 = vector.broadcast %add3A_2200 : i32 to vector<16xi32>
        %add3A_2202 = arith.addi %add3A_2201, %iota3A : vector<16xi32>
        %and3A_2203 = arith.constant 31 : i32
        %and3A_2204 = vector.broadcast %and3A_2203 : i32 to vector<16xi32>
        %and3A_2205 = arith.andi %add3A_2202, %and3A_2204 : vector<16xi32>
        %add3A_2206 = arith.addi %get3A_1951, %and3A_2205 : vector<16xi32>
        %gather3A_2207 = tpu.vector_load_idx %arg11[%add3A_1940, %add3A_2206] : memref<256x128xf32, #tpu.memory_space<vmem>>[vector<16xi32>, vector<16xi32>], vector<16xf32>,
        tpu.vector_store_idx %arg13[%add3A_1948, %and3A_2205, %add3A_1944], %gather3A_2207 : memref<2x32x128xf32, #tpu.memory_space<vmem>>[vector<16xi32>, vector<16xi32>, vector<16xi32>], vector<16xf32>,
      }
      %scan3A_1843 = arith.constant 16 : i32
      %jit3A_1844 = arith.constant 25 : i32
      %div3A_1845 = arith.divsi %add3A_765, %jit3A_1844 : i32
      %sign3A_1846 = arith.constant 0 : i32
      %sign3A_1847 = arith.cmpi sgt, %add3A_765, %sign3A_1846 : i32
      %sign3A_1848 = arith.extui %sign3A_1847 : i1 to i32
      %sign3A_1849 = arith.constant 0 : i32
      %sign3A_1850 = arith.cmpi slt, %add3A_765, %sign3A_1849 : i32
      %sign3A_1851 = arith.extui %sign3A_1850 : i1 to i32
      %sign3A_1852 = arith.subi %sign3A_1848, %sign3A_1851 : i32
      %sign3A_1853 = arith.constant 0 : i32
      %sign3A_1854 = arith.cmpi sgt, %jit3A_1844, %sign3A_1853 : i32
      %sign3A_1855 = arith.extui %sign3A_1854 : i1 to i32
      %sign3A_1856 = arith.constant 0 : i32
      %sign3A_1857 = arith.cmpi slt, %jit3A_1844, %sign3A_1856 : i32
      %sign3A_1858 = arith.extui %sign3A_1857 : i1 to i32
      %sign3A_1859 = arith.subi %sign3A_1855, %sign3A_1858 : i32
      %ne3A_1860 = arith.cmpi ne, %sign3A_1852, %sign3A_1859 : i32
      %rem3A_1861 = arith.remsi %add3A_765, %jit3A_1844 : i32
      %ne3A_1862 = arith.constant 0 : i32
      %ne3A_1863 = arith.cmpi ne, %rem3A_1861, %ne3A_1862 : i32
      %and3A_1864 = arith.andi %ne3A_1860, %ne3A_1863 : i1
      %sub3A_1865 = arith.constant 1 : i32
      %sub3A_1866 = arith.subi %div3A_1845, %sub3A_1865 : i32
      %select_n3A_1867 = arith.select %and3A_1864, %sub3A_1866, %div3A_1845 : i32
      %jit3A_1868 = arith.constant 25 : i32
      %eq3A_1869 = arith.constant 0 : i32
      %eq3A_1870 = arith.cmpi eq, %jit3A_1868, %eq3A_1869 : i32
      %jit3A_1871 = arith.constant 1 : i32
      %select_n3A_1872 = arith.select %eq3A_1870, %jit3A_1871, %jit3A_1868 : i32
      %rem3A_1873 = arith.remsi %add3A_765, %select_n3A_1872 : i32
      %ne3A_1874 = arith.constant 0 : i32
      %ne3A_1875 = arith.cmpi ne, %rem3A_1873, %ne3A_1874 : i32
      %lt3A_1876 = arith.constant 0 : i32
      %lt3A_1877 = arith.cmpi slt, %rem3A_1873, %lt3A_1876 : i32
      %lt3A_1878 = arith.constant 0 : i32
      %lt3A_1879 = arith.cmpi slt, %select_n3A_1872, %lt3A_1878 : i32
      %ne3A_1880 = arith.xori %lt3A_1877, %lt3A_1879 : i1
      %and3A_1881 = arith.andi %ne3A_1880, %ne3A_1875 : i1
      %add3A_1882 = arith.addi %rem3A_1873, %select_n3A_1872 : i32
      %select_n3A_1883 = arith.select %and3A_1881, %add3A_1882, %rem3A_1873 : i32
      %mul3A_1884 = arith.constant 2 : i32
      %mul3A_1885 = arith.muli %select_n3A_1883, %mul3A_1884 : i32
      %mul3A_1886 = arith.constant 128 : i32
      %mul3A_1887 = arith.muli %select_n3A_1867, %mul3A_1886 : i32
      %add3A_1888 = arith.addi %mul3A_2, %mul3A_1887 : i32
      %dma_start3A_1889 = arith.constant 0 : i32
      %dma_start3A_1890 = tpu.memref_slice %arg4[%mul3A_1885, %dma_start3A_1889, %add3A_1888] : memref<50x32x16384xf32, #tpu.memory_space<hbm>> -> memref<2x32x128xf32, #tpu.memory_space<hbm>>
      %dma_start3A_1891 = arith.constant 0 : i32
      %dma_start3A_1892 = tpu.memref_slice %arg4[%mul3A_1885, %dma_start3A_1891, %add3A_1888] : memref<50x32x16384xf32, #tpu.memory_space<hbm>> -> memref<2x32x128xf32, #tpu.memory_space<hbm>>
      tpu.enqueue_dma source(%arg13 : memref<2x32x128xf32, #tpu.memory_space<vmem>>) target(%dma_start3A_1892 : memref<2x32x128xf32, #tpu.memory_space<hbm>>) target_semaphore(%arg17 : memref<!tpu.dma_semaphore, #tpu.memory_space<semaphore_mem>>)
    }
    %scan3A_744 = arith.constant 49 : i32
    %add3A_745 = arith.constant 384 : i32
    %add3A_746 = arith.addi %mul3A_2, %add3A_745 : i32
    %dma_wait3A_747 = arith.constant 46 : i32
    %dma_wait3A_748 = arith.constant 0 : i32
    %dma_wait3A_749 = tpu.memref_slice %arg4[%dma_wait3A_747, %dma_wait3A_748, %add3A_746] : memref<50x32x16384xf32, #tpu.memory_space<hbm>> -> memref<2x32x128xf32, #tpu.memory_space<hbm>>
    %dma_wait3A_750 = arith.constant 46 : i32
    %dma_wait3A_751 = arith.constant 0 : i32
    %dma_wait3A_752 = tpu.memref_slice %arg4[%dma_wait3A_750, %dma_wait3A_751, %add3A_746] : memref<50x32x16384xf32, #tpu.memory_space<hbm>> -> memref<2x32x128xf32, #tpu.memory_space<hbm>>
    tpu.wait_dma2 semaphore(%arg16 : memref<!tpu.dma_semaphore, #tpu.memory_space<semaphore_mem>>) src(%arg12 : memref<2x32x128xf32, #tpu.memory_space<vmem>>) dst(%dma_wait3A_752 : memref<2x32x128xf32, #tpu.memory_space<hbm>>)
    %add3A_753 = arith.constant 384 : i32
    %add3A_754 = arith.addi %mul3A_2, %add3A_753 : i32
    %dma_wait3A_755 = arith.constant 48 : i32
    %dma_wait3A_756 = arith.constant 0 : i32
    %dma_wait3A_757 = tpu.memref_slice %arg4[%dma_wait3A_755, %dma_wait3A_756, %add3A_754] : memref<50x32x16384xf32, #tpu.memory_space<hbm>> -> memref<2x32x128xf32, #tpu.memory_space<hbm>>
    %dma_wait3A_758 = arith.constant 48 : i32
    %dma_wait3A_759 = arith.constant 0 : i32
    %dma_wait3A_760 = tpu.memref_slice %arg4[%dma_wait3A_758, %dma_wait3A_759, %add3A_754] : memref<50x32x16384xf32, #tpu.memory_space<hbm>> -> memref<2x32x128xf32, #tpu.memory_space<hbm>>
    tpu.wait_dma2 semaphore(%arg17 : memref<!tpu.dma_semaphore, #tpu.memory_space<semaphore_mem>>) src(%arg13 : memref<2x32x128xf32, #tpu.memory_space<vmem>>) dst(%dma_wait3A_760 : memref<2x32x128xf32, #tpu.memory_space<hbm>>)
    return
  }
}

</mosaic_0001>

<sc_bundles>
// kernel: _embedding_lookup.3.cloned.1.call-start
scs
__scs_entry_jumppad:
0x0: {  	(pc) =	sbr.rel $0x88, $3  }
0x1: {  	(tag) =	ssettag $0x0;
	lr =	simm.s32 $0x1  }
0x2: {  	[smem:$0x3F9F] =	sst lr;
	_ =	strace $0xD0000000  }
0x3: {  	_ = 	snop  }
0x4: {  	_ = 	snop  }
0x5: {  	_ = 	snop  }
0x6: {  	_ = 	snop  }
0x7: {  	_ = 	snop  }
__scs_overlays_trampoline_lowered:
0x8: {  	[smem:$0x3FAE] =	sst s0  }
0x9: {  	[smem:$0x3FAF] =	sst s1  }
0xa: {  	[smem:$0x3FB0] =	sst s2  }
0xb: {  	[smem:$0x3FB1] =	sst s3  }
0xc: {  	[smem:$0x3FB2] =	sst s4  }
0xd: {  	[smem:$0x3FB3] =	sst s5  }
0xe: {  	[smem:$0x3FB4] =	sst s6  }
0xf: {  	[smem:$0x3FB5] =	sst s7  }
0x10: {  	[smem:$0x3FB6] =	sst s8  }
0x11: {  	[smem:$0x3FB7] =	sst s9;
	s0 =	simm.s32 @!p0 $0x0  }
0x12: {  	s1 =	sld [smem:$0x3F9D];
	s0 =	simm.s32 @p0 $0x1  }
0x13: {  	[smem:$0x3FB8] =	sst s0;
	s0 =	simm.s32 @!p1 $0x0  }
0x14: {  	s2 =	sld [smem:$0x3F9C];
	s0 =	simm.s32 @p1 $0x1  }
0x15: {  	[smem:$0x3FB9] =	sst s0;
	s0 =	simm.s32 @!p2 $0x0  }
0x16: {  	s3 =	sld [smem:$0x3FDB];
	s0 =	simm.s32 @p2 $0x1  }
0x17: {  	s4 =	simm.s32 $0x1BF5;
	[smem:$0x3FBB] =	sst s0  }
0x18: {  	s0 =	sld [smem:$0x3F9E];
	_ =	swait.ge [sflag:s4], $0x0  }
0x19: {  	s7 =	sld [smem:$0x3F9F]  }
0x1a: {  	s8 =	sadd.s32 $0xFFFFE003, lr  }
0x1b: {  	s9 =	sadd.s32 $0xFFFFFEF7, lr;
	s5 =	simm.s32 $0xFFFFFFFF;
	p2 =	slt.u32 s8, $0xFFFFF086  }
0x1c: {  	p1 =	slt.u32 s9, $0xF7A;
	s5 =	simm.s32 @!p2 $0x0  }
0x1d: {  	s5 =	simm.s32 @p1 $0x1;
	p0 =	seq.s32 s7, s2  }
0x1e: {  	s7 =	smul.u32 @!p0 $0xF7A, s2;
	p2 =	seq.s32 @!p0 s5, $0x0  }
0x1f: {  	s9 =	smul.u32 $0xF7A, s1;
	s8 =	simm.s32 @!p0 $0x1BF5;
	p2 =	por !p2, p0  }
0x20: {  	[sflag:s8] =	ssyncset.s32 @!p0 $0xFFFFF086;
	s6 =	sadd.s32 @!p0 s3, s7;
	s7 =	simm.s32 @!p0 $0x108  }
0x21: {  	s3 =	sadd.s32 s3, s9;
	s6 =	sadd.s32 @!p0 $0x88, s6;
	s7 =	simm.s32 @p2 $0x1082  }
0x22: {  	[simem:s7], [sflag:s8] =	dma.local @!p0 [hbm:s6], $0xF7A  }
0x23: {  	s9 =	sor.u32 $0xD0000000, s2;
	s6 =	simm.s32 $0x108;
	_ =	swait.ge @!p0 [sflag:s8], $0x0  }
0x24: {  	s3 =	sadd.s32 $0x88, s3;
	s6 =	simm.s32 @!p1 $0x1082;
	[sflag:s4] =	ssyncset.s32 $0xFFFFF086  }
0x25: {  	[simem:s6], [sflag:s4] =	dma.local [hbm:s3], $0xF7A  }
0x26: {  	[smem:$0x3F9F] =	sst s1;
	(tag) =	ssettag s2;
	_ =	strace s9  }
0x27: {  	s1 =	sld [smem:$0x3FAF]  }
0x28: {  	s2 =	sld [smem:$0x3FB0]  }
0x29: {  	s4 =	sld [smem:$0x3FB2]  }
0x2a: {  	p0 =	seq.s32 s5, $0x0;
	s5 =	sld [smem:$0x3FB3]  }
0x2b: {  	s6 =	sld [smem:$0x3FB4]  }
0x2c: {  	s7 =	sld [smem:$0x3FB5]  }
0x2d: {  	s3 =	simm.s32 $0x108;
	s8 =	sld [smem:$0x3FB6]  }
0x2e: {  	s3 =	simm.s32 @!p0 $0x1082;
	s9 =	sld [smem:$0x3FB7]  }
0x2f: {  	lr =	sadd.s32 s0, s3;
	s0 =	sld [smem:$0x3FAE]  }
0x30: {  	s3 =	sld [smem:$0x3FB1]  }
0x31: {  	[smem:$0x3FBA] =	sst s10  }
0x32: {  	s10 =	sld [smem:$0x3FB8];
	_ =	sdelay $0x3  }
0x33: {  	p0 =	seq.s32 s10, $0x1;
	s10 =	sld [smem:$0x3FBA];
	_ =	sdelay $0x3  }
0x34: {  	[smem:$0x3FBA] =	sst s10  }
0x35: {  	s10 =	sld [smem:$0x3FB9];
	_ =	sdelay $0x3  }
0x36: {  	p1 =	seq.s32 s10, $0x1;
	s10 =	sld [smem:$0x3FBA];
	_ =	sdelay $0x3  }
0x37: {  	[smem:$0x3FBA] =	sst s10  }
0x38: {  	s10 =	sld [smem:$0x3FBB]  }
0x39: {  	_ = 	snop;
	(pc) =	sbr.ind lr, $3  }
0x3a: {  	_ = 	snop  }
0x3b: {  	_ = 	snop  }
0x3c: {  	p2 =	seq.s32 s10, $0x1;
	s10 =	sld [smem:$0x3FBA]  }
0x3d: {  	_ =	shalt  }
0x3e: {  	_ =	shalt  }
0x3f: {  	_ =	shalt  }
0x40: {  	_ =	shalt  }
0x41: {  	_ =	shalt  }
0x42: {  	_ =	shalt  }
0x43: {  	_ =	shalt  }
0x44: {  	_ =	shalt  }
0x45: {  	_ =	shalt  }
0x46: {  	_ =	shalt  }
0x47: {  	_ =	shalt  }
0x48: {  	_ =	shalt  }
0x49: {  	_ =	shalt  }
0x4a: {  	_ =	shalt  }
0x4b: {  	_ =	shalt  }
0x4c: {  	_ =	shalt  }
0x4d: {  	_ =	shalt  }
0x4e: {  	_ =	shalt  }
0x4f: {  	_ =	shalt  }
0x50: {  	_ =	shalt  }
0x51: {  	_ =	shalt  }
0x52: {  	_ =	shalt  }
0x53: {  	_ =	shalt  }
0x54: {  	_ =	shalt  }
0x55: {  	_ =	shalt  }
0x56: {  	_ =	shalt  }
0x57: {  	_ =	shalt  }
0x58: {  	_ =	shalt  }
0x59: {  	_ =	shalt  }
0x5a: {  	_ =	shalt  }
0x5b: {  	_ =	shalt  }
0x5c: {  	_ =	shalt  }
0x5d: {  	_ =	shalt  }
0x5e: {  	_ =	shalt  }
0x5f: {  	_ =	shalt  }
0x60: {  	_ =	shalt  }
0x61: {  	_ =	shalt  }
0x62: {  	_ =	shalt  }
0x63: {  	_ =	shalt  }
0x64: {  	_ =	shalt  }
0x65: {  	_ =	shalt  }
0x66: {  	_ =	shalt  }
0x67: {  	_ =	shalt  }
0x68: {  	_ =	shalt  }
0x69: {  	_ =	shalt  }
0x6a: {  	_ =	shalt  }
0x6b: {  	_ =	shalt  }
0x6c: {  	_ =	shalt  }
0x6d: {  	_ =	shalt  }
0x6e: {  	_ =	shalt  }
0x6f: {  	_ =	shalt  }
0x70: {  	_ =	shalt  }
0x71: {  	_ =	shalt  }
0x72: {  	_ =	shalt  }
0x73: {  	_ =	shalt  }
0x74: {  	_ =	shalt  }
0x75: {  	_ =	shalt  }
0x76: {  	_ =	shalt  }
0x77: {  	_ =	shalt  }
0x78: {  	_ =	shalt  }
0x79: {  	_ =	shalt  }
0x7a: {  	_ =	shalt  }
0x7b: {  	_ =	shalt  }
0x7c: {  	_ =	shalt  }
0x7d: {  	_ =	shalt  }
0x7e: {  	_ =	shalt  }
0x7f: {  	_ =	shalt  }
0x80: {  	_ =	shalt  }
0x81: {  	_ =	shalt  }
0x82: {  	_ =	shalt  }
0x83: {  	_ =	shalt  }
0x84: {  	_ =	shalt  }
0x85: {  	_ =	shalt  }
0x86: {  	_ =	shalt  }
0x87: {  	_ =	shalt  }
.Lfunc_end0:
.L_simem_size_0:
called_computation_lowered:
.L_overlay_start_0:
0x88: {  	s2 =	sld [smem:$0x3FD9]  }
0x89: {  	s3 =	sld [smem:$0x3FFE];
	_ =	sdelay $0x1  }
0x8a: {  	s1 =	srdreg.scid  }
0x8b: {  	s0 =	sand.u32 $0x1, s1  }
0x8c: {  	s18 =	sshll.u32 s0, $0xA;
	s2 =	sadd.s32 s3, s2  }
0x8d: {  	s2 =	sadd.s32 s2, s18  }
0x8e: {  	[smem:$0x3FC6] =	sst s2  }
0x8f: {  	_ = 	snop  }
0x90: {  	s2 =	sld [smem:$0x3FC9]  }
0x91: {  	s19 =	sld [smem:$0x3FC8]  }
0x92: {  	s4 =	sld [smem:$0x3FD0];
	(tm) =	ssettm $0x1  }
0x93: {  	s5 =	sld [smem:$0x3FFB];
	_ =	sdelay $0x3  }
0x94: {  	_ =	strace s5  }
0x95: {  	s5 =	sld [smem:$0x3FFC];
	_ =	sdelay $0x3  }
0x96: {  	_ =	strace s5  }
0x97: {  	s5 =	sld [smem:$0x3FFD];
	_ =	sdelay $0x3  }
0x98: {  	_ =	strace s5  }
0x99: {  	_ =	strace $0x8FFFFFFF  }
0x9a: {  	s20 =	sld [smem:$0x3FDB];
	_ =	sdelay $0x1  }
0x9b: {  	s6 =	simm.s32 $_scs_section_size  }
0x9c: {  	s7 =	simm.s32 $_size__tile_overlayer_lowered;
	s8 =	simm.s32 $_tile_overlayer_lowered  }
0x9d: {  	s23 =	simm.s32 $0x1BFF;
	s22 =	sshll.u32 s8, $0x1;
	s5 =	sadd.s32 s6, s20  }
0x9e: {  	s9 =	simm.s32 $0x0;
	s21 =	sshll.u32 s7, $0x1;
	s7 =	sadd.s32 s22, s5  }
0x9f: {  	[timem:s9], [sflag:s23] =	dma.local [hbm:s7], s21  }
0xa0: {  	_ =	swait.ge [sflag:s23], s21  }
0xa1: {  	s6 =	ssub.s32 $0x0, s21;
	[sflag:s23] =	ssyncset.done $0x0  }
0xa2: {  	[sflag:s23] =	ssyncadd.s32 s6;
	_ =	sdelay $0x1  }
0xa3: {  	s24 =	simm.s32 $0x1B8B  }
0xa4: {  	_ =	swait.ge [sflag:s24], $0x1  }
0xa5: {  	[sflag:s24] =	ssyncset.done $0x0  }
0xa6: {  	s25 =	simm.s32 $0x1B8E;
	[sflag:s24] =	ssyncadd.s32 $0xFFFFFFFF  }
0xa7: {  	s26 =	simm.s32 $execute0_lowered;
	[smem:$0x3FD2] =	sst s25  }
0xa8: {  	s6 =	sshll.u32 s26, $0x1;
	_ =	strace $0x80000046;
	[dreg:$0x1] =	wrdreg $0xFFFFFFFF  }
0xa9: {  	s28 =	simm.s32 $_size_execute0_lowered;
	s5 =	sadd.s32 s5, s6;
	[dreg:$0x0] =	wrdreg $0x0  }
0xaa: {  	s6 =	sshll.u32 s28, $0x1;
	[dreg:$0x2] =	wrdreg s5  }
0xab: {  	[dreg:$0x3] =	wrdreg s6  }
0xac: {  	[dreg:$0x4] =	wrdreg $0xC0  }
0xad: {  	_ =	task [dreg:s9], $0x5FFFF  }
0xae: {  	[dreg:$0x1] =	wrdreg $0xFFFFFFFF  }
0xaf: {  	[dreg:$0x0] =	wrdreg $0x60  }
0xb0: {  	[dreg:$0x2] =	wrdreg s19  }
0xb1: {  	[dreg:$0x3] =	wrdreg s2  }
0xb2: {  	[dreg:$0x4] =	wrdreg s4  }
0xb3: {  	[dreg:$0x5] =	wrdreg $0x9  }
0xb4: {  	_ =	task.clear_ibuf [dreg:s9], $0x6FFFF;
	_ =	strace $0x90000046  }
0xb5: {  	s29 =	simm.s32 $0x9;
	_ =	strace $0x80000048  }
0xb6: {  	_ =	swait.ge [sflag:s29], $0x1  }
0xb7: {  	[sflag:s29] =	ssyncadd.s32 $0xFFFFFFFF  }
0xb8: {  	_ =	strace $0x90000048  }
0xb9: {  	_ =	sfence  }
0xba: {  	s30 =	sld [smem:$0x0];
	_ =	sdelay $0x2  }
0xbb: {  	s31 =	sshll.u32 s1, $0xD;
	s1 =	sshrl.u32 s1, $0x2  }
0xbc: {  	s3 =	sand.u32 $0x4000, s31;
	s1 =	sadd.s32 s1, s30  }
0xbd: {  	s0 =	sor.u32 s3, s0;
	s1 =	sshll.u32 s1, $0x11  }
0xbe: {  	s0 =	sor.u32 s1, s0  }
0xbf: {  	s0 =	sadd.s32 $0x8F2B, s0  }
0xc0: {  	[sflag:s0] =	ssyncadd.remote.s32 $0x1  }
0xc1: {  	_ =	sfence.sel $0xFFFF  }
0xc2: {  	[dreg:$0x0] =	wrdreg $0xFFFFFFFF;
	(pc) =	sbr.abs _section_cstart, $3  }
0xc3: {  	[dreg:$0x1] =	wrdreg $0xFFFFFFFF  }
0xc4: {  	_ =	task.clear_ibuf [dreg:s9], $0x2FFFF;
	_ =	strace $0x9FFFFFFF  }
0xc5: {  	(tm) =	ssettm $0x7FFFFFFF  }
tec
execute0_lowered:
.L_overlay_start_1:
0x0: {  	(tag) =	ssettag $0x1  }
0x1: {  	vm0 =	vcmask $0x300;
	v0 =	vimm.s32 $0xF;
	vm7 =	vcmask $0x704  }
0x2: {  	vm6 =	vcmask $0xB08;
	v1 =	vimm.s32 $0x1F1E1D;
	vm5 =	vcmask $0xF0C  }
0x3: {  	vm3 =	vcmask $0x1310;
	vm2 =	vcmask $0x1714;
	v2 =	vimm.s32 $0x1001F1E  }
0x4: {  	vm1 =	vcmask $0x1B18;
	v3 =	vimm.s32 $0x1F1E1D1C;
	v4 =	vimm.s32 $0x43218765  }
0x5: {  	vm4 =	vcmask $0x2F10;
	v50 =	vimm.s32 $0xB0A0908;
	v5 =	vimm.s32 $0x6543A987  }
0x6: {  	vm8 =	vcmask $0x3F30;
	v6 =	vimm.s32 $0xC0B0A09;
	v7 =	vimm.s32 $0xD0C0B0A  }
0x7: {  	v8 =	vimm.s32 $0xE0D0C0B;
	vm13 =	vcmask $0x1F1C;
	v51 =	vimm.s32 $0x20F  }
0x8: {  	v52 =	vimm.s32 $0x28F;
	v53 =	vimm.s32 $0x30F;
	v54 =	vimm.s32 $0x38F  }
0x9: {  	v9 =	vimm.s32 $0x48F;
	v10 =	vimm.s32 $0x50F;
	v11 =	vimm.s32 $0x58F  }
0xa: {  	v12 =	vimm.s32 $0x60F;
	v13 =	vimm.s32 $0x68F;
	v14 =	vimm.s32 $0x70F  }
0xb: {  	vm14 =	vcmask $0x2320;
	vm15 =	vcmask $0x2724;
	v0 =	vsel vm0, $0x880, v0  }
0xc: {  	v15 =	vunpack.c.0.s8.s32 v1;
	v1 =	vimm.s32 $0x32107654;
	v16 =	vunpack.c.0.s8.s32 v2  }
0xd: {  	v2 =	vimm.s32 $0x201001F;
	v29 =	vunpack.c.0.s8.s32 v3;
	v3 =	vimm.s32 $0x54329876  }
0xe: {  	v5 =	vunpack.c.l.s4.s8 v5;
	v6 =	vunpack.c.0.s8.s32 v6;
	v7 =	vunpack.c.0.s8.s32 v7  }
0xf: {  	v8 =	vunpack.c.0.s8.s32 v8;
	v9 =	vsel vm0, $0xD00, v9;
	v10 =	vsel vm0, $0xD80, v10  }
0x10: {  	v11 =	vsel vm0, $0xE00, v11;
	v12 =	vsel vm0, $0xE80, v12;
	v13 =	vsel vm0, $0xF00, v13  }
0x11: {  	v14 =	vsel vm0, $0xF80, v14;
	v0 =	vsel vm7, $0x901, v0;
	v1 =	vunpack.c.l.s4.s8 v1  }
0x12: {  	v17 =	vunpack.c.0.s8.s32 v2;
	v2 =	vunpack.c.l.s4.s8 v4;
	v3 =	vunpack.c.l.s4.s8 v3  }
0x13: {  	v4 =	vunpack.c.0.s8.s32 v50;
	v9 =	vsel vm7, $0xD81, v9;
	v10 =	vsel vm7, $0xE01, v10  }
0x14: {  	v11 =	vsel vm7, $0xE81, v11;
	v12 =	vsel vm7, $0xF01, v12;
	v13 =	vsel vm7, $0xF81, v13  }
0x15: {  	v14 =	vsel vm7, $0x1, v14;
	v0 =	vsel vm6, $0x982, v0;
	v5 =	vunpack.c.0.s8.s32 v5  }
0x16: {  	v9 =	vsel vm6, $0xE02, v9;
	v10 =	vsel vm6, $0xE82, v10;
	v11 =	vsel vm6, $0xF02, v11  }
0x17: {  	v12 =	vsel vm6, $0xF82, v12;
	v13 =	vsel vm6, $0x2, v13;
	v14 =	vsel vm6, $0x82, v14  }
0x18: {  	v0 =	vsel vm5, $0xA03, v0;
	v1 =	vunpack.c.0.s8.s32 v1;
	v2 =	vunpack.c.0.s8.s32 v2  }
0x19: {  	v3 =	vunpack.c.0.s8.s32 v3;
	v9 =	vsel vm5, $0xE83, v9;
	v10 =	vsel vm5, $0xF03, v10  }
0x1a: {  	v11 =	vsel vm5, $0xF83, v11;
	v12 =	vsel vm5, $0x3, v12;
	v13 =	vsel vm5, $0x83, v13  }
0x1b: {  	v14 =	vsel vm5, $0x103, v14;
	v0 =	vsel vm3, $0xA84, v0;
	v5 =	vand.u32 $0xF, v5  }
0x1c: {  	v9 =	vsel vm3, $0xF04, v9;
	v10 =	vsel vm3, $0xF84, v10;
	v11 =	vsel vm3, $0x4, v11  }
0x1d: {  	v12 =	vsel vm3, $0x84, v12;
	v13 =	vsel vm3, $0x104, v13;
	v14 =	vsel vm3, $0x184, v14  }
0x1e: {  	v0 =	vsel vm2, $0xB05, v0;
	v1 =	vand.u32 $0xF, v1;
	v2 =	vand.u32 $0xF, v2  }
0x1f: {  	v3 =	vand.u32 $0xF, v3;
	v5 =	vsel vm4, v5, v17;
	v9 =	vsel vm2, $0xF85, v9  }
0x20: {  	v10 =	vsel vm2, $0x5, v10;
	v11 =	vsel vm2, $0x85, v11;
	v12 =	vsel vm2, $0x105, v12  }
0x21: {  	v13 =	vsel vm2, $0x185, v13;
	v14 =	vsel vm2, $0x205, v14;
	v1 =	vsel vm4, v1, v29  }
0x22: {  	v2 =	vsel vm4, v2, v15;
	v3 =	vsel vm4, v3, v16;
	v0 =	vsel vm1, $0xB86, v0  }
0x23: {  	v27 =	vsel vm8, v8, v5;
	v5 =	vsel vm0, $0xB00, v52;
	v8 =	vimm.s32 $0x40F  }
0x24: {  	v9 =	vsel vm1, $0x6, v9;
	v10 =	vsel vm1, $0x86, v10;
	v11 =	vsel vm1, $0x106, v11  }
0x25: {  	v12 =	vsel vm1, $0x186, v12;
	v13 =	vsel vm1, $0x206, v13;
	v14 =	vsel vm1, $0x286, v14  }
0x26: {  	v55 =	vsel vm8, v4, v1;
	v44 =	vsel vm8, v6, v2;
	v26 =	vsel vm8, v7, v3  }
0x27: {  	v1 =	vimm.s32 $0x8F;
	v2 =	vimm.s32 $0x10F;
	v0 =	vsel vm13, $0xC07, v0  }
0x28: {  	v3 =	vimm.s32 $0x18F;
	v4 =	vsel vm0, $0xA80, v51;
	v5 =	vsel vm7, $0xB81, v5  }
0x29: {  	v6 =	vsel vm0, $0xB80, v53;
	v7 =	vsel vm0, $0xC00, v54;
	v8 =	vsel vm0, $0xC80, v8  }
0x2a: {  	v9 =	vsel vm13, $0x87, v9;
	v10 =	vsel vm13, $0x107, v10;
	v11 =	vsel vm13, $0x187, v11  }
0x2b: {  	v12 =	vsel vm13, $0x207, v12;
	v13 =	vsel vm13, $0x287, v13;
	v14 =	vsel vm13, $0x307, v14  }
0x2c: {  	v1 =	vsel vm0, $0x900, v1;
	v2 =	vsel vm0, $0x980, v2;
	v3 =	vsel vm0, $0xA00, v3  }
0x2d: {  	v4 =	vsel vm7, $0xB01, v4;
	v6 =	vsel vm7, $0xC01, v6;
	v7 =	vsel vm7, $0xC81, v7  }
0x2e: {  	v8 =	vsel vm7, $0xD01, v8;
	v5 =	vsel vm6, $0xC02, v5;
	v0 =	vsel vm14, $0xC88, v0  }
0x2f: {  	v9 =	vsel vm14, $0x108, v9;
	v10 =	vsel vm14, $0x188, v10;
	v11 =	vsel vm14, $0x208, v11  }
0x30: {  	v12 =	vsel vm14, $0x288, v12;
	v13 =	vsel vm14, $0x308, v13;
	v14 =	vsel vm14, $0x388, v14  }
0x31: {  	v1 =	vsel vm7, $0x981, v1;
	v2 =	vsel vm7, $0xA01, v2;
	v3 =	vsel vm7, $0xA81, v3  }
0x32: {  	v4 =	vsel vm6, $0xB82, v4;
	v6 =	vsel vm6, $0xC82, v6;
	v7 =	vsel vm6, $0xD02, v7  }
0x33: {  	v8 =	vsel vm6, $0xD82, v8;
	v5 =	vsel vm5, $0xC83, v5;
	v0 =	vsel vm15, $0xD09, v0  }
0x34: {  	v9 =	vsel vm15, $0x189, v9;
	v10 =	vsel vm15, $0x209, v10;
	v11 =	vsel vm15, $0x289, v11  }
0x35: {  	v12 =	vsel vm15, $0x309, v12;
	v13 =	vsel vm15, $0x389, v13;
	v14 =	vsel vm15, $0x409, v14  }
0x36: {  	v1 =	vsel vm6, $0xA02, v1;
	v2 =	vsel vm6, $0xA82, v2;
	v3 =	vsel vm6, $0xB02, v3  }
0x37: {  	v4 =	vsel vm5, $0xC03, v4;
	v6 =	vsel vm5, $0xD03, v6;
	v7 =	vsel vm5, $0xD83, v7  }
0x38: {  	v8 =	vsel vm5, $0xE03, v8;
	v5 =	vsel vm3, $0xD04, v5;
	v1 =	vsel vm5, $0xA83, v1  }
0x39: {  	v2 =	vsel vm5, $0xB03, v2;
	v3 =	vsel vm5, $0xB83, v3;
	v4 =	vsel vm3, $0xC84, v4  }
0x3a: {  	v6 =	vsel vm3, $0xD84, v6;
	v7 =	vsel vm3, $0xE04, v7;
	v8 =	vsel vm3, $0xE84, v8  }
0x3b: {  	v5 =	vsel vm2, $0xD85, v5;
	v1 =	vsel vm3, $0xB04, v1;
	v2 =	vsel vm3, $0xB84, v2  }
0x3c: {  	v3 =	vsel vm3, $0xC04, v3;
	v4 =	vsel vm2, $0xD05, v4;
	v6 =	vsel vm2, $0xE05, v6  }
0x3d: {  	v7 =	vsel vm2, $0xE85, v7;
	v8 =	vsel vm2, $0xF05, v8;
	v5 =	vsel vm1, $0xE06, v5  }
0x3e: {  	vm3 =	vcmask $0x3330;
	v1 =	vsel vm2, $0xB85, v1;
	v2 =	vsel vm2, $0xC05, v2  }
0x3f: {  	v3 =	vsel vm2, $0xC85, v3;
	vm2 =	vcmask $0x2B28;
	v4 =	vsel vm1, $0xD86, v4  }
0x40: {  	v6 =	vsel vm1, $0xE86, v6;
	v7 =	vsel vm1, $0xF06, v7;
	v8 =	vsel vm1, $0xF86, v8  }
0x41: {  	v5 =	vsel vm13, $0xE87, v5;
	v1 =	vsel vm1, $0xC06, v1;
	v2 =	vsel vm1, $0xC86, v2  }
0x42: {  	v3 =	vsel vm1, $0xD06, v3;
	v0 =	vsel vm2, $0xD8A, v0;
	v4 =	vsel vm13, $0xE07, v4  }
0x43: {  	v6 =	vsel vm13, $0xF07, v6;
	v7 =	vsel vm13, $0xF87, v7;
	v8 =	vsel vm13, $0x7, v8  }
0x44: {  	vm1 =	vcmask $0x2F2C;
	v5 =	vsel vm14, $0xF08, v5;
	v9 =	vsel vm2, $0x20A, v9  }
0x45: {  	v10 =	vsel vm2, $0x28A, v10;
	v11 =	vsel vm2, $0x30A, v11;
	v12 =	vsel vm2, $0x38A, v12  }
0x46: {  	v13 =	vsel vm2, $0x40A, v13;
	v14 =	vsel vm2, $0x48A, v14;
	v1 =	vsel vm13, $0xC87, v1  }
0x47: {  	v2 =	vsel vm13, $0xD07, v2;
	v3 =	vsel vm13, $0xD87, v3;
	v4 =	vsel vm14, $0xE88, v4  }
0x48: {  	v6 =	vsel vm14, $0xF88, v6;
	v7 =	vsel vm14, $0x8, v7;
	v8 =	vsel vm14, $0x88, v8  }
0x49: {  	v0 =	vsel vm1, $0xE0B, v0;
	v5 =	vsel vm15, $0xF89, v5;
	v9 =	vsel vm1, $0x28B, v9  }
0x4a: {  	v10 =	vsel vm1, $0x30B, v10;
	v11 =	vsel vm1, $0x38B, v11;
	v12 =	vsel vm1, $0x40B, v12  }
0x4b: {  	v13 =	vsel vm1, $0x48B, v13;
	v14 =	vsel vm1, $0x50B, v14;
	v1 =	vsel vm14, $0xD08, v1  }
0x4c: {  	v2 =	vsel vm14, $0xD88, v2;
	v3 =	vsel vm14, $0xE08, v3;
	v4 =	vsel vm15, $0xF09, v4  }
0x4d: {  	v6 =	vsel vm15, $0x9, v6;
	v7 =	vsel vm15, $0x89, v7;
	v8 =	vsel vm15, $0x109, v8  }
0x4e: {  	v5 =	vsel vm2, $0xA, v5;
	v0 =	vsel vm3, $0xE8C, v0;
	v9 =	vsel vm3, $0x30C, v9  }
0x4f: {  	v10 =	vsel vm3, $0x38C, v10;
	v11 =	vsel vm3, $0x40C, v11;
	v12 =	vsel vm3, $0x48C, v12  }
0x50: {  	v13 =	vsel vm3, $0x50C, v13;
	v14 =	vsel vm3, $0x58C, v14;
	v1 =	vsel vm15, $0xD89, v1  }
0x51: {  	v2 =	vsel vm15, $0xE09, v2;
	v3 =	vsel vm15, $0xE89, v3;
	v4 =	vsel vm2, $0xF8A, v4  }
0x52: {  	v6 =	vsel vm2, $0x8A, v6;
	v7 =	vsel vm2, $0x10A, v7;
	v8 =	vsel vm2, $0x18A, v8  }
0x53: {  	v5 =	vsel vm1, $0x8B, v5;
	v1 =	vsel vm2, $0xE0A, v1;
	v2 =	vsel vm2, $0xE8A, v2  }
0x54: {  	v3 =	vsel vm2, $0xF0A, v3;
	v4 =	vsel vm1, $0xB, v4;
	v6 =	vsel vm1, $0x10B, v6  }
0x55: {  	v7 =	vsel vm1, $0x18B, v7;
	v8 =	vsel vm1, $0x20B, v8;
	v5 =	vsel vm3, $0x10C, v5  }
0x56: {  	v1 =	vsel vm1, $0xE8B, v1;
	v2 =	vsel vm1, $0xF0B, v2;
	v3 =	vsel vm1, $0xF8B, v3  }
0x57: {  	vm1 =	vcmask $0x3734;
	v4 =	vsel vm3, $0x8C, v4;
	v6 =	vsel vm3, $0x18C, v6  }
0x58: {  	v7 =	vsel vm3, $0x20C, v7;
	v8 =	vsel vm3, $0x28C, v8;
	v1 =	vsel vm3, $0xF0C, v1  }
0x59: {  	v2 =	vsel vm3, $0xF8C, v2;
	v3 =	vsel vm3, $0xC, v3;
	v0 =	vsel vm1, $0xF0D, v0  }
0x5a: {  	v4 =	vsel vm1, $0x10D, v4;
	v5 =	vsel vm1, $0x18D, v5;
	v6 =	vsel vm1, $0x20D, v6  }
0x5b: {  	v7 =	vsel vm1, $0x28D, v7;
	v8 =	vsel vm1, $0x30D, v8;
	v9 =	vsel vm1, $0x38D, v9  }
0x5c: {  	v10 =	vsel vm1, $0x40D, v10;
	v11 =	vsel vm1, $0x48D, v11;
	v12 =	vsel vm1, $0x50D, v12  }
0x5d: {  	v13 =	vsel vm1, $0x58D, v13;
	v14 =	vsel vm1, $0x60D, v14;
	v1 =	vsel vm1, $0xF8D, v1  }
0x5e: {  	v2 =	vsel vm1, $0xD, v2;
	v3 =	vsel vm1, $0x8D, v3;
	vm1 =	vcmask $0x3B38  }
0x5f: {  	v49 =	vlaneseq.u32;
	v51 =	vsel vm1, $0xF8E, v0;
	v0 =	vsel vm1, $0x10E, v3  }
0x60: {  	v28 =	vsel vm1, $0xE, v1;
	v1 =	vor.u32 $0x140, v49;
	[tilespmem:$0x1F9E0] =	vst v0  }
0x61: {  	v0 =	vor.u32 $0x20, v49;
	[tilespmem:$0x1FB10] =	vst v1  }
0x62: {  	v1 =	vimm.s32 $0x0;
	[tilespmem:$0x1F9F0] =	vst v0;
	v0 =	vor.u32 $0x30, v49  }
0x63: {  	v1 =	vsel vm0, $0xA, v1;
	[tilespmem:$0x1FA00] =	vst v0  }
0x64: {  	v0 =	vor.u32 $0x40, v49;
	[tilespmem:$0x1FB20] =	vst v1  }
0x65: {  	[tilespmem:$0x1FA10] =	vst v0;
	v0 =	vor.u32 $0x50, v49  }
0x66: {  	[tilespmem:$0x1FA20] =	vst v0;
	v0 =	vor.u32 $0x60, v49  }
0x67: {  	[tilespmem:$0x1FA30] =	vst v0;
	v0 =	vor.u32 $0x70, v49  }
0x68: {  	[tilespmem:$0x1FA40] =	vst v0;
	v0 =	vor.u32 $0x80, v49  }
0x69: {  	[tilespmem:$0x1FA50] =	vst v0;
	v0 =	vor.u32 $0x90, v49  }
0x6a: {  	[tilespmem:$0x1FA60] =	vst v0;
	v0 =	vor.u32 $0xA0, v49  }
0x6b: {  	[tilespmem:$0x1FA70] =	vst v0;
	v0 =	vor.u32 $0xB0, v49  }
0x6c: {  	[tilespmem:$0x1FA80] =	vst v0;
	v0 =	vor.u32 $0xC0, v49  }
0x6d: {  	[tilespmem:$0x1FA90] =	vst v0;
	v0 =	vor.u32 $0xD0, v49  }
0x6e: {  	[tilespmem:$0x1FAA0] =	vst v0;
	v0 =	vor.u32 $0xE0, v49  }
0x6f: {  	[tilespmem:$0x1FAB0] =	vst v0;
	v0 =	vor.u32 $0xF0, v49  }
0x70: {  	[tilespmem:$0x1FAC0] =	vst v0;
	v0 =	vor.u32 $0x100, v49  }
0x71: {  	[tilespmem:$0x1FAD0] =	vst v0;
	v0 =	vor.u32 $0x110, v49  }
0x72: {  	[tilespmem:$0x1FAE0] =	vst v0;
	v0 =	vor.u32 $0x120, v49  }
0x73: {  	[tilespmem:$0x1FAF0] =	vst v0;
	v0 =	vor.u32 $0x130, v49  }
0x74: {  	v1 =	vimm.s32 $0x18171615;
	[tilespmem:$0x1FB00] =	vst v0;
	v0 =	vimm.s32 $0x14131211  }
0x75: {  	v56 =	vunpack.c.0.s8.s32 v1;
	v0 =	vunpack.c.0.s8.s32 v0  }
0x76: {  	v30 =	vsel vm1, $0x8E, v2;
	v2 =	vimm.s32 $0x19181716;
	vm0 =	vcmask $0x1F10  }
0x77: {  	v3 =	vimm.s32 $0x1C1B1A19;
	v1 =	vimm.s32 $0x15141312;
	v0 =	vsel vm0, v56, v0  }
0x78: {  	v2 =	vunpack.c.0.s8.s32 v2;
	v1 =	vunpack.c.0.s8.s32 v1;
	[tilespmem:$0x1FB50] =	vst v0;
	v0 =	vunpack.c.0.s8.s32 v3;
	_ =	sdelay $0x1  }
0x79: {  	[tilespmem:$0x1FB60] =	vst v0;
	v0 =	vsel vm0, v2, v1  }
0x7a: {  	[tilespmem:$0x1FB80] =	vst v0;
	v0 =	vimm.s32 $0x1D1C1B1A  }
0x7b: {  	v57 =	vor.u32 $0x150, v49;
	v0 =	vunpack.c.0.s8.s32 v0  }
0x7c: {  	v59 =	vimm.s32 $0x1B1A1918;
	[tilespmem:$0x1FB30] =	vst v57;
	v1 =	vimm.s32 $0x16151413  }
0x7d: {  	v60 =	vunpack.c.0.s8.s32 v59;
	[tilespmem:$0x1FB90] =	vst v0;
	v0 =	vunpack.c.0.s8.s32 v1;
	v1 =	vimm.s32 $0x1A191817  }
0x7e: {  	[tilespmem:$0x1FBD0] =	vst v29;
	v58 =	vunpack.c.0.s8.s32 v1  }
0x7f: {  	[tilespmem:$0x1FBE0] =	vst v60  }
0x80: {  	[tilespmem:$0x1FB70] =	vst v2;
	v1 =	vimm.s32 $0x1E1D1C1B;
	v0 =	vsel vm0, v58, v0  }
0x81: {  	v3 =	vimm.s32 $0x17161514;
	v2 =	vimm.s32 $0x3020100;
	[tilespmem:$0x1FBB0] =	vst v0;
	v0 =	vunpack.c.0.s8.s32 v1  }
0x82: {  	v61 =	vimm.s32 $0x4030201;
	[tilespmem:$0x1FBF0] =	vst v15;
	v3 =	vunpack.c.0.s8.s32 v3;
	v2 =	vunpack.c.0.s8.s32 v2  }
0x83: {  	v62 =	vimm.s32 $0xA9876543;
	v63 =	vimm.s32 $0x76543210;
	[tilespmem:$0x1FBC0] =	vst v0;
	v0 =	vunpack.c.0.s8.s32 v61  }
0x84: {  	[tilespmem:$0x1FC10] =	vst v16;
	v18 =	vsel vm1, $0x20E, v5;
	v1 =	vsel vm0, v2, v29;
	v2 =	vsel vm0, v60, v3  }
0x85: {  	[tilespmem:$0x1FC30] =	vst v17;
	v3 =	vimm.s32 $0x5040302;
	v39 =	vcombine.low v2, v1;
	v0 =	vsel vm0, v0, v15  }
0x86: {  	v1 =	vimm.s32 $0x6050403;
	v2 =	vimm.s32 $0x87654321;
	[tilespmem:$0x1FC00] =	vst v0;
	v0 =	vunpack.c.0.s8.s32 v3  }
0x87: {  	v5 =	vunpack.c.l.s4.s8 v63;
	[tilespmem:$0x1FB40] =	vst v56;
	v2 =	vunpack.c.l.s4.s8 v2;
	v1 =	vunpack.c.0.s8.s32 v1  }
0x88: {  	v25 =	vsel vm1, $0x18E, v4;
	v4 =	vunpack.c.l.s4.s8 v62;
	[tilespmem:$0x1FBA0] =	vst v58;
	v0 =	vsel vm0, v0, v16  }
0x89: {  	v2 =	vunpack.c.0.s8.s32 v2;
	[tilespmem:$0x1FC20] =	vst v0;
	v0 =	vsel vm0, v1, v17;
	v1 =	vunpack.c.0.s8.s32 v5  }
0x8a: {  	[tilespmem:$0x1FC40] =	vst v0;
	v0 =	vunpack.c.0.s8.s32 v4  }
0x8b: {  	[tilespmem:$0x1FC50] =	vst v1;
	v1 =	vand.u32 $0xF, v2  }
0x8c: {  	[tilespmem:$0x1FC60] =	vst v1;
	v0 =	vand.u32 $0xF, v0  }
0x8d: {  	[tilespmem:$0x1FC80] =	vst v0;
	v0 =	vor.u32 $0x160, v49  }
0x8e: {  	[tilespmem:$0x1FC90] =	vst v0;
	v0 =	vor.u32 $0x170, v49  }
0x8f: {  	[tilespmem:$0x1FCA0] =	vst v0;
	v0 =	vor.u32 $0x180, v49  }
0x90: {  	[tilespmem:$0x1FCB0] =	vst v0;
	v0 =	vor.u32 $0x190, v49  }
0x91: {  	[tilespmem:$0x1FCC0] =	vst v0;
	v0 =	vor.u32 $0x1A0, v49  }
0x92: {  	v3 =	vimm.s32 $0x98765432;
	[tilespmem:$0x1FCD0] =	vst v0;
	v0 =	vor.u32 $0x1B0, v49  }
0x93: {  	v3 =	vunpack.c.l.s4.s8 v3;
	[tilespmem:$0x1FCE0] =	vst v0;
	v0 =	vor.u32 $0x1C0, v49  }
0x94: {  	[tilespmem:$0x1FCF0] =	vst v0;
	v0 =	vor.u32 $0x1D0, v49  }
0x95: {  	v3 =	vunpack.c.0.s8.s32 v3;
	[tilespmem:$0x1FD00] =	vst v0;
	v0 =	vor.u32 $0x1E0, v49  }
0x96: {  	[tilespmem:$0x1FD10] =	vst v0;
	v0 =	vor.u32 $0x1F0, v49  }
0x97: {  	s0 =	rddreg [dreg:$0x0];
	v1 =	vand.u32 $0xF, v3;
	[tilespmem:$0x1FD20] =	vst v0;
	v0 =	vmul.u32 $0x80, v49  }
0x98: {  	s1 =	rddreg [dreg:$0x1];
	s2 =	simm.s32 $0x0;
	[tilespmem:$0x1FC70] =	vst v1;
	v1 =	vmul.u32 $0x81, v49  }
0x99: {  	[smem:$0x7FF] =	sst s2;
	[tilespmem:$0x1FD30] =	vst v0  }
0x9a: {  	s3 =	rddreg [dreg:$0x2];
	v21 =	vsel vm1, $0x28E, v6;
	_ =	strace $0x80000047;
	[tilespmem:$0x1FD40] =	vst v1  }
0x9b: {  	v20 =	vsel vm1, $0x30E, v7;
	[tilespmem:$0x1FD50] =	vst v21  }
0x9c: {  	v19 =	vsel vm1, $0x38E, v8;
	[tilespmem:$0x1FD60] =	vst v20  }
0x9d: {  	v22 =	vsel vm1, $0x40E, v9;
	[tilespmem:$0x1FD70] =	vst v19  }
0x9e: {  	v23 =	vsel vm1, $0x48E, v10;
	[tilespmem:$0x1FD80] =	vst v22  }
0x9f: {  	v24 =	vsel vm1, $0x50E, v11;
	[tilespmem:$0x1FD90] =	vst v23  }
0xa0: {  	v11 =	vsel vm1, $0x58E, v12;
	[tilespmem:$0x1FDA0] =	vst v24  }
0xa1: {  	v12 =	vsel vm1, $0x60E, v13;
	[tilespmem:$0x1FDB0] =	vst v11  }
0xa2: {  	v13 =	vsel vm1, $0x68E, v14;
	[tilespmem:$0x1FDC0] =	vst v12  }
0xa3: {  	v34 =	vor.u32 $0x10, v49;
	[tilespmem:$0x1FDD0] =	vst v13  }
0xa4: {  	[tilespmem:$0x1FDE0] =	vst v34  }
0xa5: {  	v2 =	vadd.s32 $0x1, v49;
	[tilespmem:$0x1FDF0] =	vst v39  }
0xa6: {  	v38 =	vadd.s32 $0x80, v1;
	[tilespmem:$0x1FE00] =	vst v2  }
0xa7: {  	v16 =	vadd.s32 $0x2, v49;
	[tilespmem:$0x1FE10] =	vst v38  }
0xa8: {  	v40 =	vadd.s32 $0x100, v1;
	[tilespmem:$0x1FE20] =	vst v16  }
0xa9: {  	v17 =	vadd.s32 $0x3, v49;
	[tilespmem:$0x1FE30] =	vst v40  }
0xaa: {  	v42 =	vadd.s32 $0x180, v1;
	[tilespmem:$0x1FE40] =	vst v17  }
0xab: {  	v35 =	vadd.s32 $0x4, v49;
	[tilespmem:$0x1FE50] =	vst v42  }
0xac: {  	v32 =	vadd.s32 $0x5, v49;
	[tilespmem:$0x1FE60] =	vst v35  }
0xad: {  	v36 =	vadd.s32 $0x6, v49;
	[tilespmem:$0x1FE70] =	vst v32  }
0xae: {  	v52 =	vadd.s32 $0x300, v1;
	[tilespmem:$0x1FE80] =	vst v36  }
0xaf: {  	v61 =	vadd.s32 $0x7, v49;
	[tilespmem:$0x1FE90] =	vst v52  }
0xb0: {  	v45 =	vadd.s32 $0x380, v1;
	[tilespmem:$0x1FEA0] =	vst v61  }
0xb1: {  	v41 =	vadd.s32 $0x8, v49;
	[tilespmem:$0x1FEB0] =	vst v45  }
0xb2: {  	v37 =	vadd.s32 $0x400, v1;
	[tilespmem:$0x1FEC0] =	vst v41  }
0xb3: {  	v43 =	vadd.s32 $0x9, v49;
	[tilespmem:$0x1FED0] =	vst v37  }
0xb4: {  	v46 =	vadd.s32 $0x480, v1;
	[tilespmem:$0x1FEE0] =	vst v43  }
0xb5: {  	v47 =	vadd.s32 $0xA, v49;
	[tilespmem:$0x1FEF0] =	vst v46  }
0xb6: {  	v48 =	vadd.s32 $0xB, v49;
	[tilespmem:$0x1FF00] =	vst v47  }
0xb7: {  	v58 =	vadd.s32 $0x580, v1;
	[tilespmem:$0x1FF10] =	vst v48  }
0xb8: {  	v50 =	vadd.s32 $0xC, v49;
	[tilespmem:$0x1FF20] =	vst v58  }
0xb9: {  	v62 =	vadd.s32 $0x600, v1;
	[tilespmem:$0x1FF30] =	vst v50  }
0xba: {  	v56 =	vadd.s32 $0xD, v49;
	[tilespmem:$0x1FF40] =	vst v62  }
0xbb: {  	v63 =	vadd.s32 $0x680, v1;
	[tilespmem:$0x1FF50] =	vst v56  }
0xbc: {  	s4 =	srdreg.scid;
	s6 =	stileid.u32;
	v54 =	vadd.s32 $0xE, v49;
	[tilespmem:$0x1FF60] =	vst v63  }
0xbd: {  	s9 =	simm.s32 $0x20000;
	s10 =	simm.s32 $0x5;
	s11 =	simm.s32 $0x100;
	v59 =	vadd.s32 $0x700, v1;
	[tilespmem:$0x1FF70] =	vst v54  }
0xbe: {  	s12 =	simm.s32 $0x7000;
	s13 =	simm.s32 $0x7400;
	s14 =	simm.s32 $0x7100;
	v57 =	vadd.s32 $0xF, v49;
	[tilespmem:$0x1FF80] =	vst v59  }
0xbf: {  	s15 =	simm.s32 $0xF400;
	s16 =	simm.s32 $0x1;
	s17 =	simm.s32 $0x17400;
	v53 =	vadd.s32 $0x200, v1;
	[tilespmem:$0x1FF90] =	vst v57  }
0xc0: {  	s18 =	simm.s32 $0x400;
	s19 =	simm.s32 $0x2;
	s20 =	simm.s32 $0x19400;
	[tilespmem:$0x1FFA0] =	vst v53  }
0xc1: {  	s21 =	simm.s32 $0x3;
	s22 =	simm.s32 $0x4;
	s4 =	sand.u32 $0x1, s4;
	v33 =	vadd.s32 $0x280, v1;
	[tilespmem:$0x1FFB0] =	vst v18  }
0xc2: {  	s6 =	sshll.u32 s6, $0xA;
	s5 =	ssub.s32 $0x2, s4;
	s4 =	sshll.u32 s4, $0x9;
	[tilespmem:$0x1FFC0] =	vst v33  }
0xc3: {  	s23 =	simm.s32 $0x0;
	s7 =	sshrl.u32 s5, $0x1;
	s6 =	sor.u32 s4, s6;
	v31 =	vadd.s32 $0x500, v1;
	[tilespmem:$0x1FFD0] =	vst v25  }
0xc4: {  	s7 =	ssub.s32 s5, s7;
	s1 =	sadd.s32 s1, s6;
	s5 =	sadd.s32 s3, s6;
	[tilespmem:$0x1FFE0] =	vst v31  }
0xc5: {  	s6 =	sadd.s32 $0x20000, s5;
	s7 =	smax.u32 s7, $0x1;
	[dreg:$0x4] =	wrdreg s1;
	[tilespmem:$0x1FFF0] =	vst v30  }
.LBB2_1:
0xc6: {  	s1 =	rddreg [dreg:$0x4];
	s3 =	simm.s32 $0x1000  }
0xc7: {  	[tilespmem:s2], [sflag:$0x5] =	stream.strided.gather [hbm4b:s1+s3], $0x7000, s9, s3, $0x38;
	[tilespmem:$0x1B400] =	vst v63  }
0xc8: {  	_ =	swait.ge [sflag:s10], $0x7000  }
0xc9: {  	[sflag:s10] =	ssyncset.done $0x0  }
0xca: {  	[sflag:s10] =	ssyncadd.s32 $0xFFFF9000  }
0xcb: {  	v0 =	vld.idx.msk [tilespmem:v49+s2+$0x0], $0xffff;
	_ =	sdelay $0x4  }
0xcc: {  	v1 =	vshra.s32 v0, $0x2;
	v0 =	vshll.u32 v0, $0x5  }
0xcd: {  	[tilespmem:$0x7000] =	vst v1;
	v0 =	vand.u32 $0x60, v0  }
0xce: {  	[tilespmem:$0x7200] =	vst v0  }
0xcf: {  	v0 =	vld.idx.msk [tilespmem:v34+s2+$0x0], $0xffff;
	_ =	sdelay $0x4  }
0xd0: {  	v1 =	vshra.s32 v0, $0x2;
	v0 =	vshll.u32 v0, $0x5  }
0xd1: {  	v0 =	vand.u32 $0x60, v0  }
0xd2: {  	[tilespmem:$0x7210] =	vst v0;
	v0 =	vld [tilespmem:$0x1F9F0];
	_ =	sdelay $0x6  }
0xd3: {  	[tilespmem:$0x7010] =	vst v1  }
0xd4: {  	v0 =	vld.idx.msk [tilespmem:v0+s2+$0x0], $0xffff;
	_ =	sdelay $0x4  }
0xd5: {  	v1 =	vshra.s32 v0, $0x2;
	v0 =	vshll.u32 v0, $0x5  }
0xd6: {  	v0 =	vand.u32 $0x60, v0  }
0xd7: {  	[tilespmem:$0x7220] =	vst v0;
	v0 =	vld [tilespmem:$0x1FA00];
	_ =	sdelay $0x6  }
0xd8: {  	[tilespmem:$0x7020] =	vst v1  }
0xd9: {  	v0 =	vld.idx.msk [tilespmem:v0+s2+$0x0], $0xffff;
	_ =	sdelay $0x4  }
0xda: {  	v1 =	vshra.s32 v0, $0x2;
	v0 =	vshll.u32 v0, $0x5  }
0xdb: {  	v0 =	vand.u32 $0x60, v0  }
0xdc: {  	[tilespmem:$0x7230] =	vst v0;
	v0 =	vld [tilespmem:$0x1FA10];
	_ =	sdelay $0x6  }
0xdd: {  	[tilespmem:$0x7030] =	vst v1  }
0xde: {  	v0 =	vld.idx.msk [tilespmem:v0+s2+$0x0], $0xffff;
	_ =	sdelay $0x4  }
0xdf: {  	v1 =	vshra.s32 v0, $0x2;
	v0 =	vshll.u32 v0, $0x5  }
0xe0: {  	v0 =	vand.u32 $0x60, v0  }
0xe1: {  	[tilespmem:$0x7240] =	vst v0;
	v0 =	vld [tilespmem:$0x1FA20];
	_ =	sdelay $0x6  }
0xe2: {  	[tilespmem:$0x7040] =	vst v1  }
0xe3: {  	v0 =	vld.idx.msk [tilespmem:v0+s2+$0x0], $0xffff;
	_ =	sdelay $0x4  }
0xe4: {  	v1 =	vshra.s32 v0, $0x2;
	v0 =	vshll.u32 v0, $0x5  }
0xe5: {  	v0 =	vand.u32 $0x60, v0  }
0xe6: {  	[tilespmem:$0x7250] =	vst v0;
	v0 =	vld [tilespmem:$0x1FA30];
	_ =	sdelay $0x6  }
0xe7: {  	[tilespmem:$0x7050] =	vst v1  }
0xe8: {  	v0 =	vld.idx.msk [tilespmem:v0+s2+$0x0], $0xffff;
	_ =	sdelay $0x4  }
0xe9: {  	v1 =	vshra.s32 v0, $0x2;
	v0 =	vshll.u32 v0, $0x5  }
0xea: {  	v0 =	vand.u32 $0x60, v0  }
0xeb: {  	[tilespmem:$0x7260] =	vst v0;
	v0 =	vld [tilespmem:$0x1FA40];
	_ =	sdelay $0x6  }
0xec: {  	[tilespmem:$0x7060] =	vst v1  }
0xed: {  	v0 =	vld.idx.msk [tilespmem:v0+s2+$0x0], $0xffff;
	_ =	sdelay $0x4  }
0xee: {  	v1 =	vshra.s32 v0, $0x2;
	v0 =	vshll.u32 v0, $0x5  }
0xef: {  	v0 =	vand.u32 $0x60, v0  }
0xf0: {  	[tilespmem:$0x7270] =	vst v0;
	v0 =	vld [tilespmem:$0x1FA50];
	_ =	sdelay $0x6  }
0xf1: {  	[tilespmem:$0x7070] =	vst v1  }
0xf2: {  	v0 =	vld.idx.msk [tilespmem:v0+s2+$0x0], $0xffff;
	_ =	sdelay $0x4  }
0xf3: {  	v1 =	vshra.s32 v0, $0x2;
	v0 =	vshll.u32 v0, $0x5  }
0xf4: {  	v0 =	vand.u32 $0x60, v0  }
0xf5: {  	[tilespmem:$0x7280] =	vst v0;
	v0 =	vld [tilespmem:$0x1FA60];
	_ =	sdelay $0x6  }
0xf6: {  	[tilespmem:$0x7080] =	vst v1  }
0xf7: {  	v0 =	vld.idx.msk [tilespmem:v0+s2+$0x0], $0xffff;
	_ =	sdelay $0x4  }
0xf8: {  	v1 =	vshra.s32 v0, $0x2;
	v0 =	vshll.u32 v0, $0x5  }
0xf9: {  	v0 =	vand.u32 $0x60, v0  }
0xfa: {  	[tilespmem:$0x7290] =	vst v0;
	v0 =	vld [tilespmem:$0x1FA70];
	_ =	sdelay $0x6  }
0xfb: {  	[tilespmem:$0x7090] =	vst v1  }
0xfc: {  	v0 =	vld.idx.msk [tilespmem:v0+s2+$0x0], $0xffff;
	_ =	sdelay $0x4  }
0xfd: {  	v1 =	vshra.s32 v0, $0x2;
	v0 =	vshll.u32 v0, $0x5  }
0xfe: {  	v0 =	vand.u32 $0x60, v0  }
0xff: {  	[tilespmem:$0x72A0] =	vst v0;
	v0 =	vld [tilespmem:$0x1FA80];
	_ =	sdelay $0x6  }
0x100: {  	[tilespmem:$0x70A0] =	vst v1  }
0x101: {  	v0 =	vld.idx.msk [tilespmem:v0+s2+$0x0], $0xffff;
	_ =	sdelay $0x4  }
0x102: {  	v1 =	vshra.s32 v0, $0x2;
	v0 =	vshll.u32 v0, $0x5  }
0x103: {  	v0 =	vand.u32 $0x60, v0  }
0x104: {  	[tilespmem:$0x72B0] =	vst v0;
	v0 =	vld [tilespmem:$0x1FA90];
	_ =	sdelay $0x6  }
0x105: {  	[tilespmem:$0x70B0] =	vst v1  }
0x106: {  	v0 =	vld.idx.msk [tilespmem:v0+s2+$0x0], $0xffff;
	_ =	sdelay $0x4  }
0x107: {  	v1 =	vshra.s32 v0, $0x2;
	v0 =	vshll.u32 v0, $0x5  }
0x108: {  	v0 =	vand.u32 $0x60, v0  }
0x109: {  	[tilespmem:$0x72C0] =	vst v0;
	v0 =	vld [tilespmem:$0x1FAA0];
	_ =	sdelay $0x6  }
0x10a: {  	[tilespmem:$0x70C0] =	vst v1  }
0x10b: {  	v0 =	vld.idx.msk [tilespmem:v0+s2+$0x0], $0xffff;
	_ =	sdelay $0x4  }
0x10c: {  	v1 =	vshra.s32 v0, $0x2;
	v0 =	vshll.u32 v0, $0x5  }
0x10d: {  	v0 =	vand.u32 $0x60, v0  }
0x10e: {  	[tilespmem:$0x72D0] =	vst v0;
	v0 =	vld [tilespmem:$0x1FAB0];
	_ =	sdelay $0x6  }
0x10f: {  	[tilespmem:$0x70D0] =	vst v1  }
0x110: {  	v0 =	vld.idx.msk [tilespmem:v0+s2+$0x0], $0xffff;
	_ =	sdelay $0x4  }
0x111: {  	v1 =	vshra.s32 v0, $0x2;
	v0 =	vshll.u32 v0, $0x5  }
0x112: {  	v0 =	vand.u32 $0x60, v0  }
0x113: {  	[tilespmem:$0x72E0] =	vst v0;
	v0 =	vld [tilespmem:$0x1FAC0];
	_ =	sdelay $0x6  }
0x114: {  	[tilespmem:$0x70E0] =	vst v1  }
0x115: {  	v0 =	vld.idx.msk [tilespmem:v0+s2+$0x0], $0xffff;
	_ =	sdelay $0x4  }
0x116: {  	v1 =	vshra.s32 v0, $0x2;
	v0 =	vshll.u32 v0, $0x5  }
0x117: {  	v0 =	vand.u32 $0x60, v0  }
0x118: {  	[tilespmem:$0x72F0] =	vst v0;
	v0 =	vld [tilespmem:$0x1FAD0];
	_ =	sdelay $0x5  }
0x119: {  	[tilespmem:$0x70F0] =	vst v1  }
0x11a: {  	[tilespmem:s13], [sflag:$0x1] =	stream.indirect.gather [hbm4b:s0+s11], $0x80, s12, s11, $0xb8;
	[tilespmem:$0x1B400] =	vst v63  }
0x11b: {  	v0 =	vld.idx.msk [tilespmem:v0+s2+$0x0], $0xffff;
	_ =	sdelay $0x4  }
0x11c: {  	v1 =	vshra.s32 v0, $0x2;
	v0 =	vshll.u32 v0, $0x5  }
0x11d: {  	v0 =	vand.u32 $0x60, v0  }
0x11e: {  	[tilespmem:$0x7300] =	vst v0;
	v0 =	vld [tilespmem:$0x1FAE0];
	_ =	sdelay $0x6  }
0x11f: {  	[tilespmem:$0x7100] =	vst v1  }
0x120: {  	v0 =	vld.idx.msk [tilespmem:v0+s2+$0x0], $0xffff;
	_ =	sdelay $0x4  }
0x121: {  	v1 =	vshra.s32 v0, $0x2;
	v0 =	vshll.u32 v0, $0x5  }
0x122: {  	v0 =	vand.u32 $0x60, v0  }
0x123: {  	[tilespmem:$0x7310] =	vst v0;
	v0 =	vld [tilespmem:$0x1FAF0];
	_ =	sdelay $0x6  }
0x124: {  	[tilespmem:$0x7110] =	vst v1  }
0x125: {  	v0 =	vld.idx.msk [tilespmem:v0+s2+$0x0], $0xffff;
	_ =	sdelay $0x4  }
0x126: {  	v1 =	vshra.s32 v0, $0x2;
	v0 =	vshll.u32 v0, $0x5  }
0x127: {  	v0 =	vand.u32 $0x60, v0  }
0x128: {  	[tilespmem:$0x7320] =	vst v0;
	v0 =	vld [tilespmem:$0x1FB00];
	_ =	sdelay $0x6  }
0x129: {  	[tilespmem:$0x7120] =	vst v1  }
0x12a: {  	v0 =	vld.idx.msk [tilespmem:v0+s2+$0x0], $0xffff;
	_ =	sdelay $0x4  }
0x12b: {  	v1 =	vshra.s32 v0, $0x2;
	v0 =	vshll.u32 v0, $0x5  }
0x12c: {  	v0 =	vand.u32 $0x60, v0  }
0x12d: {  	[tilespmem:$0x7330] =	vst v0;
	v0 =	vld [tilespmem:$0x1FB10];
	_ =	sdelay $0x6  }
0x12e: {  	[tilespmem:$0x7130] =	vst v1  }
0x12f: {  	v0 =	vld.idx.msk [tilespmem:v0+s2+$0x0], $0xffff;
	_ =	sdelay $0x4  }
0x130: {  	v1 =	vshra.s32 v0, $0x2;
	v0 =	vshll.u32 v0, $0x5  }
0x131: {  	v0 =	vand.u32 $0x60, v0  }
0x132: {  	[tilespmem:$0x7340] =	vst v0;
	v0 =	vld [tilespmem:$0x1FB30];
	_ =	sdelay $0x6  }
0x133: {  	[tilespmem:$0x7140] =	vst v1  }
0x134: {  	v0 =	vld.idx.msk [tilespmem:v0+s2+$0x0], $0xffff;
	_ =	sdelay $0x4  }
0x135: {  	v1 =	vshra.s32 v0, $0x2;
	v0 =	vshll.u32 v0, $0x5  }
0x136: {  	v0 =	vand.u32 $0x60, v0  }
0x137: {  	[tilespmem:$0x7350] =	vst v0;
	v0 =	vld [tilespmem:$0x1FC90];
	_ =	sdelay $0x6  }
0x138: {  	[tilespmem:$0x7150] =	vst v1  }
0x139: {  	v0 =	vld.idx.msk [tilespmem:v0+s2+$0x0], $0xffff;
	_ =	sdelay $0x4  }
0x13a: {  	v1 =	vshra.s32 v0, $0x2;
	v0 =	vshll.u32 v0, $0x5  }
0x13b: {  	v0 =	vand.u32 $0x60, v0  }
0x13c: {  	[tilespmem:$0x7360] =	vst v0;
	v0 =	vld [tilespmem:$0x1FCA0];
	_ =	sdelay $0x6  }
0x13d: {  	[tilespmem:$0x7160] =	vst v1  }
0x13e: {  	v0 =	vld.idx.msk [tilespmem:v0+s2+$0x0], $0xffff;
	_ =	sdelay $0x4  }
0x13f: {  	v1 =	vshra.s32 v0, $0x2;
	v0 =	vshll.u32 v0, $0x5  }
0x140: {  	v0 =	vand.u32 $0x60, v0  }
0x141: {  	[tilespmem:$0x7370] =	vst v0;
	v0 =	vld [tilespmem:$0x1FCB0];
	_ =	sdelay $0x6  }
0x142: {  	[tilespmem:$0x7170] =	vst v1  }
0x143: {  	v0 =	vld.idx.msk [tilespmem:v0+s2+$0x0], $0xffff;
	_ =	sdelay $0x4  }
0x144: {  	v1 =	vshra.s32 v0, $0x2;
	v0 =	vshll.u32 v0, $0x5  }
0x145: {  	v0 =	vand.u32 $0x60, v0  }
0x146: {  	[tilespmem:$0x7380] =	vst v0;
	v0 =	vld [tilespmem:$0x1FCC0];
	_ =	sdelay $0x6  }
0x147: {  	[tilespmem:$0x7180] =	vst v1  }
0x148: {  	v0 =	vld.idx.msk [tilespmem:v0+s2+$0x0], $0xffff;
	_ =	sdelay $0x4  }
0x149: {  	v1 =	vshra.s32 v0, $0x2;
	v0 =	vshll.u32 v0, $0x5  }
0x14a: {  	v0 =	vand.u32 $0x60, v0  }
0x14b: {  	[tilespmem:$0x7390] =	vst v0;
	v0 =	vld [tilespmem:$0x1FCD0];
	_ =	sdelay $0x6  }
0x14c: {  	[tilespmem:$0x7190] =	vst v1  }
0x14d: {  	v0 =	vld.idx.msk [tilespmem:v0+s2+$0x0], $0xffff;
	_ =	sdelay $0x4  }
0x14e: {  	v1 =	vshra.s32 v0, $0x2;
	v0 =	vshll.u32 v0, $0x5  }
0x14f: {  	v0 =	vand.u32 $0x60, v0  }
0x150: {  	[tilespmem:$0x73A0] =	vst v0;
	v0 =	vld [tilespmem:$0x1FCE0];
	_ =	sdelay $0x6  }
0x151: {  	[tilespmem:$0x71A0] =	vst v1  }
0x152: {  	v0 =	vld.idx.msk [tilespmem:v0+s2+$0x0], $0xffff;
	_ =	sdelay $0x4  }
0x153: {  	v1 =	vshra.s32 v0, $0x2;
	v0 =	vshll.u32 v0, $0x5  }
0x154: {  	v0 =	vand.u32 $0x60, v0  }
0x155: {  	[tilespmem:$0x73B0] =	vst v0;
	v0 =	vld [tilespmem:$0x1FCF0];
	_ =	sdelay $0x6  }
0x156: {  	[tilespmem:$0x71B0] =	vst v1  }
0x157: {  	v0 =	vld.idx.msk [tilespmem:v0+s2+$0x0], $0xffff;
	_ =	sdelay $0x4  }
0x158: {  	v1 =	vshra.s32 v0, $0x2;
	v0 =	vshll.u32 v0, $0x5  }
0x159: {  	v0 =	vand.u32 $0x60, v0  }
0x15a: {  	[tilespmem:$0x73C0] =	vst v0;
	v0 =	vld [tilespmem:$0x1FD00];
	_ =	sdelay $0x6  }
0x15b: {  	[tilespmem:$0x71C0] =	vst v1  }
0x15c: {  	v0 =	vld.idx.msk [tilespmem:v0+s2+$0x0], $0xffff;
	_ =	sdelay $0x4  }
0x15d: {  	v1 =	vshra.s32 v0, $0x2;
	v0 =	vshll.u32 v0, $0x5  }
0x15e: {  	v0 =	vand.u32 $0x60, v0  }
0x15f: {  	[tilespmem:$0x73D0] =	vst v0;
	v0 =	vld [tilespmem:$0x1FD10];
	_ =	sdelay $0x6  }
0x160: {  	[tilespmem:$0x71D0] =	vst v1  }
0x161: {  	v0 =	vld.idx.msk [tilespmem:v0+s2+$0x0], $0xffff;
	_ =	sdelay $0x4  }
0x162: {  	v1 =	vshra.s32 v0, $0x2;
	v0 =	vshll.u32 v0, $0x5  }
0x163: {  	v0 =	vand.u32 $0x60, v0  }
0x164: {  	[tilespmem:$0x73E0] =	vst v0;
	v0 =	vld [tilespmem:$0x1FD20];
	_ =	sdelay $0x6  }
0x165: {  	[tilespmem:$0x71E0] =	vst v1  }
0x166: {  	v0 =	vld.idx.msk [tilespmem:v0+s2+$0x0], $0xffff;
	_ =	sdelay $0x4  }
0x167: {  	v1 =	vshra.s32 v0, $0x2;
	v0 =	vshll.u32 v0, $0x5  }
0x168: {  	[tilespmem:$0x71F0] =	vst v1;
	v0 =	vand.u32 $0x60, v0  }
0x169: {  	[tilespmem:$0x73F0] =	vst v0  }
0x16a: {  	[tilespmem:s15], [sflag:$0x2] =	stream.indirect.gather [hbm4b:s0+s11], $0x80, s14, s11, $0xb8;
	[tilespmem:$0x1B400] =	vst v63  }
0x16b: {  	_ =	swait.ge [sflag:s16], $0x8000  }
0x16c: {  	[sflag:s16] =	ssyncset.done $0x0  }
0x16d: {  	s24 =	simm.s32 $0x7200;
	[sflag:s16] =	ssyncadd.s32 $0xFFFF8000  }
0x16e: {  	v4 =	vld [tilespmem:s24+$0x0]  }
0x16f: {  	v3 =	vld [tilespmem:$0x1FD30]  }
0x170: {  	s29 =	simm.s32 $0x0;
	s30 =	sand.u32 $0x70, s2  }
0x171: {  	s1 =	sor.u32 s30, s29  }
0x172: {  	v0 =	vmov s1  }
0x173: {  	v0 =	vshll.u32 v0, $0x7;
	v1 =	vadd.s32 v49, v4  }
0x174: {  	v5 =	vor.u32 v3, v0;
	v0 =	vand.u32 $0xFFFFFF80, v1  }
0x175: {  	v1 =	vand.u32 $0x7F, v1;
	v0 =	vadd.s32 v5, v0  }
0x176: {  	v8 =	vld [tilespmem:$0x1FD40];
	v0 =	vor.u32 v1, v0;
	_ =	sdelay $0x2  }
0x177: {  	s31 =	simm.s32 $0x0;
	v1 =	vadd.s32 v2, v4  }
0x178: {  	s1 =	sor.u32 s30, s31;
	v2 =	vand.u32 $0xFFFFFF80, v1  }
0x179: {  	v3 =	vor.u32 s1, v8;
	v1 =	vand.u32 $0x7F, v1;
	v2 =	vadd.s32 v5, v2;
	v0 =	vld.idx.msk [tilespmem:v0+s13+$0x0], $0xffff  }
0x17a: {  	v1 =	vor.u32 v1, v2;
	_ =	sdelay $0x2  }
0x17b: {  	v2 =	vadd.s32 v16, v4  }
0x17c: {  	v6 =	vand.u32 $0xFFFFFF80, v2;
	[tilespmem:v3+s17+$0x0] =	vst.idx.msk $0xffff, v0  }
0x17d: {  	v2 =	vand.u32 $0x7F, v2;
	v0 =	vor.u32 s1, v38;
	v3 =	vadd.s32 v5, v6;
	v1 =	vld.idx.msk [tilespmem:v1+s13+$0x0], $0xffff  }
0x17e: {  	v2 =	vor.u32 v2, v3;
	_ =	sdelay $0x2  }
0x17f: {  	v3 =	vadd.s32 v17, v4  }
0x180: {  	v6 =	vand.u32 $0xFFFFFF80, v3;
	[tilespmem:v0+s17+$0x0] =	vst.idx.msk $0xffff, v1  }
0x181: {  	v3 =	vand.u32 $0x7F, v3;
	v0 =	vadd.s32 v5, v6;
	v1 =	vor.u32 s1, v40;
	v2 =	vld.idx.msk [tilespmem:v2+s13+$0x0], $0xffff  }
0x182: {  	v0 =	vor.u32 v3, v0;
	_ =	sdelay $0x2  }
0x183: {  	v3 =	vadd.s32 v35, v4  }
0x184: {  	v6 =	vand.u32 $0xFFFFFF80, v3;
	[tilespmem:v1+s17+$0x0] =	vst.idx.msk $0xffff, v2  }
0x185: {  	v3 =	vand.u32 $0x7F, v3;
	v1 =	vadd.s32 v5, v6;
	v2 =	vor.u32 s1, v42;
	v0 =	vld.idx.msk [tilespmem:v0+s13+$0x0], $0xffff  }
0x186: {  	v1 =	vor.u32 v3, v1;
	_ =	sdelay $0x2  }
0x187: {  	v3 =	vadd.s32 v32, v4  }
0x188: {  	v6 =	vand.u32 $0xFFFFFF80, v3;
	[tilespmem:v2+s17+$0x0] =	vst.idx.msk $0xffff, v0  }
0x189: {  	v3 =	vand.u32 $0x7F, v3;
	v0 =	vadd.s32 v5, v6;
	v2 =	vor.u32 s1, v53;
	v1 =	vld.idx.msk [tilespmem:v1+s13+$0x0], $0xffff  }
0x18a: {  	v0 =	vor.u32 v3, v0;
	_ =	sdelay $0x2  }
0x18b: {  	v3 =	vadd.s32 v36, v4  }
0x18c: {  	v6 =	vand.u32 $0xFFFFFF80, v3;
	[tilespmem:v2+s17+$0x0] =	vst.idx.msk $0xffff, v1  }
0x18d: {  	v3 =	vand.u32 $0x7F, v3;
	v1 =	vadd.s32 v5, v6;
	v2 =	vor.u32 s1, v33;
	v0 =	vld.idx.msk [tilespmem:v0+s13+$0x0], $0xffff  }
0x18e: {  	v1 =	vor.u32 v3, v1;
	_ =	sdelay $0x2  }
0x18f: {  	v3 =	vadd.s32 v61, v4  }
0x190: {  	v6 =	vand.u32 $0xFFFFFF80, v3;
	[tilespmem:v2+s17+$0x0] =	vst.idx.msk $0xffff, v0  }
0x191: {  	v0 =	vor.u32 s1, v52;
	v2 =	vand.u32 $0x7F, v3;
	v3 =	vadd.s32 v5, v6;
	v1 =	vld.idx.msk [tilespmem:v1+s13+$0x0], $0xffff  }
0x192: {  	v2 =	vor.u32 v2, v3;
	_ =	sdelay $0x2  }
0x193: {  	v3 =	vadd.s32 v41, v4  }
0x194: {  	v6 =	vand.u32 $0xFFFFFF80, v3;
	[tilespmem:v0+s17+$0x0] =	vst.idx.msk $0xffff, v1  }
0x195: {  	v3 =	vand.u32 $0x7F, v3;
	v0 =	vadd.s32 v5, v6;
	v1 =	vor.u32 s1, v45;
	v2 =	vld.idx.msk [tilespmem:v2+s13+$0x0], $0xffff  }
0x196: {  	v0 =	vor.u32 v3, v0;
	_ =	sdelay $0x2  }
0x197: {  	v3 =	vadd.s32 v43, v4  }
0x198: {  	v6 =	vand.u32 $0xFFFFFF80, v3;
	[tilespmem:v1+s17+$0x0] =	vst.idx.msk $0xffff, v2  }
0x199: {  	v3 =	vand.u32 $0x7F, v3;
	v1 =	vadd.s32 v5, v6;
	v2 =	vor.u32 s1, v37;
	v0 =	vld.idx.msk [tilespmem:v0+s13+$0x0], $0xffff  }
0x19a: {  	v1 =	vor.u32 v3, v1;
	_ =	sdelay $0x2  }
0x19b: {  	v3 =	vadd.s32 v47, v4  }
0x19c: {  	v6 =	vand.u32 $0xFFFFFF80, v3;
	[tilespmem:v2+s17+$0x0] =	vst.idx.msk $0xffff, v0  }
0x19d: {  	v3 =	vand.u32 $0x7F, v3;
	v0 =	vadd.s32 v5, v6;
	v2 =	vor.u32 s1, v46;
	v1 =	vld.idx.msk [tilespmem:v1+s13+$0x0], $0xffff  }
0x19e: {  	v0 =	vor.u32 v3, v0;
	_ =	sdelay $0x2  }
0x19f: {  	v3 =	vadd.s32 v48, v4  }
0x1a0: {  	v6 =	vand.u32 $0xFFFFFF80, v3;
	[tilespmem:v2+s17+$0x0] =	vst.idx.msk $0xffff, v1  }
0x1a1: {  	v3 =	vand.u32 $0x7F, v3;
	v1 =	vadd.s32 v5, v6;
	v2 =	vor.u32 s1, v31;
	v0 =	vld.idx.msk [tilespmem:v0+s13+$0x0], $0xffff  }
0x1a2: {  	v1 =	vor.u32 v3, v1;
	_ =	sdelay $0x2  }
0x1a3: {  	v3 =	vadd.s32 v50, v4  }
0x1a4: {  	v6 =	vand.u32 $0xFFFFFF80, v3;
	[tilespmem:v2+s17+$0x0] =	vst.idx.msk $0xffff, v0  }
0x1a5: {  	v3 =	vand.u32 $0x7F, v3;
	v0 =	vadd.s32 v5, v6;
	v2 =	vor.u32 s1, v58;
	v1 =	vld.idx.msk [tilespmem:v1+s13+$0x0], $0xffff  }
0x1a6: {  	v0 =	vor.u32 v3, v0;
	_ =	sdelay $0x2  }
0x1a7: {  	v3 =	vadd.s32 v56, v4  }
0x1a8: {  	v6 =	vand.u32 $0xFFFFFF80, v3;
	[tilespmem:v2+s17+$0x0] =	vst.idx.msk $0xffff, v1  }
0x1a9: {  	v3 =	vand.u32 $0x7F, v3;
	v1 =	vadd.s32 v5, v6;
	v2 =	vor.u32 s1, v62;
	v0 =	vld.idx.msk [tilespmem:v0+s13+$0x0], $0xffff  }
0x1aa: {  	v1 =	vor.u32 v3, v1;
	_ =	sdelay $0x2  }
0x1ab: {  	v3 =	vadd.s32 v54, v4  }
0x1ac: {  	v6 =	vand.u32 $0xFFFFFF80, v3;
	[tilespmem:v2+s17+$0x0] =	vst.idx.msk $0xffff, v0  }
0x1ad: {  	v3 =	vand.u32 $0x7F, v3;
	v0 =	vadd.s32 v5, v6;
	v2 =	vor.u32 s1, v63;
	v1 =	vld.idx.msk [tilespmem:v1+s13+$0x0], $0xffff  }
0x1ae: {  	v0 =	vor.u32 v3, v0;
	_ =	sdelay $0x3  }
0x1af: {  	[tilespmem:v2+s17+$0x0] =	vst.idx.msk $0xffff, v1  }
0x1b0: {  	v3 =	vadd.s32 v57, v4;
	v2 =	vor.u32 s1, v59;
	v0 =	vld.idx.msk [tilespmem:v0+s13+$0x0], $0xffff  }
0x1b1: {  	v6 =	vand.u32 $0xFFFFFF80, v3  }
0x1b2: {  	v3 =	vand.u32 $0x7F, v3;
	v1 =	vadd.s32 v5, v6  }
0x1b3: {  	v1 =	vor.u32 v3, v1;
	v3 =	vadd.s32 v34, v4  }
0x1b4: {  	v10 =	vld [tilespmem:$0x1FB60];
	v6 =	vand.u32 $0xFFFFFF80, v3  }
0x1b5: {  	v3 =	vand.u32 $0x7F, v3;
	[tilespmem:v2+s17+$0x0] =	vst.idx.msk $0xffff, v0;
	v0 =	vadd.s32 v5, v6;
	v6 =	vld [tilespmem:$0x1FBF0]  }
0x1b6: {  	v0 =	vor.u32 v3, v0;
	v3 =	vld [tilespmem:$0x1FB50];
	_ =	sdelay $0x2  }
0x1b7: {  	v60 =	vadd.s32 $0x780, v8  }
0x1b8: {  	v2 =	vor.u32 s1, v60;
	v1 =	vld.idx.msk [tilespmem:v1+s13+$0x0], $0xffff;
	v6 =	vsel vm0, v6, v10  }
0x1b9: {  	v3 =	vcombine.low v3, v6;
	_ =	sdelay $0x1  }
0x1ba: {  	[tilespmem:$0x1F930] =	vst v3;
	v3 =	vadd.s32 v3, v4  }
0x1bb: {  	v14 =	vld [tilespmem:$0x1FB90];
	v7 =	vand.u32 $0xFFFFFF80, v3  }
0x1bc: {  	[tilespmem:v2+s17+$0x0] =	vst.idx.msk $0xffff, v1;
	v3 =	vand.u32 $0x7F, v3;
	v1 =	vadd.s32 v5, v7;
	v7 =	vld [tilespmem:$0x1FC10]  }
0x1bd: {  	v1 =	vor.u32 v3, v1;
	v3 =	vld [tilespmem:$0x1FB80];
	_ =	sdelay $0x2  }
0x1be: {  	v8 =	vor.u32 $0x800, v8  }
0x1bf: {  	v2 =	vor.u32 s1, v8;
	v0 =	vld.idx.msk [tilespmem:v0+s13+$0x0], $0xffff;
	v7 =	vsel vm0, v7, v14  }
0x1c0: {  	v3 =	vcombine.low v3, v7;
	_ =	sdelay $0x1  }
0x1c1: {  	[tilespmem:$0x1F950] =	vst v3;
	v3 =	vadd.s32 v3, v4  }
0x1c2: {  	v15 =	vld [tilespmem:$0x1FBC0];
	[tilespmem:$0x1F940] =	vst v8;
	v8 =	vand.u32 $0xFFFFFF80, v3  }
0x1c3: {  	[tilespmem:v2+s17+$0x0] =	vst.idx.msk $0xffff, v0;
	v3 =	vand.u32 $0x7F, v3;
	v0 =	vadd.s32 v5, v8;
	v8 =	vld [tilespmem:$0x1FC30]  }
0x1c4: {  	v0 =	vor.u32 v3, v0;
	v3 =	vld [tilespmem:$0x1FBB0]  }
0x1c5: {  	v2 =	vor.u32 s1, v51;
	v1 =	vld.idx.msk [tilespmem:v1+s13+$0x0], $0xffff;
	_ =	sdelay $0x2  }
0x1c6: {  	v8 =	vsel vm0, v8, v15  }
0x1c7: {  	v29 =	vcombine.low v3, v8  }
0x1c8: {  	[tilespmem:v2+s17+$0x0] =	vst.idx.msk $0xffff, v1  }
0x1c9: {  	v2 =	vor.u32 s1, v28;
	v0 =	vld.idx.msk [tilespmem:v0+s13+$0x0], $0xffff;
	v3 =	vadd.s32 v29, v4  }
0x1ca: {  	v9 =	vand.u32 $0xFFFFFF80, v3  }
0x1cb: {  	v3 =	vand.u32 $0x7F, v3;
	v1 =	vadd.s32 v5, v9  }
0x1cc: {  	v1 =	vor.u32 v3, v1;
	v3 =	vadd.s32 v39, v4  }
0x1cd: {  	v9 =	vand.u32 $0xFFFFFF80, v3  }
0x1ce: {  	[tilespmem:v2+s17+$0x0] =	vst.idx.msk $0xffff, v0;
	v3 =	vand.u32 $0x7F, v3;
	v0 =	vadd.s32 v5, v9;
	v9 =	vld [tilespmem:$0x1FB40]  }
0x1cf: {  	v0 =	vor.u32 v3, v0;
	v3 =	vld [tilespmem:$0x1FC00];
	_ =	sdelay $0x2  }
0x1d0: {  	v2 =	vor.u32 s1, v30;
	v1 =	vld.idx.msk [tilespmem:v1+s13+$0x0], $0xffff  }
0x1d1: {  	v9 =	vsel vm0, v10, v9  }
0x1d2: {  	v3 =	vcombine.low v9, v3;
	_ =	sdelay $0x1  }
0x1d3: {  	[tilespmem:$0x1F960] =	vst v3;
	v3 =	vadd.s32 v3, v4  }
0x1d4: {  	[tilespmem:v2+s17+$0x0] =	vst.idx.msk $0xffff, v1;
	v2 =	vld [tilespmem:$0x1F9E0];
	v9 =	vand.u32 $0xFFFFFF80, v3  }
0x1d5: {  	v3 =	vand.u32 $0x7F, v3;
	v1 =	vadd.s32 v5, v9;
	v9 =	vld [tilespmem:$0x1FB70]  }
0x1d6: {  	v1 =	vor.u32 v3, v1;
	v3 =	vld [tilespmem:$0x1FC20];
	_ =	sdelay $0x3  }
0x1d7: {  	v0 =	vld.idx.msk [tilespmem:v0+s13+$0x0], $0xffff;
	v2 =	vor.u32 s1, v2;
	v9 =	vsel vm0, v14, v9  }
0x1d8: {  	v3 =	vcombine.low v9, v3;
	_ =	sdelay $0x1  }
0x1d9: {  	[tilespmem:$0x1F970] =	vst v3;
	v3 =	vadd.s32 v3, v4  }
0x1da: {  	v9 =	vand.u32 $0xFFFFFF80, v3  }
0x1db: {  	[tilespmem:v2+s17+$0x0] =	vst.idx.msk $0xffff, v0;
	v3 =	vand.u32 $0x7F, v3;
	v0 =	vadd.s32 v5, v9;
	v9 =	vld [tilespmem:$0x1FBA0]  }
0x1dc: {  	v0 =	vor.u32 v3, v0;
	v3 =	vld [tilespmem:$0x1FC40];
	_ =	sdelay $0x3  }
0x1dd: {  	v2 =	vor.u32 s1, v25;
	v1 =	vld.idx.msk [tilespmem:v1+s13+$0x0], $0xffff;
	v9 =	vsel vm0, v15, v9  }
0x1de: {  	v3 =	vcombine.low v9, v3;
	_ =	sdelay $0x1  }
0x1df: {  	[tilespmem:$0x1F980] =	vst v3;
	v3 =	vadd.s32 v3, v4  }
0x1e0: {  	v63 =	vld [tilespmem:$0x1FBE0];
	v9 =	vand.u32 $0xFFFFFF80, v3  }
0x1e1: {  	[tilespmem:v2+s17+$0x0] =	vst.idx.msk $0xffff, v1;
	v3 =	vand.u32 $0x7F, v3;
	v1 =	vadd.s32 v5, v9;
	v9 =	vld [tilespmem:$0x1FBD0]  }
0x1e2: {  	v1 =	vor.u32 v3, v1;
	v3 =	vld [tilespmem:$0x1FC50];
	_ =	sdelay $0x2  }
0x1e3: {  	v2 =	vor.u32 s1, v18;
	v0 =	vld.idx.msk [tilespmem:v0+s13+$0x0], $0xffff  }
0x1e4: {  	v9 =	vsel vm0, v9, v63  }
0x1e5: {  	v3 =	vcombine.low v9, v3;
	_ =	sdelay $0x1  }
0x1e6: {  	[tilespmem:$0x1F990] =	vst v3;
	v3 =	vadd.s32 v3, v4  }
0x1e7: {  	[tilespmem:v2+s17+$0x0] =	vst.idx.msk $0xffff, v0;
	v0 =	vand.u32 $0xFFFFFF80, v3  }
0x1e8: {  	v3 =	vand.u32 $0x7F, v3;
	v0 =	vadd.s32 v5, v0  }
0x1e9: {  	v0 =	vor.u32 v3, v0;
	v3 =	vld [tilespmem:$0x1FC60];
	_ =	sdelay $0x2  }
0x1ea: {  	v2 =	vor.u32 s1, v21;
	v1 =	vld.idx.msk [tilespmem:v1+s13+$0x0], $0xffff;
	_ =	sdelay $0x1  }
0x1eb: {  	v3 =	vcombine.low v6, v3;
	_ =	sdelay $0x1  }
0x1ec: {  	[tilespmem:$0x1F9A0] =	vst v3;
	v3 =	vadd.s32 v3, v4  }
0x1ed: {  	[tilespmem:v2+s17+$0x0] =	vst.idx.msk $0xffff, v1;
	v1 =	vand.u32 $0xFFFFFF80, v3  }
0x1ee: {  	v3 =	vand.u32 $0x7F, v3;
	v1 =	vadd.s32 v5, v1  }
0x1ef: {  	v1 =	vor.u32 v3, v1;
	v3 =	vld [tilespmem:$0x1FC70];
	_ =	sdelay $0x2  }
0x1f0: {  	v2 =	vor.u32 s1, v20;
	v0 =	vld.idx.msk [tilespmem:v0+s13+$0x0], $0xffff;
	_ =	sdelay $0x1  }
0x1f1: {  	v3 =	vcombine.low v7, v3;
	_ =	sdelay $0x1  }
0x1f2: {  	[tilespmem:$0x1F9B0] =	vst v3;
	v3 =	vadd.s32 v3, v4  }
0x1f3: {  	[tilespmem:v2+s17+$0x0] =	vst.idx.msk $0xffff, v0;
	v0 =	vand.u32 $0xFFFFFF80, v3  }
0x1f4: {  	v3 =	vand.u32 $0x7F, v3;
	v0 =	vadd.s32 v5, v0  }
0x1f5: {  	v0 =	vor.u32 v3, v0;
	v3 =	vld [tilespmem:$0x1FC80];
	_ =	sdelay $0x2  }
0x1f6: {  	v2 =	vor.u32 s1, v19;
	v1 =	vld.idx.msk [tilespmem:v1+s13+$0x0], $0xffff;
	_ =	sdelay $0x1  }
0x1f7: {  	v3 =	vcombine.low v8, v3;
	_ =	sdelay $0x1  }
0x1f8: {  	[tilespmem:$0x1F9C0] =	vst v3;
	v3 =	vadd.s32 v3, v4  }
0x1f9: {  	[tilespmem:v2+s17+$0x0] =	vst.idx.msk $0xffff, v1;
	v1 =	vand.u32 $0xFFFFFF80, v3  }
0x1fa: {  	v2 =	vor.u32 s1, v22;
	v0 =	vld.idx.msk [tilespmem:v0+s13+$0x0], $0xffff;
	v3 =	vand.u32 $0x7F, v3;
	v1 =	vadd.s32 v5, v1  }
0x1fb: {  	v1 =	vor.u32 v3, v1;
	_ =	sdelay $0x2  }
0x1fc: {  	v3 =	vadd.s32 v55, v4  }
0x1fd: {  	[tilespmem:v2+s17+$0x0] =	vst.idx.msk $0xffff, v0;
	v0 =	vand.u32 $0xFFFFFF80, v3  }
0x1fe: {  	v2 =	vor.u32 s1, v23;
	v3 =	vand.u32 $0x7F, v3;
	v0 =	vadd.s32 v5, v0;
	v1 =	vld.idx.msk [tilespmem:v1+s13+$0x0], $0xffff  }
0x1ff: {  	v0 =	vor.u32 v3, v0;
	_ =	sdelay $0x2  }
0x200: {  	v3 =	vadd.s32 v44, v4  }
0x201: {  	[tilespmem:v2+s17+$0x0] =	vst.idx.msk $0xffff, v1;
	v1 =	vand.u32 $0xFFFFFF80, v3  }
0x202: {  	v2 =	vor.u32 s1, v24;
	v3 =	vand.u32 $0x7F, v3;
	v1 =	vadd.s32 v5, v1;
	v0 =	vld.idx.msk [tilespmem:v0+s13+$0x0], $0xffff  }
0x203: {  	v1 =	vor.u32 v3, v1;
	_ =	sdelay $0x2  }
0x204: {  	v3 =	vadd.s32 v26, v4  }
0x205: {  	[tilespmem:v2+s17+$0x0] =	vst.idx.msk $0xffff, v0;
	v0 =	vand.u32 $0xFFFFFF80, v3  }
0x206: {  	v2 =	vor.u32 s1, v11;
	v3 =	vand.u32 $0x7F, v3;
	v0 =	vadd.s32 v5, v0;
	v1 =	vld.idx.msk [tilespmem:v1+s13+$0x0], $0xffff  }
0x207: {  	v0 =	vor.u32 v3, v0;
	_ =	sdelay $0x2  }
0x208: {  	v3 =	vadd.s32 v27, v4  }
0x209: {  	[tilespmem:v2+s17+$0x0] =	vst.idx.msk $0xffff, v1;
	v1 =	vand.u32 $0xFFFFFF80, v3  }
0x20a: {  	v2 =	vor.u32 s1, v12;
	v3 =	vand.u32 $0x7F, v3;
	v1 =	vadd.s32 v5, v1;
	v0 =	vld.idx.msk [tilespmem:v0+s13+$0x0], $0xffff  }
0x20b: {  	v1 =	vor.u32 v3, v1;
	_ =	sdelay $0x3  }
0x20c: {  	[tilespmem:v2+s17+$0x0] =	vst.idx.msk $0xffff, v0  }
0x20d: {  	s25 =	simm.s32 $0x1;
	s26 =	simm.s32 $0x0;
	[tilespmem:$0x1F9D0] =	vst v60;
	v25 =	vmov v40;
	v8 =	vmov v33;
	v0 =	vld.idx.msk [tilespmem:v1+s13+$0x0], $0xffff;
	v1 =	vor.u32 s1, v13  }
.LBB2_2:
0x20e: {  	_ =	sdelay $0x3  }
0x20f: {  	s24 =	sadd.s32 $0x10, s24;
	s1 =	smov.u32 s25;
	[tilespmem:v1+s17+$0x0] =	vst.idx.msk $0xffff, v0;
	v1 =	vld [tilespmem:$0x1FD30]  }
0x210: {  	s26 =	sadd.s32 $0x10, s26;
	s1 =	sshrl.u32 s1, $0x3;
	v61 =	vld [tilespmem:s24+$0x0]  }
0x211: {  	s28 =	sand.u32 $0x70, s26;
	s3 =	sshll.u32 s1, $0x7  }
0x212: {  	s3 =	sor.u32 s28, s3  }
0x213: {  	v0 =	vmov s3  }
0x214: {  	v0 =	vshll.u32 v0, $0x7  }
0x215: {  	v0 =	vor.u32 v1, v0;
	v1 =	vadd.s32 v49, v61  }
0x216: {  	v3 =	vand.u32 $0xFFFFFF80, v1  }
0x217: {  	v4 =	vld [tilespmem:$0x1FE00];
	v5 =	vadd.s32 v32, v61;
	v1 =	vand.u32 $0x7F, v1;
	v3 =	vadd.s32 v0, v3  }
0x218: {  	v1 =	vor.u32 v1, v3;
	v3 =	vand.u32 $0xFFFFFF80, v5  }
0x219: {  	v37 =	vadd.s32 v0, v3;
	v3 =	vld [tilespmem:$0x1FD40];
	_ =	sdelay $0x2  }
0x21a: {  	s1 =	sshll.u32 s1, $0xC;
	v4 =	vadd.s32 v4, v61  }
0x21b: {  	s1 =	sor.u32 s28, s1;
	v6 =	vand.u32 $0xFFFFFF80, v4  }
0x21c: {  	v4 =	vand.u32 $0x7F, v4;
	v6 =	vadd.s32 v0, v6;
	v1 =	vld.idx.msk [tilespmem:v1+s13+$0x0], $0xffff;
	v9 =	vor.u32 s1, v3  }
0x21d: {  	v4 =	vor.u32 v4, v6;
	_ =	sdelay $0x2  }
0x21e: {  	v14 =	vadd.s32 v16, v61  }
0x21f: {  	v2 =	vadd.s32 v17, v61;
	v17 =	vld [tilespmem:$0x1FF70];
	v16 =	vand.u32 $0x7F, v14;
	v14 =	vand.u32 $0xFFFFFF80, v14;
	[tilespmem:v9+s17+$0x0] =	vst.idx.msk $0xffff, v1  }
0x220: {  	v15 =	vor.u32 s1, v38;
	v14 =	vadd.s32 v0, v14;
	v4 =	vld.idx.msk [tilespmem:v4+s13+$0x0], $0xffff  }
0x221: {  	v14 =	vor.u32 v16, v14;
	_ =	sdelay $0x3  }
0x222: {  	v20 =	vld [tilespmem:$0x1F950];
	v59 =	vadd.s32 v47, v61;
	v47 =	vadd.s32 v17, v61;
	[tilespmem:v15+s17+$0x0] =	vst.idx.msk $0xffff, v4  }
0x223: {  	v1 =	vand.u32 $0xFFFFFF80, v47;
	v15 =	vld.idx.msk [tilespmem:v14+s13+$0x0], $0xffff  }
0x224: {  	v14 =	vadd.s32 v0, v1;
	v1 =	vld [tilespmem:$0x1F970];
	_ =	sdelay $0x2  }
0x225: {  	v58 =	vadd.s32 v48, v61;
	v48 =	vadd.s32 v56, v61;
	v10 =	vand.u32 $0xFFFFFF80, v2  }
0x226: {  	v56 =	vadd.s32 v20, v61;
	v20 =	vand.u32 $0x7F, v2;
	v10 =	vadd.s32 v0, v10  }
0x227: {  	v10 =	vor.u32 v20, v10;
	v20 =	vadd.s32 v1, v61;
	v1 =	vld [tilespmem:$0x1F980];
	_ =	sdelay $0x4  }
0x228: {  	v22 =	vadd.s32 v1, v61;
	v1 =	vld [tilespmem:$0x1F990];
	_ =	sdelay $0x1  }
0x229: {  	v21 =	vor.u32 s1, v25;
	v33 =	vadd.s32 v36, v61  }
0x22a: {  	v62 =	vadd.s32 v43, v61;
	v40 =	vadd.s32 v34, v61;
	v24 =	vadd.s32 v29, v61  }
0x22b: {  	v18 =	vand.u32 $0xFFFFFF80, v40;
	v6 =	vand.u32 $0xFFFFFF80, v58;
	v3 =	vadd.s32 v41, v61  }
0x22c: {  	v41 =	vadd.s32 v57, v61;
	v57 =	vadd.s32 v0, v18;
	v18 =	vadd.s32 v1, v61;
	v1 =	vld [tilespmem:$0x1F9A0]  }
0x22d: {  	v17 =	vadd.s32 v35, v61;
	v35 =	vadd.s32 v0, v6;
	v11 =	vand.u32 $0xFFFFFF80, v3  }
0x22e: {  	v19 =	vld [tilespmem:$0x1F930];
	v6 =	vand.u32 $0xFFFFFF80, v24;
	v31 =	vadd.s32 v0, v11;
	v11 =	vand.u32 $0xFFFFFF80, v59  }
0x22f: {  	v16 =	vand.u32 $0xFFFFFF80, v17;
	v36 =	vadd.s32 v0, v11;
	v11 =	vand.u32 $0xFFFFFF80, v56;
	[tilespmem:v21+s17+$0x0] =	vst.idx.msk $0xffff, v15  }
0x230: {  	v43 =	vadd.s32 v0, v11;
	v11 =	vor.u32 s1, v42;
	v42 =	vadd.s32 v0, v6;
	v6 =	vld.idx.msk [tilespmem:v10+s13+$0x0], $0xffff  }
0x231: {  	v17 =	vand.u32 $0x7F, v17;
	v16 =	vadd.s32 v0, v16;
	v15 =	vadd.s32 v1, v61;
	v1 =	vld [tilespmem:$0x1F9B0]  }
0x232: {  	v52 =	vor.u32 s1, v53;
	v54 =	vadd.s32 v50, v61;
	v46 =	vor.u32 v17, v16  }
0x233: {  	v38 =	vadd.s32 v19, v61;
	v23 =	vadd.s32 v39, v61;
	v7 =	vand.u32 $0xFFFFFF80, v33  }
0x234: {  	v13 =	vand.u32 $0xFFFFFF80, v54;
	v19 =	vand.u32 $0xFFFFFF80, v38;
	v53 =	vand.u32 $0x7F, v5  }
0x235: {  	v63 =	vadd.s32 v0, v13;
	v13 =	vand.u32 $0xFFFFFF80, v23;
	v50 =	vadd.s32 v0, v19  }
0x236: {  	v39 =	vadd.s32 v0, v13;
	v9 =	vand.u32 $0xFFFFFF80, v41;
	[tilespmem:v11+s17+$0x0] =	vst.idx.msk $0xffff, v6;
	v13 =	vadd.s32 v1, v61;
	v1 =	vld [tilespmem:$0x1F9C0]  }
0x237: {  	v60 =	vadd.s32 v0, v9;
	v9 =	vand.u32 $0xFFFFFF80, v20;
	v45 =	vand.u32 $0xFFFFFF80, v22;
	v46 =	vld.idx.msk [tilespmem:v46+s13+$0x0], $0xffff  }
0x238: {  	v21 =	vadd.s32 v0, v45;
	v45 =	vadd.s32 v0, v7;
	v7 =	vand.u32 $0xFFFFFF80, v18  }
0x239: {  	v19 =	vadd.s32 v0, v9;
	v16 =	vadd.s32 v0, v7;
	v7 =	vand.u32 $0xFFFFFF80, v15  }
0x23a: {  	v9 =	vadd.s32 v55, v61;
	v17 =	vadd.s32 v0, v7;
	v7 =	vand.u32 $0xFFFFFF80, v13  }
0x23b: {  	v10 =	vadd.s32 v1, v61;
	v1 =	vadd.s32 v0, v7;
	v7 =	vadd.s32 v44, v61  }
0x23c: {  	v37 =	vor.u32 v53, v37;
	v5 =	vand.u32 $0xFFFFFF80, v9;
	[tilespmem:v52+s17+$0x0] =	vst.idx.msk $0xffff, v46;
	v6 =	vand.u32 $0xFFFFFF80, v7  }
0x23d: {  	v11 =	vadd.s32 v0, v5;
	v5 =	vadd.s32 v26, v61;
	v52 =	vld [tilespmem:$0x1FEA0];
	[tilespmem:$0x1F8F0] =	vst v1;
	v1 =	vadd.s32 v0, v6  }
0x23e: {  	[tilespmem:$0x1F900] =	vst v1;
	v1 =	vand.u32 $0xFFFFFF80, v5  }
0x23f: {  	v2 =	vld [tilespmem:$0x1F960];
	v6 =	vadd.s32 v27, v61;
	v1 =	vadd.s32 v0, v1  }
0x240: {  	[tilespmem:$0x1F910] =	vst v1;
	v1 =	vand.u32 $0xFFFFFF80, v6  }
0x241: {  	v33 =	vand.u32 $0x7F, v33;
	v37 =	vld.idx.msk [tilespmem:v37+s13+$0x0], $0xffff;
	v1 =	vadd.s32 v0, v1  }
0x242: {  	v33 =	vor.u32 v33, v45;
	v45 =	vadd.s32 v52, v61;
	v52 =	vld [tilespmem:$0x1FE90];
	[tilespmem:$0x1F920] =	vst v1;
	v1 =	vor.u32 s1, v8  }
0x243: {  	v12 =	vand.u32 $0xFFFFFF80, v62  }
0x244: {  	v32 =	vadd.s32 v0, v12;
	v12 =	vand.u32 $0xFFFFFF80, v48;
	v4 =	vadd.s32 v2, v61  }
0x245: {  	v2 =	vadd.s32 v0, v12;
	v12 =	vand.u32 $0xFFFFFF80, v4  }
0x246: {  	v34 =	vadd.s32 v0, v12  }
0x247: {  	v46 =	vor.u32 s1, v52;
	v52 =	vand.u32 $0xFFFFFF80, v45;
	v12 =	vand.u32 $0xFFFFFF80, v10;
	[tilespmem:v1+s17+$0x0] =	vst.idx.msk $0xffff, v37  }
0x248: {  	v45 =	vand.u32 $0x7F, v45;
	v12 =	vadd.s32 v0, v12;
	v0 =	vadd.s32 v0, v52;
	v1 =	vld.idx.msk [tilespmem:v33+s13+$0x0], $0xffff  }
0x249: {  	v0 =	vor.u32 v45, v0;
	v45 =	vld [tilespmem:$0x1FEB0];
	_ =	sdelay $0x3  }
0x24a: {  	[tilespmem:v46+s17+$0x0] =	vst.idx.msk $0xffff, v1  }
0x24b: {  	v3 =	vand.u32 $0x7F, v3;
	v52 =	vor.u32 s1, v45;
	v0 =	vld.idx.msk [tilespmem:v0+s13+$0x0], $0xffff  }
0x24c: {  	v37 =	vld [tilespmem:$0x1FED0];
	v1 =	vor.u32 v3, v31;
	_ =	sdelay $0x3  }
0x24d: {  	[tilespmem:v52+s17+$0x0] =	vst.idx.msk $0xffff, v0  }
0x24e: {  	v3 =	vor.u32 s1, v37;
	v31 =	vand.u32 $0x7F, v62;
	v0 =	vld.idx.msk [tilespmem:v1+s13+$0x0], $0xffff  }
0x24f: {  	v46 =	vld [tilespmem:$0x1FEF0];
	v1 =	vor.u32 v31, v32;
	_ =	sdelay $0x3  }
0x250: {  	[tilespmem:v3+s17+$0x0] =	vst.idx.msk $0xffff, v0  }
0x251: {  	v52 =	vand.u32 $0x7F, v59;
	v31 =	vor.u32 s1, v46;
	v0 =	vld.idx.msk [tilespmem:v1+s13+$0x0], $0xffff  }
0x252: {  	v3 =	vld [tilespmem:$0x1FFE0];
	v1 =	vor.u32 v52, v36;
	_ =	sdelay $0x3  }
0x253: {  	[tilespmem:v31+s17+$0x0] =	vst.idx.msk $0xffff, v0  }
0x254: {  	v52 =	vand.u32 $0x7F, v58;
	v3 =	vor.u32 s1, v3;
	v0 =	vld.idx.msk [tilespmem:v1+s13+$0x0], $0xffff  }
0x255: {  	v58 =	vld [tilespmem:$0x1FF20];
	v1 =	vor.u32 v52, v35;
	_ =	sdelay $0x3  }
0x256: {  	[tilespmem:v3+s17+$0x0] =	vst.idx.msk $0xffff, v0  }
0x257: {  	v54 =	vand.u32 $0x7F, v54;
	v31 =	vor.u32 s1, v58;
	v0 =	vld.idx.msk [tilespmem:v1+s13+$0x0], $0xffff  }
0x258: {  	v62 =	vld [tilespmem:$0x1FF40];
	v1 =	vor.u32 v54, v63;
	_ =	sdelay $0x3  }
0x259: {  	[tilespmem:v31+s17+$0x0] =	vst.idx.msk $0xffff, v0  }
0x25a: {  	v52 =	vand.u32 $0x7F, v48;
	v3 =	vor.u32 s1, v62;
	v0 =	vld.idx.msk [tilespmem:v1+s13+$0x0], $0xffff  }
0x25b: {  	v63 =	vld [tilespmem:$0x1FF60];
	v1 =	vor.u32 v52, v2;
	_ =	sdelay $0x3  }
0x25c: {  	[tilespmem:v3+s17+$0x0] =	vst.idx.msk $0xffff, v0  }
0x25d: {  	v31 =	vand.u32 $0x7F, v47;
	v2 =	vor.u32 s1, v63;
	v0 =	vld.idx.msk [tilespmem:v1+s13+$0x0], $0xffff  }
0x25e: {  	v59 =	vld [tilespmem:$0x1FF80];
	v1 =	vor.u32 v31, v14;
	_ =	sdelay $0x3  }
0x25f: {  	[tilespmem:v2+s17+$0x0] =	vst.idx.msk $0xffff, v0  }
0x260: {  	v3 =	vor.u32 s1, v59;
	v14 =	vand.u32 $0x7F, v41;
	v0 =	vld.idx.msk [tilespmem:v1+s13+$0x0], $0xffff  }
0x261: {  	v1 =	vor.u32 v14, v60;
	v60 =	vld [tilespmem:$0x1F9D0];
	_ =	sdelay $0x3  }
0x262: {  	[tilespmem:v3+s17+$0x0] =	vst.idx.msk $0xffff, v0  }
0x263: {  	v14 =	vand.u32 $0x7F, v40;
	v2 =	vor.u32 s1, v60;
	v0 =	vld.idx.msk [tilespmem:v1+s13+$0x0], $0xffff  }
0x264: {  	v3 =	vld [tilespmem:$0x1F940];
	v1 =	vor.u32 v14, v57;
	_ =	sdelay $0x3  }
0x265: {  	[tilespmem:v2+s17+$0x0] =	vst.idx.msk $0xffff, v0  }
0x266: {  	v14 =	vand.u32 $0x7F, v38;
	v3 =	vor.u32 s1, v3;
	v0 =	vld.idx.msk [tilespmem:v1+s13+$0x0], $0xffff  }
0x267: {  	v1 =	vor.u32 v14, v50;
	_ =	sdelay $0x3  }
0x268: {  	[tilespmem:v3+s17+$0x0] =	vst.idx.msk $0xffff, v0  }
0x269: {  	v2 =	vor.u32 s1, v51;
	v14 =	vand.u32 $0x7F, v56;
	v0 =	vld.idx.msk [tilespmem:v1+s13+$0x0], $0xffff  }
0x26a: {  	v1 =	vor.u32 v14, v43;
	_ =	sdelay $0x3  }
0x26b: {  	[tilespmem:v2+s17+$0x0] =	vst.idx.msk $0xffff, v0  }
0x26c: {  	v3 =	vor.u32 s1, v28;
	v14 =	vand.u32 $0x7F, v24;
	v0 =	vld.idx.msk [tilespmem:v1+s13+$0x0], $0xffff  }
0x26d: {  	v1 =	vor.u32 v14, v42;
	_ =	sdelay $0x3  }
0x26e: {  	[tilespmem:v3+s17+$0x0] =	vst.idx.msk $0xffff, v0  }
0x26f: {  	v2 =	vor.u32 s1, v30;
	v14 =	vand.u32 $0x7F, v23;
	v0 =	vld.idx.msk [tilespmem:v1+s13+$0x0], $0xffff  }
0x270: {  	v3 =	vld [tilespmem:$0x1F9E0];
	v1 =	vor.u32 v14, v39;
	_ =	sdelay $0x3  }
0x271: {  	[tilespmem:v2+s17+$0x0] =	vst.idx.msk $0xffff, v0  }
0x272: {  	v4 =	vand.u32 $0x7F, v4;
	v3 =	vor.u32 s1, v3;
	v0 =	vld.idx.msk [tilespmem:v1+s13+$0x0], $0xffff  }
0x273: {  	v2 =	vld [tilespmem:$0x1FFD0];
	v1 =	vor.u32 v4, v34;
	_ =	sdelay $0x3  }
0x274: {  	[tilespmem:v3+s17+$0x0] =	vst.idx.msk $0xffff, v0  }
0x275: {  	v54 =	vand.u32 $0x7F, v20;
	v2 =	vor.u32 s1, v2;
	v0 =	vld.idx.msk [tilespmem:v1+s13+$0x0], $0xffff  }
0x276: {  	v1 =	vor.u32 v54, v19;
	_ =	sdelay $0x3  }
0x277: {  	[tilespmem:v2+s17+$0x0] =	vst.idx.msk $0xffff, v0  }
0x278: {  	v0 =	vld.idx.msk [tilespmem:v1+s13+$0x0], $0xffff  }
0x279: {  	v1 =	vld [tilespmem:$0x1FFB0];
	_ =	sdelay $0x4  }
0x27a: {  	v2 =	vand.u32 $0x7F, v22;
	v1 =	vor.u32 s1, v1  }
0x27b: {  	v2 =	vor.u32 v2, v21;
	v21 =	vld [tilespmem:$0x1FD50];
	_ =	sdelay $0x3  }
0x27c: {  	[tilespmem:v1+s17+$0x0] =	vst.idx.msk $0xffff, v0  }
0x27d: {  	v1 =	vor.u32 s1, v21;
	v0 =	vld.idx.msk [tilespmem:v2+s13+$0x0], $0xffff;
	v2 =	vand.u32 $0x7F, v18  }
0x27e: {  	v20 =	vld [tilespmem:$0x1FD60];
	v2 =	vor.u32 v2, v16;
	_ =	sdelay $0x3  }
0x27f: {  	[tilespmem:v1+s17+$0x0] =	vst.idx.msk $0xffff, v0  }
0x280: {  	v1 =	vor.u32 s1, v20;
	v0 =	vld.idx.msk [tilespmem:v2+s13+$0x0], $0xffff;
	v2 =	vand.u32 $0x7F, v15  }
0x281: {  	v19 =	vld [tilespmem:$0x1FD70];
	v2 =	vor.u32 v2, v17  }
0x282: {  	v3 =	vld [tilespmem:$0x1F8F0];
	_ =	sdelay $0x2  }
0x283: {  	[tilespmem:v1+s17+$0x0] =	vst.idx.msk $0xffff, v0  }
0x284: {  	v1 =	vor.u32 s1, v19;
	v0 =	vld.idx.msk [tilespmem:v2+s13+$0x0], $0xffff;
	v2 =	vand.u32 $0x7F, v13  }
0x285: {  	v22 =	vld [tilespmem:$0x1FD80];
	v2 =	vor.u32 v2, v3;
	_ =	sdelay $0x3  }
0x286: {  	v53 =	vld [tilespmem:$0x1FFA0];
	[tilespmem:v1+s17+$0x0] =	vst.idx.msk $0xffff, v0  }
0x287: {  	v1 =	vor.u32 s1, v22;
	v0 =	vld.idx.msk [tilespmem:v2+s13+$0x0], $0xffff;
	v2 =	vand.u32 $0x7F, v10  }
0x288: {  	v23 =	vld [tilespmem:$0x1FD90];
	v2 =	vor.u32 v2, v12  }
0x289: {  	v61 =	vld [tilespmem:$0x1FEA0]  }
0x28a: {  	v32 =	vld [tilespmem:$0x1FE70]  }
0x28b: {  	v36 =	vld [tilespmem:$0x1FE80]  }
0x28c: {  	v35 =	vld [tilespmem:$0x1FE60];
	[tilespmem:v1+s17+$0x0] =	vst.idx.msk $0xffff, v0  }
0x28d: {  	v1 =	vor.u32 s1, v23;
	v0 =	vld.idx.msk [tilespmem:v2+s13+$0x0], $0xffff;
	v2 =	vand.u32 $0x7F, v9  }
0x28e: {  	v24 =	vld [tilespmem:$0x1FDA0];
	v2 =	vor.u32 v2, v11  }
0x28f: {  	v3 =	vld [tilespmem:$0x1F900]  }
0x290: {  	v48 =	vld [tilespmem:$0x1FF10]  }
0x291: {  	v47 =	vld [tilespmem:$0x1FF00]  }
0x292: {  	v41 =	vld [tilespmem:$0x1FEC0];
	[tilespmem:v1+s17+$0x0] =	vst.idx.msk $0xffff, v0  }
0x293: {  	v1 =	vor.u32 s1, v24;
	v0 =	vld.idx.msk [tilespmem:v2+s13+$0x0], $0xffff;
	v2 =	vand.u32 $0x7F, v7  }
0x294: {  	v11 =	vld [tilespmem:$0x1FDB0];
	v2 =	vor.u32 v2, v3  }
0x295: {  	v3 =	vld [tilespmem:$0x1F910]  }
0x296: {  	v57 =	vld [tilespmem:$0x1FF90]  }
0x297: {  	v38 =	vld [tilespmem:$0x1FE10]  }
0x298: {  	v50 =	vld [tilespmem:$0x1FF30];
	[tilespmem:v1+s17+$0x0] =	vst.idx.msk $0xffff, v0  }
0x299: {  	v1 =	vor.u32 s1, v11;
	v0 =	vld.idx.msk [tilespmem:v2+s13+$0x0], $0xffff;
	v2 =	vand.u32 $0x7F, v5  }
0x29a: {  	v12 =	vld [tilespmem:$0x1FDC0];
	v2 =	vor.u32 v2, v3  }
0x29b: {  	v3 =	vld [tilespmem:$0x1F920]  }
0x29c: {  	v56 =	vld [tilespmem:$0x1FF50]  }
0x29d: {  	v43 =	vld [tilespmem:$0x1FEE0]  }
0x29e: {  	v42 =	vld [tilespmem:$0x1FE50];
	[tilespmem:v1+s17+$0x0] =	vst.idx.msk $0xffff, v0  }
0x29f: {  	v1 =	vor.u32 s1, v12;
	v0 =	vld.idx.msk [tilespmem:v2+s13+$0x0], $0xffff;
	v2 =	vand.u32 $0x7F, v6  }
0x2a0: {  	p0 =	sne.s32 s25, $0xF;
	v13 =	vld [tilespmem:$0x1FDD0];
	v2 =	vor.u32 v2, v3  }
.Ltmp0:
0x2a1: {  	v39 =	vld [tilespmem:$0x1FDF0];
	(pc) =	sbr.rel @p0 .LBB2_2-.Ltmp0, $4  }
0x2a2: {  	v34 =	vld [tilespmem:$0x1FDE0]  }
0x2a3: {  	v16 =	vld [tilespmem:$0x1FE20]  }
0x2a4: {  	v17 =	vld [tilespmem:$0x1FE40];
	[tilespmem:v1+s17+$0x0] =	vst.idx.msk $0xffff, v0  }
0x2a5: {  	s25 =	sadd.s32 $0x1, s25;
	v1 =	vor.u32 s1, v13;
	v0 =	vld.idx.msk [tilespmem:v2+s13+$0x0], $0xffff  }
0x2a6: {  	_ =	sdelay $0x3  }
0x2a7: {  	[tilespmem:v1+s17+$0x0] =	vst.idx.msk $0xffff, v0  }
0x2a8: {  	[hbm4b:s5+s18] =	stream.strided.scatter [tilespmem:s17], [sflag:$0x3], $0x2000, s9, s18, $0x38;
	[tilespmem:$0x1B400] =	vst v63  }
0x2a9: {  	_ =	swait.ge [sflag:s19], $0x8000  }
0x2aa: {  	[sflag:s19] =	ssyncset.done $0x0  }
0x2ab: {  	s24 =	simm.s32 $0x7300;
	[sflag:s19] =	ssyncadd.s32 $0xFFFF8000  }
0x2ac: {  	v4 =	vld [tilespmem:s24+$0x0]  }
0x2ad: {  	s25 =	simm.s32 $0x0;
	v3 =	vld [tilespmem:$0x1FD30]  }
0x2ae: {  	s1 =	simm.s32 $0x0;
	s3 =	sand.u32 $0x70, s25  }
0x2af: {  	s1 =	sor.u32 s3, s1  }
0x2b0: {  	v0 =	vmov s1  }
0x2b1: {  	v0 =	vshll.u32 v0, $0x7;
	v1 =	vadd.s32 v49, v4  }
0x2b2: {  	v5 =	vor.u32 v3, v0;
	v2 =	vand.u32 $0xFFFFFF80, v1  }
0x2b3: {  	v0 =	vand.u32 $0x7F, v1;
	v1 =	vadd.s32 v5, v2  }
0x2b4: {  	v0 =	vor.u32 v0, v1;
	v1 =	vld [tilespmem:$0x1FE00];
	_ =	sdelay $0x1  }
0x2b5: {  	v3 =	vld [tilespmem:$0x1FD40];
	_ =	sdelay $0x2  }
0x2b6: {  	s31 =	simm.s32 $0x0;
	v1 =	vadd.s32 v1, v4  }
0x2b7: {  	s1 =	sor.u32 s3, s31;
	v2 =	vand.u32 $0xFFFFFF80, v1  }
0x2b8: {  	v3 =	vor.u32 s1, v3;
	v0 =	vld.idx.msk [tilespmem:v0+s15+$0x0], $0xffff;
	v1 =	vand.u32 $0x7F, v1;
	v2 =	vadd.s32 v5, v2  }
0x2b9: {  	v1 =	vor.u32 v1, v2;
	_ =	sdelay $0x2  }
0x2ba: {  	v2 =	vadd.s32 v16, v4  }
0x2bb: {  	[tilespmem:v3+s20+$0x0] =	vst.idx.msk $0xffff, v0;
	v0 =	vand.u32 $0xFFFFFF80, v2  }
0x2bc: {  	v3 =	vor.u32 s1, v38;
	v2 =	vand.u32 $0x7F, v2;
	v0 =	vadd.s32 v5, v0;
	v1 =	vld.idx.msk [tilespmem:v1+s15+$0x0], $0xffff  }
0x2bd: {  	v0 =	vor.u32 v2, v0;
	_ =	sdelay $0x2  }
0x2be: {  	v2 =	vadd.s32 v17, v4  }
0x2bf: {  	[tilespmem:v3+s20+$0x0] =	vst.idx.msk $0xffff, v1;
	v1 =	vand.u32 $0xFFFFFF80, v2  }
0x2c0: {  	v3 =	vor.u32 s1, v25;
	v2 =	vand.u32 $0x7F, v2;
	v1 =	vadd.s32 v5, v1;
	v0 =	vld.idx.msk [tilespmem:v0+s15+$0x0], $0xffff  }
0x2c1: {  	v1 =	vor.u32 v2, v1;
	_ =	sdelay $0x2  }
0x2c2: {  	v2 =	vadd.s32 v35, v4  }
0x2c3: {  	[tilespmem:v3+s20+$0x0] =	vst.idx.msk $0xffff, v0;
	v0 =	vand.u32 $0xFFFFFF80, v2  }
0x2c4: {  	v3 =	vor.u32 s1, v42;
	v2 =	vand.u32 $0x7F, v2;
	v0 =	vadd.s32 v5, v0;
	v1 =	vld.idx.msk [tilespmem:v1+s15+$0x0], $0xffff  }
0x2c5: {  	v0 =	vor.u32 v2, v0;
	_ =	sdelay $0x2  }
0x2c6: {  	v2 =	vadd.s32 v32, v4  }
0x2c7: {  	[tilespmem:v3+s20+$0x0] =	vst.idx.msk $0xffff, v1;
	v1 =	vand.u32 $0xFFFFFF80, v2  }
0x2c8: {  	v3 =	vor.u32 s1, v53;
	v2 =	vand.u32 $0x7F, v2;
	v1 =	vadd.s32 v5, v1;
	v0 =	vld.idx.msk [tilespmem:v0+s15+$0x0], $0xffff  }
0x2c9: {  	v1 =	vor.u32 v2, v1;
	_ =	sdelay $0x2  }
0x2ca: {  	v2 =	vadd.s32 v36, v4  }
0x2cb: {  	[tilespmem:v3+s20+$0x0] =	vst.idx.msk $0xffff, v0;
	v0 =	vand.u32 $0xFFFFFF80, v2  }
0x2cc: {  	v3 =	vor.u32 s1, v8;
	v2 =	vand.u32 $0x7F, v2;
	v0 =	vadd.s32 v5, v0;
	v1 =	vld.idx.msk [tilespmem:v1+s15+$0x0], $0xffff  }
0x2cd: {  	v9 =	vld [tilespmem:$0x1FE90];
	v0 =	vor.u32 v2, v0;
	_ =	sdelay $0x2  }
0x2ce: {  	v2 =	vadd.s32 v61, v4  }
0x2cf: {  	[tilespmem:v3+s20+$0x0] =	vst.idx.msk $0xffff, v1;
	v1 =	vand.u32 $0xFFFFFF80, v2  }
0x2d0: {  	v3 =	vor.u32 s1, v9;
	v2 =	vand.u32 $0x7F, v2;
	v1 =	vadd.s32 v5, v1;
	v0 =	vld.idx.msk [tilespmem:v0+s15+$0x0], $0xffff  }
0x2d1: {  	v1 =	vor.u32 v2, v1;
	_ =	sdelay $0x2  }
0x2d2: {  	v2 =	vadd.s32 v41, v4  }
0x2d3: {  	[tilespmem:v3+s20+$0x0] =	vst.idx.msk $0xffff, v0;
	v0 =	vand.u32 $0xFFFFFF80, v2  }
0x2d4: {  	v3 =	vor.u32 s1, v45;
	v2 =	vand.u32 $0x7F, v2;
	v0 =	vadd.s32 v5, v0;
	v1 =	vld.idx.msk [tilespmem:v1+s15+$0x0], $0xffff  }
0x2d5: {  	v0 =	vor.u32 v2, v0;
	_ =	sdelay $0x2  }
0x2d6: {  	v2 =	vadd.s32 v43, v4  }
0x2d7: {  	[tilespmem:v3+s20+$0x0] =	vst.idx.msk $0xffff, v1;
	v1 =	vand.u32 $0xFFFFFF80, v2  }
0x2d8: {  	v3 =	vor.u32 s1, v37;
	v2 =	vand.u32 $0x7F, v2;
	v1 =	vadd.s32 v5, v1;
	v0 =	vld.idx.msk [tilespmem:v0+s15+$0x0], $0xffff  }
0x2d9: {  	v1 =	vor.u32 v2, v1;
	_ =	sdelay $0x2  }
0x2da: {  	v2 =	vadd.s32 v47, v4  }
0x2db: {  	[tilespmem:v3+s20+$0x0] =	vst.idx.msk $0xffff, v0;
	v0 =	vand.u32 $0xFFFFFF80, v2  }
0x2dc: {  	v3 =	vor.u32 s1, v46;
	v2 =	vand.u32 $0x7F, v2;
	v0 =	vadd.s32 v5, v0;
	v1 =	vld.idx.msk [tilespmem:v1+s15+$0x0], $0xffff  }
0x2dd: {  	v31 =	vld [tilespmem:$0x1FFE0];
	v0 =	vor.u32 v2, v0;
	_ =	sdelay $0x2  }
0x2de: {  	v2 =	vadd.s32 v48, v4  }
0x2df: {  	[tilespmem:v3+s20+$0x0] =	vst.idx.msk $0xffff, v1;
	v1 =	vand.u32 $0xFFFFFF80, v2  }
0x2e0: {  	v3 =	vor.u32 s1, v31;
	v2 =	vand.u32 $0x7F, v2;
	v1 =	vadd.s32 v5, v1;
	v0 =	vld.idx.msk [tilespmem:v0+s15+$0x0], $0xffff  }
0x2e1: {  	v1 =	vor.u32 v2, v1;
	_ =	sdelay $0x2  }
0x2e2: {  	v2 =	vadd.s32 v50, v4  }
0x2e3: {  	[tilespmem:v3+s20+$0x0] =	vst.idx.msk $0xffff, v0;
	v0 =	vand.u32 $0xFFFFFF80, v2  }
0x2e4: {  	v3 =	vor.u32 s1, v58;
	v2 =	vand.u32 $0x7F, v2;
	v0 =	vadd.s32 v5, v0;
	v1 =	vld.idx.msk [tilespmem:v1+s15+$0x0], $0xffff  }
0x2e5: {  	v0 =	vor.u32 v2, v0;
	_ =	sdelay $0x2  }
0x2e6: {  	v2 =	vadd.s32 v56, v4  }
0x2e7: {  	v54 =	vld [tilespmem:$0x1FF70];
	[tilespmem:v3+s20+$0x0] =	vst.idx.msk $0xffff, v1;
	v1 =	vand.u32 $0xFFFFFF80, v2  }
0x2e8: {  	v3 =	vor.u32 s1, v62;
	v2 =	vand.u32 $0x7F, v2;
	v1 =	vadd.s32 v5, v1;
	v0 =	vld.idx.msk [tilespmem:v0+s15+$0x0], $0xffff  }
0x2e9: {  	v1 =	vor.u32 v2, v1;
	_ =	sdelay $0x2  }
0x2ea: {  	v2 =	vadd.s32 v54, v4  }
0x2eb: {  	[tilespmem:v3+s20+$0x0] =	vst.idx.msk $0xffff, v0;
	v0 =	vand.u32 $0xFFFFFF80, v2  }
0x2ec: {  	v3 =	vor.u32 s1, v63;
	v2 =	vand.u32 $0x7F, v2;
	v0 =	vadd.s32 v5, v0;
	v1 =	vld.idx.msk [tilespmem:v1+s15+$0x0], $0xffff  }
0x2ed: {  	v0 =	vor.u32 v2, v0;
	_ =	sdelay $0x2  }
0x2ee: {  	v2 =	vadd.s32 v57, v4  }
0x2ef: {  	[tilespmem:v3+s20+$0x0] =	vst.idx.msk $0xffff, v1;
	v1 =	vand.u32 $0xFFFFFF80, v2  }
0x2f0: {  	v3 =	vor.u32 s1, v59;
	v2 =	vand.u32 $0x7F, v2;
	v1 =	vadd.s32 v5, v1;
	v0 =	vld.idx.msk [tilespmem:v0+s15+$0x0], $0xffff  }
0x2f1: {  	v1 =	vor.u32 v2, v1;
	_ =	sdelay $0x3  }
0x2f2: {  	[tilespmem:v3+s20+$0x0] =	vst.idx.msk $0xffff, v0  }
0x2f3: {  	v2 =	vadd.s32 v34, v4;
	v3 =	vor.u32 s1, v60;
	v1 =	vld.idx.msk [tilespmem:v1+s15+$0x0], $0xffff  }
0x2f4: {  	v0 =	vand.u32 $0xFFFFFF80, v2  }
0x2f5: {  	v2 =	vand.u32 $0x7F, v2;
	v0 =	vadd.s32 v5, v0  }
0x2f6: {  	v0 =	vor.u32 v2, v0;
	v2 =	vld [tilespmem:$0x1F930];
	_ =	sdelay $0x1  }
0x2f7: {  	[tilespmem:v3+s20+$0x0] =	vst.idx.msk $0xffff, v1;
	v3 =	vld [tilespmem:$0x1F940];
	_ =	sdelay $0x2  }
0x2f8: {  	v2 =	vadd.s32 v2, v4  }
0x2f9: {  	v18 =	vld [tilespmem:$0x1F950];
	v1 =	vand.u32 $0xFFFFFF80, v2  }
0x2fa: {  	v0 =	vld.idx.msk [tilespmem:v0+s15+$0x0], $0xffff;
	v2 =	vand.u32 $0x7F, v2;
	v1 =	vadd.s32 v5, v1;
	v3 =	vor.u32 s1, v3  }
0x2fb: {  	v1 =	vor.u32 v2, v1;
	_ =	sdelay $0x2  }
0x2fc: {  	v2 =	vadd.s32 v18, v4  }
0x2fd: {  	[tilespmem:v3+s20+$0x0] =	vst.idx.msk $0xffff, v0;
	v0 =	vand.u32 $0xFFFFFF80, v2  }
0x2fe: {  	v3 =	vor.u32 s1, v51;
	v2 =	vand.u32 $0x7F, v2;
	v0 =	vadd.s32 v5, v0;
	v1 =	vld.idx.msk [tilespmem:v1+s15+$0x0], $0xffff  }
0x2ff: {  	v0 =	vor.u32 v2, v0;
	_ =	sdelay $0x2  }
0x300: {  	v2 =	vadd.s32 v29, v4  }
0x301: {  	[tilespmem:v3+s20+$0x0] =	vst.idx.msk $0xffff, v1;
	v1 =	vand.u32 $0xFFFFFF80, v2  }
0x302: {  	v3 =	vor.u32 s1, v28;
	v2 =	vand.u32 $0x7F, v2;
	v1 =	vadd.s32 v5, v1;
	v0 =	vld.idx.msk [tilespmem:v0+s15+$0x0], $0xffff  }
0x303: {  	v1 =	vor.u32 v2, v1;
	_ =	sdelay $0x3  }
0x304: {  	[tilespmem:v3+s20+$0x0] =	vst.idx.msk $0xffff, v0  }
0x305: {  	v3 =	vor.u32 s1, v30;
	v1 =	vld.idx.msk [tilespmem:v1+s15+$0x0], $0xffff  }
0x306: {  	v2 =	vadd.s32 v39, v4  }
0x307: {  	v0 =	vand.u32 $0xFFFFFF80, v2  }
0x308: {  	v2 =	vand.u32 $0x7F, v2;
	v0 =	vadd.s32 v5, v0  }
0x309: {  	v0 =	vor.u32 v2, v0;
	v2 =	vld [tilespmem:$0x1F960]  }
0x30a: {  	[tilespmem:v3+s20+$0x0] =	vst.idx.msk $0xffff, v1;
	v3 =	vld [tilespmem:$0x1F9E0];
	_ =	sdelay $0x4  }
0x30b: {  	v2 =	vadd.s32 v2, v4;
	v0 =	vld.idx.msk [tilespmem:v0+s15+$0x0], $0xffff;
	v3 =	vor.u32 s1, v3  }
0x30c: {  	v1 =	vand.u32 $0xFFFFFF80, v2  }
0x30d: {  	v2 =	vand.u32 $0x7F, v2;
	v1 =	vadd.s32 v5, v1  }
0x30e: {  	v1 =	vor.u32 v2, v1;
	v2 =	vld [tilespmem:$0x1F970];
	_ =	sdelay $0x1  }
0x30f: {  	[tilespmem:v3+s20+$0x0] =	vst.idx.msk $0xffff, v0;
	v3 =	vld [tilespmem:$0x1FFD0];
	_ =	sdelay $0x2  }
0x310: {  	v2 =	vadd.s32 v2, v4  }
0x311: {  	v0 =	vand.u32 $0xFFFFFF80, v2  }
0x312: {  	v2 =	vand.u32 $0x7F, v2;
	v0 =	vadd.s32 v5, v0;
	v1 =	vld.idx.msk [tilespmem:v1+s15+$0x0], $0xffff;
	v3 =	vor.u32 s1, v3  }
0x313: {  	v0 =	vor.u32 v2, v0;
	v2 =	vld [tilespmem:$0x1F980];
	_ =	sdelay $0x3  }
0x314: {  	[tilespmem:v3+s20+$0x0] =	vst.idx.msk $0xffff, v1;
	v3 =	vld [tilespmem:$0x1FFB0]  }
0x315: {  	v2 =	vadd.s32 v2, v4  }
0x316: {  	v1 =	vand.u32 $0xFFFFFF80, v2  }
0x317: {  	v2 =	vand.u32 $0x7F, v2;
	v1 =	vadd.s32 v5, v1  }
0x318: {  	v1 =	vor.u32 v2, v1;
	v2 =	vld [tilespmem:$0x1F990]  }
0x319: {  	v0 =	vld.idx.msk [tilespmem:v0+s15+$0x0], $0xffff;
	v3 =	vor.u32 s1, v3;
	_ =	sdelay $0x3  }
0x31a: {  	v2 =	vadd.s32 v2, v4  }
0x31b: {  	[tilespmem:v3+s20+$0x0] =	vst.idx.msk $0xffff, v0;
	v0 =	vand.u32 $0xFFFFFF80, v2  }
0x31c: {  	v2 =	vand.u32 $0x7F, v2;
	v0 =	vadd.s32 v5, v0  }
0x31d: {  	v0 =	vor.u32 v2, v0;
	v2 =	vld [tilespmem:$0x1F9A0]  }
0x31e: {  	v3 =	vor.u32 s1, v21;
	v1 =	vld.idx.msk [tilespmem:v1+s15+$0x0], $0xffff;
	_ =	sdelay $0x3  }
0x31f: {  	v2 =	vadd.s32 v2, v4  }
0x320: {  	[tilespmem:v3+s20+$0x0] =	vst.idx.msk $0xffff, v1;
	v1 =	vand.u32 $0xFFFFFF80, v2  }
0x321: {  	v2 =	vand.u32 $0x7F, v2;
	v1 =	vadd.s32 v5, v1  }
0x322: {  	v1 =	vor.u32 v2, v1;
	v2 =	vld [tilespmem:$0x1F9B0]  }
0x323: {  	v3 =	vor.u32 s1, v20;
	v0 =	vld.idx.msk [tilespmem:v0+s15+$0x0], $0xffff;
	_ =	sdelay $0x3  }
0x324: {  	v2 =	vadd.s32 v2, v4  }
0x325: {  	[tilespmem:v3+s20+$0x0] =	vst.idx.msk $0xffff, v0;
	v0 =	vand.u32 $0xFFFFFF80, v2  }
0x326: {  	v2 =	vand.u32 $0x7F, v2;
	v0 =	vadd.s32 v5, v0  }
0x327: {  	v0 =	vor.u32 v2, v0;
	v2 =	vld [tilespmem:$0x1F9C0]  }
0x328: {  	v3 =	vor.u32 s1, v19;
	v1 =	vld.idx.msk [tilespmem:v1+s15+$0x0], $0xffff;
	_ =	sdelay $0x3  }
0x329: {  	v2 =	vadd.s32 v2, v4  }
0x32a: {  	[tilespmem:v3+s20+$0x0] =	vst.idx.msk $0xffff, v1;
	v1 =	vand.u32 $0xFFFFFF80, v2  }
0x32b: {  	v3 =	vor.u32 s1, v22;
	v0 =	vld.idx.msk [tilespmem:v0+s15+$0x0], $0xffff;
	v2 =	vand.u32 $0x7F, v2;
	v1 =	vadd.s32 v5, v1  }
0x32c: {  	v1 =	vor.u32 v2, v1;
	_ =	sdelay $0x2  }
0x32d: {  	v2 =	vadd.s32 v55, v4  }
0x32e: {  	[tilespmem:v3+s20+$0x0] =	vst.idx.msk $0xffff, v0;
	v0 =	vand.u32 $0xFFFFFF80, v2  }
0x32f: {  	v3 =	vor.u32 s1, v23;
	v2 =	vand.u32 $0x7F, v2;
	v0 =	vadd.s32 v5, v0;
	v1 =	vld.idx.msk [tilespmem:v1+s15+$0x0], $0xffff  }
0x330: {  	v0 =	vor.u32 v2, v0;
	_ =	sdelay $0x2  }
0x331: {  	v2 =	vadd.s32 v44, v4  }
0x332: {  	[tilespmem:v3+s20+$0x0] =	vst.idx.msk $0xffff, v1;
	v1 =	vand.u32 $0xFFFFFF80, v2  }
0x333: {  	v3 =	vor.u32 s1, v24;
	v2 =	vand.u32 $0x7F, v2;
	v1 =	vadd.s32 v5, v1;
	v0 =	vld.idx.msk [tilespmem:v0+s15+$0x0], $0xffff  }
0x334: {  	v1 =	vor.u32 v2, v1;
	_ =	sdelay $0x2  }
0x335: {  	v2 =	vadd.s32 v26, v4  }
0x336: {  	[tilespmem:v3+s20+$0x0] =	vst.idx.msk $0xffff, v0;
	v0 =	vand.u32 $0xFFFFFF80, v2  }
0x337: {  	v3 =	vor.u32 s1, v11;
	v2 =	vand.u32 $0x7F, v2;
	v0 =	vadd.s32 v5, v0;
	v1 =	vld.idx.msk [tilespmem:v1+s15+$0x0], $0xffff  }
0x338: {  	v0 =	vor.u32 v2, v0;
	_ =	sdelay $0x2  }
0x339: {  	v2 =	vadd.s32 v27, v4  }
0x33a: {  	[tilespmem:v3+s20+$0x0] =	vst.idx.msk $0xffff, v1;
	v1 =	vand.u32 $0xFFFFFF80, v2  }
0x33b: {  	v3 =	vor.u32 s1, v12;
	v2 =	vand.u32 $0x7F, v2;
	v1 =	vadd.s32 v5, v1;
	v0 =	vld.idx.msk [tilespmem:v0+s15+$0x0], $0xffff  }
0x33c: {  	v1 =	vor.u32 v2, v1;
	_ =	sdelay $0x3  }
0x33d: {  	[tilespmem:v3+s20+$0x0] =	vst.idx.msk $0xffff, v0  }
0x33e: {  	s26 =	simm.s32 $0x1;
	v40 =	vmov v25;
	v33 =	vmov v8;
	v0 =	vld.idx.msk [tilespmem:v1+s15+$0x0], $0xffff;
	v1 =	vor.u32 s1, v13  }
.LBB2_4:
0x33f: {  	_ =	sdelay $0x3  }
0x340: {  	s24 =	sadd.s32 $0x10, s24;
	v2 =	vld [tilespmem:$0x1FE00];
	[tilespmem:v1+s20+$0x0] =	vst.idx.msk $0xffff, v0  }
0x341: {  	s1 =	smov.u32 s26;
	v5 =	vld [tilespmem:s24+$0x0]  }
0x342: {  	s25 =	sadd.s32 $0x10, s25;
	v4 =	vld [tilespmem:$0x1FD30];
	s1 =	sshrl.u32 s1, $0x3  }
0x343: {  	s28 =	sand.u32 $0x70, s25;
	s3 =	sshll.u32 s1, $0x7  }
0x344: {  	s3 =	sor.u32 s28, s3  }
0x345: {  	v0 =	vmov s3  }
0x346: {  	v0 =	vshll.u32 v0, $0x7;
	v2 =	vadd.s32 v2, v5  }
0x347: {  	v25 =	vmov v33;
	v33 =	vor.u32 v4, v0;
	v0 =	vand.u32 $0xFFFFFF80, v2  }
0x348: {  	v2 =	vand.u32 $0x7F, v2;
	v0 =	vadd.s32 v33, v0  }
0x349: {  	v14 =	vor.u32 v2, v0;
	v0 =	vld [tilespmem:$0x1FF90];
	_ =	sdelay $0x4  }
0x34a: {  	v60 =	vadd.s32 v50, v5;
	v50 =	vadd.s32 v0, v5;
	v0 =	vld [tilespmem:$0x1F930];
	_ =	sdelay $0x4  }
0x34b: {  	v1 =	vadd.s32 v49, v5;
	v42 =	vadd.s32 v0, v5;
	v0 =	vld [tilespmem:$0x1FDF0]  }
0x34c: {  	v6 =	vadd.s32 v16, v5;
	v7 =	vadd.s32 v17, v5;
	v9 =	vadd.s32 v35, v5  }
0x34d: {  	v46 =	vadd.s32 v32, v5;
	v3 =	vand.u32 $0xFFFFFF80, v1;
	v57 =	vand.u32 $0xFFFFFF80, v7  }
0x34e: {  	v1 =	vand.u32 $0x7F, v1;
	v3 =	vadd.s32 v33, v3;
	v11 =	vadd.s32 v33, v57  }
0x34f: {  	v57 =	vadd.s32 v56, v5;
	v1 =	vor.u32 v1, v3;
	v3 =	vand.u32 $0xFFFFFF80, v6  }
0x350: {  	v10 =	vadd.s32 v33, v3;
	v3 =	vand.u32 $0xFFFFFF80, v9;
	v56 =	vadd.s32 v0, v5;
	v0 =	vld [tilespmem:$0x1F960]  }
0x351: {  	v17 =	vadd.s32 v33, v3;
	v3 =	vand.u32 $0xFFFFFF80, v46  }
0x352: {  	v52 =	vadd.s32 v33, v3;
	v3 =	vld [tilespmem:$0x1FD40];
	_ =	sdelay $0x2  }
0x353: {  	s1 =	sshll.u32 s1, $0xC;
	v23 =	vadd.s32 v0, v5;
	v0 =	vld [tilespmem:$0x1F970]  }
0x354: {  	s1 =	sor.u32 s28, s1  }
0x355: {  	v13 =	vld.idx.msk [tilespmem:v1+s15+$0x0], $0xffff;
	v59 =	vor.u32 s1, v3;
	_ =	sdelay $0x2  }
0x356: {  	v15 =	vor.u32 s1, v38;
	v37 =	vadd.s32 v36, v5;
	v20 =	vadd.s32 v0, v5;
	v0 =	vld [tilespmem:$0x1F980]  }
0x357: {  	v8 =	vmovc v31;
	v63 =	vadd.s32 v61, v5;
	v12 =	vadd.s32 v41, v5;
	v31 =	vadd.s32 v43, v5  }
0x358: {  	v16 =	vadd.s32 v47, v5;
	v39 =	vadd.s32 v18, v5;
	v2 =	vand.u32 $0xFFFFFF80, v12;
	[tilespmem:v59+s20+$0x0] =	vst.idx.msk $0xffff, v13  }
0x359: {  	v6 =	vand.u32 $0x7F, v6;
	v35 =	vadd.s32 v33, v2;
	v3 =	vand.u32 $0xFFFFFF80, v31;
	v14 =	vld.idx.msk [tilespmem:v14+s15+$0x0], $0xffff  }
0x35a: {  	v2 =	vand.u32 $0xFFFFFF80, v16;
	v6 =	vor.u32 v6, v10;
	v32 =	vadd.s32 v33, v3  }
0x35b: {  	v3 =	vadd.s32 v33, v2;
	v2 =	vadd.s32 v48, v5;
	v19 =	vadd.s32 v0, v5;
	v0 =	vld [tilespmem:$0x1F990]  }
0x35c: {  	v58 =	vand.u32 $0xFFFFFF80, v37;
	v62 =	vand.u32 $0xFFFFFF80, v2;
	v13 =	vand.u32 $0xFFFFFF80, v60  }
0x35d: {  	v4 =	vadd.s32 v33, v62;
	v62 =	vadd.s32 v33, v13;
	v13 =	vand.u32 $0xFFFFFF80, v57  }
0x35e: {  	v45 =	vadd.s32 v33, v58;
	v61 =	vadd.s32 v33, v13;
	v13 =	vand.u32 $0xFFFFFF80, v50;
	[tilespmem:v15+s20+$0x0] =	vst.idx.msk $0xffff, v14  }
0x35f: {  	v58 =	vadd.s32 v54, v5;
	v54 =	vadd.s32 v33, v13;
	v13 =	vand.u32 $0xFFFFFF80, v39;
	v6 =	vld.idx.msk [tilespmem:v6+s15+$0x0], $0xffff  }
0x360: {  	v41 =	vadd.s32 v33, v13;
	v13 =	vor.u32 s1, v40;
	v15 =	vadd.s32 v0, v5;
	v0 =	vld [tilespmem:$0x1F9A0];
	_ =	sdelay $0x2  }
0x361: {  	v43 =	vadd.s32 v34, v5;
	v1 =	vand.u32 $0xFFFFFF80, v63  }
0x362: {  	v34 =	vadd.s32 v29, v5;
	v10 =	vand.u32 $0xFFFFFF80, v58;
	v36 =	vadd.s32 v33, v1  }
0x363: {  	v59 =	vadd.s32 v33, v10;
	[tilespmem:v13+s20+$0x0] =	vst.idx.msk $0xffff, v6;
	v6 =	vand.u32 $0xFFFFFF80, v19;
	v13 =	vadd.s32 v0, v5  }
0x364: {  	v10 =	vand.u32 $0xFFFFFF80, v43;
	v21 =	vadd.s32 v33, v6;
	v6 =	vand.u32 $0xFFFFFF80, v13  }
0x365: {  	v48 =	vadd.s32 v33, v10;
	v10 =	vand.u32 $0xFFFFFF80, v42;
	v1 =	vadd.s32 v33, v6;
	v6 =	vld [tilespmem:$0x1F9B0]  }
0x366: {  	v47 =	vadd.s32 v33, v10;
	v10 =	vand.u32 $0xFFFFFF80, v34  }
0x367: {  	v40 =	vadd.s32 v33, v10;
	v10 =	vand.u32 $0xFFFFFF80, v56  }
0x368: {  	v38 =	vadd.s32 v33, v10;
	v10 =	vand.u32 $0xFFFFFF80, v20  }
0x369: {  	v7 =	vand.u32 $0x7F, v7;
	v22 =	vadd.s32 v33, v10;
	v10 =	vand.u32 $0xFFFFFF80, v15  }
0x36a: {  	v7 =	vor.u32 v7, v11;
	v0 =	vadd.s32 v33, v10;
	v14 =	vadd.s32 v6, v5;
	v6 =	vld [tilespmem:$0x1F9C0]  }
0x36b: {  	[tilespmem:$0x1F880] =	vst v0;
	v0 =	vld [tilespmem:$0x1FE50];
	_ =	sdelay $0x1  }
0x36c: {  	v11 =	vand.u32 $0xFFFFFF80, v23  }
0x36d: {  	v24 =	vadd.s32 v33, v11  }
0x36e: {  	v53 =	vld.idx.msk [tilespmem:v7+s15+$0x0], $0xffff;
	v7 =	vand.u32 $0x7F, v9;
	v11 =	vadd.s32 v6, v5;
	v6 =	vand.u32 $0xFFFFFF80, v14  }
0x36f: {  	[tilespmem:$0x1F890] =	vst v1;
	v0 =	vor.u32 s1, v0;
	v9 =	vand.u32 $0xFFFFFF80, v11;
	v6 =	vadd.s32 v33, v6  }
0x370: {  	v1 =	vor.u32 v7, v17;
	v7 =	vadd.s32 v55, v5;
	[tilespmem:$0x1F8A0] =	vst v6;
	v6 =	vadd.s32 v33, v9  }
0x371: {  	[tilespmem:$0x1F8B0] =	vst v6;
	v6 =	vand.u32 $0xFFFFFF80, v7  }
0x372: {  	v10 =	vld [tilespmem:$0x1FFA0];
	v6 =	vadd.s32 v33, v6  }
0x373: {  	v9 =	vadd.s32 v26, v5;
	[tilespmem:$0x1F8C0] =	vst v6;
	v6 =	vadd.s32 v44, v5  }
0x374: {  	[tilespmem:v0+s20+$0x0] =	vst.idx.msk $0xffff, v53;
	v17 =	vand.u32 $0xFFFFFF80, v9;
	v0 =	vand.u32 $0xFFFFFF80, v6  }
0x375: {  	v53 =	vadd.s32 v27, v5;
	v5 =	vadd.s32 v33, v0;
	v0 =	vadd.s32 v33, v17  }
0x376: {  	[tilespmem:$0x1F8D0] =	vst v0;
	v0 =	vand.u32 $0xFFFFFF80, v53  }
0x377: {  	v46 =	vand.u32 $0x7F, v46;
	v1 =	vld.idx.msk [tilespmem:v1+s15+$0x0], $0xffff;
	v17 =	vor.u32 s1, v10;
	v0 =	vadd.s32 v33, v0  }
0x378: {  	[tilespmem:$0x1F8E0] =	vst v0;
	v0 =	vor.u32 v46, v52;
	_ =	sdelay $0x3  }
0x379: {  	[tilespmem:v17+s20+$0x0] =	vst.idx.msk $0xffff, v1  }
0x37a: {  	v1 =	vor.u32 s1, v25;
	v17 =	vand.u32 $0x7F, v37;
	v0 =	vld.idx.msk [tilespmem:v0+s15+$0x0], $0xffff  }
0x37b: {  	v52 =	vld [tilespmem:$0x1FE90];
	v17 =	vor.u32 v17, v45;
	_ =	sdelay $0x3  }
0x37c: {  	[tilespmem:v1+s20+$0x0] =	vst.idx.msk $0xffff, v0  }
0x37d: {  	v1 =	vor.u32 s1, v52;
	v0 =	vld.idx.msk [tilespmem:v17+s15+$0x0], $0xffff;
	v17 =	vand.u32 $0x7F, v63  }
0x37e: {  	v45 =	vld [tilespmem:$0x1FEB0];
	v17 =	vor.u32 v17, v36;
	_ =	sdelay $0x3  }
0x37f: {  	[tilespmem:v1+s20+$0x0] =	vst.idx.msk $0xffff, v0  }
0x380: {  	v12 =	vand.u32 $0x7F, v12;
	v1 =	vor.u32 s1, v45;
	v0 =	vld.idx.msk [tilespmem:v17+s15+$0x0], $0xffff  }
0x381: {  	v12 =	vor.u32 v12, v35;
	v37 =	vld [tilespmem:$0x1FED0];
	_ =	sdelay $0x3  }
0x382: {  	[tilespmem:v1+s20+$0x0] =	vst.idx.msk $0xffff, v0  }
0x383: {  	v1 =	vor.u32 s1, v37;
	v0 =	vld.idx.msk [tilespmem:v12+s15+$0x0], $0xffff;
	v12 =	vand.u32 $0x7F, v31  }
0x384: {  	v46 =	vld [tilespmem:$0x1FEF0];
	v12 =	vor.u32 v12, v32;
	_ =	sdelay $0x3  }
0x385: {  	[tilespmem:v1+s20+$0x0] =	vst.idx.msk $0xffff, v0  }
0x386: {  	v1 =	vor.u32 s1, v46;
	v0 =	vld.idx.msk [tilespmem:v12+s15+$0x0], $0xffff;
	v12 =	vand.u32 $0x7F, v16  }
0x387: {  	v3 =	vor.u32 v12, v3;
	_ =	sdelay $0x3  }
0x388: {  	[tilespmem:v1+s20+$0x0] =	vst.idx.msk $0xffff, v0  }
0x389: {  	v1 =	vor.u32 s1, v8;
	v0 =	vld.idx.msk [tilespmem:v3+s15+$0x0], $0xffff;
	_ =	sdelay $0x3  }
0x38a: {  	v2 =	vand.u32 $0x7F, v2  }
0x38b: {  	v2 =	vor.u32 v2, v4;
	[tilespmem:v1+s20+$0x0] =	vst.idx.msk $0xffff, v0;
	v1 =	vld [tilespmem:$0x1FF20];
	_ =	sdelay $0x4  }
0x38c: {  	v0 =	vld.idx.msk [tilespmem:v2+s15+$0x0], $0xffff;
	v2 =	vand.u32 $0x7F, v60;
	v1 =	vor.u32 s1, v1  }
0x38d: {  	v2 =	vor.u32 v2, v62;
	v62 =	vld [tilespmem:$0x1FF40];
	_ =	sdelay $0x3  }
0x38e: {  	[tilespmem:v1+s20+$0x0] =	vst.idx.msk $0xffff, v0  }
0x38f: {  	v1 =	vor.u32 s1, v62;
	v0 =	vld.idx.msk [tilespmem:v2+s15+$0x0], $0xffff;
	v2 =	vand.u32 $0x7F, v57  }
0x390: {  	v63 =	vld [tilespmem:$0x1FF60];
	v2 =	vor.u32 v2, v61;
	_ =	sdelay $0x3  }
0x391: {  	[tilespmem:v1+s20+$0x0] =	vst.idx.msk $0xffff, v0  }
0x392: {  	v1 =	vor.u32 s1, v63;
	v0 =	vld.idx.msk [tilespmem:v2+s15+$0x0], $0xffff;
	v2 =	vand.u32 $0x7F, v58  }
0x393: {  	v2 =	vor.u32 v2, v59;
	v59 =	vld [tilespmem:$0x1FF80];
	_ =	sdelay $0x3  }
0x394: {  	[tilespmem:v1+s20+$0x0] =	vst.idx.msk $0xffff, v0  }
0x395: {  	v0 =	vld.idx.msk [tilespmem:v2+s15+$0x0], $0xffff;
	v1 =	vor.u32 s1, v59;
	v2 =	vand.u32 $0x7F, v50  }
0x396: {  	v60 =	vld [tilespmem:$0x1F9D0];
	v2 =	vor.u32 v2, v54;
	_ =	sdelay $0x3  }
0x397: {  	[tilespmem:v1+s20+$0x0] =	vst.idx.msk $0xffff, v0  }
0x398: {  	v1 =	vor.u32 s1, v60;
	v0 =	vld.idx.msk [tilespmem:v2+s15+$0x0], $0xffff;
	_ =	sdelay $0x3  }
0x399: {  	v2 =	vand.u32 $0x7F, v43  }
0x39a: {  	v2 =	vor.u32 v2, v48;
	[tilespmem:v1+s20+$0x0] =	vst.idx.msk $0xffff, v0;
	v1 =	vld [tilespmem:$0x1F940];
	_ =	sdelay $0x4  }
0x39b: {  	v0 =	vld.idx.msk [tilespmem:v2+s15+$0x0], $0xffff;
	v2 =	vand.u32 $0x7F, v42;
	v1 =	vor.u32 s1, v1  }
0x39c: {  	v2 =	vor.u32 v2, v47;
	_ =	sdelay $0x3  }
0x39d: {  	[tilespmem:v1+s20+$0x0] =	vst.idx.msk $0xffff, v0  }
0x39e: {  	v1 =	vor.u32 s1, v51;
	v0 =	vld.idx.msk [tilespmem:v2+s15+$0x0], $0xffff;
	v2 =	vand.u32 $0x7F, v39  }
0x39f: {  	v2 =	vor.u32 v2, v41;
	_ =	sdelay $0x3  }
0x3a0: {  	[tilespmem:v1+s20+$0x0] =	vst.idx.msk $0xffff, v0  }
0x3a1: {  	v1 =	vor.u32 s1, v28;
	v0 =	vld.idx.msk [tilespmem:v2+s15+$0x0], $0xffff;
	v2 =	vand.u32 $0x7F, v34  }
0x3a2: {  	v2 =	vor.u32 v2, v40;
	_ =	sdelay $0x3  }
0x3a3: {  	[tilespmem:v1+s20+$0x0] =	vst.idx.msk $0xffff, v0  }
0x3a4: {  	v1 =	vor.u32 s1, v30;
	v0 =	vld.idx.msk [tilespmem:v2+s15+$0x0], $0xffff;
	_ =	sdelay $0x3  }
0x3a5: {  	v2 =	vand.u32 $0x7F, v56  }
0x3a6: {  	v2 =	vor.u32 v2, v38;
	[tilespmem:v1+s20+$0x0] =	vst.idx.msk $0xffff, v0;
	v1 =	vld [tilespmem:$0x1F9E0];
	_ =	sdelay $0x4  }
0x3a7: {  	v0 =	vld.idx.msk [tilespmem:v2+s15+$0x0], $0xffff;
	v1 =	vor.u32 s1, v1;
	_ =	sdelay $0x3  }
0x3a8: {  	v2 =	vand.u32 $0x7F, v23  }
0x3a9: {  	v2 =	vor.u32 v2, v24;
	[tilespmem:v1+s20+$0x0] =	vst.idx.msk $0xffff, v0;
	v1 =	vld [tilespmem:$0x1FFD0];
	_ =	sdelay $0x4  }
0x3aa: {  	v0 =	vld.idx.msk [tilespmem:v2+s15+$0x0], $0xffff;
	v1 =	vor.u32 s1, v1;
	_ =	sdelay $0x3  }
0x3ab: {  	v2 =	vand.u32 $0x7F, v20  }
0x3ac: {  	v2 =	vor.u32 v2, v22;
	[tilespmem:v1+s20+$0x0] =	vst.idx.msk $0xffff, v0;
	v1 =	vld [tilespmem:$0x1FFB0];
	_ =	sdelay $0x4  }
0x3ad: {  	v0 =	vld.idx.msk [tilespmem:v2+s15+$0x0], $0xffff;
	v2 =	vand.u32 $0x7F, v19;
	v1 =	vor.u32 s1, v1  }
0x3ae: {  	v2 =	vor.u32 v2, v21;
	v21 =	vld [tilespmem:$0x1FD50]  }
0x3af: {  	v3 =	vld [tilespmem:$0x1F880];
	_ =	sdelay $0x2  }
0x3b0: {  	[tilespmem:v1+s20+$0x0] =	vst.idx.msk $0xffff, v0  }
0x3b1: {  	v1 =	vor.u32 s1, v21;
	v0 =	vld.idx.msk [tilespmem:v2+s15+$0x0], $0xffff;
	v2 =	vand.u32 $0x7F, v15  }
0x3b2: {  	v20 =	vld [tilespmem:$0x1FD60];
	v2 =	vor.u32 v2, v3  }
0x3b3: {  	v3 =	vld [tilespmem:$0x1F890];
	_ =	sdelay $0x2  }
0x3b4: {  	[tilespmem:v1+s20+$0x0] =	vst.idx.msk $0xffff, v0  }
0x3b5: {  	v1 =	vor.u32 s1, v20;
	v0 =	vld.idx.msk [tilespmem:v2+s15+$0x0], $0xffff;
	v2 =	vand.u32 $0x7F, v13  }
0x3b6: {  	v19 =	vld [tilespmem:$0x1FD70];
	v2 =	vor.u32 v2, v3  }
0x3b7: {  	v3 =	vld [tilespmem:$0x1F8A0];
	_ =	sdelay $0x2  }
0x3b8: {  	[tilespmem:v1+s20+$0x0] =	vst.idx.msk $0xffff, v0  }
0x3b9: {  	v1 =	vor.u32 s1, v19;
	v0 =	vld.idx.msk [tilespmem:v2+s15+$0x0], $0xffff;
	v2 =	vand.u32 $0x7F, v14  }
0x3ba: {  	v22 =	vld [tilespmem:$0x1FD80];
	v2 =	vor.u32 v2, v3  }
0x3bb: {  	v3 =	vld [tilespmem:$0x1F8B0];
	_ =	sdelay $0x2  }
0x3bc: {  	[tilespmem:v1+s20+$0x0] =	vst.idx.msk $0xffff, v0  }
0x3bd: {  	v1 =	vor.u32 s1, v22;
	v0 =	vld.idx.msk [tilespmem:v2+s15+$0x0], $0xffff;
	v2 =	vand.u32 $0x7F, v11  }
0x3be: {  	v23 =	vld [tilespmem:$0x1FD90];
	v2 =	vor.u32 v2, v3  }
0x3bf: {  	v3 =	vld [tilespmem:$0x1F8C0];
	_ =	sdelay $0x1  }
0x3c0: {  	v35 =	vld [tilespmem:$0x1FE60]  }
0x3c1: {  	v36 =	vld [tilespmem:$0x1FE80];
	[tilespmem:v1+s20+$0x0] =	vst.idx.msk $0xffff, v0  }
0x3c2: {  	v1 =	vor.u32 s1, v23;
	v0 =	vld.idx.msk [tilespmem:v2+s15+$0x0], $0xffff;
	v2 =	vand.u32 $0x7F, v7  }
0x3c3: {  	v24 =	vld [tilespmem:$0x1FDA0];
	v2 =	vor.u32 v2, v3  }
0x3c4: {  	v17 =	vld [tilespmem:$0x1FE40]  }
0x3c5: {  	v32 =	vld [tilespmem:$0x1FE70]  }
0x3c6: {  	v16 =	vld [tilespmem:$0x1FE20]  }
0x3c7: {  	v12 =	vld [tilespmem:$0x1FDC0];
	[tilespmem:v1+s20+$0x0] =	vst.idx.msk $0xffff, v0  }
0x3c8: {  	v1 =	vor.u32 s1, v24;
	v0 =	vld.idx.msk [tilespmem:v2+s15+$0x0], $0xffff;
	v2 =	vand.u32 $0x7F, v6  }
0x3c9: {  	v11 =	vld [tilespmem:$0x1FDB0];
	v2 =	vor.u32 v2, v5  }
0x3ca: {  	v3 =	vld [tilespmem:$0x1F8D0]  }
0x3cb: {  	v61 =	vld [tilespmem:$0x1FEA0]  }
0x3cc: {  	v50 =	vld [tilespmem:$0x1FF30]  }
0x3cd: {  	v54 =	vld [tilespmem:$0x1FF70];
	[tilespmem:v1+s20+$0x0] =	vst.idx.msk $0xffff, v0  }
0x3ce: {  	v1 =	vor.u32 s1, v11;
	v0 =	vld.idx.msk [tilespmem:v2+s15+$0x0], $0xffff;
	v2 =	vand.u32 $0x7F, v9  }
0x3cf: {  	v43 =	vld [tilespmem:$0x1FEE0];
	v2 =	vor.u32 v2, v3  }
0x3d0: {  	v3 =	vld [tilespmem:$0x1F8E0]  }
0x3d1: {  	v48 =	vld [tilespmem:$0x1FF10]  }
0x3d2: {  	v47 =	vld [tilespmem:$0x1FF00]  }
0x3d3: {  	v41 =	vld [tilespmem:$0x1FEC0];
	[tilespmem:v1+s20+$0x0] =	vst.idx.msk $0xffff, v0  }
0x3d4: {  	v1 =	vor.u32 s1, v12;
	v0 =	vld.idx.msk [tilespmem:v2+s15+$0x0], $0xffff;
	v2 =	vand.u32 $0x7F, v53  }
0x3d5: {  	p0 =	sne.s32 s26, $0xF;
	v13 =	vld [tilespmem:$0x1FDD0];
	v2 =	vor.u32 v2, v3  }
.Ltmp1:
0x3d6: {  	v34 =	vld [tilespmem:$0x1FDE0];
	(pc) =	sbr.rel @p0 .LBB2_4-.Ltmp1, $4  }
0x3d7: {  	v40 =	vld [tilespmem:$0x1FE30]  }
0x3d8: {  	v56 =	vld [tilespmem:$0x1FF50]  }
0x3d9: {  	v38 =	vld [tilespmem:$0x1FE10];
	[tilespmem:v1+s20+$0x0] =	vst.idx.msk $0xffff, v0  }
0x3da: {  	s26 =	sadd.s32 $0x1, s26;
	v33 =	vmov v25;
	v31 =	vmov v8;
	v1 =	vor.u32 s1, v13;
	v0 =	vld.idx.msk [tilespmem:v2+s15+$0x0], $0xffff  }
0x3db: {  	v39 =	vld [tilespmem:$0x1FDF0]  }
0x3dc: {  	v57 =	vld [tilespmem:$0x1FF90]  }
0x3dd: {  	v42 =	vld [tilespmem:$0x1F930]  }
0x3de: {  	v58 =	vld [tilespmem:$0x1F940];
	[tilespmem:$0x1F870] =	vst v29  }
0x3df: {  	s24 =	simm.s32 $0x1;
	v25 =	vld [tilespmem:$0x1FFD0];
	[tilespmem:v1+s20+$0x0] =	vst.idx.msk $0xffff, v0  }
0x3e0: {  	v15 =	vld [tilespmem:$0x1FFB0];
	v53 =	vmov v10;
	[hbm4b:s6+s18] =	stream.strided.scatter [tilespmem:s20], [sflag:$0x4], $0x2000, s9, s18, $0x38  }
.LBB2_6:
0x3e1: {  	s1 =	sshll.u32 s24, $0x1  }
0x3e2: {  	s3 =	sand.u32 $0xFE, s1  }
0x3e3: {  	s3 =	smul.u32 $0x29, s3;
	_ =	sdelay $0x1  }
0x3e4: {  	s3 =	sshrl.u32 s3, $0xA  }
0x3e5: {  	v14 =	vld [tilespmem:$0x1FB20];
	s25 =	smul.u32 $0x19, s3;
	_ =	sdelay $0x1  }
0x3e6: {  	s28 =	sshll.u32 s3, $0x7;
	s1 =	ssub.s32 s1, s25  }
0x3e7: {  	v0 =	vmov s28;
	s29 =	sand.u32 $0xFF, s1  }
0x3e8: {  	v0 =	vshrl.u32 v0, $0x7;
	s1 =	sshll.u32 s29, $0x1  }
0x3e9: {  	v0 =	vshll.u32 v0, v14;
	v1 =	vmov s1  }
0x3ea: {  	v0 =	vbroadcast v0, $0x0;
	v2 =	vshll.u32 v1, $0x9  }
0x3eb: {  	v1 =	vshll.u32 v1, $0x7;
	v2 =	vand.u32 $0x7000, v2  }
0x3ec: {  	v1 =	vand.u32 $0x300, v1;
	v2 =	vadd.s32 v0, v2  }
0x3ed: {  	v1 =	vor.u32 v1, v2  }
0x3ee: {  	v2 =	vor.u32 v49, v1;
	_ =	sdelay $0x3  }
0x3ef: {  	s30 =	simm.s32 $0x0  }
0x3f0: {  	v2 =	vld.idx.msk [tilespmem:v2+s30+$0x0], $0xffff;
	_ =	sdelay $0x2  }
0x3f1: {  	v3 =	vor.u32 v34, v1;
	_ =	sdelay $0x1  }
0x3f2: {  	v4 =	vshra.s32 v2, $0x2;
	v2 =	vshll.u32 v2, $0x5  }
0x3f3: {  	v5 =	vld [tilespmem:$0x1F9F0];
	[tilespmem:$0x7000] =	vst v4;
	v2 =	vand.u32 $0x60, v2  }
0x3f4: {  	[tilespmem:$0x7200] =	vst v2  }
0x3f5: {  	v2 =	vld.idx.msk [tilespmem:v3+s30+$0x0], $0xffff;
	_ =	sdelay $0x2  }
0x3f6: {  	v3 =	vor.u32 v5, v1;
	_ =	sdelay $0x1  }
0x3f7: {  	v9 =	vshra.s32 v2, $0x2;
	v2 =	vshll.u32 v2, $0x5  }
0x3f8: {  	v6 =	vld [tilespmem:$0x1FA00];
	[tilespmem:$0x7010] =	vst v9;
	v2 =	vand.u32 $0x60, v2  }
0x3f9: {  	[tilespmem:$0x7210] =	vst v2  }
0x3fa: {  	v2 =	vld.idx.msk [tilespmem:v3+s30+$0x0], $0xffff;
	_ =	sdelay $0x2  }
0x3fb: {  	v3 =	vor.u32 v6, v1;
	_ =	sdelay $0x1  }
0x3fc: {  	v10 =	vshra.s32 v2, $0x2;
	v2 =	vshll.u32 v2, $0x5  }
0x3fd: {  	v7 =	vld [tilespmem:$0x1FA10];
	[tilespmem:$0x7020] =	vst v10;
	v2 =	vand.u32 $0x60, v2  }
0x3fe: {  	[tilespmem:$0x7220] =	vst v2  }
0x3ff: {  	v2 =	vld.idx.msk [tilespmem:v3+s30+$0x0], $0xffff;
	_ =	sdelay $0x2  }
0x400: {  	v3 =	vor.u32 v7, v1;
	_ =	sdelay $0x1  }
0x401: {  	v8 =	vshra.s32 v2, $0x2;
	v2 =	vshll.u32 v2, $0x5  }
0x402: {  	[tilespmem:$0x7030] =	vst v8;
	v2 =	vand.u32 $0x60, v2;
	v8 =	vld [tilespmem:$0x1FA20]  }
0x403: {  	[tilespmem:$0x7230] =	vst v2  }
0x404: {  	v2 =	vld.idx.msk [tilespmem:v3+s30+$0x0], $0xffff;
	_ =	sdelay $0x2  }
0x405: {  	v3 =	vor.u32 v8, v1;
	_ =	sdelay $0x1  }
0x406: {  	v9 =	vshra.s32 v2, $0x2;
	v2 =	vshll.u32 v2, $0x5  }
0x407: {  	[tilespmem:$0x7040] =	vst v9;
	v2 =	vand.u32 $0x60, v2;
	v9 =	vld [tilespmem:$0x1FA30]  }
0x408: {  	[tilespmem:$0x7240] =	vst v2  }
0x409: {  	v2 =	vld.idx.msk [tilespmem:v3+s30+$0x0], $0xffff;
	_ =	sdelay $0x2  }
0x40a: {  	v3 =	vor.u32 v9, v1;
	_ =	sdelay $0x1  }
0x40b: {  	v10 =	vshra.s32 v2, $0x2;
	v2 =	vshll.u32 v2, $0x5  }
0x40c: {  	[tilespmem:$0x7050] =	vst v10;
	v2 =	vand.u32 $0x60, v2;
	v10 =	vld [tilespmem:$0x1FA40]  }
0x40d: {  	[tilespmem:$0x7250] =	vst v2  }
0x40e: {  	v2 =	vld.idx.msk [tilespmem:v3+s30+$0x0], $0xffff;
	_ =	sdelay $0x2  }
0x40f: {  	v1 =	vor.u32 v10, v1;
	_ =	sdelay $0x1  }
0x410: {  	s8 =	sshllo.u32 s29, $0x1;
	v3 =	vshra.s32 v2, $0x2;
	v2 =	vshll.u32 v2, $0x5  }
0x411: {  	[tilespmem:$0x7060] =	vst v3;
	v2 =	vand.u32 $0x60, v2;
	v3 =	vmov s8  }
0x412: {  	[tilespmem:$0x7260] =	vst v2;
	v2 =	vshll.u32 v3, $0x9  }
0x413: {  	v3 =	vshll.u32 v3, $0x7;
	v1 =	vld.idx.msk [tilespmem:v1+s30+$0x0], $0xffff;
	v2 =	vand.u32 $0x7000, v2  }
0x414: {  	v0 =	vadd.s32 v0, v2;
	v2 =	vand.u32 $0x380, v3  }
0x415: {  	v0 =	vor.u32 v2, v0  }
0x416: {  	v2 =	vor.u32 v49, v0;
	_ =	sdelay $0x1  }
0x417: {  	v3 =	vshra.s32 v1, $0x2;
	v1 =	vshll.u32 v1, $0x5  }
0x418: {  	[tilespmem:$0x7070] =	vst v3;
	v1 =	vand.u32 $0x60, v1  }
0x419: {  	[tilespmem:$0x7270] =	vst v1  }
0x41a: {  	v1 =	vld.idx.msk [tilespmem:v2+s30+$0x0], $0xffff;
	_ =	sdelay $0x2  }
0x41b: {  	v2 =	vor.u32 v34, v0;
	_ =	sdelay $0x1  }
0x41c: {  	v3 =	vshra.s32 v1, $0x2;
	v1 =	vshll.u32 v1, $0x5  }
0x41d: {  	[tilespmem:$0x7080] =	vst v3;
	v1 =	vand.u32 $0x60, v1  }
0x41e: {  	[tilespmem:$0x7280] =	vst v1  }
0x41f: {  	v1 =	vld.idx.msk [tilespmem:v2+s30+$0x0], $0xffff;
	_ =	sdelay $0x2  }
0x420: {  	v2 =	vor.u32 v5, v0;
	_ =	sdelay $0x1  }
0x421: {  	v3 =	vshra.s32 v1, $0x2;
	v1 =	vshll.u32 v1, $0x5  }
0x422: {  	[tilespmem:$0x7090] =	vst v3;
	v1 =	vand.u32 $0x60, v1  }
0x423: {  	[tilespmem:$0x7290] =	vst v1  }
0x424: {  	v1 =	vld.idx.msk [tilespmem:v2+s30+$0x0], $0xffff;
	_ =	sdelay $0x2  }
0x425: {  	v2 =	vor.u32 v6, v0;
	_ =	sdelay $0x1  }
0x426: {  	v3 =	vshra.s32 v1, $0x2;
	v1 =	vshll.u32 v1, $0x5  }
0x427: {  	[tilespmem:$0x70A0] =	vst v3;
	v1 =	vand.u32 $0x60, v1  }
0x428: {  	[tilespmem:$0x72A0] =	vst v1  }
0x429: {  	v1 =	vld.idx.msk [tilespmem:v2+s30+$0x0], $0xffff;
	_ =	sdelay $0x2  }
0x42a: {  	v2 =	vor.u32 v7, v0;
	_ =	sdelay $0x1  }
0x42b: {  	v3 =	vshra.s32 v1, $0x2;
	v1 =	vshll.u32 v1, $0x5  }
0x42c: {  	[tilespmem:$0x70B0] =	vst v3;
	v1 =	vand.u32 $0x60, v1  }
0x42d: {  	[tilespmem:$0x72B0] =	vst v1  }
0x42e: {  	v1 =	vld.idx.msk [tilespmem:v2+s30+$0x0], $0xffff;
	_ =	sdelay $0x2  }
0x42f: {  	v2 =	vor.u32 v8, v0;
	_ =	sdelay $0x1  }
0x430: {  	v3 =	vshra.s32 v1, $0x2;
	v1 =	vshll.u32 v1, $0x5  }
0x431: {  	[tilespmem:$0x70C0] =	vst v3;
	v1 =	vand.u32 $0x60, v1  }
0x432: {  	[tilespmem:$0x72C0] =	vst v1  }
0x433: {  	v1 =	vld.idx.msk [tilespmem:v2+s30+$0x0], $0xffff;
	_ =	sdelay $0x2  }
0x434: {  	v2 =	vor.u32 v9, v0;
	_ =	sdelay $0x1  }
0x435: {  	s25 =	sshllo.u32 s24, $0x1;
	v3 =	vshra.s32 v1, $0x2;
	v1 =	vshll.u32 v1, $0x5  }
0x436: {  	s26 =	sand.u32 $0xFF, s25;
	[tilespmem:$0x70D0] =	vst v3;
	v1 =	vand.u32 $0x60, v1  }
0x437: {  	s3 =	smul.u32 $0x29, s26;
	[tilespmem:$0x72D0] =	vst v1  }
0x438: {  	v1 =	vld.idx.msk [tilespmem:v2+s30+$0x0], $0xffff  }
0x439: {  	s3 =	sshrl.u32 s3, $0xA  }
0x43a: {  	s4 =	smul.u32 $0x19, s3  }
0x43b: {  	v0 =	vor.u32 v10, v0  }
0x43c: {  	s1 =	ssub.s32 s25, s4;
	s25 =	sshll.u32 s3, $0x7  }
0x43d: {  	s26 =	sand.u32 $0xFF, s1;
	v3 =	vmov s25;
	v2 =	vshra.s32 v1, $0x2;
	v1 =	vshll.u32 v1, $0x5  }
0x43e: {  	s1 =	sshll.u32 s26, $0x1;
	[tilespmem:$0x70E0] =	vst v2;
	v1 =	vand.u32 $0x60, v1;
	v2 =	vshrl.u32 v3, $0x7  }
0x43f: {  	[tilespmem:$0x72E0] =	vst v1;
	v1 =	vmov s1;
	v2 =	vshll.u32 v2, v14  }
0x440: {  	v0 =	vld.idx.msk [tilespmem:v0+s30+$0x0], $0xffff;
	v3 =	vshll.u32 v1, $0x9;
	v2 =	vbroadcast v2, $0x0  }
0x441: {  	v1 =	vshll.u32 v1, $0x7;
	v3 =	vand.u32 $0x7000, v3  }
0x442: {  	v1 =	vand.u32 $0x300, v1;
	v3 =	vadd.s32 v2, v3  }
0x443: {  	v1 =	vor.u32 v1, v3  }
0x444: {  	v3 =	vor.u32 v49, v1  }
0x445: {  	v14 =	vshra.s32 v0, $0x2;
	v0 =	vshll.u32 v0, $0x5  }
0x446: {  	[tilespmem:$0x70F0] =	vst v14;
	v0 =	vand.u32 $0x60, v0  }
0x447: {  	[tilespmem:$0x72F0] =	vst v0  }
0x448: {  	[tilespmem:s13], [sflag:$0x1] =	stream.indirect.gather [hbm4b:s0+s11], $0x80, s12, s11, $0xb8;
	[tilespmem:$0x1B400] =	vst v63  }
0x449: {  	v0 =	vld.idx.msk [tilespmem:v3+s30+$0x0], $0xffff;
	_ =	sdelay $0x2  }
0x44a: {  	v3 =	vor.u32 v34, v1;
	_ =	sdelay $0x1  }
0x44b: {  	v14 =	vshra.s32 v0, $0x2;
	v0 =	vshll.u32 v0, $0x5  }
0x44c: {  	[tilespmem:$0x7100] =	vst v14;
	v0 =	vand.u32 $0x60, v0  }
0x44d: {  	[tilespmem:$0x7300] =	vst v0  }
0x44e: {  	v0 =	vld.idx.msk [tilespmem:v3+s30+$0x0], $0xffff;
	_ =	sdelay $0x2  }
0x44f: {  	v3 =	vor.u32 v5, v1;
	_ =	sdelay $0x1  }
0x450: {  	v14 =	vshra.s32 v0, $0x2;
	v0 =	vshll.u32 v0, $0x5  }
0x451: {  	[tilespmem:$0x7110] =	vst v14;
	v0 =	vand.u32 $0x60, v0  }
0x452: {  	[tilespmem:$0x7310] =	vst v0  }
0x453: {  	v0 =	vld.idx.msk [tilespmem:v3+s30+$0x0], $0xffff;
	_ =	sdelay $0x2  }
0x454: {  	v3 =	vor.u32 v6, v1;
	_ =	sdelay $0x1  }
0x455: {  	v14 =	vshra.s32 v0, $0x2;
	v0 =	vshll.u32 v0, $0x5  }
0x456: {  	[tilespmem:$0x7120] =	vst v14;
	v0 =	vand.u32 $0x60, v0  }
0x457: {  	[tilespmem:$0x7320] =	vst v0  }
0x458: {  	v0 =	vld.idx.msk [tilespmem:v3+s30+$0x0], $0xffff;
	_ =	sdelay $0x2  }
0x459: {  	v3 =	vor.u32 v7, v1;
	_ =	sdelay $0x1  }
0x45a: {  	v14 =	vshra.s32 v0, $0x2;
	v0 =	vshll.u32 v0, $0x5  }
0x45b: {  	[tilespmem:$0x7130] =	vst v14;
	v0 =	vand.u32 $0x60, v0  }
0x45c: {  	[tilespmem:$0x7330] =	vst v0  }
0x45d: {  	v0 =	vld.idx.msk [tilespmem:v3+s30+$0x0], $0xffff;
	_ =	sdelay $0x2  }
0x45e: {  	v3 =	vor.u32 v8, v1;
	_ =	sdelay $0x1  }
0x45f: {  	v14 =	vshra.s32 v0, $0x2;
	v0 =	vshll.u32 v0, $0x5  }
0x460: {  	[tilespmem:$0x7140] =	vst v14;
	v0 =	vand.u32 $0x60, v0  }
0x461: {  	[tilespmem:$0x7340] =	vst v0  }
0x462: {  	v0 =	vld.idx.msk [tilespmem:v3+s30+$0x0], $0xffff;
	_ =	sdelay $0x2  }
0x463: {  	v3 =	vor.u32 v9, v1;
	_ =	sdelay $0x1  }
0x464: {  	v14 =	vshra.s32 v0, $0x2;
	v0 =	vshll.u32 v0, $0x5  }
0x465: {  	[tilespmem:$0x7150] =	vst v14;
	v0 =	vand.u32 $0x60, v0  }
0x466: {  	[tilespmem:$0x7350] =	vst v0  }
0x467: {  	v0 =	vld.idx.msk [tilespmem:v3+s30+$0x0], $0xffff;
	_ =	sdelay $0x2  }
0x468: {  	v1 =	vor.u32 v10, v1;
	_ =	sdelay $0x1  }
0x469: {  	s8 =	sshllo.u32 s26, $0x1;
	v3 =	vshra.s32 v0, $0x2;
	v0 =	vshll.u32 v0, $0x5  }
0x46a: {  	[tilespmem:$0x7160] =	vst v3;
	v0 =	vand.u32 $0x60, v0;
	v3 =	vmov s8  }
0x46b: {  	[tilespmem:$0x7360] =	vst v0;
	v0 =	vshll.u32 v3, $0x9  }
0x46c: {  	v3 =	vshll.u32 v3, $0x7;
	v1 =	vld.idx.msk [tilespmem:v1+s30+$0x0], $0xffff;
	v0 =	vand.u32 $0x7000, v0  }
0x46d: {  	v0 =	vadd.s32 v2, v0;
	v2 =	vand.u32 $0x380, v3  }
0x46e: {  	v0 =	vor.u32 v2, v0  }
0x46f: {  	v2 =	vor.u32 v49, v0;
	_ =	sdelay $0x1  }
0x470: {  	v3 =	vshra.s32 v1, $0x2;
	v1 =	vshll.u32 v1, $0x5  }
0x471: {  	[tilespmem:$0x7170] =	vst v3;
	v1 =	vand.u32 $0x60, v1  }
0x472: {  	[tilespmem:$0x7370] =	vst v1  }
0x473: {  	v1 =	vld.idx.msk [tilespmem:v2+s30+$0x0], $0xffff;
	_ =	sdelay $0x2  }
0x474: {  	v2 =	vor.u32 v34, v0;
	_ =	sdelay $0x1  }
0x475: {  	v3 =	vshra.s32 v1, $0x2;
	v1 =	vshll.u32 v1, $0x5  }
0x476: {  	[tilespmem:$0x7180] =	vst v3;
	v1 =	vand.u32 $0x60, v1  }
0x477: {  	[tilespmem:$0x7380] =	vst v1  }
0x478: {  	v1 =	vld.idx.msk [tilespmem:v2+s30+$0x0], $0xffff;
	_ =	sdelay $0x2  }
0x479: {  	v2 =	vor.u32 v5, v0;
	_ =	sdelay $0x1  }
0x47a: {  	v3 =	vshra.s32 v1, $0x2;
	v1 =	vshll.u32 v1, $0x5  }
0x47b: {  	[tilespmem:$0x7190] =	vst v3;
	v1 =	vand.u32 $0x60, v1  }
0x47c: {  	[tilespmem:$0x7390] =	vst v1  }
0x47d: {  	v1 =	vld.idx.msk [tilespmem:v2+s30+$0x0], $0xffff;
	_ =	sdelay $0x2  }
0x47e: {  	v2 =	vor.u32 v6, v0;
	_ =	sdelay $0x1  }
0x47f: {  	v3 =	vshra.s32 v1, $0x2;
	v1 =	vshll.u32 v1, $0x5  }
0x480: {  	[tilespmem:$0x71A0] =	vst v3;
	v1 =	vand.u32 $0x60, v1  }
0x481: {  	[tilespmem:$0x73A0] =	vst v1  }
0x482: {  	v1 =	vld.idx.msk [tilespmem:v2+s30+$0x0], $0xffff;
	_ =	sdelay $0x2  }
0x483: {  	v2 =	vor.u32 v7, v0;
	_ =	sdelay $0x1  }
0x484: {  	v3 =	vshra.s32 v1, $0x2;
	v1 =	vshll.u32 v1, $0x5  }
0x485: {  	[tilespmem:$0x71B0] =	vst v3;
	v1 =	vand.u32 $0x60, v1  }
0x486: {  	[tilespmem:$0x73B0] =	vst v1  }
0x487: {  	v1 =	vld.idx.msk [tilespmem:v2+s30+$0x0], $0xffff;
	_ =	sdelay $0x2  }
0x488: {  	v2 =	vor.u32 v8, v0;
	_ =	sdelay $0x1  }
0x489: {  	v3 =	vshra.s32 v1, $0x2;
	v1 =	vshll.u32 v1, $0x5  }
0x48a: {  	[tilespmem:$0x71C0] =	vst v3;
	v1 =	vand.u32 $0x60, v1  }
0x48b: {  	[tilespmem:$0x73C0] =	vst v1  }
0x48c: {  	v1 =	vld.idx.msk [tilespmem:v2+s30+$0x0], $0xffff;
	_ =	sdelay $0x2  }
0x48d: {  	v2 =	vor.u32 v9, v0;
	_ =	sdelay $0x1  }
0x48e: {  	v3 =	vshra.s32 v1, $0x2;
	v1 =	vshll.u32 v1, $0x5  }
0x48f: {  	[tilespmem:$0x71D0] =	vst v3;
	v1 =	vand.u32 $0x60, v1  }
0x490: {  	[tilespmem:$0x73D0] =	vst v1  }
0x491: {  	v1 =	vld.idx.msk [tilespmem:v2+s30+$0x0], $0xffff;
	_ =	sdelay $0x2  }
0x492: {  	v0 =	vor.u32 v10, v0;
	_ =	sdelay $0x1  }
0x493: {  	v2 =	vshra.s32 v1, $0x2;
	v1 =	vshll.u32 v1, $0x5  }
0x494: {  	[tilespmem:$0x71E0] =	vst v2;
	v1 =	vand.u32 $0x60, v1  }
0x495: {  	[tilespmem:$0x73E0] =	vst v1  }
0x496: {  	v0 =	vld.idx.msk [tilespmem:v0+s30+$0x0], $0xffff;
	_ =	sdelay $0x4  }
0x497: {  	v1 =	vshra.s32 v0, $0x2;
	v0 =	vshll.u32 v0, $0x5  }
0x498: {  	[tilespmem:$0x71F0] =	vst v1;
	v0 =	vand.u32 $0x60, v0  }
0x499: {  	[tilespmem:$0x73F0] =	vst v0  }
0x49a: {  	[tilespmem:s15], [sflag:$0x2] =	stream.indirect.gather [hbm4b:s0+s11], $0x80, s14, s11, $0xb8;
	[tilespmem:$0x1B400] =	vst v63  }
0x49b: {  	_ =	swait.ge [sflag:s16], $0x8000  }
0x49c: {  	[sflag:s16] =	ssyncset.done $0x0  }
0x49d: {  	[sflag:s16] =	ssyncadd.s32 $0xFFFF8000  }
0x49e: {  	_ =	swait.ge [sflag:s21], $0x2000  }
0x49f: {  	[sflag:s21] =	ssyncset.done $0x0  }
0x4a0: {  	s31 =	simm.s32 $0x7200;
	[sflag:s21] =	ssyncadd.s32 $0xFFFFE000  }
0x4a1: {  	v10 =	vld [tilespmem:s31+$0x0]  }
0x4a2: {  	v3 =	vld [tilespmem:$0x1FD30]  }
0x4a3: {  	s3 =	simm.s32 $0x0;
	s4 =	sand.u32 $0x70, s30  }
0x4a4: {  	s1 =	sor.u32 s4, s3  }
0x4a5: {  	v0 =	vmov s1  }
0x4a6: {  	v0 =	vshll.u32 v0, $0x7;
	v1 =	vadd.s32 v49, v10  }
0x4a7: {  	v14 =	vor.u32 v3, v0;
	v2 =	vand.u32 $0xFFFFFF80, v1  }
0x4a8: {  	v0 =	vand.u32 $0x7F, v1;
	v1 =	vadd.s32 v14, v2  }
0x4a9: {  	v0 =	vor.u32 v0, v1;
	v1 =	vld [tilespmem:$0x1FE00];
	_ =	sdelay $0x1  }
0x4aa: {  	v3 =	vld [tilespmem:$0x1FD40];
	_ =	sdelay $0x2  }
0x4ab: {  	s8 =	simm.s32 $0x0;
	v1 =	vadd.s32 v1, v10  }
0x4ac: {  	s3 =	sor.u32 s4, s8;
	v2 =	vand.u32 $0xFFFFFF80, v1  }
0x4ad: {  	v3 =	vor.u32 s3, v3;
	v0 =	vld.idx.msk [tilespmem:v0+s13+$0x0], $0xffff;
	v1 =	vand.u32 $0x7F, v1;
	v2 =	vadd.s32 v14, v2  }
0x4ae: {  	v1 =	vor.u32 v1, v2;
	_ =	sdelay $0x2  }
0x4af: {  	v2 =	vadd.s32 v16, v10  }
0x4b0: {  	[tilespmem:v3+s17+$0x0] =	vst.idx.msk $0xffff, v0;
	v0 =	vand.u32 $0xFFFFFF80, v2  }
0x4b1: {  	v3 =	vor.u32 s3, v38;
	v2 =	vand.u32 $0x7F, v2;
	v0 =	vadd.s32 v14, v0;
	v1 =	vld.idx.msk [tilespmem:v1+s13+$0x0], $0xffff  }
0x4b2: {  	v0 =	vor.u32 v2, v0;
	_ =	sdelay $0x3  }
0x4b3: {  	[tilespmem:v3+s17+$0x0] =	vst.idx.msk $0xffff, v1  }
0x4b4: {  	v3 =	vor.u32 s3, v40;
	v0 =	vld.idx.msk [tilespmem:v0+s13+$0x0], $0xffff;
	_ =	sdelay $0x1  }
0x4b5: {  	v2 =	vadd.s32 v17, v10  }
0x4b6: {  	v1 =	vand.u32 $0xFFFFFF80, v2  }
0x4b7: {  	v2 =	vand.u32 $0x7F, v2;
	v1 =	vadd.s32 v14, v1  }
0x4b8: {  	v1 =	vor.u32 v2, v1;
	[tilespmem:v3+s17+$0x0] =	vst.idx.msk $0xffff, v0;
	v3 =	vld [tilespmem:$0x1FE50];
	_ =	sdelay $0x2  }
0x4b9: {  	v2 =	vadd.s32 v35, v10  }
0x4ba: {  	v0 =	vand.u32 $0xFFFFFF80, v2  }
0x4bb: {  	v2 =	vand.u32 $0x7F, v2;
	v0 =	vadd.s32 v14, v0;
	v1 =	vld.idx.msk [tilespmem:v1+s13+$0x0], $0xffff;
	v3 =	vor.u32 s3, v3  }
0x4bc: {  	v0 =	vor.u32 v2, v0;
	_ =	sdelay $0x2  }
0x4bd: {  	v2 =	vadd.s32 v32, v10  }
0x4be: {  	[tilespmem:v3+s17+$0x0] =	vst.idx.msk $0xffff, v1;
	v1 =	vand.u32 $0xFFFFFF80, v2  }
0x4bf: {  	v3 =	vor.u32 s3, v53;
	v2 =	vand.u32 $0x7F, v2;
	v1 =	vadd.s32 v14, v1;
	v0 =	vld.idx.msk [tilespmem:v0+s13+$0x0], $0xffff  }
0x4c0: {  	v1 =	vor.u32 v2, v1;
	_ =	sdelay $0x2  }
0x4c1: {  	v2 =	vadd.s32 v36, v10  }
0x4c2: {  	[tilespmem:v3+s17+$0x0] =	vst.idx.msk $0xffff, v0;
	v0 =	vand.u32 $0xFFFFFF80, v2  }
0x4c3: {  	v3 =	vor.u32 s3, v33;
	v2 =	vand.u32 $0x7F, v2;
	v0 =	vadd.s32 v14, v0;
	v1 =	vld.idx.msk [tilespmem:v1+s13+$0x0], $0xffff  }
0x4c4: {  	v0 =	vor.u32 v2, v0;
	_ =	sdelay $0x2  }
0x4c5: {  	v2 =	vadd.s32 v61, v10  }
0x4c6: {  	[tilespmem:v3+s17+$0x0] =	vst.idx.msk $0xffff, v1;
	v1 =	vand.u32 $0xFFFFFF80, v2  }
0x4c7: {  	v3 =	vor.u32 s3, v52;
	v2 =	vand.u32 $0x7F, v2;
	v1 =	vadd.s32 v14, v1;
	v0 =	vld.idx.msk [tilespmem:v0+s13+$0x0], $0xffff  }
0x4c8: {  	v1 =	vor.u32 v2, v1;
	_ =	sdelay $0x2  }
0x4c9: {  	v2 =	vadd.s32 v41, v10  }
0x4ca: {  	[tilespmem:v3+s17+$0x0] =	vst.idx.msk $0xffff, v0;
	v0 =	vand.u32 $0xFFFFFF80, v2  }
0x4cb: {  	v3 =	vor.u32 s3, v45;
	v2 =	vand.u32 $0x7F, v2;
	v0 =	vadd.s32 v14, v0;
	v1 =	vld.idx.msk [tilespmem:v1+s13+$0x0], $0xffff  }
0x4cc: {  	v0 =	vor.u32 v2, v0;
	_ =	sdelay $0x2  }
0x4cd: {  	v2 =	vadd.s32 v43, v10  }
0x4ce: {  	[tilespmem:v3+s17+$0x0] =	vst.idx.msk $0xffff, v1;
	v1 =	vand.u32 $0xFFFFFF80, v2  }
0x4cf: {  	v3 =	vor.u32 s3, v37;
	v2 =	vand.u32 $0x7F, v2;
	v1 =	vadd.s32 v14, v1;
	v0 =	vld.idx.msk [tilespmem:v0+s13+$0x0], $0xffff  }
0x4d0: {  	v1 =	vor.u32 v2, v1;
	_ =	sdelay $0x2  }
0x4d1: {  	v2 =	vadd.s32 v47, v10  }
0x4d2: {  	[tilespmem:v3+s17+$0x0] =	vst.idx.msk $0xffff, v0;
	v0 =	vand.u32 $0xFFFFFF80, v2  }
0x4d3: {  	v3 =	vor.u32 s3, v46;
	v2 =	vand.u32 $0x7F, v2;
	v0 =	vadd.s32 v14, v0;
	v1 =	vld.idx.msk [tilespmem:v1+s13+$0x0], $0xffff  }
0x4d4: {  	v0 =	vor.u32 v2, v0;
	_ =	sdelay $0x3  }
0x4d5: {  	[tilespmem:v3+s17+$0x0] =	vst.idx.msk $0xffff, v1  }
0x4d6: {  	v3 =	vor.u32 s3, v31;
	v0 =	vld.idx.msk [tilespmem:v0+s13+$0x0], $0xffff;
	_ =	sdelay $0x1  }
0x4d7: {  	v2 =	vadd.s32 v48, v10  }
0x4d8: {  	v1 =	vand.u32 $0xFFFFFF80, v2  }
0x4d9: {  	v2 =	vand.u32 $0x7F, v2;
	v1 =	vadd.s32 v14, v1  }
0x4da: {  	v1 =	vor.u32 v2, v1;
	[tilespmem:v3+s17+$0x0] =	vst.idx.msk $0xffff, v0;
	v3 =	vld [tilespmem:$0x1FF20];
	_ =	sdelay $0x2  }
0x4db: {  	v2 =	vadd.s32 v50, v10  }
0x4dc: {  	v0 =	vand.u32 $0xFFFFFF80, v2  }
0x4dd: {  	v2 =	vand.u32 $0x7F, v2;
	v0 =	vadd.s32 v14, v0;
	v1 =	vld.idx.msk [tilespmem:v1+s13+$0x0], $0xffff;
	v3 =	vor.u32 s3, v3  }
0x4de: {  	v0 =	vor.u32 v2, v0;
	_ =	sdelay $0x2  }
0x4df: {  	v2 =	vadd.s32 v56, v10  }
0x4e0: {  	[tilespmem:v3+s17+$0x0] =	vst.idx.msk $0xffff, v1;
	v1 =	vand.u32 $0xFFFFFF80, v2  }
0x4e1: {  	v3 =	vor.u32 s3, v62;
	v2 =	vand.u32 $0x7F, v2;
	v1 =	vadd.s32 v14, v1;
	v0 =	vld.idx.msk [tilespmem:v0+s13+$0x0], $0xffff  }
0x4e2: {  	v1 =	vor.u32 v2, v1;
	_ =	sdelay $0x2  }
0x4e3: {  	v2 =	vadd.s32 v54, v10  }
0x4e4: {  	[tilespmem:v3+s17+$0x0] =	vst.idx.msk $0xffff, v0;
	v0 =	vand.u32 $0xFFFFFF80, v2  }
0x4e5: {  	v3 =	vor.u32 s3, v63;
	v2 =	vand.u32 $0x7F, v2;
	v0 =	vadd.s32 v14, v0;
	v1 =	vld.idx.msk [tilespmem:v1+s13+$0x0], $0xffff  }
0x4e6: {  	v0 =	vor.u32 v2, v0;
	_ =	sdelay $0x2  }
0x4e7: {  	v2 =	vadd.s32 v57, v10  }
0x4e8: {  	[tilespmem:v3+s17+$0x0] =	vst.idx.msk $0xffff, v1;
	v1 =	vand.u32 $0xFFFFFF80, v2  }
0x4e9: {  	v3 =	vor.u32 s3, v59;
	v2 =	vand.u32 $0x7F, v2;
	v1 =	vadd.s32 v14, v1;
	v0 =	vld.idx.msk [tilespmem:v0+s13+$0x0], $0xffff  }
0x4ea: {  	v1 =	vor.u32 v2, v1;
	_ =	sdelay $0x2  }
0x4eb: {  	v2 =	vadd.s32 v34, v10  }
0x4ec: {  	[tilespmem:v3+s17+$0x0] =	vst.idx.msk $0xffff, v0;
	v0 =	vand.u32 $0xFFFFFF80, v2  }
0x4ed: {  	v3 =	vor.u32 s3, v60;
	v2 =	vand.u32 $0x7F, v2;
	v0 =	vadd.s32 v14, v0;
	v1 =	vld.idx.msk [tilespmem:v1+s13+$0x0], $0xffff  }
0x4ee: {  	v0 =	vor.u32 v2, v0;
	_ =	sdelay $0x2  }
0x4ef: {  	v2 =	vadd.s32 v42, v10  }
0x4f0: {  	[tilespmem:v3+s17+$0x0] =	vst.idx.msk $0xffff, v1;
	v1 =	vand.u32 $0xFFFFFF80, v2  }
0x4f1: {  	v3 =	vor.u32 s3, v58;
	v2 =	vand.u32 $0x7F, v2;
	v1 =	vadd.s32 v14, v1;
	v0 =	vld.idx.msk [tilespmem:v0+s13+$0x0], $0xffff  }
0x4f2: {  	v1 =	vor.u32 v2, v1;
	_ =	sdelay $0x2  }
0x4f3: {  	v2 =	vadd.s32 v18, v10  }
0x4f4: {  	[tilespmem:v3+s17+$0x0] =	vst.idx.msk $0xffff, v0;
	v0 =	vand.u32 $0xFFFFFF80, v2  }
0x4f5: {  	v3 =	vor.u32 s3, v51;
	v2 =	vand.u32 $0x7F, v2;
	v0 =	vadd.s32 v14, v0;
	v1 =	vld.idx.msk [tilespmem:v1+s13+$0x0], $0xffff  }
0x4f6: {  	v0 =	vor.u32 v2, v0;
	_ =	sdelay $0x2  }
0x4f7: {  	v2 =	vadd.s32 v29, v10  }
0x4f8: {  	[tilespmem:v3+s17+$0x0] =	vst.idx.msk $0xffff, v1;
	v1 =	vand.u32 $0xFFFFFF80, v2  }
0x4f9: {  	v3 =	vor.u32 s3, v28;
	v2 =	vand.u32 $0x7F, v2;
	v1 =	vadd.s32 v14, v1;
	v0 =	vld.idx.msk [tilespmem:v0+s13+$0x0], $0xffff  }
0x4fa: {  	v1 =	vor.u32 v2, v1;
	_ =	sdelay $0x2  }
0x4fb: {  	v2 =	vadd.s32 v39, v10  }
0x4fc: {  	[tilespmem:v3+s17+$0x0] =	vst.idx.msk $0xffff, v0;
	v0 =	vand.u32 $0xFFFFFF80, v2  }
0x4fd: {  	v3 =	vor.u32 s3, v30;
	v2 =	vand.u32 $0x7F, v2;
	v0 =	vadd.s32 v14, v0;
	v1 =	vld.idx.msk [tilespmem:v1+s13+$0x0], $0xffff  }
0x4fe: {  	v0 =	vor.u32 v2, v0;
	v2 =	vld [tilespmem:$0x1F960];
	_ =	sdelay $0x3  }
0x4ff: {  	[tilespmem:v3+s17+$0x0] =	vst.idx.msk $0xffff, v1;
	v3 =	vld [tilespmem:$0x1F9E0]  }
0x500: {  	v2 =	vadd.s32 v2, v10  }
0x501: {  	v1 =	vand.u32 $0xFFFFFF80, v2  }
0x502: {  	v2 =	vand.u32 $0x7F, v2;
	v1 =	vadd.s32 v14, v1  }
0x503: {  	v1 =	vor.u32 v2, v1;
	v2 =	vld [tilespmem:$0x1F970]  }
0x504: {  	v0 =	vld.idx.msk [tilespmem:v0+s13+$0x0], $0xffff;
	v3 =	vor.u32 s3, v3;
	_ =	sdelay $0x3  }
0x505: {  	v2 =	vadd.s32 v2, v10  }
0x506: {  	[tilespmem:v3+s17+$0x0] =	vst.idx.msk $0xffff, v0;
	v0 =	vand.u32 $0xFFFFFF80, v2  }
0x507: {  	v2 =	vand.u32 $0x7F, v2;
	v0 =	vadd.s32 v14, v0  }
0x508: {  	v0 =	vor.u32 v2, v0;
	v2 =	vld [tilespmem:$0x1F980]  }
0x509: {  	v3 =	vor.u32 s3, v25;
	v1 =	vld.idx.msk [tilespmem:v1+s13+$0x0], $0xffff;
	_ =	sdelay $0x3  }
0x50a: {  	v2 =	vadd.s32 v2, v10  }
0x50b: {  	[tilespmem:v3+s17+$0x0] =	vst.idx.msk $0xffff, v1;
	v1 =	vand.u32 $0xFFFFFF80, v2  }
0x50c: {  	v2 =	vand.u32 $0x7F, v2;
	v1 =	vadd.s32 v14, v1  }
0x50d: {  	v1 =	vor.u32 v2, v1;
	v2 =	vld [tilespmem:$0x1F990]  }
0x50e: {  	v3 =	vor.u32 s3, v15;
	v0 =	vld.idx.msk [tilespmem:v0+s13+$0x0], $0xffff;
	_ =	sdelay $0x3  }
0x50f: {  	v2 =	vadd.s32 v2, v10  }
0x510: {  	[tilespmem:v3+s17+$0x0] =	vst.idx.msk $0xffff, v0;
	v0 =	vand.u32 $0xFFFFFF80, v2  }
0x511: {  	v2 =	vand.u32 $0x7F, v2;
	v0 =	vadd.s32 v14, v0  }
0x512: {  	v0 =	vor.u32 v2, v0;
	v2 =	vld [tilespmem:$0x1F9A0]  }
0x513: {  	v3 =	vor.u32 s3, v21;
	v1 =	vld.idx.msk [tilespmem:v1+s13+$0x0], $0xffff;
	_ =	sdelay $0x3  }
0x514: {  	v2 =	vadd.s32 v2, v10  }
0x515: {  	[tilespmem:v3+s17+$0x0] =	vst.idx.msk $0xffff, v1;
	v1 =	vand.u32 $0xFFFFFF80, v2  }
0x516: {  	v2 =	vand.u32 $0x7F, v2;
	v1 =	vadd.s32 v14, v1  }
0x517: {  	v1 =	vor.u32 v2, v1;
	v2 =	vld [tilespmem:$0x1F9B0]  }
0x518: {  	v3 =	vor.u32 s3, v20;
	v0 =	vld.idx.msk [tilespmem:v0+s13+$0x0], $0xffff;
	_ =	sdelay $0x3  }
0x519: {  	v2 =	vadd.s32 v2, v10  }
0x51a: {  	[tilespmem:v3+s17+$0x0] =	vst.idx.msk $0xffff, v0;
	v0 =	vand.u32 $0xFFFFFF80, v2  }
0x51b: {  	v2 =	vand.u32 $0x7F, v2;
	v0 =	vadd.s32 v14, v0  }
0x51c: {  	v0 =	vor.u32 v2, v0;
	v2 =	vld [tilespmem:$0x1F9C0]  }
0x51d: {  	v3 =	vor.u32 s3, v19;
	v1 =	vld.idx.msk [tilespmem:v1+s13+$0x0], $0xffff;
	_ =	sdelay $0x3  }
0x51e: {  	v2 =	vadd.s32 v2, v10  }
0x51f: {  	[tilespmem:v3+s17+$0x0] =	vst.idx.msk $0xffff, v1;
	v1 =	vand.u32 $0xFFFFFF80, v2  }
0x520: {  	v3 =	vor.u32 s3, v22;
	v0 =	vld.idx.msk [tilespmem:v0+s13+$0x0], $0xffff;
	v2 =	vand.u32 $0x7F, v2;
	v1 =	vadd.s32 v14, v1  }
0x521: {  	v1 =	vor.u32 v2, v1;
	_ =	sdelay $0x2  }
0x522: {  	v2 =	vadd.s32 v55, v10  }
0x523: {  	[tilespmem:v3+s17+$0x0] =	vst.idx.msk $0xffff, v0;
	v0 =	vand.u32 $0xFFFFFF80, v2  }
0x524: {  	v3 =	vor.u32 s3, v23;
	v2 =	vand.u32 $0x7F, v2;
	v0 =	vadd.s32 v14, v0;
	v1 =	vld.idx.msk [tilespmem:v1+s13+$0x0], $0xffff  }
0x525: {  	v0 =	vor.u32 v2, v0;
	_ =	sdelay $0x2  }
0x526: {  	v2 =	vadd.s32 v44, v10  }
0x527: {  	[tilespmem:v3+s17+$0x0] =	vst.idx.msk $0xffff, v1;
	v1 =	vand.u32 $0xFFFFFF80, v2  }
0x528: {  	v3 =	vor.u32 s3, v24;
	v2 =	vand.u32 $0x7F, v2;
	v1 =	vadd.s32 v14, v1;
	v0 =	vld.idx.msk [tilespmem:v0+s13+$0x0], $0xffff  }
0x529: {  	v1 =	vor.u32 v2, v1;
	_ =	sdelay $0x2  }
0x52a: {  	v2 =	vadd.s32 v26, v10  }
0x52b: {  	[tilespmem:v3+s17+$0x0] =	vst.idx.msk $0xffff, v0;
	v0 =	vand.u32 $0xFFFFFF80, v2  }
0x52c: {  	v3 =	vor.u32 s3, v11;
	v2 =	vand.u32 $0x7F, v2;
	v0 =	vadd.s32 v14, v0;
	v1 =	vld.idx.msk [tilespmem:v1+s13+$0x0], $0xffff  }
0x52d: {  	v0 =	vor.u32 v2, v0;
	_ =	sdelay $0x2  }
0x52e: {  	v2 =	vadd.s32 v27, v10  }
0x52f: {  	[tilespmem:v3+s17+$0x0] =	vst.idx.msk $0xffff, v1;
	v1 =	vand.u32 $0xFFFFFF80, v2  }
0x530: {  	v3 =	vor.u32 s3, v12;
	v2 =	vand.u32 $0x7F, v2;
	v1 =	vadd.s32 v14, v1;
	v0 =	vld.idx.msk [tilespmem:v0+s13+$0x0], $0xffff  }
0x531: {  	v1 =	vor.u32 v2, v1;
	_ =	sdelay $0x3  }
0x532: {  	[tilespmem:v3+s17+$0x0] =	vst.idx.msk $0xffff, v0  }
0x533: {  	s1 =	simm.s32 $0x1;
	v0 =	vld.idx.msk [tilespmem:v1+s13+$0x0], $0xffff;
	v1 =	vor.u32 s3, v13  }
.LBB2_7:
0x534: {  	_ =	sdelay $0x3  }
0x535: {  	s31 =	sadd.s32 $0x10, s31;
	v8 =	vld [tilespmem:$0x1FF90];
	[tilespmem:v1+s17+$0x0] =	vst.idx.msk $0xffff, v0  }
0x536: {  	v4 =	vld [tilespmem:s31+$0x0];
	_ =	sdelay $0x4  }
0x537: {  	v57 =	vadd.s32 v8, v4;
	v8 =	vld [tilespmem:$0x1F950];
	_ =	sdelay $0x4  }
0x538: {  	v46 =	vadd.s32 v36, v4;
	v36 =	vadd.s32 v41, v4;
	v41 =	vadd.s32 v8, v4;
	v8 =	vld [tilespmem:$0x1F870]  }
0x539: {  	s3 =	smov.u32 s1  }
0x53a: {  	s30 =	sadd.s32 $0x10, s30;
	v5 =	vld [tilespmem:$0x1FD30];
	s3 =	sshrl.u32 s3, $0x3  }
0x53b: {  	s4 =	sand.u32 $0x70, s30;
	s8 =	sshll.u32 s3, $0x7;
	s3 =	sshll.u32 s3, $0xC  }
0x53c: {  	s8 =	sor.u32 s4, s8;
	s3 =	sor.u32 s4, s3  }
0x53d: {  	v0 =	vmov s8;
	v15 =	vor.u32 s3, v38;
	v38 =	vadd.s32 v8, v4;
	v8 =	vld [tilespmem:$0x1FDF0]  }
0x53e: {  	v0 =	vshll.u32 v0, $0x7;
	v1 =	vadd.s32 v49, v4  }
0x53f: {  	v6 =	vor.u32 v5, v0;
	v5 =	vadd.s32 v16, v4;
	v3 =	vand.u32 $0xFFFFFF80, v1  }
0x540: {  	v10 =	vadd.s32 v35, v4;
	v1 =	vand.u32 $0x7F, v1;
	v3 =	vadd.s32 v6, v3  }
0x541: {  	v2 =	vld [tilespmem:$0x1FE00];
	v53 =	vadd.s32 v32, v4;
	v1 =	vor.u32 v1, v3;
	v3 =	vand.u32 $0xFFFFFF80, v5  }
0x542: {  	v11 =	vadd.s32 v6, v3;
	v3 =	vand.u32 $0xFFFFFF80, v10;
	v39 =	vadd.s32 v8, v4;
	v8 =	vld [tilespmem:$0x1F960]  }
0x543: {  	v12 =	vadd.s32 v6, v3;
	v3 =	vand.u32 $0xFFFFFF80, v53  }
0x544: {  	v49 =	vadd.s32 v6, v3;
	v3 =	vld [tilespmem:$0x1FD40];
	_ =	sdelay $0x2  }
0x545: {  	v2 =	vadd.s32 v2, v4;
	v59 =	vadd.s32 v56, v4;
	v56 =	vadd.s32 v8, v4;
	v8 =	vld [tilespmem:$0x1F970]  }
0x546: {  	v0 =	vand.u32 $0xFFFFFF80, v2  }
0x547: {  	v2 =	vand.u32 $0x7F, v2;
	v0 =	vadd.s32 v6, v0;
	v14 =	vld.idx.msk [tilespmem:v1+s13+$0x0], $0xffff;
	v3 =	vor.u32 s3, v3  }
0x548: {  	v0 =	vor.u32 v2, v0;
	_ =	sdelay $0x1  }
0x549: {  	v22 =	vadd.s32 v8, v4;
	v8 =	vld [tilespmem:$0x1F980];
	_ =	sdelay $0x1  }
0x54a: {  	[tilespmem:v3+s17+$0x0] =	vst.idx.msk $0xffff, v14  }
0x54b: {  	v32 =	vadd.s32 v43, v4;
	v5 =	vand.u32 $0x7F, v5;
	v14 =	vld.idx.msk [tilespmem:v0+s13+$0x0], $0xffff  }
0x54c: {  	v62 =	vadd.s32 v50, v4;
	v13 =	vand.u32 $0xFFFFFF80, v46;
	v5 =	vor.u32 v5, v11  }
0x54d: {  	v52 =	vadd.s32 v6, v13;
	v13 =	vand.u32 $0xFFFFFF80, v32;
	v21 =	vadd.s32 v8, v4;
	v8 =	vld [tilespmem:$0x1F990]  }
0x54e: {  	v33 =	vadd.s32 v6, v13;
	v13 =	vand.u32 $0xFFFFFF80, v62  }
0x54f: {  	v0 =	vadd.s32 v6, v13;
	v13 =	vand.u32 $0xFFFFFF80, v59  }
0x550: {  	v63 =	vadd.s32 v6, v13;
	v13 =	vand.u32 $0xFFFFFF80, v57;
	[tilespmem:v15+s17+$0x0] =	vst.idx.msk $0xffff, v14  }
0x551: {  	v58 =	vadd.s32 v6, v13;
	v13 =	vand.u32 $0xFFFFFF80, v41;
	v5 =	vld.idx.msk [tilespmem:v5+s13+$0x0], $0xffff  }
0x552: {  	v43 =	vadd.s32 v6, v13;
	v13 =	vor.u32 s3, v40;
	v18 =	vadd.s32 v8, v4;
	v8 =	vld [tilespmem:$0x1F9A0];
	_ =	sdelay $0x1  }
0x553: {  	v7 =	vadd.s32 v17, v4  }
0x554: {  	v35 =	vadd.s32 v61, v4;
	v9 =	vand.u32 $0xFFFFFF80, v7  }
0x555: {  	v60 =	vadd.s32 v54, v4;
	v7 =	vand.u32 $0x7F, v7;
	v9 =	vadd.s32 v6, v9  }
0x556: {  	v2 =	vadd.s32 v47, v4;
	[tilespmem:v13+s17+$0x0] =	vst.idx.msk $0xffff, v5;
	v5 =	vand.u32 $0xFFFFFF80, v21;
	v15 =	vadd.s32 v8, v4  }
0x557: {  	v1 =	vand.u32 $0xFFFFFF80, v35;
	v23 =	vadd.s32 v6, v5;
	v5 =	vand.u32 $0xFFFFFF80, v15  }
0x558: {  	v45 =	vadd.s32 v6, v1;
	v1 =	vand.u32 $0xFFFFFF80, v36;
	v19 =	vadd.s32 v6, v5;
	v5 =	vld [tilespmem:$0x1F9B0]  }
0x559: {  	v11 =	vand.u32 $0xFFFFFF80, v60;
	v37 =	vadd.s32 v6, v1;
	v1 =	vand.u32 $0xFFFFFF80, v2  }
0x55a: {  	v31 =	vadd.s32 v6, v1;
	v1 =	vadd.s32 v48, v4;
	v48 =	vadd.s32 v34, v4  }
0x55b: {  	v47 =	vadd.s32 v42, v4;
	v61 =	vadd.s32 v6, v11;
	v11 =	vand.u32 $0xFFFFFF80, v48  }
0x55c: {  	v7 =	vor.u32 v7, v9;
	v54 =	vadd.s32 v6, v11;
	v11 =	vand.u32 $0xFFFFFF80, v47;
	v8 =	vld [tilespmem:$0x1FE50]  }
0x55d: {  	v50 =	vadd.s32 v6, v11;
	v9 =	vand.u32 $0xFFFFFF80, v39;
	v16 =	vadd.s32 v5, v4;
	v5 =	vld [tilespmem:$0x1F9C0]  }
0x55e: {  	v11 =	vand.u32 $0xFFFFFF80, v38;
	v40 =	vadd.s32 v6, v9;
	v9 =	vand.u32 $0xFFFFFF80, v22  }
0x55f: {  	v42 =	vadd.s32 v6, v11;
	v24 =	vadd.s32 v6, v9;
	v9 =	vand.u32 $0xFFFFFF80, v18  }
0x560: {  	v11 =	vand.u32 $0xFFFFFF80, v56;
	v20 =	vadd.s32 v6, v9;
	v9 =	vand.u32 $0x7F, v10  }
0x561: {  	v29 =	vmovc v51;
	v34 =	vadd.s32 v6, v11;
	v10 =	vadd.s32 v55, v4;
	v51 =	vor.u32 v9, v12  }
0x562: {  	v11 =	vor.u32 s3, v8;
	v13 =	vadd.s32 v5, v4;
	v5 =	vand.u32 $0xFFFFFF80, v16  }
0x563: {  	v7 =	vld.idx.msk [tilespmem:v7+s13+$0x0], $0xffff;
	v8 =	vmovc v30;
	v9 =	vand.u32 $0xFFFFFF80, v13;
	v17 =	vadd.s32 v6, v5;
	v5 =	vand.u32 $0xFFFFFF80, v10  }
0x564: {  	v30 =	vmovc v28;
	v14 =	vadd.s32 v6, v9;
	v12 =	vadd.s32 v6, v5;
	v9 =	vadd.s32 v44, v4  }
0x565: {  	v28 =	vmovc v27;
	v5 =	vadd.s32 v26, v4;
	v4 =	vadd.s32 v27, v4;
	v27 =	vmovc v26;
	v26 =	vmov v44;
	v44 =	vld [tilespmem:$0x1FFA0];
	_ =	sdelay $0x3  }
0x566: {  	[tilespmem:v11+s17+$0x0] =	vst.idx.msk $0xffff, v7  }
0x567: {  	v53 =	vand.u32 $0x7F, v53;
	v51 =	vld.idx.msk [tilespmem:v51+s13+$0x0], $0xffff;
	v44 =	vor.u32 s3, v44  }
0x568: {  	v49 =	vor.u32 v53, v49;
	v53 =	vld [tilespmem:$0x1FFC0];
	_ =	sdelay $0x3  }
0x569: {  	[tilespmem:v44+s17+$0x0] =	vst.idx.msk $0xffff, v51  }
0x56a: {  	v46 =	vand.u32 $0x7F, v46;
	v44 =	vld.idx.msk [tilespmem:v49+s13+$0x0], $0xffff;
	v49 =	vor.u32 s3, v53  }
0x56b: {  	v46 =	vor.u32 v46, v52;
	v52 =	vld [tilespmem:$0x1FE90];
	_ =	sdelay $0x3  }
0x56c: {  	[tilespmem:v49+s17+$0x0] =	vst.idx.msk $0xffff, v44  }
0x56d: {  	v35 =	vand.u32 $0x7F, v35;
	v53 =	vor.u32 s3, v52;
	v44 =	vld.idx.msk [tilespmem:v46+s13+$0x0], $0xffff  }
0x56e: {  	v35 =	vor.u32 v35, v45;
	v45 =	vld [tilespmem:$0x1FEB0];
	_ =	sdelay $0x3  }
0x56f: {  	[tilespmem:v53+s17+$0x0] =	vst.idx.msk $0xffff, v44  }
0x570: {  	v36 =	vand.u32 $0x7F, v36;
	v53 =	vor.u32 s3, v45;
	v35 =	vld.idx.msk [tilespmem:v35+s13+$0x0], $0xffff  }
0x571: {  	v36 =	vor.u32 v36, v37;
	v37 =	vld [tilespmem:$0x1FED0];
	_ =	sdelay $0x3  }
0x572: {  	[tilespmem:v53+s17+$0x0] =	vst.idx.msk $0xffff, v35  }
0x573: {  	v32 =	vand.u32 $0x7F, v32;
	v53 =	vor.u32 s3, v37;
	v35 =	vld.idx.msk [tilespmem:v36+s13+$0x0], $0xffff  }
0x574: {  	v32 =	vor.u32 v32, v33;
	v46 =	vld [tilespmem:$0x1FEF0];
	_ =	sdelay $0x3  }
0x575: {  	[tilespmem:v53+s17+$0x0] =	vst.idx.msk $0xffff, v35  }
0x576: {  	v2 =	vand.u32 $0x7F, v2;
	v53 =	vor.u32 s3, v46;
	v32 =	vld.idx.msk [tilespmem:v32+s13+$0x0], $0xffff  }
0x577: {  	v2 =	vor.u32 v2, v31;
	v31 =	vld [tilespmem:$0x1FFE0];
	_ =	sdelay $0x3  }
0x578: {  	[tilespmem:v53+s17+$0x0] =	vst.idx.msk $0xffff, v32  }
0x579: {  	v31 =	vor.u32 s3, v31;
	v2 =	vld.idx.msk [tilespmem:v2+s13+$0x0], $0xffff;
	_ =	sdelay $0x2  }
0x57a: {  	v3 =	vand.u32 $0xFFFFFF80, v1  }
0x57b: {  	v1 =	vand.u32 $0x7F, v1;
	v3 =	vadd.s32 v6, v3  }
0x57c: {  	v1 =	vor.u32 v1, v3;
	[tilespmem:v31+s17+$0x0] =	vst.idx.msk $0xffff, v2;
	v2 =	vld [tilespmem:$0x1FF20];
	_ =	sdelay $0x4  }
0x57d: {  	v3 =	vand.u32 $0x7F, v62;
	v1 =	vld.idx.msk [tilespmem:v1+s13+$0x0], $0xffff;
	v2 =	vor.u32 s3, v2  }
0x57e: {  	v33 =	vld [tilespmem:$0x1FF40];
	v0 =	vor.u32 v3, v0;
	_ =	sdelay $0x3  }
0x57f: {  	[tilespmem:v2+s17+$0x0] =	vst.idx.msk $0xffff, v1  }
0x580: {  	v1 =	vor.u32 s3, v33;
	v2 =	vand.u32 $0x7F, v59;
	v0 =	vld.idx.msk [tilespmem:v0+s13+$0x0], $0xffff  }
0x581: {  	v53 =	vld [tilespmem:$0x1FF60];
	v2 =	vor.u32 v2, v63;
	_ =	sdelay $0x3  }
0x582: {  	[tilespmem:v1+s17+$0x0] =	vst.idx.msk $0xffff, v0  }
0x583: {  	v1 =	vor.u32 s3, v53;
	v0 =	vld.idx.msk [tilespmem:v2+s13+$0x0], $0xffff;
	v2 =	vand.u32 $0x7F, v60  }
0x584: {  	v59 =	vld [tilespmem:$0x1FF80];
	v2 =	vor.u32 v2, v61;
	_ =	sdelay $0x3  }
0x585: {  	[tilespmem:v1+s17+$0x0] =	vst.idx.msk $0xffff, v0  }
0x586: {  	v1 =	vor.u32 s3, v59;
	v0 =	vld.idx.msk [tilespmem:v2+s13+$0x0], $0xffff;
	v2 =	vand.u32 $0x7F, v57  }
0x587: {  	v60 =	vld [tilespmem:$0x1F9D0];
	v2 =	vor.u32 v2, v58;
	_ =	sdelay $0x3  }
0x588: {  	[tilespmem:v1+s17+$0x0] =	vst.idx.msk $0xffff, v0  }
0x589: {  	v1 =	vor.u32 s3, v60;
	v0 =	vld.idx.msk [tilespmem:v2+s13+$0x0], $0xffff;
	v2 =	vand.u32 $0x7F, v48  }
0x58a: {  	v58 =	vld [tilespmem:$0x1F940];
	v2 =	vor.u32 v2, v54;
	_ =	sdelay $0x3  }
0x58b: {  	[tilespmem:v1+s17+$0x0] =	vst.idx.msk $0xffff, v0  }
0x58c: {  	v1 =	vor.u32 s3, v58;
	v0 =	vld.idx.msk [tilespmem:v2+s13+$0x0], $0xffff;
	v2 =	vand.u32 $0x7F, v47  }
0x58d: {  	v2 =	vor.u32 v2, v50;
	_ =	sdelay $0x3  }
0x58e: {  	[tilespmem:v1+s17+$0x0] =	vst.idx.msk $0xffff, v0  }
0x58f: {  	v1 =	vor.u32 s3, v29;
	v0 =	vld.idx.msk [tilespmem:v2+s13+$0x0], $0xffff;
	v2 =	vand.u32 $0x7F, v41  }
0x590: {  	v2 =	vor.u32 v2, v43;
	_ =	sdelay $0x3  }
0x591: {  	v44 =	vmovc v26;
	v26 =	vmov v27;
	v27 =	vmov v28;
	v28 =	vmov v30;
	[tilespmem:v1+s17+$0x0] =	vst.idx.msk $0xffff, v0  }
0x592: {  	v1 =	vor.u32 s3, v28;
	v0 =	vld.idx.msk [tilespmem:v2+s13+$0x0], $0xffff;
	v2 =	vand.u32 $0x7F, v38  }
0x593: {  	v2 =	vor.u32 v2, v42;
	_ =	sdelay $0x3  }
0x594: {  	v30 =	vmov v8;
	[tilespmem:v1+s17+$0x0] =	vst.idx.msk $0xffff, v0  }
0x595: {  	v1 =	vor.u32 s3, v30;
	v0 =	vld.idx.msk [tilespmem:v2+s13+$0x0], $0xffff;
	v2 =	vand.u32 $0x7F, v39  }
0x596: {  	v8 =	vld [tilespmem:$0x1F9E0];
	v2 =	vor.u32 v2, v40;
	_ =	sdelay $0x3  }
0x597: {  	[tilespmem:v1+s17+$0x0] =	vst.idx.msk $0xffff, v0  }
0x598: {  	v1 =	vor.u32 s3, v8;
	v0 =	vld.idx.msk [tilespmem:v2+s13+$0x0], $0xffff;
	_ =	sdelay $0x3  }
0x599: {  	v2 =	vand.u32 $0x7F, v56  }
0x59a: {  	v2 =	vor.u32 v2, v34;
	[tilespmem:v1+s17+$0x0] =	vst.idx.msk $0xffff, v0;
	v1 =	vld [tilespmem:$0x1FFD0];
	_ =	sdelay $0x4  }
0x59b: {  	v0 =	vld.idx.msk [tilespmem:v2+s13+$0x0], $0xffff;
	v1 =	vor.u32 s3, v1;
	_ =	sdelay $0x3  }
0x59c: {  	v2 =	vand.u32 $0x7F, v22  }
0x59d: {  	v2 =	vor.u32 v2, v24;
	[tilespmem:v1+s17+$0x0] =	vst.idx.msk $0xffff, v0;
	v1 =	vld [tilespmem:$0x1FFB0];
	_ =	sdelay $0x4  }
0x59e: {  	v0 =	vld.idx.msk [tilespmem:v2+s13+$0x0], $0xffff;
	v2 =	vand.u32 $0x7F, v21;
	v1 =	vor.u32 s3, v1  }
0x59f: {  	v21 =	vld [tilespmem:$0x1FD50];
	v2 =	vor.u32 v2, v23;
	_ =	sdelay $0x3  }
0x5a0: {  	[tilespmem:v1+s17+$0x0] =	vst.idx.msk $0xffff, v0  }
0x5a1: {  	v1 =	vor.u32 s3, v21;
	v0 =	vld.idx.msk [tilespmem:v2+s13+$0x0], $0xffff;
	v2 =	vand.u32 $0x7F, v18  }
0x5a2: {  	v18 =	vld [tilespmem:$0x1FD60];
	v2 =	vor.u32 v2, v20;
	_ =	sdelay $0x3  }
0x5a3: {  	[tilespmem:v1+s17+$0x0] =	vst.idx.msk $0xffff, v0  }
0x5a4: {  	v1 =	vor.u32 s3, v18;
	v0 =	vld.idx.msk [tilespmem:v2+s13+$0x0], $0xffff;
	v2 =	vand.u32 $0x7F, v15  }
0x5a5: {  	v15 =	vld [tilespmem:$0x1FD70];
	v2 =	vor.u32 v2, v19;
	_ =	sdelay $0x3  }
0x5a6: {  	[tilespmem:v1+s17+$0x0] =	vst.idx.msk $0xffff, v0  }
0x5a7: {  	v1 =	vor.u32 s3, v15;
	v0 =	vld.idx.msk [tilespmem:v2+s13+$0x0], $0xffff;
	v2 =	vand.u32 $0x7F, v16  }
0x5a8: {  	v22 =	vld [tilespmem:$0x1FD80];
	v2 =	vor.u32 v2, v17;
	_ =	sdelay $0x3  }
0x5a9: {  	[tilespmem:v1+s17+$0x0] =	vst.idx.msk $0xffff, v0  }
0x5aa: {  	v1 =	vor.u32 s3, v22;
	v0 =	vld.idx.msk [tilespmem:v2+s13+$0x0], $0xffff;
	v2 =	vand.u32 $0x7F, v13  }
0x5ab: {  	v23 =	vld [tilespmem:$0x1FD90];
	v2 =	vor.u32 v2, v14;
	_ =	sdelay $0x1  }
0x5ac: {  	v36 =	vld [tilespmem:$0x1FE80]  }
0x5ad: {  	v35 =	vld [tilespmem:$0x1FE60]  }
0x5ae: {  	v32 =	vld [tilespmem:$0x1FE70];
	[tilespmem:v1+s17+$0x0] =	vst.idx.msk $0xffff, v0  }
0x5af: {  	v1 =	vor.u32 s3, v23;
	v0 =	vld.idx.msk [tilespmem:v2+s13+$0x0], $0xffff;
	v2 =	vand.u32 $0x7F, v10  }
0x5b0: {  	v24 =	vld [tilespmem:$0x1FDA0];
	v2 =	vor.u32 v2, v12  }
0x5b1: {  	v31 =	vld [tilespmem:$0x1FDF0]  }
0x5b2: {  	v61 =	vld [tilespmem:$0x1FEA0]  }
0x5b3: {  	v57 =	vld [tilespmem:$0x1FF90]  }
0x5b4: {  	v7 =	vand.u32 $0xFFFFFF80, v9;
	v48 =	vld [tilespmem:$0x1FF10];
	[tilespmem:v1+s17+$0x0] =	vst.idx.msk $0xffff, v0  }
0x5b5: {  	v11 =	vadd.s32 v6, v7;
	v1 =	vor.u32 s3, v24;
	v0 =	vld.idx.msk [tilespmem:v2+s13+$0x0], $0xffff;
	v2 =	vand.u32 $0x7F, v9  }
0x5b6: {  	v9 =	vld [tilespmem:$0x1FDB0];
	v2 =	vor.u32 v2, v11  }
0x5b7: {  	v54 =	vld [tilespmem:$0x1FF70]  }
0x5b8: {  	v47 =	vld [tilespmem:$0x1FF00]  }
0x5b9: {  	v50 =	vld [tilespmem:$0x1FF30]  }
0x5ba: {  	v25 =	vmov v55;
	v55 =	vand.u32 $0xFFFFFF80, v5;
	v41 =	vld [tilespmem:$0x1FEC0];
	[tilespmem:v1+s17+$0x0] =	vst.idx.msk $0xffff, v0  }
0x5bb: {  	v7 =	vadd.s32 v6, v55;
	v1 =	vor.u32 s3, v9;
	v0 =	vld.idx.msk [tilespmem:v2+s13+$0x0], $0xffff;
	v2 =	vand.u32 $0x7F, v5  }
0x5bc: {  	v10 =	vld [tilespmem:$0x1FDC0];
	v2 =	vor.u32 v2, v7  }
0x5bd: {  	v43 =	vld [tilespmem:$0x1FEE0]  }
0x5be: {  	v38 =	vld [tilespmem:$0x1FE10]  }
0x5bf: {  	v42 =	vld [tilespmem:$0x1F930]  }
0x5c0: {  	v55 =	vand.u32 $0xFFFFFF80, v4;
	v40 =	vld [tilespmem:$0x1FE30];
	[tilespmem:v1+s17+$0x0] =	vst.idx.msk $0xffff, v0  }
0x5c1: {  	v6 =	vadd.s32 v6, v55;
	v1 =	vor.u32 s3, v10;
	v0 =	vld.idx.msk [tilespmem:v2+s13+$0x0], $0xffff;
	v2 =	vand.u32 $0x7F, v4  }
0x5c2: {  	p0 =	sne.s32 s1, $0xF;
	v13 =	vld [tilespmem:$0x1FDD0];
	v2 =	vor.u32 v2, v6  }
.Ltmp2:
0x5c3: {  	v56 =	vld [tilespmem:$0x1FF50];
	(pc) =	sbr.rel @p0 .LBB2_7-.Ltmp2, $4  }
0x5c4: {  	v34 =	vld [tilespmem:$0x1FDE0]  }
0x5c5: {  	v16 =	vld [tilespmem:$0x1FE20]  }
0x5c6: {  	v17 =	vld [tilespmem:$0x1FE40];
	[tilespmem:v1+s17+$0x0] =	vst.idx.msk $0xffff, v0  }
0x5c7: {  	s1 =	sadd.s32 $0x1, s1;
	v55 =	vmovc v25;
	v51 =	vmov v29;
	v49 =	vlaneseq.u32;
	v1 =	vor.u32 s3, v13;
	v0 =	vld.idx.msk [tilespmem:v2+s13+$0x0], $0xffff  }
0x5c8: {  	_ =	sdelay $0x2  }
0x5c9: {  	s1 =	sshll.u32 s29, $0x11;
	s3 =	sadd.s32 s28, s5  }
0x5ca: {  	s1 =	sadd.s32 s1, s3;
	[tilespmem:v1+s17+$0x0] =	vst.idx.msk $0xffff, v0  }
0x5cb: {  	[hbm4b:s1+s18] =	stream.strided.scatter [tilespmem:s17], [sflag:$0x3], $0x2000, s9, s18, $0x38;
	[tilespmem:$0x1B400] =	vst v63  }
0x5cc: {  	_ =	swait.ge [sflag:s19], $0x8000  }
0x5cd: {  	[sflag:s19] =	ssyncset.done $0x0  }
0x5ce: {  	[sflag:s19] =	ssyncadd.s32 $0xFFFF8000  }
0x5cf: {  	_ =	swait.ge [sflag:s22], $0x2000  }
0x5d0: {  	[sflag:s22] =	ssyncset.done $0x0  }
0x5d1: {  	s28 =	simm.s32 $0x7300;
	[sflag:s22] =	ssyncadd.s32 $0xFFFFE000  }
0x5d2: {  	v4 =	vld [tilespmem:s28+$0x0]  }
0x5d3: {  	s29 =	simm.s32 $0x0;
	v3 =	vld [tilespmem:$0x1FD30]  }
0x5d4: {  	s8 =	simm.s32 $0x0;
	s30 =	sand.u32 $0x70, s29  }
0x5d5: {  	s1 =	sor.u32 s30, s8  }
0x5d6: {  	v0 =	vmov s1  }
0x5d7: {  	v0 =	vshll.u32 v0, $0x7;
	v1 =	vadd.s32 v49, v4  }
0x5d8: {  	v5 =	vor.u32 v3, v0;
	v2 =	vand.u32 $0xFFFFFF80, v1  }
0x5d9: {  	v0 =	vand.u32 $0x7F, v1;
	v1 =	vadd.s32 v5, v2  }
0x5da: {  	v0 =	vor.u32 v0, v1;
	v1 =	vld [tilespmem:$0x1FE00];
	_ =	sdelay $0x1  }
0x5db: {  	v3 =	vld [tilespmem:$0x1FD40];
	_ =	sdelay $0x2  }
0x5dc: {  	s31 =	simm.s32 $0x0;
	v1 =	vadd.s32 v1, v4  }
0x5dd: {  	s3 =	sor.u32 s30, s31;
	v2 =	vand.u32 $0xFFFFFF80, v1  }
0x5de: {  	v3 =	vor.u32 s3, v3;
	v0 =	vld.idx.msk [tilespmem:v0+s15+$0x0], $0xffff;
	v1 =	vand.u32 $0x7F, v1;
	v2 =	vadd.s32 v5, v2  }
0x5df: {  	v1 =	vor.u32 v1, v2;
	_ =	sdelay $0x2  }
0x5e0: {  	v2 =	vadd.s32 v16, v4  }
0x5e1: {  	[tilespmem:v3+s20+$0x0] =	vst.idx.msk $0xffff, v0;
	v0 =	vand.u32 $0xFFFFFF80, v2  }
0x5e2: {  	v3 =	vor.u32 s3, v38;
	v2 =	vand.u32 $0x7F, v2;
	v0 =	vadd.s32 v5, v0;
	v1 =	vld.idx.msk [tilespmem:v1+s15+$0x0], $0xffff  }
0x5e3: {  	v0 =	vor.u32 v2, v0;
	_ =	sdelay $0x3  }
0x5e4: {  	[tilespmem:v3+s20+$0x0] =	vst.idx.msk $0xffff, v1  }
0x5e5: {  	v3 =	vor.u32 s3, v40;
	v0 =	vld.idx.msk [tilespmem:v0+s15+$0x0], $0xffff;
	_ =	sdelay $0x1  }
0x5e6: {  	v2 =	vadd.s32 v17, v4  }
0x5e7: {  	v1 =	vand.u32 $0xFFFFFF80, v2  }
0x5e8: {  	v2 =	vand.u32 $0x7F, v2;
	v1 =	vadd.s32 v5, v1  }
0x5e9: {  	v1 =	vor.u32 v2, v1;
	[tilespmem:v3+s20+$0x0] =	vst.idx.msk $0xffff, v0;
	v3 =	vld [tilespmem:$0x1FE50];
	_ =	sdelay $0x4  }
0x5ea: {  	v1 =	vld.idx.msk [tilespmem:v1+s15+$0x0], $0xffff;
	v3 =	vor.u32 s3, v3;
	_ =	sdelay $0x1  }
0x5eb: {  	v2 =	vadd.s32 v35, v4  }
0x5ec: {  	v0 =	vand.u32 $0xFFFFFF80, v2  }
0x5ed: {  	v2 =	vand.u32 $0x7F, v2;
	v0 =	vadd.s32 v5, v0  }
0x5ee: {  	v0 =	vor.u32 v2, v0;
	[tilespmem:v3+s20+$0x0] =	vst.idx.msk $0xffff, v1;
	v3 =	vld [tilespmem:$0x1FFA0];
	_ =	sdelay $0x4  }
0x5ef: {  	v0 =	vld.idx.msk [tilespmem:v0+s15+$0x0], $0xffff;
	v3 =	vor.u32 s3, v3;
	_ =	sdelay $0x1  }
0x5f0: {  	v2 =	vadd.s32 v32, v4  }
0x5f1: {  	v1 =	vand.u32 $0xFFFFFF80, v2  }
0x5f2: {  	v2 =	vand.u32 $0x7F, v2;
	v1 =	vadd.s32 v5, v1  }
0x5f3: {  	v1 =	vor.u32 v2, v1;
	[tilespmem:v3+s20+$0x0] =	vst.idx.msk $0xffff, v0;
	v3 =	vld [tilespmem:$0x1FFC0];
	_ =	sdelay $0x2  }
0x5f4: {  	v2 =	vadd.s32 v36, v4  }
0x5f5: {  	v0 =	vand.u32 $0xFFFFFF80, v2  }
0x5f6: {  	v2 =	vand.u32 $0x7F, v2;
	v0 =	vadd.s32 v5, v0;
	v1 =	vld.idx.msk [tilespmem:v1+s15+$0x0], $0xffff;
	v3 =	vor.u32 s3, v3  }
0x5f7: {  	v0 =	vor.u32 v2, v0;
	_ =	sdelay $0x2  }
0x5f8: {  	v2 =	vadd.s32 v61, v4  }
0x5f9: {  	[tilespmem:v3+s20+$0x0] =	vst.idx.msk $0xffff, v1;
	v1 =	vand.u32 $0xFFFFFF80, v2  }
0x5fa: {  	v3 =	vor.u32 s3, v52;
	v2 =	vand.u32 $0x7F, v2;
	v1 =	vadd.s32 v5, v1;
	v0 =	vld.idx.msk [tilespmem:v0+s15+$0x0], $0xffff  }
0x5fb: {  	v1 =	vor.u32 v2, v1;
	_ =	sdelay $0x2  }
0x5fc: {  	v2 =	vadd.s32 v41, v4  }
0x5fd: {  	[tilespmem:v3+s20+$0x0] =	vst.idx.msk $0xffff, v0;
	v0 =	vand.u32 $0xFFFFFF80, v2  }
0x5fe: {  	v3 =	vor.u32 s3, v45;
	v2 =	vand.u32 $0x7F, v2;
	v0 =	vadd.s32 v5, v0;
	v1 =	vld.idx.msk [tilespmem:v1+s15+$0x0], $0xffff  }
0x5ff: {  	v0 =	vor.u32 v2, v0;
	_ =	sdelay $0x2  }
0x600: {  	v2 =	vadd.s32 v43, v4  }
0x601: {  	[tilespmem:v3+s20+$0x0] =	vst.idx.msk $0xffff, v1;
	v1 =	vand.u32 $0xFFFFFF80, v2  }
0x602: {  	v3 =	vor.u32 s3, v37;
	v2 =	vand.u32 $0x7F, v2;
	v1 =	vadd.s32 v5, v1;
	v0 =	vld.idx.msk [tilespmem:v0+s15+$0x0], $0xffff  }
0x603: {  	v1 =	vor.u32 v2, v1;
	_ =	sdelay $0x3  }
0x604: {  	[tilespmem:v3+s20+$0x0] =	vst.idx.msk $0xffff, v0  }
0x605: {  	v3 =	vor.u32 s3, v46;
	v1 =	vld.idx.msk [tilespmem:v1+s15+$0x0], $0xffff;
	_ =	sdelay $0x1  }
0x606: {  	v2 =	vadd.s32 v47, v4  }
0x607: {  	v0 =	vand.u32 $0xFFFFFF80, v2  }
0x608: {  	v2 =	vand.u32 $0x7F, v2;
	v0 =	vadd.s32 v5, v0  }
0x609: {  	v0 =	vor.u32 v2, v0;
	[tilespmem:v3+s20+$0x0] =	vst.idx.msk $0xffff, v1;
	v3 =	vld [tilespmem:$0x1FFE0];
	_ =	sdelay $0x4  }
0x60a: {  	v0 =	vld.idx.msk [tilespmem:v0+s15+$0x0], $0xffff;
	v3 =	vor.u32 s3, v3;
	_ =	sdelay $0x1  }
0x60b: {  	v2 =	vadd.s32 v48, v4  }
0x60c: {  	v1 =	vand.u32 $0xFFFFFF80, v2  }
0x60d: {  	v2 =	vand.u32 $0x7F, v2;
	v1 =	vadd.s32 v5, v1  }
0x60e: {  	v1 =	vor.u32 v2, v1;
	[tilespmem:v3+s20+$0x0] =	vst.idx.msk $0xffff, v0;
	v3 =	vld [tilespmem:$0x1FF20];
	_ =	sdelay $0x2  }
0x60f: {  	v2 =	vadd.s32 v50, v4  }
0x610: {  	v0 =	vand.u32 $0xFFFFFF80, v2  }
0x611: {  	v2 =	vand.u32 $0x7F, v2;
	v0 =	vadd.s32 v5, v0;
	v1 =	vld.idx.msk [tilespmem:v1+s15+$0x0], $0xffff;
	v3 =	vor.u32 s3, v3  }
0x612: {  	v0 =	vor.u32 v2, v0;
	_ =	sdelay $0x2  }
0x613: {  	v2 =	vadd.s32 v56, v4  }
0x614: {  	[tilespmem:v3+s20+$0x0] =	vst.idx.msk $0xffff, v1;
	v1 =	vand.u32 $0xFFFFFF80, v2  }
0x615: {  	v3 =	vor.u32 s3, v33;
	v2 =	vand.u32 $0x7F, v2;
	v1 =	vadd.s32 v5, v1;
	v0 =	vld.idx.msk [tilespmem:v0+s15+$0x0], $0xffff  }
0x616: {  	v1 =	vor.u32 v2, v1;
	_ =	sdelay $0x2  }
0x617: {  	v2 =	vadd.s32 v54, v4  }
0x618: {  	[tilespmem:v3+s20+$0x0] =	vst.idx.msk $0xffff, v0;
	v0 =	vand.u32 $0xFFFFFF80, v2  }
0x619: {  	v3 =	vor.u32 s3, v53;
	v2 =	vand.u32 $0x7F, v2;
	v0 =	vadd.s32 v5, v0;
	v1 =	vld.idx.msk [tilespmem:v1+s15+$0x0], $0xffff  }
0x61a: {  	v0 =	vor.u32 v2, v0;
	_ =	sdelay $0x2  }
0x61b: {  	v2 =	vadd.s32 v57, v4  }
0x61c: {  	[tilespmem:v3+s20+$0x0] =	vst.idx.msk $0xffff, v1;
	v1 =	vand.u32 $0xFFFFFF80, v2  }
0x61d: {  	v3 =	vor.u32 s3, v59;
	v2 =	vand.u32 $0x7F, v2;
	v1 =	vadd.s32 v5, v1;
	v0 =	vld.idx.msk [tilespmem:v0+s15+$0x0], $0xffff  }
0x61e: {  	v1 =	vor.u32 v2, v1;
	_ =	sdelay $0x3  }
0x61f: {  	[tilespmem:v3+s20+$0x0] =	vst.idx.msk $0xffff, v0  }
0x620: {  	v2 =	vadd.s32 v34, v4;
	v3 =	vor.u32 s3, v60;
	v1 =	vld.idx.msk [tilespmem:v1+s15+$0x0], $0xffff  }
0x621: {  	v0 =	vand.u32 $0xFFFFFF80, v2  }
0x622: {  	v2 =	vand.u32 $0x7F, v2;
	v0 =	vadd.s32 v5, v0  }
0x623: {  	v0 =	vor.u32 v2, v0  }
0x624: {  	v2 =	vadd.s32 v42, v4  }
0x625: {  	[tilespmem:v3+s20+$0x0] =	vst.idx.msk $0xffff, v1;
	v1 =	vand.u32 $0xFFFFFF80, v2  }
0x626: {  	v2 =	vand.u32 $0x7F, v2;
	v1 =	vadd.s32 v5, v1  }
0x627: {  	v1 =	vor.u32 v2, v1;
	v2 =	vld [tilespmem:$0x1F950]  }
0x628: {  	v3 =	vor.u32 s3, v58;
	v0 =	vld.idx.msk [tilespmem:v0+s15+$0x0], $0xffff;
	_ =	sdelay $0x3  }
0x629: {  	v2 =	vadd.s32 v2, v4  }
0x62a: {  	[tilespmem:v3+s20+$0x0] =	vst.idx.msk $0xffff, v0;
	v0 =	vand.u32 $0xFFFFFF80, v2  }
0x62b: {  	v2 =	vand.u32 $0x7F, v2;
	v0 =	vadd.s32 v5, v0  }
0x62c: {  	v0 =	vor.u32 v2, v0;
	v2 =	vld [tilespmem:$0x1F870]  }
0x62d: {  	v3 =	vor.u32 s3, v51;
	v1 =	vld.idx.msk [tilespmem:v1+s15+$0x0], $0xffff;
	_ =	sdelay $0x3  }
0x62e: {  	v2 =	vadd.s32 v2, v4  }
0x62f: {  	[tilespmem:v3+s20+$0x0] =	vst.idx.msk $0xffff, v1;
	v1 =	vand.u32 $0xFFFFFF80, v2  }
0x630: {  	v3 =	vor.u32 s3, v28;
	v0 =	vld.idx.msk [tilespmem:v0+s15+$0x0], $0xffff;
	v2 =	vand.u32 $0x7F, v2;
	v1 =	vadd.s32 v5, v1  }
0x631: {  	v1 =	vor.u32 v2, v1;
	_ =	sdelay $0x2  }
0x632: {  	v2 =	vadd.s32 v31, v4  }
0x633: {  	[tilespmem:v3+s20+$0x0] =	vst.idx.msk $0xffff, v0;
	v0 =	vand.u32 $0xFFFFFF80, v2  }
0x634: {  	v3 =	vor.u32 s3, v30;
	v2 =	vand.u32 $0x7F, v2;
	v0 =	vadd.s32 v5, v0;
	v1 =	vld.idx.msk [tilespmem:v1+s15+$0x0], $0xffff  }
0x635: {  	v0 =	vor.u32 v2, v0;
	v2 =	vld [tilespmem:$0x1F960];
	_ =	sdelay $0x3  }
0x636: {  	[tilespmem:v3+s20+$0x0] =	vst.idx.msk $0xffff, v1  }
0x637: {  	v2 =	vadd.s32 v2, v4;
	v3 =	vor.u32 s3, v8;
	v0 =	vld.idx.msk [tilespmem:v0+s15+$0x0], $0xffff  }
0x638: {  	v1 =	vand.u32 $0xFFFFFF80, v2  }
0x639: {  	v2 =	vand.u32 $0x7F, v2;
	v1 =	vadd.s32 v5, v1  }
0x63a: {  	v1 =	vor.u32 v2, v1;
	v2 =	vld [tilespmem:$0x1F970];
	_ =	sdelay $0x1  }
0x63b: {  	[tilespmem:v3+s20+$0x0] =	vst.idx.msk $0xffff, v0;
	v3 =	vld [tilespmem:$0x1FFD0];
	_ =	sdelay $0x2  }
0x63c: {  	v2 =	vadd.s32 v2, v4  }
0x63d: {  	v0 =	vand.u32 $0xFFFFFF80, v2  }
0x63e: {  	v1 =	vld.idx.msk [tilespmem:v1+s15+$0x0], $0xffff;
	v2 =	vand.u32 $0x7F, v2;
	v0 =	vadd.s32 v5, v0;
	v3 =	vor.u32 s3, v3  }
0x63f: {  	v0 =	vor.u32 v2, v0;
	v2 =	vld [tilespmem:$0x1F980];
	_ =	sdelay $0x3  }
0x640: {  	[tilespmem:v3+s20+$0x0] =	vst.idx.msk $0xffff, v1;
	v3 =	vld [tilespmem:$0x1FFB0]  }
0x641: {  	v2 =	vadd.s32 v2, v4  }
0x642: {  	v1 =	vand.u32 $0xFFFFFF80, v2  }
0x643: {  	v2 =	vand.u32 $0x7F, v2;
	v1 =	vadd.s32 v5, v1  }
0x644: {  	v1 =	vor.u32 v2, v1;
	v2 =	vld [tilespmem:$0x1F990]  }
0x645: {  	v0 =	vld.idx.msk [tilespmem:v0+s15+$0x0], $0xffff;
	v3 =	vor.u32 s3, v3;
	_ =	sdelay $0x3  }
0x646: {  	v2 =	vadd.s32 v2, v4  }
0x647: {  	[tilespmem:v3+s20+$0x0] =	vst.idx.msk $0xffff, v0;
	v0 =	vand.u32 $0xFFFFFF80, v2  }
0x648: {  	v2 =	vand.u32 $0x7F, v2;
	v0 =	vadd.s32 v5, v0  }
0x649: {  	v0 =	vor.u32 v2, v0;
	v2 =	vld [tilespmem:$0x1F9A0]  }
0x64a: {  	v3 =	vor.u32 s3, v21;
	v1 =	vld.idx.msk [tilespmem:v1+s15+$0x0], $0xffff;
	_ =	sdelay $0x3  }
0x64b: {  	v2 =	vadd.s32 v2, v4  }
0x64c: {  	[tilespmem:v3+s20+$0x0] =	vst.idx.msk $0xffff, v1;
	v1 =	vand.u32 $0xFFFFFF80, v2  }
0x64d: {  	v2 =	vand.u32 $0x7F, v2;
	v1 =	vadd.s32 v5, v1  }
0x64e: {  	v1 =	vor.u32 v2, v1;
	v2 =	vld [tilespmem:$0x1F9B0]  }
0x64f: {  	v3 =	vor.u32 s3, v18;
	v0 =	vld.idx.msk [tilespmem:v0+s15+$0x0], $0xffff;
	_ =	sdelay $0x3  }
0x650: {  	v2 =	vadd.s32 v2, v4  }
0x651: {  	[tilespmem:v3+s20+$0x0] =	vst.idx.msk $0xffff, v0;
	v0 =	vand.u32 $0xFFFFFF80, v2  }
0x652: {  	v2 =	vand.u32 $0x7F, v2;
	v0 =	vadd.s32 v5, v0  }
0x653: {  	v0 =	vor.u32 v2, v0;
	v2 =	vld [tilespmem:$0x1F9C0]  }
0x654: {  	v3 =	vor.u32 s3, v15;
	v1 =	vld.idx.msk [tilespmem:v1+s15+$0x0], $0xffff;
	_ =	sdelay $0x3  }
0x655: {  	v2 =	vadd.s32 v2, v4  }
0x656: {  	[tilespmem:v3+s20+$0x0] =	vst.idx.msk $0xffff, v1;
	v1 =	vand.u32 $0xFFFFFF80, v2  }
0x657: {  	v3 =	vor.u32 s3, v22;
	v0 =	vld.idx.msk [tilespmem:v0+s15+$0x0], $0xffff;
	v2 =	vand.u32 $0x7F, v2;
	v1 =	vadd.s32 v5, v1  }
0x658: {  	v1 =	vor.u32 v2, v1;
	_ =	sdelay $0x2  }
0x659: {  	v2 =	vadd.s32 v55, v4  }
0x65a: {  	[tilespmem:v3+s20+$0x0] =	vst.idx.msk $0xffff, v0;
	v0 =	vand.u32 $0xFFFFFF80, v2  }
0x65b: {  	v3 =	vor.u32 s3, v23;
	v2 =	vand.u32 $0x7F, v2;
	v0 =	vadd.s32 v5, v0;
	v1 =	vld.idx.msk [tilespmem:v1+s15+$0x0], $0xffff  }
0x65c: {  	v0 =	vor.u32 v2, v0;
	_ =	sdelay $0x2  }
0x65d: {  	v2 =	vadd.s32 v44, v4  }
0x65e: {  	[tilespmem:v3+s20+$0x0] =	vst.idx.msk $0xffff, v1;
	v1 =	vand.u32 $0xFFFFFF80, v2  }
0x65f: {  	v3 =	vor.u32 s3, v24;
	v2 =	vand.u32 $0x7F, v2;
	v1 =	vadd.s32 v5, v1;
	v0 =	vld.idx.msk [tilespmem:v0+s15+$0x0], $0xffff  }
0x660: {  	v1 =	vor.u32 v2, v1;
	_ =	sdelay $0x2  }
0x661: {  	v2 =	vadd.s32 v26, v4  }
0x662: {  	[tilespmem:v3+s20+$0x0] =	vst.idx.msk $0xffff, v0;
	v0 =	vand.u32 $0xFFFFFF80, v2  }
0x663: {  	v3 =	vor.u32 s3, v9;
	v2 =	vand.u32 $0x7F, v2;
	v0 =	vadd.s32 v5, v0;
	v1 =	vld.idx.msk [tilespmem:v1+s15+$0x0], $0xffff  }
0x664: {  	v0 =	vor.u32 v2, v0;
	_ =	sdelay $0x2  }
0x665: {  	v2 =	vadd.s32 v27, v4  }
0x666: {  	[tilespmem:v3+s20+$0x0] =	vst.idx.msk $0xffff, v1;
	v1 =	vand.u32 $0xFFFFFF80, v2  }
0x667: {  	v3 =	vor.u32 s3, v10;
	v2 =	vand.u32 $0x7F, v2;
	v1 =	vadd.s32 v5, v1;
	v0 =	vld.idx.msk [tilespmem:v0+s15+$0x0], $0xffff  }
0x668: {  	v1 =	vor.u32 v2, v1;
	_ =	sdelay $0x3  }
0x669: {  	[tilespmem:v3+s20+$0x0] =	vst.idx.msk $0xffff, v0  }
0x66a: {  	s1 =	simm.s32 $0x1;
	v30 =	vmovc v28;
	v28 =	vmovc v27;
	v27 =	vmov v26;
	v26 =	vmov v44;
	v0 =	vld.idx.msk [tilespmem:v1+s15+$0x0], $0xffff;
	v1 =	vor.u32 s3, v13  }
.LBB2_9:
0x66b: {  	_ =	sdelay $0x3  }
0x66c: {  	s28 =	sadd.s32 $0x10, s28;
	[tilespmem:v1+s20+$0x0] =	vst.idx.msk $0xffff, v0  }
0x66d: {  	s3 =	smov.u32 s1;
	v4 =	vld [tilespmem:s28+$0x0]  }
0x66e: {  	s29 =	sadd.s32 $0x10, s29;
	v5 =	vld [tilespmem:$0x1FD30];
	s3 =	sshrl.u32 s3, $0x3  }
0x66f: {  	s8 =	sand.u32 $0x70, s29;
	s4 =	sshll.u32 s3, $0x7  }
0x670: {  	s4 =	sor.u32 s8, s4  }
0x671: {  	v0 =	vmov s4  }
0x672: {  	v0 =	vshll.u32 v0, $0x7;
	v1 =	vadd.s32 v49, v4  }
0x673: {  	v6 =	vor.u32 v5, v0;
	v3 =	vand.u32 $0xFFFFFF80, v1  }
0x674: {  	v49 =	vadd.s32 v16, v4;
	v1 =	vand.u32 $0x7F, v1;
	v3 =	vadd.s32 v6, v3  }
0x675: {  	v10 =	vadd.s32 v35, v4;
	v1 =	vor.u32 v1, v3;
	v3 =	vand.u32 $0xFFFFFF80, v49  }
0x676: {  	v2 =	vld [tilespmem:$0x1FE00];
	v53 =	vadd.s32 v32, v4;
	v11 =	vadd.s32 v6, v3;
	v3 =	vand.u32 $0xFFFFFF80, v10  }
0x677: {  	v12 =	vadd.s32 v6, v3;
	v3 =	vand.u32 $0xFFFFFF80, v53  }
0x678: {  	v44 =	vadd.s32 v6, v3;
	v3 =	vld [tilespmem:$0x1FD40];
	_ =	sdelay $0x2  }
0x679: {  	s3 =	sshll.u32 s3, $0xC;
	v2 =	vadd.s32 v2, v4  }
0x67a: {  	s3 =	sor.u32 s8, s3;
	v0 =	vand.u32 $0xFFFFFF80, v2  }
0x67b: {  	v2 =	vand.u32 $0x7F, v2;
	v0 =	vadd.s32 v6, v0;
	v14 =	vld.idx.msk [tilespmem:v1+s15+$0x0], $0xffff;
	v3 =	vor.u32 s3, v3  }
0x67c: {  	v0 =	vor.u32 v2, v0;
	_ =	sdelay $0x2  }
0x67d: {  	v5 =	vand.u32 $0x7F, v49  }
0x67e: {  	v5 =	vor.u32 v5, v11;
	v11 =	vld [tilespmem:$0x1FF90];
	[tilespmem:v3+s20+$0x0] =	vst.idx.msk $0xffff, v14  }
0x67f: {  	v15 =	vor.u32 s3, v38;
	v7 =	vadd.s32 v17, v4;
	v46 =	vadd.s32 v36, v4;
	v14 =	vld.idx.msk [tilespmem:v0+s15+$0x0], $0xffff  }
0x680: {  	v35 =	vadd.s32 v61, v4;
	v36 =	vadd.s32 v41, v4;
	v60 =	vadd.s32 v54, v4  }
0x681: {  	v9 =	vand.u32 $0xFFFFFF80, v7;
	v7 =	vand.u32 $0x7F, v7;
	v1 =	vand.u32 $0xFFFFFF80, v35  }
0x682: {  	v9 =	vadd.s32 v6, v9;
	v45 =	vadd.s32 v6, v1;
	v1 =	vand.u32 $0xFFFFFF80, v36  }
0x683: {  	v2 =	vadd.s32 v47, v4;
	v7 =	vor.u32 v7, v9;
	v9 =	vld [tilespmem:$0x1FDF0];
	v37 =	vadd.s32 v6, v1  }
0x684: {  	v1 =	vand.u32 $0xFFFFFF80, v2;
	v57 =	vadd.s32 v11, v4;
	v11 =	vand.u32 $0xFFFFFF80, v60;
	[tilespmem:v15+s20+$0x0] =	vst.idx.msk $0xffff, v14;
	v14 =	vld [tilespmem:$0x1F870]  }
0x685: {  	v31 =	vadd.s32 v6, v1;
	v1 =	vadd.s32 v48, v4;
	v48 =	vadd.s32 v34, v4  }
0x686: {  	v61 =	vadd.s32 v6, v11;
	v11 =	vand.u32 $0xFFFFFF80, v48  }
0x687: {  	v32 =	vadd.s32 v43, v4;
	v54 =	vadd.s32 v6, v11;
	v11 =	vld [tilespmem:$0x1F950]  }
0x688: {  	v62 =	vadd.s32 v50, v4;
	v13 =	vand.u32 $0xFFFFFF80, v46;
	v39 =	vadd.s32 v9, v4;
	v9 =	vld [tilespmem:$0x1F960]  }
0x689: {  	v52 =	vadd.s32 v6, v13;
	v13 =	vand.u32 $0xFFFFFF80, v32;
	v38 =	vadd.s32 v14, v4;
	v14 =	vld [tilespmem:$0x1F970]  }
0x68a: {  	v59 =	vadd.s32 v56, v4;
	v33 =	vadd.s32 v6, v13;
	v13 =	vand.u32 $0xFFFFFF80, v62  }
0x68b: {  	v0 =	vadd.s32 v6, v13;
	v13 =	vand.u32 $0xFFFFFF80, v59  }
0x68c: {  	v63 =	vadd.s32 v6, v13;
	v13 =	vand.u32 $0xFFFFFF80, v57;
	v41 =	vadd.s32 v11, v4  }
0x68d: {  	v56 =	vadd.s32 v9, v4;
	v58 =	vadd.s32 v6, v13;
	v13 =	vand.u32 $0xFFFFFF80, v41  }
0x68e: {  	v9 =	vand.u32 $0xFFFFFF80, v39;
	v43 =	vadd.s32 v6, v13;
	v22 =	vadd.s32 v14, v4  }
0x68f: {  	v13 =	vor.u32 s3, v40;
	v40 =	vadd.s32 v6, v9;
	v9 =	vand.u32 $0xFFFFFF80, v22  }
0x690: {  	v24 =	vadd.s32 v6, v9;
	v9 =	vld [tilespmem:$0x1F980];
	_ =	sdelay $0x4  }
0x691: {  	v21 =	vadd.s32 v9, v4;
	v9 =	vld [tilespmem:$0x1F990];
	_ =	sdelay $0x1  }
0x692: {  	v47 =	vadd.s32 v42, v4  }
0x693: {  	v11 =	vand.u32 $0xFFFFFF80, v47  }
0x694: {  	v50 =	vadd.s32 v6, v11;
	v11 =	vand.u32 $0xFFFFFF80, v38  }
0x695: {  	v5 =	vld.idx.msk [tilespmem:v5+s15+$0x0], $0xffff;
	v42 =	vadd.s32 v6, v11;
	v11 =	vand.u32 $0xFFFFFF80, v56;
	v18 =	vadd.s32 v9, v4  }
0x696: {  	v34 =	vadd.s32 v6, v11;
	v11 =	vld [tilespmem:$0x1F9A0];
	v9 =	vand.u32 $0xFFFFFF80, v18  }
0x697: {  	v20 =	vadd.s32 v6, v9;
	v9 =	vld [tilespmem:$0x1FE50];
	_ =	sdelay $0x3  }
0x698: {  	[tilespmem:v13+s20+$0x0] =	vst.idx.msk $0xffff, v5;
	v15 =	vadd.s32 v11, v4  }
0x699: {  	v7 =	vld.idx.msk [tilespmem:v7+s15+$0x0], $0xffff;
	v49 =	vand.u32 $0xFFFFFF80, v15;
	v11 =	vor.u32 s3, v9;
	v9 =	vand.u32 $0x7F, v10  }
0x69a: {  	v19 =	vadd.s32 v6, v49;
	v10 =	vadd.s32 v55, v4;
	v55 =	vld [tilespmem:$0x1FFA0];
	v49 =	vor.u32 v9, v12  }
0x69b: {  	v51 =	vand.u32 $0xFFFFFF80, v21  }
0x69c: {  	v23 =	vadd.s32 v6, v51;
	v51 =	vld [tilespmem:$0x1F9B0];
	_ =	sdelay $0x1  }
0x69d: {  	[tilespmem:v11+s20+$0x0] =	vst.idx.msk $0xffff, v7  }
0x69e: {  	v53 =	vand.u32 $0x7F, v53;
	v55 =	vor.u32 s3, v55;
	v49 =	vld.idx.msk [tilespmem:v49+s15+$0x0], $0xffff  }
0x69f: {  	v44 =	vor.u32 v53, v44;
	v53 =	vld [tilespmem:$0x1FFC0]  }
0x6a0: {  	v16 =	vadd.s32 v51, v4;
	v51 =	vld [tilespmem:$0x1F9C0];
	_ =	sdelay $0x1  }
0x6a1: {  	v46 =	vand.u32 $0x7F, v46  }
0x6a2: {  	v46 =	vor.u32 v46, v52;
	[tilespmem:v55+s20+$0x0] =	vst.idx.msk $0xffff, v49  }
0x6a3: {  	v35 =	vand.u32 $0x7F, v35;
	v3 =	vand.u32 $0xFFFFFF80, v1;
	v49 =	vor.u32 s3, v53;
	v44 =	vld.idx.msk [tilespmem:v44+s15+$0x0], $0xffff  }
0x6a4: {  	v52 =	vld [tilespmem:$0x1FE90];
	v5 =	vadd.s32 v27, v4;
	v13 =	vadd.s32 v51, v4;
	v51 =	vand.u32 $0xFFFFFF80, v16  }
0x6a5: {  	v9 =	vand.u32 $0xFFFFFF80, v13;
	v17 =	vadd.s32 v6, v51;
	v51 =	vand.u32 $0xFFFFFF80, v10  }
0x6a6: {  	v14 =	vadd.s32 v6, v9;
	v12 =	vadd.s32 v6, v51;
	v9 =	vadd.s32 v26, v4  }
0x6a7: {  	v51 =	vand.u32 $0xFFFFFF80, v5;
	v4 =	vadd.s32 v28, v4;
	v7 =	vand.u32 $0xFFFFFF80, v9  }
0x6a8: {  	v11 =	vadd.s32 v6, v7;
	v7 =	vadd.s32 v6, v51;
	v51 =	vand.u32 $0xFFFFFF80, v4;
	[tilespmem:v49+s20+$0x0] =	vst.idx.msk $0xffff, v44  }
0x6a9: {  	v3 =	vadd.s32 v6, v3;
	v6 =	vadd.s32 v6, v51;
	v51 =	vor.u32 s3, v52;
	v44 =	vld.idx.msk [tilespmem:v46+s15+$0x0], $0xffff  }
0x6aa: {  	v35 =	vor.u32 v35, v45;
	v45 =	vld [tilespmem:$0x1FEB0];
	_ =	sdelay $0x3  }
0x6ab: {  	[tilespmem:v51+s20+$0x0] =	vst.idx.msk $0xffff, v44  }
0x6ac: {  	v36 =	vand.u32 $0x7F, v36;
	v53 =	vor.u32 s3, v45;
	v35 =	vld.idx.msk [tilespmem:v35+s15+$0x0], $0xffff  }
0x6ad: {  	v36 =	vor.u32 v36, v37;
	v37 =	vld [tilespmem:$0x1FED0];
	_ =	sdelay $0x3  }
0x6ae: {  	[tilespmem:v53+s20+$0x0] =	vst.idx.msk $0xffff, v35  }
0x6af: {  	v32 =	vand.u32 $0x7F, v32;
	v51 =	vor.u32 s3, v37;
	v35 =	vld.idx.msk [tilespmem:v36+s15+$0x0], $0xffff  }
0x6b0: {  	v32 =	vor.u32 v32, v33;
	v46 =	vld [tilespmem:$0x1FEF0];
	_ =	sdelay $0x3  }
0x6b1: {  	[tilespmem:v51+s20+$0x0] =	vst.idx.msk $0xffff, v35  }
0x6b2: {  	v2 =	vand.u32 $0x7F, v2;
	v53 =	vor.u32 s3, v46;
	v32 =	vld.idx.msk [tilespmem:v32+s15+$0x0], $0xffff  }
0x6b3: {  	v2 =	vor.u32 v2, v31;
	v31 =	vld [tilespmem:$0x1FFE0];
	_ =	sdelay $0x3  }
0x6b4: {  	[tilespmem:v53+s20+$0x0] =	vst.idx.msk $0xffff, v32  }
0x6b5: {  	v31 =	vor.u32 s3, v31;
	v2 =	vld.idx.msk [tilespmem:v2+s15+$0x0], $0xffff;
	_ =	sdelay $0x3  }
0x6b6: {  	v1 =	vand.u32 $0x7F, v1  }
0x6b7: {  	v1 =	vor.u32 v1, v3;
	[tilespmem:v31+s20+$0x0] =	vst.idx.msk $0xffff, v2;
	v2 =	vld [tilespmem:$0x1FF20];
	_ =	sdelay $0x4  }
0x6b8: {  	v3 =	vand.u32 $0x7F, v62;
	v1 =	vld.idx.msk [tilespmem:v1+s15+$0x0], $0xffff;
	v2 =	vor.u32 s3, v2  }
0x6b9: {  	v62 =	vld [tilespmem:$0x1FF40];
	v0 =	vor.u32 v3, v0;
	_ =	sdelay $0x3  }
0x6ba: {  	[tilespmem:v2+s20+$0x0] =	vst.idx.msk $0xffff, v1  }
0x6bb: {  	v1 =	vor.u32 s3, v62;
	v2 =	vand.u32 $0x7F, v59;
	v0 =	vld.idx.msk [tilespmem:v0+s15+$0x0], $0xffff  }
0x6bc: {  	v2 =	vor.u32 v2, v63;
	v63 =	vld [tilespmem:$0x1FF60];
	_ =	sdelay $0x3  }
0x6bd: {  	[tilespmem:v1+s20+$0x0] =	vst.idx.msk $0xffff, v0  }
0x6be: {  	v1 =	vor.u32 s3, v63;
	v0 =	vld.idx.msk [tilespmem:v2+s15+$0x0], $0xffff;
	v2 =	vand.u32 $0x7F, v60  }
0x6bf: {  	v59 =	vld [tilespmem:$0x1FF80];
	v2 =	vor.u32 v2, v61;
	_ =	sdelay $0x3  }
0x6c0: {  	[tilespmem:v1+s20+$0x0] =	vst.idx.msk $0xffff, v0  }
0x6c1: {  	v1 =	vor.u32 s3, v59;
	v0 =	vld.idx.msk [tilespmem:v2+s15+$0x0], $0xffff;
	v2 =	vand.u32 $0x7F, v57  }
0x6c2: {  	v60 =	vld [tilespmem:$0x1F9D0];
	v2 =	vor.u32 v2, v58;
	_ =	sdelay $0x3  }
0x6c3: {  	[tilespmem:v1+s20+$0x0] =	vst.idx.msk $0xffff, v0  }
0x6c4: {  	v1 =	vor.u32 s3, v60;
	v0 =	vld.idx.msk [tilespmem:v2+s15+$0x0], $0xffff;
	v2 =	vand.u32 $0x7F, v48  }
0x6c5: {  	v58 =	vld [tilespmem:$0x1F940];
	v2 =	vor.u32 v2, v54;
	_ =	sdelay $0x3  }
0x6c6: {  	[tilespmem:v1+s20+$0x0] =	vst.idx.msk $0xffff, v0  }
0x6c7: {  	v1 =	vor.u32 s3, v58;
	v0 =	vld.idx.msk [tilespmem:v2+s15+$0x0], $0xffff;
	v2 =	vand.u32 $0x7F, v47  }
0x6c8: {  	v2 =	vor.u32 v2, v50;
	_ =	sdelay $0x3  }
0x6c9: {  	[tilespmem:v1+s20+$0x0] =	vst.idx.msk $0xffff, v0  }
0x6ca: {  	v1 =	vor.u32 s3, v29;
	v0 =	vld.idx.msk [tilespmem:v2+s15+$0x0], $0xffff;
	v2 =	vand.u32 $0x7F, v41  }
0x6cb: {  	v2 =	vor.u32 v2, v43;
	_ =	sdelay $0x3  }
0x6cc: {  	[tilespmem:v1+s20+$0x0] =	vst.idx.msk $0xffff, v0  }
0x6cd: {  	v1 =	vor.u32 s3, v30;
	v0 =	vld.idx.msk [tilespmem:v2+s15+$0x0], $0xffff;
	_ =	sdelay $0x3  }
0x6ce: {  	v2 =	vand.u32 $0x7F, v38  }
0x6cf: {  	v2 =	vor.u32 v2, v42;
	[tilespmem:v1+s20+$0x0] =	vst.idx.msk $0xffff, v0;
	v1 =	vld [tilespmem:$0x1FFF0];
	_ =	sdelay $0x4  }
0x6d0: {  	v0 =	vld.idx.msk [tilespmem:v2+s15+$0x0], $0xffff;
	v2 =	vand.u32 $0x7F, v39;
	v1 =	vor.u32 s3, v1  }
0x6d1: {  	v2 =	vor.u32 v2, v40;
	_ =	sdelay $0x3  }
0x6d2: {  	[tilespmem:v1+s20+$0x0] =	vst.idx.msk $0xffff, v0  }
0x6d3: {  	v1 =	vor.u32 s3, v8;
	v0 =	vld.idx.msk [tilespmem:v2+s15+$0x0], $0xffff;
	_ =	sdelay $0x3  }
0x6d4: {  	v2 =	vand.u32 $0x7F, v56  }
0x6d5: {  	v2 =	vor.u32 v2, v34;
	[tilespmem:v1+s20+$0x0] =	vst.idx.msk $0xffff, v0;
	v1 =	vld [tilespmem:$0x1FFD0];
	_ =	sdelay $0x4  }
0x6d6: {  	v0 =	vld.idx.msk [tilespmem:v2+s15+$0x0], $0xffff;
	v1 =	vor.u32 s3, v1;
	_ =	sdelay $0x3  }
0x6d7: {  	v2 =	vand.u32 $0x7F, v22  }
0x6d8: {  	v2 =	vor.u32 v2, v24;
	[tilespmem:v1+s20+$0x0] =	vst.idx.msk $0xffff, v0;
	v1 =	vld [tilespmem:$0x1FFB0];
	_ =	sdelay $0x4  }
0x6d9: {  	v0 =	vld.idx.msk [tilespmem:v2+s15+$0x0], $0xffff;
	v2 =	vand.u32 $0x7F, v21;
	v1 =	vor.u32 s3, v1  }
0x6da: {  	v21 =	vld [tilespmem:$0x1FD50];
	v2 =	vor.u32 v2, v23;
	_ =	sdelay $0x3  }
0x6db: {  	[tilespmem:v1+s20+$0x0] =	vst.idx.msk $0xffff, v0  }
0x6dc: {  	v1 =	vor.u32 s3, v21;
	v0 =	vld.idx.msk [tilespmem:v2+s15+$0x0], $0xffff;
	v2 =	vand.u32 $0x7F, v18  }
0x6dd: {  	v2 =	vor.u32 v2, v20;
	v20 =	vld [tilespmem:$0x1FD60];
	_ =	sdelay $0x3  }
0x6de: {  	[tilespmem:v1+s20+$0x0] =	vst.idx.msk $0xffff, v0  }
0x6df: {  	v0 =	vld.idx.msk [tilespmem:v2+s15+$0x0], $0xffff;
	v1 =	vor.u32 s3, v20;
	v2 =	vand.u32 $0x7F, v15  }
0x6e0: {  	v2 =	vor.u32 v2, v19;
	v19 =	vld [tilespmem:$0x1FD70];
	_ =	sdelay $0x3  }
0x6e1: {  	[tilespmem:v1+s20+$0x0] =	vst.idx.msk $0xffff, v0  }
0x6e2: {  	v0 =	vld.idx.msk [tilespmem:v2+s15+$0x0], $0xffff;
	v1 =	vor.u32 s3, v19;
	v2 =	vand.u32 $0x7F, v16  }
0x6e3: {  	v22 =	vld [tilespmem:$0x1FD80];
	v2 =	vor.u32 v2, v17;
	_ =	sdelay $0x3  }
0x6e4: {  	[tilespmem:v1+s20+$0x0] =	vst.idx.msk $0xffff, v0  }
0x6e5: {  	v1 =	vor.u32 s3, v22;
	v0 =	vld.idx.msk [tilespmem:v2+s15+$0x0], $0xffff;
	v2 =	vand.u32 $0x7F, v13  }
0x6e6: {  	v23 =	vld [tilespmem:$0x1FD90];
	v2 =	vor.u32 v2, v14;
	_ =	sdelay $0x1  }
0x6e7: {  	v36 =	vld [tilespmem:$0x1FE80]  }
0x6e8: {  	v35 =	vld [tilespmem:$0x1FE60]  }
0x6e9: {  	v32 =	vld [tilespmem:$0x1FE70];
	[tilespmem:v1+s20+$0x0] =	vst.idx.msk $0xffff, v0  }
0x6ea: {  	v1 =	vor.u32 s3, v23;
	v0 =	vld.idx.msk [tilespmem:v2+s15+$0x0], $0xffff;
	v2 =	vand.u32 $0x7F, v10  }
0x6eb: {  	v24 =	vld [tilespmem:$0x1FDA0];
	v2 =	vor.u32 v2, v12  }
0x6ec: {  	v61 =	vld [tilespmem:$0x1FEA0]  }
0x6ed: {  	v57 =	vld [tilespmem:$0x1FF90]  }
0x6ee: {  	v48 =	vld [tilespmem:$0x1FF10]  }
0x6ef: {  	v54 =	vld [tilespmem:$0x1FF70];
	[tilespmem:v1+s20+$0x0] =	vst.idx.msk $0xffff, v0  }
0x6f0: {  	v1 =	vor.u32 s3, v24;
	v0 =	vld.idx.msk [tilespmem:v2+s15+$0x0], $0xffff;
	v2 =	vand.u32 $0x7F, v9  }
0x6f1: {  	v2 =	vor.u32 v2, v11;
	v11 =	vld [tilespmem:$0x1FDB0]  }
0x6f2: {  	v47 =	vld [tilespmem:$0x1FF00]  }
0x6f3: {  	v50 =	vld [tilespmem:$0x1FF30]  }
0x6f4: {  	v41 =	vld [tilespmem:$0x1FEC0]  }
0x6f5: {  	v43 =	vld [tilespmem:$0x1FEE0];
	[tilespmem:v1+s20+$0x0] =	vst.idx.msk $0xffff, v0  }
0x6f6: {  	v0 =	vld.idx.msk [tilespmem:v2+s15+$0x0], $0xffff;
	v1 =	vor.u32 s3, v11;
	v2 =	vand.u32 $0x7F, v5  }
0x6f7: {  	v12 =	vld [tilespmem:$0x1FDC0];
	v2 =	vor.u32 v2, v7  }
0x6f8: {  	v38 =	vld [tilespmem:$0x1FE10]  }
0x6f9: {  	v42 =	vld [tilespmem:$0x1F930]  }
0x6fa: {  	v39 =	vld [tilespmem:$0x1FDF0]  }
0x6fb: {  	v40 =	vld [tilespmem:$0x1FE30];
	[tilespmem:v1+s20+$0x0] =	vst.idx.msk $0xffff, v0  }
0x6fc: {  	v1 =	vor.u32 s3, v12;
	v0 =	vld.idx.msk [tilespmem:v2+s15+$0x0], $0xffff;
	v2 =	vand.u32 $0x7F, v4  }
0x6fd: {  	p0 =	sne.s32 s1, $0xF;
	v13 =	vld [tilespmem:$0x1FDD0];
	v2 =	vor.u32 v2, v6  }
.Ltmp3:
0x6fe: {  	v56 =	vld [tilespmem:$0x1FF50];
	(pc) =	sbr.rel @p0 .LBB2_9-.Ltmp3, $4  }
0x6ff: {  	v34 =	vld [tilespmem:$0x1FDE0]  }
0x700: {  	v16 =	vld [tilespmem:$0x1FE20]  }
0x701: {  	v17 =	vld [tilespmem:$0x1FE40];
	[tilespmem:v1+s20+$0x0] =	vst.idx.msk $0xffff, v0  }
0x702: {  	s1 =	sadd.s32 $0x1, s1;
	v55 =	vmov v25;
	v49 =	vlaneseq.u32;
	v1 =	vor.u32 s3, v13;
	v0 =	vld.idx.msk [tilespmem:v2+s15+$0x0], $0xffff  }
0x703: {  	v44 =	vmovc v26;
	v26 =	vmov v27;
	v27 =	vmov v28;
	v28 =	vmov v30;
	v30 =	vld [tilespmem:$0x1FFF0]  }
0x704: {  	s24 =	sadd.s32 $0x1, s24;
	v25 =	vld [tilespmem:$0x1FFD0]  }
0x705: {  	v15 =	vld [tilespmem:$0x1FFB0];
	p0 =	sne.s32 s24, $0x32  }
.Ltmp4:
0x706: {  	v53 =	vld [tilespmem:$0x1FFA0];
	(pc) =	sbr.rel @p0 .LBB2_6-.Ltmp4, $4  }
0x707: {  	v33 =	vld [tilespmem:$0x1FFC0]  }
0x708: {  	s1 =	sshll.u32 s26, $0x11;
	s3 =	sadd.s32 s25, s5;
	v31 =	vld [tilespmem:$0x1FFE0]  }
0x709: {  	v18 =	vld [tilespmem:$0x1F950];
	s1 =	sadd.s32 s1, s3;
	[tilespmem:v1+s20+$0x0] =	vst.idx.msk $0xffff, v0  }
0x70a: {  	v51 =	vmov v29;
	v29 =	vld [tilespmem:$0x1F870];
	[hbm4b:s1+s18] =	stream.strided.scatter [tilespmem:s20], [sflag:$0x4], $0x2000, s9, s18, $0x38  }
0x70b: {  	_ =	swait.ge [sflag:s21], $0x2000;
	s23 =	sadd.s32 $0x1, s23  }
0x70c: {  	[sflag:s21] =	ssyncset.done $0x0;
	p0 =	sne.s32 s23, s7  }
.Ltmp5:
0x70d: {  	[sflag:s21] =	ssyncadd.s32 $0xFFFFE000;
	(pc) =	sbr.rel @p0 .LBB2_1-.Ltmp5, $4  }
0x70e: {  	_ =	swait.ge [sflag:s22], $0x2000  }
0x70f: {  	v2 =	vld [tilespmem:$0x1FE00]  }
0x710: {  	[sflag:s22] =	ssyncset.done $0x0;
	v42 =	vld [tilespmem:$0x1FE50]  }
0x711: {  	v18 =	vmov v15;
	v58 =	vld [tilespmem:$0x1FF20];
	[sflag:s22] =	ssyncadd.s32 $0xFFFFE000  }
0x712: {  	_ =	sfence.sel $0x180000  }
0x713: {  	[bflag:$0x0] =	sbarrier.arrive $0xFFFF  }
0x714: {  	_ =	strace $0x90000047  }
0x715: {  	s0 =	stileid.u32;
	[bflag:$0x2] =	sbarrier.arrive $0xFFFF  }
0x716: {  	p0 =	sne.s32 s0, $0x0;
	s0 =	rddreg [dreg:$0x3]  }
0x717: {  	s0 =	sadd.s32 @!p0 $0x100000, s0  }
0x718: {  	[sflag:s0] =	ssyncadd.tile.s32 @!p0 $0x1;
	_ =	shalt  }
.Lfunc_end2:
_tile_overlayer_lowered:
.L_overlay_start_2:
0x719: {  	(tag) =	ssettag $0x2  }
0x71a: {  	s0 =	rddreg [dreg:$0x0];
	s2 =	stileid.u32  }
0x71b: {  	s1 =	rddreg [dreg:$0x1];
	p0 =	sne.s32 s2, $0x0  }
0x71c: {  	s3 =	rddreg [dreg:$0x2];
	[bflag:$0x3] =	sbarrier.arrive $0xFFFF;
	s2 =	simm.s32 @!p0 $0x1C05  }
0x71d: {  	[timem:s3], [sflag:s2] =	dma.local @!p0 [hbm:s0], s1  }
0x71e: {  	s0 =	simm.s32 @!p0 $0x5  }
0x71f: {  	_ =	swait.ge @!p0 [sflag:s0], s1  }
0x720: {  	s1 =	ssub.s32 @!p0 $0x0, s1;
	[sflag:s0] =	ssyncset.done @!p0 $0x0  }
0x721: {  	[sflag:s0] =	ssyncadd.s32 @!p0 s1  }
0x722: {  	[bflag:$0x3] =	sbarrier.arrive $0xFFFF  }
0x723: {  	_ =	shalt  }

</sc_bundles>
